<compile_context>
chip_gen: v7x
topology: tpu7x:2x2x1
jax: 0.10.2.dev20260603
libtpu: 0.0.44.dev20260713+nightly
codegen_flags: <defaults>
</compile_context>

<pallas_src>
import functools

import jax
import jax.numpy as jnp
from jax import lax
from jax.experimental import pallas as pl
from jax.experimental.pallas import tpu as pltpu
from jax.experimental.pallas import tpu_sc as plsc

N_NODES = 50000
NP = 50176
H = 64
HH = 32
G = 8
A = 10

NC, NS = 2, 16
NW = NC * NS
EP = 851968
EROWS = EP // 128
ROWS_PER_TILE = EROWS // NW
CHUNK_ROWS = 16
N_CHUNKS = ROWS_PER_TILE // CHUNK_ROWS
STRIPE = NP // NS

BR = 3136
NB = NP // BR

_f32 = jnp.float32
_i32 = jnp.int32



def _gat_head(h, Wc_ref, as_ref, ad_ref, g128_ref, s_ref, d_ref,
              smax_ref, dmax_ref, k):
    hw = jnp.dot(h, Wc_ref[...], precision=lax.Precision.HIGHEST)
    g128_ref[...] = jnp.concatenate([hw, jnp.zeros((BR, H), _f32)], axis=1)
    sv = jnp.sum(hw * as_ref[...], axis=1, keepdims=True)
    dv = jnp.sum(hw * ad_ref[...], axis=1, keepdims=True)
    s_ref[...] = sv
    d_ref[...] = dv
    sm = jnp.full((8, 128), jnp.max(sv), _f32)
    dm = jnp.full((8, 128), jnp.max(dv), _f32)

    @pl.when(k == 0)
    def _():
        smax_ref[...] = sm
        dmax_ref[...] = dm

    @pl.when(k > 0)
    def _():
        smax_ref[...] = jnp.maximum(smax_ref[...], sm)
        dmax_ref[...] = jnp.maximum(dmax_ref[...], dm)


def _prep_body(x_ref, W1_ref, b1_ref, gam_ref, bet_ref, Wc_ref, as_ref, ad_ref,
               g128_ref, s_ref, d_ref, smax_ref, dmax_ref):
    k = pl.program_id(0)
    h = jnp.maximum(jnp.dot(x_ref[...], W1_ref[...], precision=lax.Precision.HIGHEST) + b1_ref[...], 0.0)
    mu = jnp.mean(h, axis=1, keepdims=True)
    var = jnp.mean((h - mu) ** 2, axis=1, keepdims=True)
    h = (h - mu) / jnp.sqrt(var + 1e-5) * gam_ref[...] + bet_ref[...]
    _gat_head(h, Wc_ref, as_ref, ad_ref, g128_ref, s_ref, d_ref,
              smax_ref, dmax_ref, k)


def _mid_body(alo_ref, ahi_ref, d0_ref, d1_ref, bc_ref, Wc_ref, as_ref, ad_ref,
              g128_ref, s_ref, d_ref, smax_ref, dmax_ref):
    k = pl.program_id(0)
    agg = jnp.concatenate([alo_ref[...], ahi_ref[...]], axis=1)
    den = d0_ref[...] + d1_ref[...] + 1e-16
    h = jnp.maximum(agg / den + bc_ref[...], 0.0)
    _gat_head(h, Wc_ref, as_ref, ad_ref, g128_ref, s_ref, d_ref,
              smax_ref, dmax_ref, k)


_HEAD_OUT_SHAPES = (
    jax.ShapeDtypeStruct((NP, 128), _f32),
    jax.ShapeDtypeStruct((NP, 1), _f32),
    jax.ShapeDtypeStruct((NP, 1), _f32),
    jax.ShapeDtypeStruct((8, 128), _f32),
    jax.ShapeDtypeStruct((8, 128), _f32),
)

_HEAD_OUT_SPECS = (
    pl.BlockSpec((BR, 128), lambda k: (k, 0)),
    pl.BlockSpec((BR, 1), lambda k: (k, 0)),
    pl.BlockSpec((BR, 1), lambda k: (k, 0)),
    pl.BlockSpec((8, 128), lambda k: (0, 0)),
    pl.BlockSpec((8, 128), lambda k: (0, 0)),
)

_VEC_SPEC = pl.BlockSpec((1, H), lambda k: (0, 0))
_MAT_SPEC = pl.BlockSpec((H, H), lambda k: (0, 0))
_ROWS_SPEC = pl.BlockSpec((BR, HH), lambda k: (k, 0))
_COL_SPEC = pl.BlockSpec((BR, 1), lambda k: (k, 0))


def _prep_call(x8, W1p, b1, gam, bet, Wc, a_s, a_d):
    return pl.pallas_call(
        _prep_body,
        grid=(NB,),
        in_specs=[
            pl.BlockSpec((BR, 8), lambda k: (k, 0)),
            pl.BlockSpec((8, H), lambda k: (0, 0)),
            _VEC_SPEC, _VEC_SPEC, _VEC_SPEC,
            _MAT_SPEC, _VEC_SPEC, _VEC_SPEC,
        ],
        out_specs=list(_HEAD_OUT_SPECS),
        out_shape=list(_HEAD_OUT_SHAPES),
    )(x8, W1p, b1, gam, bet, Wc, a_s, a_d)


def _mid_call(alo, ahi, d0, d1, bc, Wc, a_s, a_d):
    return pl.pallas_call(
        _mid_body,
        grid=(NB,),
        in_specs=[
            _ROWS_SPEC, _ROWS_SPEC, _COL_SPEC, _COL_SPEC,
            _VEC_SPEC, _MAT_SPEC, _VEC_SPEC, _VEC_SPEC,
        ],
        out_specs=list(_HEAD_OUT_SPECS),
        out_shape=list(_HEAD_OUT_SHAPES),
    )(alo, ahi, d0, d1, bc, Wc, a_s, a_d)


def _poolA_body(alo_ref, ahi_ref, d0_ref, d1_ref, bc_ref, wgt_ref, bg_ref,
                batch_ref, h2_ref, gate_ref, gmax_ref):
    k = pl.program_id(0)
    agg = jnp.concatenate([alo_ref[...], ahi_ref[...]], axis=1)
    den = d0_ref[...] + d1_ref[...] + 1e-16
    h2 = jnp.maximum(agg / den + bc_ref[...], 0.0)
    h2_ref[...] = h2
    gate = jnp.sum(h2 * wgt_ref[...], axis=1, keepdims=True) + bg_ref[...]
    gate_ref[...] = gate
    b = batch_ref[...]
    parts = []
    for g in range(G):
        mg = jnp.max(jnp.where(b == float(g), gate, -3.4e38))
        parts.append(jnp.full((1, 128), mg, _f32))
    gm = jnp.concatenate(parts, axis=0)

    @pl.when(k == 0)
    def _():
        gmax_ref[...] = gm

    @pl.when(k > 0)
    def _():
        gmax_ref[...] = jnp.maximum(gmax_ref[...], gm)


def _poolA_call(alo, ahi, d0, d1, bc, wgt, bg, batchf):
    return pl.pallas_call(
        _poolA_body,
        grid=(NB,),
        in_specs=[
            _ROWS_SPEC, _ROWS_SPEC, _COL_SPEC, _COL_SPEC,
            _VEC_SPEC, _VEC_SPEC, pl.BlockSpec((1, 1), lambda k: (0, 0)),
            _COL_SPEC,
        ],
        out_specs=[
            pl.BlockSpec((BR, H), lambda k: (k, 0)),
            _COL_SPEC,
            pl.BlockSpec((8, 128), lambda k: (0, 0)),
        ],
        out_shape=[
            jax.ShapeDtypeStruct((NP, H), _f32),
            jax.ShapeDtypeStruct((NP, 1), _f32),
            jax.ShapeDtypeStruct((8, 128), _f32),
        ],
    )(alo, ahi, d0, d1, bc, wgt, bg, batchf)


def _poolB_body(h2_ref, gate_ref, gmax_ref, batch_ref, Wq1_ref, bq1_ref,
                Wq2_ref, bq2_ref, q_ref, pnum_ref, gden_ref):
    k = pl.program_id(0)

    @pl.when(k == 0)
    def _():
        pnum_ref[...] = jnp.zeros((G, H), _f32)
        gden_ref[...] = jnp.zeros((G, 128), _f32)

    b = batch_ref[...]
    gate = gate_ref[...]
    gm = gmax_ref[...]
    rm = jnp.zeros_like(gate)
    for g in range(G):
        rm = rm + jnp.where(b == float(g), gm[g:g + 1, 0:1], 0.0)
    ge = jnp.exp(jnp.minimum(gate - rm, 60.0))
    h2 = h2_ref[...]
    prows, drows = [], []
    for g in range(G):
        geg = jnp.where(b == float(g), ge, 0.0)
        drows.append(jnp.full((1, 128), jnp.sum(geg), _f32))
        prows.append(jnp.sum(geg * h2, axis=0, keepdims=True))
    pnum_ref[...] += jnp.concatenate(prows, axis=0)
    gden_ref[...] += jnp.concatenate(drows, axis=0)

    @pl.when(k == NB - 1)
    def _():
        pooled = pnum_ref[...] / (gden_ref[...][:, 0:1] + 1e-16)
        qh = jnp.maximum(jnp.dot(pooled, Wq1_ref[...], precision=lax.Precision.HIGHEST) + bq1_ref[...], 0.0)
        q_ref[...] = jnp.dot(qh, Wq2_ref[...], precision=lax.Precision.HIGHEST) + bq2_ref[...]


def _poolB_call(h2, gate, gmax, batchf, Wq1, bq1, Wq2, bq2):
    return pl.pallas_call(
        _poolB_body,
        grid=(NB,),
        in_specs=[
            pl.BlockSpec((BR, H), lambda k: (k, 0)),
            _COL_SPEC,
            pl.BlockSpec((8, 128), lambda k: (0, 0)),
            _COL_SPEC,
            _MAT_SPEC, _VEC_SPEC,
            pl.BlockSpec((H, A), lambda k: (0, 0)),
            pl.BlockSpec((1, A), lambda k: (0, 0)),
        ],
        out_specs=pl.BlockSpec((G, A), lambda k: (0, 0)),
        out_shape=jax.ShapeDtypeStruct((G, A), _f32),
        scratch_shapes=[
            pltpu.VMEM((G, H), _f32),
            pltpu.VMEM((G, 128), _f32),
        ],
    )(h2, gate, gmax, batchf, Wq1, bq1, Wq2, bq2)



@functools.lru_cache(maxsize=None)
def _sc_mesh():
    return plsc.VectorSubcoreMesh(
        core_axis_name="c", subcore_axis_name="s",
        num_cores=NC, num_subcores=NS)


def _edge_scalar_body(s_hbm, d_hbm, src_hbm, dst_hbm, m_hbm,
                      ee_hbm, den_hbm,
                      s_v, d_v, srcb, dstb, eeb, zer_v, m_v, den_sh):
    c = lax.axis_index("c")
    t = lax.axis_index("s")
    wid = c * NS + t

    def zfill(i, carry):
        zer_v[pl.ds(i * 16, 16)] = jnp.zeros((16,), _f32)
        return carry

    lax.fori_loop(0, STRIPE // 16, zfill, 0)
    pltpu.sync_copy(zer_v, den_sh.at[pl.ds(t * STRIPE, STRIPE)])
    pltpu.sync_copy(s_hbm, s_v)
    pltpu.sync_copy(d_hbm, d_v)
    pltpu.sync_copy(m_hbm, m_v)
    plsc.subcore_barrier()
    m = m_v[...]
    row0 = wid * ROWS_PER_TILE

    def chunk(ci, carry):
        r = row0 + ci * CHUNK_ROWS
        pltpu.sync_copy(src_hbm.at[pl.ds(r, CHUNK_ROWS)], srcb)
        pltpu.sync_copy(dst_hbm.at[pl.ds(r, CHUNK_ROWS)], dstb)

        def grp(tt, carry2):
            j = tt // 8
            i = (tt % 8) * 16
            si = srcb[j, pl.ds(i, 16)]
            di = dstb[j, pl.ds(i, 16)]
            sv = plsc.load_gather(s_v, [si])
            dv = plsc.load_gather(d_v, [di])
            e = sv + dv
            e = jnp.where(e > 0, e, e * 0.2) - m
            eeb[j, pl.ds(i, 16)] = jnp.exp(e)
            return carry2

        lax.fori_loop(0, CHUNK_ROWS * 8, grp, 0)
        pltpu.sync_copy(eeb, ee_hbm.at[pl.ds(r, CHUNK_ROWS)])

        def srow(j, carry2):
            pltpu.sync_copy(eeb.at[j], den_sh.at[dstb.at[j]], add=True)
            return carry2

        lax.fori_loop(0, CHUNK_ROWS, srow, 0)
        return carry

    lax.fori_loop(0, N_CHUNKS, chunk, 0)
    plsc.subcore_barrier()
    pltpu.sync_copy(den_sh.at[pl.ds(t * STRIPE, STRIPE)], zer_v)
    pltpu.sync_copy(zer_v, den_hbm.at[pl.ds(c * NP + t * STRIPE, STRIPE)])


@functools.lru_cache(maxsize=None)
def _edge_scalar_kernel():
    return pl.kernel(
        _edge_scalar_body,
        out_type=(
            jax.ShapeDtypeStruct((EROWS, 128), _f32),
            jax.ShapeDtypeStruct((NC * NP,), _f32),
        ),
        mesh=_sc_mesh(),
        compiler_params=pltpu.CompilerParams(needs_layout_passes=False),
        scratch_types=(
            pltpu.VMEM((NP,), _f32),
            pltpu.VMEM((NP,), _f32),
            pltpu.VMEM((CHUNK_ROWS, 128), _i32),
            pltpu.VMEM((CHUNK_ROWS, 128), _i32),
            pltpu.VMEM((CHUNK_ROWS, 128), _f32),
            pltpu.VMEM((STRIPE,), _f32),
            pltpu.VMEM((16,), _f32),
            pltpu.VMEM_SHARED((NP,), _f32),
        ),
    )


def _edge_rows_body(g128, ee_hbm, src_hbm, dst_hbm, aout,
                    srcb, dstb, eeb, rows128, rows_v, zrows, zrows2, out_sh):
    c = lax.axis_index("c")
    t = lax.axis_index("s")
    row0 = t * (EROWS // NS)
    w = pl.multiple_of(c * HH, HH)

    if True:
        def zc(i, carry):
            zrows[i // 2, pl.ds((i % 2) * 16, 16)] = jnp.zeros((16,), _f32)
            return carry

        lax.fori_loop(0, 128, zc, 0)

        def zcopy(z, carry):
            pltpu.sync_copy(zrows, out_sh.at[pl.ds(t * STRIPE + z * 64, 64)])
            return carry

        lax.fori_loop(0, STRIPE // 64, zcopy, 0)
        plsc.subcore_barrier()

        def chunk(ci, carry):
            r = pl.multiple_of(row0 + ci * CHUNK_ROWS, 8)
            pltpu.sync_copy(src_hbm.at[pl.ds(r, CHUNK_ROWS)], srcb)
            pltpu.sync_copy(dst_hbm.at[pl.ds(r, CHUNK_ROWS)], dstb)
            pltpu.sync_copy(ee_hbm.at[pl.ds(r, CHUNK_ROWS)], eeb)

            def row128(j, carry2):
                pltpu.sync_copy(g128.at[srcb.at[j]], rows128)

                def grp16(g, carry3):
                    ev = eeb[j, pl.ds(g * 16, 16)]
                    for l in range(16):
                        e = g * 16 + l
                        es = jnp.full((16,), ev[l], _f32)
                        rows_v[e, pl.ds(0, 16)] = (
                            rows128[e, pl.ds(w, 16)] * es)
                        rows_v[e, pl.ds(16, 16)] = (
                            rows128[e, pl.ds(w + 16, 16)] * es)
                    return carry3

                lax.fori_loop(0, 8, grp16, 0)
                pltpu.sync_copy(rows_v, out_sh.at[dstb.at[j]], add=True)
                return carry2

            lax.fori_loop(0, CHUNK_ROWS, row128, 0)
            return carry

        lax.fori_loop(0, (EROWS // NS) // CHUNK_ROWS, chunk, 0)
        plsc.subcore_barrier()

        def ocopy(z, carry):
            off = t * STRIPE + z * 64
            pltpu.sync_copy(out_sh.at[pl.ds(off, 64)], zrows)

            def shuf(k2, carry2):
                f = k2 * 16
                zrows2[f // 128, pl.ds(f % 128, 16)] = (
                    zrows[f // 32, pl.ds(f % 32, 16)])
                return carry2

            lax.fori_loop(0, 128, shuf, 0)
            off4 = pl.multiple_of(c * (NP * HH // 128) + off // 4, 8)
            pltpu.sync_copy(zrows2, aout.at[pl.ds(off4, 16)])
            return carry

        lax.fori_loop(0, STRIPE // 64, ocopy, 0)


@functools.lru_cache(maxsize=None)
def _edge_rows_kernel():
    return pl.kernel(
        _edge_rows_body,
        out_type=jax.ShapeDtypeStruct((NC * NP * HH // 128, 128), _f32),
        mesh=_sc_mesh(),
        compiler_params=pltpu.CompilerParams(
            needs_layout_passes=False, use_tc_tiling_on_sc=False),
        scratch_types=(
            pltpu.VMEM((CHUNK_ROWS, 128), _i32),
            pltpu.VMEM((CHUNK_ROWS, 128), _i32),
            pltpu.VMEM((CHUNK_ROWS, 128), _f32),
            pltpu.VMEM((128, 128), _f32),
            pltpu.VMEM((128, HH), _f32),
            pltpu.VMEM((64, HH), _f32),
            pltpu.VMEM((16, 128), _f32),
            pltpu.VMEM_SHARED((NP, HH), _f32),
        ),
    )



def _lrelu(v):
    return jnp.where(v > 0, v, 0.2 * v)


def kernel(x, edge_index, batch, W1, b1, gamma, beta, Wc1, as1, ad1, bc1,
           Wc2, as2, ad2, bc2, Wg, bg, Wq1, bq1, Wq2, bq2):
    n = N_NODES
    loop = jnp.arange(n, dtype=edge_index.dtype)
    src = jnp.concatenate([edge_index[0], loop])
    dst = jnp.concatenate([edge_index[1], loop])
    pad_e = EP - src.shape[0]
    padv = jnp.full((pad_e,), n, _i32)
    src = jnp.concatenate([src, padv]).reshape(EROWS, 128)
    dst = jnp.concatenate([dst, padv]).reshape(EROWS, 128)

    x8 = jnp.zeros((NP, 8), _f32).at[:n, :5].set(x)
    W1p = jnp.zeros((8, H), _f32).at[:5].set(W1)

    def _layer(prep_out):
        g128, s, d, sm, dm = prep_out
        mvec = jnp.full((16,), _lrelu(sm[0, 0] + dm[0, 0]), _f32)
        ee, den = _edge_scalar_kernel()(
            s.reshape(NP), d.reshape(NP), src, dst, mvec)
        den = den.reshape(NC, NP)
        agg2 = _edge_rows_kernel()(g128, ee, src, dst).reshape(NC, NP, HH)
        return (agg2[0], agg2[1],
                den[0].reshape(NP, 1), den[1].reshape(NP, 1))

    prep1 = _prep_call(x8, W1p, b1.reshape(1, H), gamma.reshape(1, H),
                       beta.reshape(1, H), Wc1, as1.reshape(1, H),
                       ad1.reshape(1, H))
    alo1, ahi1, den10, den11 = _layer(prep1)

    prep2 = _mid_call(alo1, ahi1, den10, den11, bc1.reshape(1, H), Wc2,
                      as2.reshape(1, H), ad2.reshape(1, H))
    alo2, ahi2, den20, den21 = _layer(prep2)

    batchf = jnp.full((NP, 1), 1e9, _f32).at[:n, 0].set(batch.astype(_f32))
    h2, gate, gmax = _poolA_call(alo2, ahi2, den20, den21, bc2.reshape(1, H),
                                 Wg.reshape(1, H), bg.reshape(1, 1), batchf)
    q = _poolB_call(h2, gate, gmax, batchf, Wq1, bq1.reshape(1, H),
                    Wq2, bq2.reshape(1, A))
    return q

# --- scband reference (transcript-rebuilt; emitter-appended) ---
"""Pipeline reference for scband-gnnpolicy-1692217115507 (READ-ONLY COPY).

The authoritative reference and input builder live on the scoring server;
editing this copy changes nothing except your own understanding.
"""

import jax, jax.numpy as jnp
import numpy as np

N = 50000; E = 800000; F_IN = 5; H = 64; A = 10; G = 8

def _layer_norm(x, gamma, beta):
    mu = x.mean(-1, keepdims=True)
    var = ((x - mu) ** 2).mean(-1, keepdims=True)
    return (x - mu) / jnp.sqrt(var + 1e-5) * gamma + beta

def _gat_conv(x, src, dst, W, a_s, a_d, b):
    n = x.shape[0]
    h = x @ W
    e = jax.nn.leaky_relu((h * a_s).sum(-1)[src] + (h * a_d).sum(-1)[dst], 0.2)
    emax = jax.lax.stop_gradient(jax.ops.segment_max(e, dst, num_segments=n))
    ee = jnp.exp(e - emax[dst])
    den = jax.ops.segment_sum(ee, dst, num_segments=n)
    alpha = ee / (den[dst] + 1e-16)
    out = jax.ops.segment_sum(h[src] * alpha[:, None], dst, num_segments=n)
    return out + b

def setup_inputs(seed: int = 0):
    key = jax.random.key(seed)
    ks = jax.random.split(key, 16)
    def w(i, shape, s=0.1):
        return (s * jax.random.normal(ks[i], shape)).astype(jnp.float32)
    return {
        "x": jax.random.normal(ks[0], (N, F_IN), dtype=jnp.float32),
        "edge_index": jax.random.randint(ks[1], (2, E), 0, N, dtype=jnp.int32),
        "batch": jnp.sort(jax.random.randint(ks[2], (N,), 0, G, dtype=jnp.int32)),
        "W1": w(3, (F_IN, H)), "b1": jnp.zeros((H,), jnp.float32),
        "gamma": jnp.ones((H,), jnp.float32), "beta": jnp.zeros((H,), jnp.float32),
        "Wc1": w(4, (H, H)), "as1": w(5, (H,)), "ad1": w(6, (H,)), "bc1": jnp.zeros((H,), jnp.float32),
        "Wc2": w(7, (H, H)), "as2": w(8, (H,)), "ad2": w(9, (H,)), "bc2": jnp.zeros((H,), jnp.float32),
        "Wg": w(10, (H, 1)), "bg": jnp.zeros((1,), jnp.float32),
        "Wq1": w(11, (H, H)), "bq1": jnp.zeros((H,), jnp.float32),
        "Wq2": w(12, (H, A)), "bq2": jnp.zeros((A,), jnp.float32),
    }

def reference(x, edge_index, batch, W1, b1, gamma, beta, Wc1, as1, ad1, bc1, Wc2, as2, ad2, bc2, Wg, bg, Wq1, bq1, Wq2, bq2):
    n = x.shape[0]
    loop = jnp.arange(n, dtype=edge_index.dtype)
    src = jnp.concatenate([edge_index[0], loop])
    dst = jnp.concatenate([edge_index[1], loop])
    h = _layer_norm(jax.nn.relu(x @ W1 + b1), gamma, beta)
    h = jax.nn.relu(_gat_conv(h, src, dst, Wc1, as1, ad1, bc1))
    # dropout p=0.2 is identity in eval mode
    h = jax.nn.relu(_gat_conv(h, src, dst, Wc2, as2, ad2, bc2))
    gate = (h @ Wg + bg).squeeze(-1)
    gmax = jax.lax.stop_gradient(jax.ops.segment_max(gate, batch, num_segments=G))
    ge = jnp.exp(gate - gmax[batch])
    gden = jax.ops.segment_sum(ge, batch, num_segments=G)
    att = ge / (gden[batch] + 1e-16)
    pooled = jax.ops.segment_sum(att[:, None] * h, batch, num_segments=G)
    q = jax.nn.relu(pooled @ Wq1 + bq1) @ Wq2 + bq2
    return q

if __name__ == "__main__":
    import jax
    _d = setup_inputs()
    print(jax.jit(kernel)(*tuple(_d.values())))

</pallas_src>

<mosaic_0001>
#map = affine_map<(d0, d1) -> (0)>
#map1 = affine_map<(d0, d1) -> (0, 0)>
module attributes {stable_mosaic.version = 14 : i64} {
  func.func @_edge_scalar_body(%arg0: i32, %arg1: i32, %arg2: memref<50176xf32, #tpu.memory_space<hbm>>, %arg3: memref<50176xf32, #tpu.memory_space<hbm>>, %arg4: memref<6656x128xi32, #tpu.memory_space<hbm>>, %arg5: memref<6656x128xi32, #tpu.memory_space<hbm>>, %arg6: memref<16xf32, #tpu.memory_space<hbm>>, %arg7: memref<6656x128xf32, #tpu.memory_space<hbm>>, %arg8: memref<100352xf32, #tpu.memory_space<hbm>>, %arg9: memref<50176xf32, #tpu.memory_space<vmem>>, %arg10: memref<50176xf32, #tpu.memory_space<vmem>>, %arg11: memref<16x128xi32, #tpu.memory_space<vmem>>, %arg12: memref<16x128xi32, #tpu.memory_space<vmem>>, %arg13: memref<16x128xf32, #tpu.memory_space<vmem>>, %arg14: memref<3136xf32, #tpu.memory_space<vmem>>, %arg15: memref<16xf32, #tpu.memory_space<vmem>>, %arg16: memref<50176xf32, #tpu.memory_space<vmem_shared>>) attributes {dimension_semantics = [#tpu.dimension_semantics<core_parallel>, #tpu.dimension_semantics<subcore_parallel>], iteration_bounds = array<i64: 2, 16>, scalar_prefetch = 0 : i64, scratch_operands = 8 : i64, tpu.core_type = #tpu.core_type<sc_vector_subcore>, window_params = [{transform_indices = #map}, {transform_indices = #map}, {transform_indices = #map1}, {transform_indices = #map1}, {transform_indices = #map}, {transform_indices = #map1}, {transform_indices = #map}]} {
    %mul3A = arith.constant 16 : i32
    %mul3A_0 = arith.muli %arg0, %mul3A : i32
    %add3A = arith.addi %mul3A_0, %arg1 : i32
    %scan3A = arith.constant 0 : i32
    %scan3A_1 = arith.constant 0 : i32
    %scan3A_2 = arith.constant 196 : i32
    %scan3A_3 = arith.addi %scan3A_1, %scan3A_2 : i32
    %scan3A_4 = arith.constant 1 : i32
    scf.for %scan3A_25 = %scan3A_1 to %scan3A_3 step %scan3A_4  : i32 {
      %broadcast_in_dim3A = arith.constant 0.000000e+00 : f32
      %broadcast_in_dim3A_26 = vector.broadcast %broadcast_in_dim3A : f32 to vector<16xf32>
      %mul3A_27 = arith.constant 16 : i32
      %mul3A_28 = arith.muli %scan3A_25, %mul3A_27 : i32
      %swap3A = arith.index_cast %mul3A_28 : i32 to index
      %swap3A_29 = tpu.vector_load %arg14[%swap3A] {strides = array<i32>} : memref<3136xf32, #tpu.memory_space<vmem>>, vector<16xf32>,
      tpu.vector_store %arg14[%swap3A], %broadcast_in_dim3A_26 {strides = array<i32>} : memref<3136xf32, #tpu.memory_space<vmem>>, vector<16xf32>,
    }
    %scan3A_5 = arith.constant 196 : i32
    %mul3A_6 = arith.constant 3136 : i32
    %mul3A_7 = arith.muli %arg1, %mul3A_6 : i32
    "tpu.region"() ({
      %run_scoped3A = tpu.sem_alloc : memref<!tpu.dma_semaphore, #tpu.memory_space<semaphore_mem>>
      %dma_start3A = tpu.memref_slice %arg16[%mul3A_7] : memref<50176xf32, #tpu.memory_space<vmem_shared>> -> memref<3136xf32, #tpu.memory_space<vmem_shared>>
      %dma_start3A_25 = tpu.memref_slice %arg16[%mul3A_7] : memref<50176xf32, #tpu.memory_space<vmem_shared>> -> memref<3136xf32, #tpu.memory_space<vmem_shared>>
      tpu.enqueue_dma source(%arg14 : memref<3136xf32, #tpu.memory_space<vmem>>) target(%dma_start3A_25 : memref<3136xf32, #tpu.memory_space<vmem_shared>>) target_semaphore(%run_scoped3A : memref<!tpu.dma_semaphore, #tpu.memory_space<semaphore_mem>>)
      %dma_wait3A = tpu.memref_slice %arg16[%mul3A_7] : memref<50176xf32, #tpu.memory_space<vmem_shared>> -> memref<3136xf32, #tpu.memory_space<vmem_shared>>
      %dma_wait3A_26 = tpu.memref_slice %arg16[%mul3A_7] : memref<50176xf32, #tpu.memory_space<vmem_shared>> -> memref<3136xf32, #tpu.memory_space<vmem_shared>>
      tpu.wait_dma2 semaphore(%run_scoped3A : memref<!tpu.dma_semaphore, #tpu.memory_space<semaphore_mem>>) src(%arg14 : memref<3136xf32, #tpu.memory_space<vmem>>) dst(%dma_wait3A_26 : memref<3136xf32, #tpu.memory_space<vmem_shared>>)
      tpu.yield
    }) : () -> ()
    "tpu.region"() ({
      %run_scoped3A = tpu.sem_alloc : memref<!tpu.dma_semaphore, #tpu.memory_space<semaphore_mem>>
      tpu.enqueue_dma source(%arg2 : memref<50176xf32, #tpu.memory_space<hbm>>) target(%arg9 : memref<50176xf32, #tpu.memory_space<vmem>>) target_semaphore(%run_scoped3A : memref<!tpu.dma_semaphore, #tpu.memory_space<semaphore_mem>>)
      tpu.wait_dma2 semaphore(%run_scoped3A : memref<!tpu.dma_semaphore, #tpu.memory_space<semaphore_mem>>) src(%arg2 : memref<50176xf32, #tpu.memory_space<hbm>>) dst(%arg9 : memref<50176xf32, #tpu.memory_space<vmem>>)
      tpu.yield
    }) : () -> ()
    "tpu.region"() ({
      %run_scoped3A = tpu.sem_alloc : memref<!tpu.dma_semaphore, #tpu.memory_space<semaphore_mem>>
      tpu.enqueue_dma source(%arg3 : memref<50176xf32, #tpu.memory_space<hbm>>) target(%arg10 : memref<50176xf32, #tpu.memory_space<vmem>>) target_semaphore(%run_scoped3A : memref<!tpu.dma_semaphore, #tpu.memory_space<semaphore_mem>>)
      tpu.wait_dma2 semaphore(%run_scoped3A : memref<!tpu.dma_semaphore, #tpu.memory_space<semaphore_mem>>) src(%arg3 : memref<50176xf32, #tpu.memory_space<hbm>>) dst(%arg10 : memref<50176xf32, #tpu.memory_space<vmem>>)
      tpu.yield
    }) : () -> ()
    "tpu.region"() ({
      %run_scoped3A = tpu.sem_alloc : memref<!tpu.dma_semaphore, #tpu.memory_space<semaphore_mem>>
      tpu.enqueue_dma source(%arg6 : memref<16xf32, #tpu.memory_space<hbm>>) target(%arg15 : memref<16xf32, #tpu.memory_space<vmem>>) target_semaphore(%run_scoped3A : memref<!tpu.dma_semaphore, #tpu.memory_space<semaphore_mem>>)
      tpu.wait_dma2 semaphore(%run_scoped3A : memref<!tpu.dma_semaphore, #tpu.memory_space<semaphore_mem>>) src(%arg6 : memref<16xf32, #tpu.memory_space<hbm>>) dst(%arg15 : memref<16xf32, #tpu.memory_space<vmem>>)
      tpu.yield
    }) : () -> ()
    %barrier3A = arith.constant 0 : index
    tpu.barrier barrier_id(%barrier3A)
    %get3A = arith.constant 0 : index
    %get3A_8 = tpu.vector_load %arg15[%get3A] {strides = array<i32>} : memref<16xf32, #tpu.memory_space<vmem>>, vector<16xf32>,
    %mul3A_9 = arith.constant 208 : i32
    %mul3A_10 = arith.muli %add3A, %mul3A_9 : i32
    %scan3A_11 = arith.constant 0 : i32
    %scan3A_12 = arith.constant 0 : i32
    %scan3A_13 = arith.constant 13 : i32
    %scan3A_14 = arith.addi %scan3A_12, %scan3A_13 : i32
    %scan3A_15 = arith.constant 1 : i32
    scf.for %scan3A_25 = %scan3A_12 to %scan3A_14 step %scan3A_15  : i32 {
      %mul3A_26 = arith.constant 16 : i32
      %mul3A_27 = arith.muli %scan3A_25, %mul3A_26 : i32
      %add3A_28 = arith.addi %mul3A_10, %mul3A_27 : i32
      "tpu.region"() ({
        %run_scoped3A = tpu.sem_alloc : memref<!tpu.dma_semaphore, #tpu.memory_space<semaphore_mem>>
        %dma_start3A = arith.constant 0 : i32
        %dma_start3A_41 = tpu.memref_slice %arg4[%add3A_28, %dma_start3A] : memref<6656x128xi32, #tpu.memory_space<hbm>> -> memref<16x128xi32, #tpu.memory_space<hbm>>
        %dma_start3A_42 = arith.constant 0 : i32
        %dma_start3A_43 = tpu.memref_slice %arg4[%add3A_28, %dma_start3A_42] : memref<6656x128xi32, #tpu.memory_space<hbm>> -> memref<16x128xi32, #tpu.memory_space<hbm>>
        tpu.enqueue_dma source(%dma_start3A_43 : memref<16x128xi32, #tpu.memory_space<hbm>>) target(%arg11 : memref<16x128xi32, #tpu.memory_space<vmem>>) target_semaphore(%run_scoped3A : memref<!tpu.dma_semaphore, #tpu.memory_space<semaphore_mem>>)
        %dma_wait3A = arith.constant 0 : i32
        %dma_wait3A_44 = tpu.memref_slice %arg4[%add3A_28, %dma_wait3A] : memref<6656x128xi32, #tpu.memory_space<hbm>> -> memref<16x128xi32, #tpu.memory_space<hbm>>
        %dma_wait3A_45 = arith.constant 0 : i32
        %dma_wait3A_46 = tpu.memref_slice %arg4[%add3A_28, %dma_wait3A_45] : memref<6656x128xi32, #tpu.memory_space<hbm>> -> memref<16x128xi32, #tpu.memory_space<hbm>>
        tpu.wait_dma2 semaphore(%run_scoped3A : memref<!tpu.dma_semaphore, #tpu.memory_space<semaphore_mem>>) src(%dma_wait3A_46 : memref<16x128xi32, #tpu.memory_space<hbm>>) dst(%arg11 : memref<16x128xi32, #tpu.memory_space<vmem>>)
        tpu.yield
      }) : () -> ()
      "tpu.region"() ({
        %run_scoped3A = tpu.sem_alloc : memref<!tpu.dma_semaphore, #tpu.memory_space<semaphore_mem>>
        %dma_start3A = arith.constant 0 : i32
        %dma_start3A_41 = tpu.memref_slice %arg5[%add3A_28, %dma_start3A] : memref<6656x128xi32, #tpu.memory_space<hbm>> -> memref<16x128xi32, #tpu.memory_space<hbm>>
        %dma_start3A_42 = arith.constant 0 : i32
        %dma_start3A_43 = tpu.memref_slice %arg5[%add3A_28, %dma_start3A_42] : memref<6656x128xi32, #tpu.memory_space<hbm>> -> memref<16x128xi32, #tpu.memory_space<hbm>>
        tpu.enqueue_dma source(%dma_start3A_43 : memref<16x128xi32, #tpu.memory_space<hbm>>) target(%arg12 : memref<16x128xi32, #tpu.memory_space<vmem>>) target_semaphore(%run_scoped3A : memref<!tpu.dma_semaphore, #tpu.memory_space<semaphore_mem>>)
        %dma_wait3A = arith.constant 0 : i32
        %dma_wait3A_44 = tpu.memref_slice %arg5[%add3A_28, %dma_wait3A] : memref<6656x128xi32, #tpu.memory_space<hbm>> -> memref<16x128xi32, #tpu.memory_space<hbm>>
        %dma_wait3A_45 = arith.constant 0 : i32
        %dma_wait3A_46 = tpu.memref_slice %arg5[%add3A_28, %dma_wait3A_45] : memref<6656x128xi32, #tpu.memory_space<hbm>> -> memref<16x128xi32, #tpu.memory_space<hbm>>
        tpu.wait_dma2 semaphore(%run_scoped3A : memref<!tpu.dma_semaphore, #tpu.memory_space<semaphore_mem>>) src(%dma_wait3A_46 : memref<16x128xi32, #tpu.memory_space<hbm>>) dst(%arg12 : memref<16x128xi32, #tpu.memory_space<vmem>>)
        tpu.yield
      }) : () -> ()
      %scan3A_29 = arith.constant 0 : i32
      %scan3A_30 = arith.constant 0 : i32
      %scan3A_31 = arith.constant 128 : i32
      %scan3A_32 = arith.addi %scan3A_30, %scan3A_31 : i32
      %scan3A_33 = arith.constant 1 : i32
      scf.for %scan3A_41 = %scan3A_30 to %scan3A_32 step %scan3A_33  : i32 {
        %jit3A = arith.constant 8 : i32
        %div3A = arith.divsi %scan3A_41, %jit3A : i32
        %sign3A = arith.constant 0 : i32
        %sign3A_42 = arith.cmpi sgt, %scan3A_41, %sign3A : i32
        %sign3A_43 = arith.extui %sign3A_42 : i1 to i32
        %sign3A_44 = arith.constant 0 : i32
        %sign3A_45 = arith.cmpi slt, %scan3A_41, %sign3A_44 : i32
        %sign3A_46 = arith.extui %sign3A_45 : i1 to i32
        %sign3A_47 = arith.subi %sign3A_43, %sign3A_46 : i32
        %sign3A_48 = arith.constant 0 : i32
        %sign3A_49 = arith.cmpi sgt, %jit3A, %sign3A_48 : i32
        %sign3A_50 = arith.extui %sign3A_49 : i1 to i32
        %sign3A_51 = arith.constant 0 : i32
        %sign3A_52 = arith.cmpi slt, %jit3A, %sign3A_51 : i32
        %sign3A_53 = arith.extui %sign3A_52 : i1 to i32
        %sign3A_54 = arith.subi %sign3A_50, %sign3A_53 : i32
        %ne3A = arith.cmpi ne, %sign3A_47, %sign3A_54 : i32
        %rem3A = arith.remsi %scan3A_41, %jit3A : i32
        %ne3A_55 = arith.constant 0 : i32
        %ne3A_56 = arith.cmpi ne, %rem3A, %ne3A_55 : i32
        %and3A = arith.andi %ne3A, %ne3A_56 : i1
        %sub3A = arith.constant 1 : i32
        %sub3A_57 = arith.subi %div3A, %sub3A : i32
        %select_n3A = arith.select %and3A, %sub3A_57, %div3A : i32
        %jit3A_58 = arith.constant 8 : i32
        %eq3A = arith.constant 0 : i32
        %eq3A_59 = arith.cmpi eq, %jit3A_58, %eq3A : i32
        %jit3A_60 = arith.constant 1 : i32
        %select_n3A_61 = arith.select %eq3A_59, %jit3A_60, %jit3A_58 : i32
        %rem3A_62 = arith.remsi %scan3A_41, %select_n3A_61 : i32
        %ne3A_63 = arith.constant 0 : i32
        %ne3A_64 = arith.cmpi ne, %rem3A_62, %ne3A_63 : i32
        %lt3A = arith.constant 0 : i32
        %lt3A_65 = arith.cmpi slt, %rem3A_62, %lt3A : i32
        %lt3A_66 = arith.constant 0 : i32
        %lt3A_67 = arith.cmpi slt, %select_n3A_61, %lt3A_66 : i32
        %ne3A_68 = arith.xori %lt3A_65, %lt3A_67 : i1
        %and3A_69 = arith.andi %ne3A_68, %ne3A_64 : i1
        %add3A_70 = arith.addi %rem3A_62, %select_n3A_61 : i32
        %select_n3A_71 = arith.select %and3A_69, %add3A_70, %rem3A_62 : i32
        %mul3A_72 = arith.constant 16 : i32
        %mul3A_73 = arith.muli %select_n3A_71, %mul3A_72 : i32
        %get3A_74 = arith.index_cast %select_n3A : i32 to index
        %get3A_75 = arith.index_cast %mul3A_73 : i32 to index
        %get3A_76 = tpu.vector_load %arg11[%get3A_74, %get3A_75] {strides = array<i32>} : memref<16x128xi32, #tpu.memory_space<vmem>>, vector<16xi32>,
        %get3A_77 = arith.index_cast %select_n3A : i32 to index
        %get3A_78 = arith.index_cast %mul3A_73 : i32 to index
        %get3A_79 = tpu.vector_load %arg12[%get3A_77, %get3A_78] {strides = array<i32>} : memref<16x128xi32, #tpu.memory_space<vmem>>, vector<16xi32>,
        %gather3A = tpu.vector_load_idx %arg9[%get3A_76] : memref<50176xf32, #tpu.memory_space<vmem>>[vector<16xi32>], vector<16xf32>,
        %gather3A_80 = tpu.vector_load_idx %arg10[%get3A_79] : memref<50176xf32, #tpu.memory_space<vmem>>[vector<16xi32>], vector<16xf32>,
        %add3A_81 = arith.addf %gather3A, %gather3A_80 : vector<16xf32>
        %gt3A = arith.constant 0.000000e+00 : f32
        %gt3A_82 = vector.broadcast %gt3A : f32 to vector<16xf32>
        %gt3A_83 = arith.cmpf ogt, %add3A_81, %gt3A_82 : vector<16xf32>
        %mul3A_84 = arith.constant 2.000000e-01 : f32
        %mul3A_85 = vector.broadcast %mul3A_84 : f32 to vector<16xf32>
        %mul3A_86 = arith.mulf %add3A_81, %mul3A_85 : vector<16xf32>
        %select_n3A_87 = arith.select %gt3A_83, %add3A_81, %mul3A_86 : vector<16xi1>, vector<16xf32>
        %sub3A_88 = arith.subf %select_n3A_87, %get3A_8 : vector<16xf32>
        %exp3A = math.exp %sub3A_88 : vector<16xf32>
        %swap3A = arith.index_cast %select_n3A : i32 to index
        %swap3A_89 = arith.index_cast %mul3A_73 : i32 to index
        %swap3A_90 = tpu.vector_load %arg13[%swap3A, %swap3A_89] {strides = array<i32>} : memref<16x128xf32, #tpu.memory_space<vmem>>, vector<16xf32>,
        tpu.vector_store %arg13[%swap3A, %swap3A_89], %exp3A {strides = array<i32>} : memref<16x128xf32, #tpu.memory_space<vmem>>, vector<16xf32>,
      }
      %scan3A_34 = arith.constant 128 : i32
      "tpu.region"() ({
        %run_scoped3A = tpu.sem_alloc : memref<!tpu.dma_semaphore, #tpu.memory_space<semaphore_mem>>
        %dma_start3A = arith.constant 0 : i32
        %dma_start3A_41 = tpu.memref_slice %arg7[%add3A_28, %dma_start3A] : memref<6656x128xf32, #tpu.memory_space<hbm>> -> memref<16x128xf32, #tpu.memory_space<hbm>>
        %dma_start3A_42 = arith.constant 0 : i32
        %dma_start3A_43 = tpu.memref_slice %arg7[%add3A_28, %dma_start3A_42] : memref<6656x128xf32, #tpu.memory_space<hbm>> -> memref<16x128xf32, #tpu.memory_space<hbm>>
        tpu.enqueue_dma source(%arg13 : memref<16x128xf32, #tpu.memory_space<vmem>>) target(%dma_start3A_43 : memref<16x128xf32, #tpu.memory_space<hbm>>) target_semaphore(%run_scoped3A : memref<!tpu.dma_semaphore, #tpu.memory_space<semaphore_mem>>)
        %dma_wait3A = arith.constant 0 : i32
        %dma_wait3A_44 = tpu.memref_slice %arg7[%add3A_28, %dma_wait3A] : memref<6656x128xf32, #tpu.memory_space<hbm>> -> memref<16x128xf32, #tpu.memory_space<hbm>>
        %dma_wait3A_45 = arith.constant 0 : i32
        %dma_wait3A_46 = tpu.memref_slice %arg7[%add3A_28, %dma_wait3A_45] : memref<6656x128xf32, #tpu.memory_space<hbm>> -> memref<16x128xf32, #tpu.memory_space<hbm>>
        tpu.wait_dma2 semaphore(%run_scoped3A : memref<!tpu.dma_semaphore, #tpu.memory_space<semaphore_mem>>) src(%arg13 : memref<16x128xf32, #tpu.memory_space<vmem>>) dst(%dma_wait3A_46 : memref<16x128xf32, #tpu.memory_space<hbm>>)
        tpu.yield
      }) : () -> ()
      %scan3A_35 = arith.constant 0 : i32
      %scan3A_36 = arith.constant 0 : i32
      %scan3A_37 = arith.constant 16 : i32
      %scan3A_38 = arith.addi %scan3A_36, %scan3A_37 : i32
      %scan3A_39 = arith.constant 1 : i32
      scf.for %scan3A_41 = %scan3A_36 to %scan3A_38 step %scan3A_39  : i32 {
        "tpu.region"() ({
          %run_scoped3A = tpu.sem_alloc : memref<!tpu.dma_semaphore, #tpu.memory_space<semaphore_mem>>
          %dma_start3A = arith.constant 0 : i32
          %dma_start3A_42 = tpu.memref_slice %arg13[%scan3A_41, %dma_start3A] : memref<16x128xf32, #tpu.memory_space<vmem>> -> memref<1x128xf32, #tpu.memory_space<vmem>>
          %dma_start3A_43 = tpu.memref_squeeze %dma_start3A_42 : memref<1x128xf32, #tpu.memory_space<vmem>> -> memref<128xf32, #tpu.memory_space<vmem>>
          %dma_start3A_44 = arith.constant 0 : i32
          %dma_start3A_45 = tpu.memref_slice %arg12[%scan3A_41, %dma_start3A_44] : memref<16x128xi32, #tpu.memory_space<vmem>> -> memref<1x128xi32, #tpu.memory_space<vmem>>
          %dma_start3A_46 = tpu.memref_squeeze %dma_start3A_45 : memref<1x128xi32, #tpu.memory_space<vmem>> -> memref<128xi32, #tpu.memory_space<vmem>>
          %dma_start3A_47 = arith.constant 0 : i32
          %dma_start3A_48 = tpu.memref_slice %arg16[%dma_start3A_47] : memref<50176xf32, #tpu.memory_space<vmem_shared>> -> memref<50176xf32, #tpu.memory_space<vmem_shared>>
          tpu.enqueue_indirect_dma source(%dma_start3A_43 : memref<128xf32, #tpu.memory_space<vmem>>) target(%dma_start3A_48 : memref<50176xf32, #tpu.memory_space<vmem_shared>>) offsets(%dma_start3A_46 : memref<128xi32, #tpu.memory_space<vmem>>) semaphore(%run_scoped3A : memref<!tpu.dma_semaphore, #tpu.memory_space<semaphore_mem>>) {add = true}
          %dma_wait3A = arith.constant 0 : i32
          %dma_wait3A_49 = tpu.memref_slice %arg13[%scan3A_41, %dma_wait3A] : memref<16x128xf32, #tpu.memory_space<vmem>> -> memref<1x128xf32, #tpu.memory_space<vmem>>
          %dma_wait3A_50 = tpu.memref_squeeze %dma_wait3A_49 : memref<1x128xf32, #tpu.memory_space<vmem>> -> memref<128xf32, #tpu.memory_space<vmem>>
          %dma_wait3A_51 = arith.constant 0 : i32
          %dma_wait3A_52 = tpu.memref_slice %arg12[%scan3A_41, %dma_wait3A_51] : memref<16x128xi32, #tpu.memory_space<vmem>> -> memref<1x128xi32, #tpu.memory_space<vmem>>
          %dma_wait3A_53 = tpu.memref_squeeze %dma_wait3A_52 : memref<1x128xi32, #tpu.memory_space<vmem>> -> memref<128xi32, #tpu.memory_space<vmem>>
          %dma_wait3A_54 = arith.constant 0 : i32
          %dma_wait3A_55 = tpu.memref_slice %arg16[%dma_wait3A_54] : memref<50176xf32, #tpu.memory_space<vmem_shared>> -> memref<50176xf32, #tpu.memory_space<vmem_shared>>
          tpu.wait_indirect_dma semaphore(%run_scoped3A : memref<!tpu.dma_semaphore, #tpu.memory_space<semaphore_mem>>) src(%dma_wait3A_50 : memref<128xf32, #tpu.memory_space<vmem>>) dst(%dma_wait3A_55 : memref<50176xf32, #tpu.memory_space<vmem_shared>>)
          tpu.yield
        }) : () -> ()
      }
      %scan3A_40 = arith.constant 16 : i32
    }
    %scan3A_16 = arith.constant 13 : i32
    %barrier3A_17 = arith.constant 0 : index
    tpu.barrier barrier_id(%barrier3A_17)
    %mul3A_18 = arith.constant 3136 : i32
    %mul3A_19 = arith.muli %arg1, %mul3A_18 : i32
    "tpu.region"() ({
      %run_scoped3A = tpu.sem_alloc : memref<!tpu.dma_semaphore, #tpu.memory_space<semaphore_mem>>
      %dma_start3A = tpu.memref_slice %arg16[%mul3A_19] : memref<50176xf32, #tpu.memory_space<vmem_shared>> -> memref<3136xf32, #tpu.memory_space<vmem_shared>>
      %dma_start3A_25 = tpu.memref_slice %arg16[%mul3A_19] : memref<50176xf32, #tpu.memory_space<vmem_shared>> -> memref<3136xf32, #tpu.memory_space<vmem_shared>>
      tpu.enqueue_dma source(%dma_start3A_25 : memref<3136xf32, #tpu.memory_space<vmem_shared>>) target(%arg14 : memref<3136xf32, #tpu.memory_space<vmem>>) target_semaphore(%run_scoped3A : memref<!tpu.dma_semaphore, #tpu.memory_space<semaphore_mem>>)
      %dma_wait3A = tpu.memref_slice %arg16[%mul3A_19] : memref<50176xf32, #tpu.memory_space<vmem_shared>> -> memref<3136xf32, #tpu.memory_space<vmem_shared>>
      %dma_wait3A_26 = tpu.memref_slice %arg16[%mul3A_19] : memref<50176xf32, #tpu.memory_space<vmem_shared>> -> memref<3136xf32, #tpu.memory_space<vmem_shared>>
      tpu.wait_dma2 semaphore(%run_scoped3A : memref<!tpu.dma_semaphore, #tpu.memory_space<semaphore_mem>>) src(%dma_wait3A_26 : memref<3136xf32, #tpu.memory_space<vmem_shared>>) dst(%arg14 : memref<3136xf32, #tpu.memory_space<vmem>>)
      tpu.yield
    }) : () -> ()
    %mul3A_20 = arith.constant 50176 : i32
    %mul3A_21 = arith.muli %arg0, %mul3A_20 : i32
    %mul3A_22 = arith.constant 3136 : i32
    %mul3A_23 = arith.muli %arg1, %mul3A_22 : i32
    %add3A_24 = arith.addi %mul3A_21, %mul3A_23 : i32
    "tpu.region"() ({
      %run_scoped3A = tpu.sem_alloc : memref<!tpu.dma_semaphore, #tpu.memory_space<semaphore_mem>>
      %dma_start3A = tpu.memref_slice %arg8[%add3A_24] : memref<100352xf32, #tpu.memory_space<hbm>> -> memref<3136xf32, #tpu.memory_space<hbm>>
      %dma_start3A_25 = tpu.memref_slice %arg8[%add3A_24] : memref<100352xf32, #tpu.memory_space<hbm>> -> memref<3136xf32, #tpu.memory_space<hbm>>
      tpu.enqueue_dma source(%arg14 : memref<3136xf32, #tpu.memory_space<vmem>>) target(%dma_start3A_25 : memref<3136xf32, #tpu.memory_space<hbm>>) target_semaphore(%run_scoped3A : memref<!tpu.dma_semaphore, #tpu.memory_space<semaphore_mem>>)
      %dma_wait3A = tpu.memref_slice %arg8[%add3A_24] : memref<100352xf32, #tpu.memory_space<hbm>> -> memref<3136xf32, #tpu.memory_space<hbm>>
      %dma_wait3A_26 = tpu.memref_slice %arg8[%add3A_24] : memref<100352xf32, #tpu.memory_space<hbm>> -> memref<3136xf32, #tpu.memory_space<hbm>>
      tpu.wait_dma2 semaphore(%run_scoped3A : memref<!tpu.dma_semaphore, #tpu.memory_space<semaphore_mem>>) src(%arg14 : memref<3136xf32, #tpu.memory_space<vmem>>) dst(%dma_wait3A_26 : memref<3136xf32, #tpu.memory_space<hbm>>)
      tpu.yield
    }) : () -> ()
    return
  }
}

#map = affine_map<(d0, d1) -> (0)>
#map1 = affine_map<(d0, d1) -> (0, 0)>
module attributes {stable_mosaic.version = 14 : i64} {
  func.func @_edge_scalar_body(%arg0: i32, %arg1: i32, %arg2: memref<50176xf32, #tpu.memory_space<hbm>>, %arg3: memref<50176xf32, #tpu.memory_space<hbm>>, %arg4: memref<6656x128xi32, #tpu.memory_space<hbm>>, %arg5: memref<6656x128xi32, #tpu.memory_space<hbm>>, %arg6: memref<16xf32, #tpu.memory_space<hbm>>, %arg7: memref<6656x128xf32, #tpu.memory_space<hbm>>, %arg8: memref<100352xf32, #tpu.memory_space<hbm>>, %arg9: memref<50176xf32, #tpu.memory_space<vmem>>, %arg10: memref<50176xf32, #tpu.memory_space<vmem>>, %arg11: memref<16x128xi32, #tpu.memory_space<vmem>>, %arg12: memref<16x128xi32, #tpu.memory_space<vmem>>, %arg13: memref<16x128xf32, #tpu.memory_space<vmem>>, %arg14: memref<3136xf32, #tpu.memory_space<vmem>>, %arg15: memref<16xf32, #tpu.memory_space<vmem>>, %arg16: memref<50176xf32, #tpu.memory_space<vmem_shared>>) attributes {dimension_semantics = [#tpu.dimension_semantics<core_parallel>, #tpu.dimension_semantics<subcore_parallel>], iteration_bounds = array<i64: 2, 16>, scalar_prefetch = 0 : i64, scratch_operands = 8 : i64, tpu.core_type = #tpu.core_type<sc_vector_subcore>, window_params = [{transform_indices = #map}, {transform_indices = #map}, {transform_indices = #map1}, {transform_indices = #map1}, {transform_indices = #map}, {transform_indices = #map1}, {transform_indices = #map}]} {
    %mul3A = arith.constant 16 : i32
    %mul3A_0 = arith.muli %arg0, %mul3A : i32
    %add3A = arith.addi %mul3A_0, %arg1 : i32
    %scan3A = arith.constant 0 : i32
    %scan3A_1 = arith.constant 0 : i32
    %scan3A_2 = arith.constant 196 : i32
    %scan3A_3 = arith.addi %scan3A_1, %scan3A_2 : i32
    %scan3A_4 = arith.constant 1 : i32
    scf.for %scan3A_25 = %scan3A_1 to %scan3A_3 step %scan3A_4  : i32 {
      %broadcast_in_dim3A = arith.constant 0.000000e+00 : f32
      %broadcast_in_dim3A_26 = vector.broadcast %broadcast_in_dim3A : f32 to vector<16xf32>
      %mul3A_27 = arith.constant 16 : i32
      %mul3A_28 = arith.muli %scan3A_25, %mul3A_27 : i32
      %swap3A = arith.index_cast %mul3A_28 : i32 to index
      %swap3A_29 = tpu.vector_load %arg14[%swap3A] {strides = array<i32>} : memref<3136xf32, #tpu.memory_space<vmem>>, vector<16xf32>,
      tpu.vector_store %arg14[%swap3A], %broadcast_in_dim3A_26 {strides = array<i32>} : memref<3136xf32, #tpu.memory_space<vmem>>, vector<16xf32>,
    }
    %scan3A_5 = arith.constant 196 : i32
    %mul3A_6 = arith.constant 3136 : i32
    %mul3A_7 = arith.muli %arg1, %mul3A_6 : i32
    "tpu.region"() ({
      %run_scoped3A = tpu.sem_alloc : memref<!tpu.dma_semaphore, #tpu.memory_space<semaphore_mem>>
      %dma_start3A = tpu.memref_slice %arg16[%mul3A_7] : memref<50176xf32, #tpu.memory_space<vmem_shared>> -> memref<3136xf32, #tpu.memory_space<vmem_shared>>
      %dma_start3A_25 = tpu.memref_slice %arg16[%mul3A_7] : memref<50176xf32, #tpu.memory_space<vmem_shared>> -> memref<3136xf32, #tpu.memory_space<vmem_shared>>
      tpu.enqueue_dma source(%arg14 : memref<3136xf32, #tpu.memory_space<vmem>>) target(%dma_start3A_25 : memref<3136xf32, #tpu.memory_space<vmem_shared>>) target_semaphore(%run_scoped3A : memref<!tpu.dma_semaphore, #tpu.memory_space<semaphore_mem>>)
      %dma_wait3A = tpu.memref_slice %arg16[%mul3A_7] : memref<50176xf32, #tpu.memory_space<vmem_shared>> -> memref<3136xf32, #tpu.memory_space<vmem_shared>>
      %dma_wait3A_26 = tpu.memref_slice %arg16[%mul3A_7] : memref<50176xf32, #tpu.memory_space<vmem_shared>> -> memref<3136xf32, #tpu.memory_space<vmem_shared>>
      tpu.wait_dma2 semaphore(%run_scoped3A : memref<!tpu.dma_semaphore, #tpu.memory_space<semaphore_mem>>) src(%arg14 : memref<3136xf32, #tpu.memory_space<vmem>>) dst(%dma_wait3A_26 : memref<3136xf32, #tpu.memory_space<vmem_shared>>)
      tpu.yield
    }) : () -> ()
    "tpu.region"() ({
      %run_scoped3A = tpu.sem_alloc : memref<!tpu.dma_semaphore, #tpu.memory_space<semaphore_mem>>
      tpu.enqueue_dma source(%arg2 : memref<50176xf32, #tpu.memory_space<hbm>>) target(%arg9 : memref<50176xf32, #tpu.memory_space<vmem>>) target_semaphore(%run_scoped3A : memref<!tpu.dma_semaphore, #tpu.memory_space<semaphore_mem>>)
      tpu.wait_dma2 semaphore(%run_scoped3A : memref<!tpu.dma_semaphore, #tpu.memory_space<semaphore_mem>>) src(%arg2 : memref<50176xf32, #tpu.memory_space<hbm>>) dst(%arg9 : memref<50176xf32, #tpu.memory_space<vmem>>)
      tpu.yield
    }) : () -> ()
    "tpu.region"() ({
      %run_scoped3A = tpu.sem_alloc : memref<!tpu.dma_semaphore, #tpu.memory_space<semaphore_mem>>
      tpu.enqueue_dma source(%arg3 : memref<50176xf32, #tpu.memory_space<hbm>>) target(%arg10 : memref<50176xf32, #tpu.memory_space<vmem>>) target_semaphore(%run_scoped3A : memref<!tpu.dma_semaphore, #tpu.memory_space<semaphore_mem>>)
      tpu.wait_dma2 semaphore(%run_scoped3A : memref<!tpu.dma_semaphore, #tpu.memory_space<semaphore_mem>>) src(%arg3 : memref<50176xf32, #tpu.memory_space<hbm>>) dst(%arg10 : memref<50176xf32, #tpu.memory_space<vmem>>)
      tpu.yield
    }) : () -> ()
    "tpu.region"() ({
      %run_scoped3A = tpu.sem_alloc : memref<!tpu.dma_semaphore, #tpu.memory_space<semaphore_mem>>
      tpu.enqueue_dma source(%arg6 : memref<16xf32, #tpu.memory_space<hbm>>) target(%arg15 : memref<16xf32, #tpu.memory_space<vmem>>) target_semaphore(%run_scoped3A : memref<!tpu.dma_semaphore, #tpu.memory_space<semaphore_mem>>)
      tpu.wait_dma2 semaphore(%run_scoped3A : memref<!tpu.dma_semaphore, #tpu.memory_space<semaphore_mem>>) src(%arg6 : memref<16xf32, #tpu.memory_space<hbm>>) dst(%arg15 : memref<16xf32, #tpu.memory_space<vmem>>)
      tpu.yield
    }) : () -> ()
    %barrier3A = arith.constant 0 : index
    tpu.barrier barrier_id(%barrier3A)
    %get3A = arith.constant 0 : index
    %get3A_8 = tpu.vector_load %arg15[%get3A] {strides = array<i32>} : memref<16xf32, #tpu.memory_space<vmem>>, vector<16xf32>,
    %mul3A_9 = arith.constant 208 : i32
    %mul3A_10 = arith.muli %add3A, %mul3A_9 : i32
    %scan3A_11 = arith.constant 0 : i32
    %scan3A_12 = arith.constant 0 : i32
    %scan3A_13 = arith.constant 13 : i32
    %scan3A_14 = arith.addi %scan3A_12, %scan3A_13 : i32
    %scan3A_15 = arith.constant 1 : i32
    scf.for %scan3A_25 = %scan3A_12 to %scan3A_14 step %scan3A_15  : i32 {
      %mul3A_26 = arith.constant 16 : i32
      %mul3A_27 = arith.muli %scan3A_25, %mul3A_26 : i32
      %add3A_28 = arith.addi %mul3A_10, %mul3A_27 : i32
      "tpu.region"() ({
        %run_scoped3A = tpu.sem_alloc : memref<!tpu.dma_semaphore, #tpu.memory_space<semaphore_mem>>
        %dma_start3A = arith.constant 0 : i32
        %dma_start3A_41 = tpu.memref_slice %arg4[%add3A_28, %dma_start3A] : memref<6656x128xi32, #tpu.memory_space<hbm>> -> memref<16x128xi32, #tpu.memory_space<hbm>>
        %dma_start3A_42 = arith.constant 0 : i32
        %dma_start3A_43 = tpu.memref_slice %arg4[%add3A_28, %dma_start3A_42] : memref<6656x128xi32, #tpu.memory_space<hbm>> -> memref<16x128xi32, #tpu.memory_space<hbm>>
        tpu.enqueue_dma source(%dma_start3A_43 : memref<16x128xi32, #tpu.memory_space<hbm>>) target(%arg11 : memref<16x128xi32, #tpu.memory_space<vmem>>) target_semaphore(%run_scoped3A : memref<!tpu.dma_semaphore, #tpu.memory_space<semaphore_mem>>)
        %dma_wait3A = arith.constant 0 : i32
        %dma_wait3A_44 = tpu.memref_slice %arg4[%add3A_28, %dma_wait3A] : memref<6656x128xi32, #tpu.memory_space<hbm>> -> memref<16x128xi32, #tpu.memory_space<hbm>>
        %dma_wait3A_45 = arith.constant 0 : i32
        %dma_wait3A_46 = tpu.memref_slice %arg4[%add3A_28, %dma_wait3A_45] : memref<6656x128xi32, #tpu.memory_space<hbm>> -> memref<16x128xi32, #tpu.memory_space<hbm>>
        tpu.wait_dma2 semaphore(%run_scoped3A : memref<!tpu.dma_semaphore, #tpu.memory_space<semaphore_mem>>) src(%dma_wait3A_46 : memref<16x128xi32, #tpu.memory_space<hbm>>) dst(%arg11 : memref<16x128xi32, #tpu.memory_space<vmem>>)
        tpu.yield
      }) : () -> ()
      "tpu.region"() ({
        %run_scoped3A = tpu.sem_alloc : memref<!tpu.dma_semaphore, #tpu.memory_space<semaphore_mem>>
        %dma_start3A = arith.constant 0 : i32
        %dma_start3A_41 = tpu.memref_slice %arg5[%add3A_28, %dma_start3A] : memref<6656x128xi32, #tpu.memory_space<hbm>> -> memref<16x128xi32, #tpu.memory_space<hbm>>
        %dma_start3A_42 = arith.constant 0 : i32
        %dma_start3A_43 = tpu.memref_slice %arg5[%add3A_28, %dma_start3A_42] : memref<6656x128xi32, #tpu.memory_space<hbm>> -> memref<16x128xi32, #tpu.memory_space<hbm>>
        tpu.enqueue_dma source(%dma_start3A_43 : memref<16x128xi32, #tpu.memory_space<hbm>>) target(%arg12 : memref<16x128xi32, #tpu.memory_space<vmem>>) target_semaphore(%run_scoped3A : memref<!tpu.dma_semaphore, #tpu.memory_space<semaphore_mem>>)
        %dma_wait3A = arith.constant 0 : i32
        %dma_wait3A_44 = tpu.memref_slice %arg5[%add3A_28, %dma_wait3A] : memref<6656x128xi32, #tpu.memory_space<hbm>> -> memref<16x128xi32, #tpu.memory_space<hbm>>
        %dma_wait3A_45 = arith.constant 0 : i32
        %dma_wait3A_46 = tpu.memref_slice %arg5[%add3A_28, %dma_wait3A_45] : memref<6656x128xi32, #tpu.memory_space<hbm>> -> memref<16x128xi32, #tpu.memory_space<hbm>>
        tpu.wait_dma2 semaphore(%run_scoped3A : memref<!tpu.dma_semaphore, #tpu.memory_space<semaphore_mem>>) src(%dma_wait3A_46 : memref<16x128xi32, #tpu.memory_space<hbm>>) dst(%arg12 : memref<16x128xi32, #tpu.memory_space<vmem>>)
        tpu.yield
      }) : () -> ()
      %scan3A_29 = arith.constant 0 : i32
      %scan3A_30 = arith.constant 0 : i32
      %scan3A_31 = arith.constant 128 : i32
      %scan3A_32 = arith.addi %scan3A_30, %scan3A_31 : i32
      %scan3A_33 = arith.constant 1 : i32
      scf.for %scan3A_41 = %scan3A_30 to %scan3A_32 step %scan3A_33  : i32 {
        %jit3A = arith.constant 8 : i32
        %div3A = arith.divsi %scan3A_41, %jit3A : i32
        %sign3A = arith.constant 0 : i32
        %sign3A_42 = arith.cmpi sgt, %scan3A_41, %sign3A : i32
        %sign3A_43 = arith.extui %sign3A_42 : i1 to i32
        %sign3A_44 = arith.constant 0 : i32
        %sign3A_45 = arith.cmpi slt, %scan3A_41, %sign3A_44 : i32
        %sign3A_46 = arith.extui %sign3A_45 : i1 to i32
        %sign3A_47 = arith.subi %sign3A_43, %sign3A_46 : i32
        %sign3A_48 = arith.constant 0 : i32
        %sign3A_49 = arith.cmpi sgt, %jit3A, %sign3A_48 : i32
        %sign3A_50 = arith.extui %sign3A_49 : i1 to i32
        %sign3A_51 = arith.constant 0 : i32
        %sign3A_52 = arith.cmpi slt, %jit3A, %sign3A_51 : i32
        %sign3A_53 = arith.extui %sign3A_52 : i1 to i32
        %sign3A_54 = arith.subi %sign3A_50, %sign3A_53 : i32
        %ne3A = arith.cmpi ne, %sign3A_47, %sign3A_54 : i32
        %rem3A = arith.remsi %scan3A_41, %jit3A : i32
        %ne3A_55 = arith.constant 0 : i32
        %ne3A_56 = arith.cmpi ne, %rem3A, %ne3A_55 : i32
        %and3A = arith.andi %ne3A, %ne3A_56 : i1
        %sub3A = arith.constant 1 : i32
        %sub3A_57 = arith.subi %div3A, %sub3A : i32
        %select_n3A = arith.select %and3A, %sub3A_57, %div3A : i32
        %jit3A_58 = arith.constant 8 : i32
        %eq3A = arith.constant 0 : i32
        %eq3A_59 = arith.cmpi eq, %jit3A_58, %eq3A : i32
        %jit3A_60 = arith.constant 1 : i32
        %select_n3A_61 = arith.select %eq3A_59, %jit3A_60, %jit3A_58 : i32
        %rem3A_62 = arith.remsi %scan3A_41, %select_n3A_61 : i32
        %ne3A_63 = arith.constant 0 : i32
        %ne3A_64 = arith.cmpi ne, %rem3A_62, %ne3A_63 : i32
        %lt3A = arith.constant 0 : i32
        %lt3A_65 = arith.cmpi slt, %rem3A_62, %lt3A : i32
        %lt3A_66 = arith.constant 0 : i32
        %lt3A_67 = arith.cmpi slt, %select_n3A_61, %lt3A_66 : i32
        %ne3A_68 = arith.xori %lt3A_65, %lt3A_67 : i1
        %and3A_69 = arith.andi %ne3A_68, %ne3A_64 : i1
        %add3A_70 = arith.addi %rem3A_62, %select_n3A_61 : i32
        %select_n3A_71 = arith.select %and3A_69, %add3A_70, %rem3A_62 : i32
        %mul3A_72 = arith.constant 16 : i32
        %mul3A_73 = arith.muli %select_n3A_71, %mul3A_72 : i32
        %get3A_74 = arith.index_cast %select_n3A : i32 to index
        %get3A_75 = arith.index_cast %mul3A_73 : i32 to index
        %get3A_76 = tpu.vector_load %arg11[%get3A_74, %get3A_75] {strides = array<i32>} : memref<16x128xi32, #tpu.memory_space<vmem>>, vector<16xi32>,
        %get3A_77 = arith.index_cast %select_n3A : i32 to index
        %get3A_78 = arith.index_cast %mul3A_73 : i32 to index
        %get3A_79 = tpu.vector_load %arg12[%get3A_77, %get3A_78] {strides = array<i32>} : memref<16x128xi32, #tpu.memory_space<vmem>>, vector<16xi32>,
        %gather3A = tpu.vector_load_idx %arg9[%get3A_76] : memref<50176xf32, #tpu.memory_space<vmem>>[vector<16xi32>], vector<16xf32>,
        %gather3A_80 = tpu.vector_load_idx %arg10[%get3A_79] : memref<50176xf32, #tpu.memory_space<vmem>>[vector<16xi32>], vector<16xf32>,
        %add3A_81 = arith.addf %gather3A, %gather3A_80 : vector<16xf32>
        %gt3A = arith.constant 0.000000e+00 : f32
        %gt3A_82 = vector.broadcast %gt3A : f32 to vector<16xf32>
        %gt3A_83 = arith.cmpf ogt, %add3A_81, %gt3A_82 : vector<16xf32>
        %mul3A_84 = arith.constant 2.000000e-01 : f32
        %mul3A_85 = vector.broadcast %mul3A_84 : f32 to vector<16xf32>
        %mul3A_86 = arith.mulf %add3A_81, %mul3A_85 : vector<16xf32>
        %select_n3A_87 = arith.select %gt3A_83, %add3A_81, %mul3A_86 : vector<16xi1>, vector<16xf32>
        %sub3A_88 = arith.subf %select_n3A_87, %get3A_8 : vector<16xf32>
        %exp3A = math.exp %sub3A_88 : vector<16xf32>
        %swap3A = arith.index_cast %select_n3A : i32 to index
        %swap3A_89 = arith.index_cast %mul3A_73 : i32 to index
        %swap3A_90 = tpu.vector_load %arg13[%swap3A, %swap3A_89] {strides = array<i32>} : memref<16x128xf32, #tpu.memory_space<vmem>>, vector<16xf32>,
        tpu.vector_store %arg13[%swap3A, %swap3A_89], %exp3A {strides = array<i32>} : memref<16x128xf32, #tpu.memory_space<vmem>>, vector<16xf32>,
      }
      %scan3A_34 = arith.constant 128 : i32
      "tpu.region"() ({
        %run_scoped3A = tpu.sem_alloc : memref<!tpu.dma_semaphore, #tpu.memory_space<semaphore_mem>>
        %dma_start3A = arith.constant 0 : i32
        %dma_start3A_41 = tpu.memref_slice %arg7[%add3A_28, %dma_start3A] : memref<6656x128xf32, #tpu.memory_space<hbm>> -> memref<16x128xf32, #tpu.memory_space<hbm>>
        %dma_start3A_42 = arith.constant 0 : i32
        %dma_start3A_43 = tpu.memref_slice %arg7[%add3A_28, %dma_start3A_42] : memref<6656x128xf32, #tpu.memory_space<hbm>> -> memref<16x128xf32, #tpu.memory_space<hbm>>
        tpu.enqueue_dma source(%arg13 : memref<16x128xf32, #tpu.memory_space<vmem>>) target(%dma_start3A_43 : memref<16x128xf32, #tpu.memory_space<hbm>>) target_semaphore(%run_scoped3A : memref<!tpu.dma_semaphore, #tpu.memory_space<semaphore_mem>>)
        %dma_wait3A = arith.constant 0 : i32
        %dma_wait3A_44 = tpu.memref_slice %arg7[%add3A_28, %dma_wait3A] : memref<6656x128xf32, #tpu.memory_space<hbm>> -> memref<16x128xf32, #tpu.memory_space<hbm>>
        %dma_wait3A_45 = arith.constant 0 : i32
        %dma_wait3A_46 = tpu.memref_slice %arg7[%add3A_28, %dma_wait3A_45] : memref<6656x128xf32, #tpu.memory_space<hbm>> -> memref<16x128xf32, #tpu.memory_space<hbm>>
        tpu.wait_dma2 semaphore(%run_scoped3A : memref<!tpu.dma_semaphore, #tpu.memory_space<semaphore_mem>>) src(%arg13 : memref<16x128xf32, #tpu.memory_space<vmem>>) dst(%dma_wait3A_46 : memref<16x128xf32, #tpu.memory_space<hbm>>)
        tpu.yield
      }) : () -> ()
      %scan3A_35 = arith.constant 0 : i32
      %scan3A_36 = arith.constant 0 : i32
      %scan3A_37 = arith.constant 16 : i32
      %scan3A_38 = arith.addi %scan3A_36, %scan3A_37 : i32
      %scan3A_39 = arith.constant 1 : i32
      scf.for %scan3A_41 = %scan3A_36 to %scan3A_38 step %scan3A_39  : i32 {
        "tpu.region"() ({
          %run_scoped3A = tpu.sem_alloc : memref<!tpu.dma_semaphore, #tpu.memory_space<semaphore_mem>>
          %dma_start3A = arith.constant 0 : i32
          %dma_start3A_42 = tpu.memref_slice %arg13[%scan3A_41, %dma_start3A] : memref<16x128xf32, #tpu.memory_space<vmem>> -> memref<1x128xf32, #tpu.memory_space<vmem>>
          %dma_start3A_43 = tpu.memref_squeeze %dma_start3A_42 : memref<1x128xf32, #tpu.memory_space<vmem>> -> memref<128xf32, #tpu.memory_space<vmem>>
          %dma_start3A_44 = arith.constant 0 : i32
          %dma_start3A_45 = tpu.memref_slice %arg12[%scan3A_41, %dma_start3A_44] : memref<16x128xi32, #tpu.memory_space<vmem>> -> memref<1x128xi32, #tpu.memory_space<vmem>>
          %dma_start3A_46 = tpu.memref_squeeze %dma_start3A_45 : memref<1x128xi32, #tpu.memory_space<vmem>> -> memref<128xi32, #tpu.memory_space<vmem>>
          %dma_start3A_47 = arith.constant 0 : i32
          %dma_start3A_48 = tpu.memref_slice %arg16[%dma_start3A_47] : memref<50176xf32, #tpu.memory_space<vmem_shared>> -> memref<50176xf32, #tpu.memory_space<vmem_shared>>
          tpu.enqueue_indirect_dma source(%dma_start3A_43 : memref<128xf32, #tpu.memory_space<vmem>>) target(%dma_start3A_48 : memref<50176xf32, #tpu.memory_space<vmem_shared>>) offsets(%dma_start3A_46 : memref<128xi32, #tpu.memory_space<vmem>>) semaphore(%run_scoped3A : memref<!tpu.dma_semaphore, #tpu.memory_space<semaphore_mem>>) {add = true}
          %dma_wait3A = arith.constant 0 : i32
          %dma_wait3A_49 = tpu.memref_slice %arg13[%scan3A_41, %dma_wait3A] : memref<16x128xf32, #tpu.memory_space<vmem>> -> memref<1x128xf32, #tpu.memory_space<vmem>>
          %dma_wait3A_50 = tpu.memref_squeeze %dma_wait3A_49 : memref<1x128xf32, #tpu.memory_space<vmem>> -> memref<128xf32, #tpu.memory_space<vmem>>
          %dma_wait3A_51 = arith.constant 0 : i32
          %dma_wait3A_52 = tpu.memref_slice %arg12[%scan3A_41, %dma_wait3A_51] : memref<16x128xi32, #tpu.memory_space<vmem>> -> memref<1x128xi32, #tpu.memory_space<vmem>>
          %dma_wait3A_53 = tpu.memref_squeeze %dma_wait3A_52 : memref<1x128xi32, #tpu.memory_space<vmem>> -> memref<128xi32, #tpu.memory_space<vmem>>
          %dma_wait3A_54 = arith.constant 0 : i32
          %dma_wait3A_55 = tpu.memref_slice %arg16[%dma_wait3A_54] : memref<50176xf32, #tpu.memory_space<vmem_shared>> -> memref<50176xf32, #tpu.memory_space<vmem_shared>>
          tpu.wait_indirect_dma semaphore(%run_scoped3A : memref<!tpu.dma_semaphore, #tpu.memory_space<semaphore_mem>>) src(%dma_wait3A_50 : memref<128xf32, #tpu.memory_space<vmem>>) dst(%dma_wait3A_55 : memref<50176xf32, #tpu.memory_space<vmem_shared>>)
          tpu.yield
        }) : () -> ()
      }
      %scan3A_40 = arith.constant 16 : i32
    }
    %scan3A_16 = arith.constant 13 : i32
    %barrier3A_17 = arith.constant 0 : index
    tpu.barrier barrier_id(%barrier3A_17)
    %mul3A_18 = arith.constant 3136 : i32
    %mul3A_19 = arith.muli %arg1, %mul3A_18 : i32
    "tpu.region"() ({
      %run_scoped3A = tpu.sem_alloc : memref<!tpu.dma_semaphore, #tpu.memory_space<semaphore_mem>>
      %dma_start3A = tpu.memref_slice %arg16[%mul3A_19] : memref<50176xf32, #tpu.memory_space<vmem_shared>> -> memref<3136xf32, #tpu.memory_space<vmem_shared>>
      %dma_start3A_25 = tpu.memref_slice %arg16[%mul3A_19] : memref<50176xf32, #tpu.memory_space<vmem_shared>> -> memref<3136xf32, #tpu.memory_space<vmem_shared>>
      tpu.enqueue_dma source(%dma_start3A_25 : memref<3136xf32, #tpu.memory_space<vmem_shared>>) target(%arg14 : memref<3136xf32, #tpu.memory_space<vmem>>) target_semaphore(%run_scoped3A : memref<!tpu.dma_semaphore, #tpu.memory_space<semaphore_mem>>)
      %dma_wait3A = tpu.memref_slice %arg16[%mul3A_19] : memref<50176xf32, #tpu.memory_space<vmem_shared>> -> memref<3136xf32, #tpu.memory_space<vmem_shared>>
      %dma_wait3A_26 = tpu.memref_slice %arg16[%mul3A_19] : memref<50176xf32, #tpu.memory_space<vmem_shared>> -> memref<3136xf32, #tpu.memory_space<vmem_shared>>
      tpu.wait_dma2 semaphore(%run_scoped3A : memref<!tpu.dma_semaphore, #tpu.memory_space<semaphore_mem>>) src(%dma_wait3A_26 : memref<3136xf32, #tpu.memory_space<vmem_shared>>) dst(%arg14 : memref<3136xf32, #tpu.memory_space<vmem>>)
      tpu.yield
    }) : () -> ()
    %mul3A_20 = arith.constant 50176 : i32
    %mul3A_21 = arith.muli %arg0, %mul3A_20 : i32
    %mul3A_22 = arith.constant 3136 : i32
    %mul3A_23 = arith.muli %arg1, %mul3A_22 : i32
    %add3A_24 = arith.addi %mul3A_21, %mul3A_23 : i32
    "tpu.region"() ({
      %run_scoped3A = tpu.sem_alloc : memref<!tpu.dma_semaphore, #tpu.memory_space<semaphore_mem>>
      %dma_start3A = tpu.memref_slice %arg8[%add3A_24] : memref<100352xf32, #tpu.memory_space<hbm>> -> memref<3136xf32, #tpu.memory_space<hbm>>
      %dma_start3A_25 = tpu.memref_slice %arg8[%add3A_24] : memref<100352xf32, #tpu.memory_space<hbm>> -> memref<3136xf32, #tpu.memory_space<hbm>>
      tpu.enqueue_dma source(%arg14 : memref<3136xf32, #tpu.memory_space<vmem>>) target(%dma_start3A_25 : memref<3136xf32, #tpu.memory_space<hbm>>) target_semaphore(%run_scoped3A : memref<!tpu.dma_semaphore, #tpu.memory_space<semaphore_mem>>)
      %dma_wait3A = tpu.memref_slice %arg8[%add3A_24] : memref<100352xf32, #tpu.memory_space<hbm>> -> memref<3136xf32, #tpu.memory_space<hbm>>
      %dma_wait3A_26 = tpu.memref_slice %arg8[%add3A_24] : memref<100352xf32, #tpu.memory_space<hbm>> -> memref<3136xf32, #tpu.memory_space<hbm>>
      tpu.wait_dma2 semaphore(%run_scoped3A : memref<!tpu.dma_semaphore, #tpu.memory_space<semaphore_mem>>) src(%arg14 : memref<3136xf32, #tpu.memory_space<vmem>>) dst(%dma_wait3A_26 : memref<3136xf32, #tpu.memory_space<hbm>>)
      tpu.yield
    }) : () -> ()
    return
  }
}

#map = affine_map<(d0, d1) -> (0, 0)>
module attributes {stable_mosaic.version = 14 : i64} {
  func.func @_edge_rows_body(%arg0: i32, %arg1: i32, %arg2: memref<50176x128xf32, #tpu.memory_space<hbm>>, %arg3: memref<6656x128xf32, #tpu.memory_space<hbm>>, %arg4: memref<6656x128xi32, #tpu.memory_space<hbm>>, %arg5: memref<6656x128xi32, #tpu.memory_space<hbm>>, %arg6: memref<25088x128xf32, #tpu.memory_space<hbm>>, %arg7: memref<16x128xi32, #tpu.memory_space<vmem>>, %arg8: memref<16x128xi32, #tpu.memory_space<vmem>>, %arg9: memref<16x128xf32, #tpu.memory_space<vmem>>, %arg10: memref<128x128xf32, #tpu.memory_space<vmem>>, %arg11: memref<128x32xf32, #tpu.memory_space<vmem>>, %arg12: memref<64x32xf32, #tpu.memory_space<vmem>>, %arg13: memref<16x128xf32, #tpu.memory_space<vmem>>, %arg14: memref<50176x32xf32, #tpu.memory_space<vmem_shared>>) attributes {dimension_semantics = [#tpu.dimension_semantics<core_parallel>, #tpu.dimension_semantics<subcore_parallel>], iteration_bounds = array<i64: 2, 16>, scalar_prefetch = 0 : i64, scratch_operands = 8 : i64, tpu.core_type = #tpu.core_type<sc_vector_subcore>, window_params = [{transform_indices = #map}, {transform_indices = #map}, {transform_indices = #map}, {transform_indices = #map}, {transform_indices = #map}]} {
    %mul3A = arith.constant 416 : i32
    %mul3A_0 = arith.muli %arg1, %mul3A : i32
    %mul3A_1 = arith.constant 32 : i32
    %mul3A_2 = arith.muli %arg0, %mul3A_1 : i32
    %multiple_of3A = tpu.assume_multiple %mul3A_2, 32 : i32
    %scan3A = arith.constant 0 : i32
    %scan3A_3 = arith.constant 0 : i32
    %scan3A_4 = arith.constant 128 : i32
    %scan3A_5 = arith.addi %scan3A_3, %scan3A_4 : i32
    %scan3A_6 = arith.constant 1 : i32
    scf.for %scan3A_27 = %scan3A_3 to %scan3A_5 step %scan3A_6  : i32 {
      %broadcast_in_dim3A = arith.constant 0.000000e+00 : f32
      %broadcast_in_dim3A_28 = vector.broadcast %broadcast_in_dim3A : f32 to vector<16xf32>
      %jit3A = arith.constant 2 : i32
      %div3A = arith.divsi %scan3A_27, %jit3A : i32
      %sign3A = arith.constant 0 : i32
      %sign3A_29 = arith.cmpi sgt, %scan3A_27, %sign3A : i32
      %sign3A_30 = arith.extui %sign3A_29 : i1 to i32
      %sign3A_31 = arith.constant 0 : i32
      %sign3A_32 = arith.cmpi slt, %scan3A_27, %sign3A_31 : i32
      %sign3A_33 = arith.extui %sign3A_32 : i1 to i32
      %sign3A_34 = arith.subi %sign3A_30, %sign3A_33 : i32
      %sign3A_35 = arith.constant 0 : i32
      %sign3A_36 = arith.cmpi sgt, %jit3A, %sign3A_35 : i32
      %sign3A_37 = arith.extui %sign3A_36 : i1 to i32
      %sign3A_38 = arith.constant 0 : i32
      %sign3A_39 = arith.cmpi slt, %jit3A, %sign3A_38 : i32
      %sign3A_40 = arith.extui %sign3A_39 : i1 to i32
      %sign3A_41 = arith.subi %sign3A_37, %sign3A_40 : i32
      %ne3A = arith.cmpi ne, %sign3A_34, %sign3A_41 : i32
      %rem3A = arith.remsi %scan3A_27, %jit3A : i32
      %ne3A_42 = arith.constant 0 : i32
      %ne3A_43 = arith.cmpi ne, %rem3A, %ne3A_42 : i32
      %and3A = arith.andi %ne3A, %ne3A_43 : i1
      %sub3A = arith.constant 1 : i32
      %sub3A_44 = arith.subi %div3A, %sub3A : i32
      %select_n3A = arith.select %and3A, %sub3A_44, %div3A : i32
      %jit3A_45 = arith.constant 2 : i32
      %eq3A = arith.constant 0 : i32
      %eq3A_46 = arith.cmpi eq, %jit3A_45, %eq3A : i32
      %jit3A_47 = arith.constant 1 : i32
      %select_n3A_48 = arith.select %eq3A_46, %jit3A_47, %jit3A_45 : i32
      %rem3A_49 = arith.remsi %scan3A_27, %select_n3A_48 : i32
      %ne3A_50 = arith.constant 0 : i32
      %ne3A_51 = arith.cmpi ne, %rem3A_49, %ne3A_50 : i32
      %lt3A = arith.constant 0 : i32
      %lt3A_52 = arith.cmpi slt, %rem3A_49, %lt3A : i32
      %lt3A_53 = arith.constant 0 : i32
      %lt3A_54 = arith.cmpi slt, %select_n3A_48, %lt3A_53 : i32
      %ne3A_55 = arith.xori %lt3A_52, %lt3A_54 : i1
      %and3A_56 = arith.andi %ne3A_55, %ne3A_51 : i1
      %add3A = arith.addi %rem3A_49, %select_n3A_48 : i32
      %select_n3A_57 = arith.select %and3A_56, %add3A, %rem3A_49 : i32
      %mul3A_58 = arith.constant 16 : i32
      %mul3A_59 = arith.muli %select_n3A_57, %mul3A_58 : i32
      %swap3A = arith.index_cast %select_n3A : i32 to index
      %swap3A_60 = arith.index_cast %mul3A_59 : i32 to index
      %swap3A_61 = tpu.vector_load %arg12[%swap3A, %swap3A_60] {strides = array<i32>} : memref<64x32xf32, #tpu.memory_space<vmem>>, vector<16xf32>,
      tpu.vector_store %arg12[%swap3A, %swap3A_60], %broadcast_in_dim3A_28 {strides = array<i32>} : memref<64x32xf32, #tpu.memory_space<vmem>>, vector<16xf32>,
    }
    %scan3A_7 = arith.constant 128 : i32
    %scan3A_8 = arith.constant 0 : i32
    %scan3A_9 = arith.constant 0 : i32
    %scan3A_10 = arith.constant 49 : i32
    %scan3A_11 = arith.addi %scan3A_9, %scan3A_10 : i32
    %scan3A_12 = arith.constant 1 : i32
    scf.for %scan3A_27 = %scan3A_9 to %scan3A_11 step %scan3A_12  : i32 {
      %mul3A_28 = arith.constant 3136 : i32
      %mul3A_29 = arith.muli %arg1, %mul3A_28 : i32
      %mul3A_30 = arith.constant 64 : i32
      %mul3A_31 = arith.muli %scan3A_27, %mul3A_30 : i32
      %add3A = arith.addi %mul3A_29, %mul3A_31 : i32
      "tpu.region"() ({
        %run_scoped3A = tpu.sem_alloc : memref<!tpu.dma_semaphore, #tpu.memory_space<semaphore_mem>>
        %dma_start3A = arith.constant 0 : i32
        %dma_start3A_32 = tpu.memref_slice %arg14[%add3A, %dma_start3A] : memref<50176x32xf32, #tpu.memory_space<vmem_shared>> -> memref<64x32xf32, #tpu.memory_space<vmem_shared>>
        %dma_start3A_33 = arith.constant 0 : i32
        %dma_start3A_34 = tpu.memref_slice %arg14[%add3A, %dma_start3A_33] : memref<50176x32xf32, #tpu.memory_space<vmem_shared>> -> memref<64x32xf32, #tpu.memory_space<vmem_shared>>
        tpu.enqueue_dma source(%arg12 : memref<64x32xf32, #tpu.memory_space<vmem>>) target(%dma_start3A_34 : memref<64x32xf32, #tpu.memory_space<vmem_shared>>) target_semaphore(%run_scoped3A : memref<!tpu.dma_semaphore, #tpu.memory_space<semaphore_mem>>)
        %dma_wait3A = arith.constant 0 : i32
        %dma_wait3A_35 = tpu.memref_slice %arg14[%add3A, %dma_wait3A] : memref<50176x32xf32, #tpu.memory_space<vmem_shared>> -> memref<64x32xf32, #tpu.memory_space<vmem_shared>>
        %dma_wait3A_36 = arith.constant 0 : i32
        %dma_wait3A_37 = tpu.memref_slice %arg14[%add3A, %dma_wait3A_36] : memref<50176x32xf32, #tpu.memory_space<vmem_shared>> -> memref<64x32xf32, #tpu.memory_space<vmem_shared>>
        tpu.wait_dma2 semaphore(%run_scoped3A : memref<!tpu.dma_semaphore, #tpu.memory_space<semaphore_mem>>) src(%arg12 : memref<64x32xf32, #tpu.memory_space<vmem>>) dst(%dma_wait3A_37 : memref<64x32xf32, #tpu.memory_space<vmem_shared>>)
        tpu.yield
      }) : () -> ()
    }
    %scan3A_13 = arith.constant 49 : i32
    %barrier3A = arith.constant 0 : index
    tpu.barrier barrier_id(%barrier3A)
    %scan3A_14 = arith.constant 0 : i32
    %scan3A_15 = arith.constant 0 : i32
    %scan3A_16 = arith.constant 26 : i32
    %scan3A_17 = arith.addi %scan3A_15, %scan3A_16 : i32
    %scan3A_18 = arith.constant 1 : i32
    scf.for %scan3A_27 = %scan3A_15 to %scan3A_17 step %scan3A_18  : i32 {
      %mul3A_28 = arith.constant 16 : i32
      %mul3A_29 = arith.muli %scan3A_27, %mul3A_28 : i32
      %add3A = arith.addi %mul3A_0, %mul3A_29 : i32
      %multiple_of3A_30 = tpu.assume_multiple %add3A, 8 : i32
      "tpu.region"() ({
        %run_scoped3A = tpu.sem_alloc : memref<!tpu.dma_semaphore, #tpu.memory_space<semaphore_mem>>
        %dma_start3A = arith.constant 0 : i32
        %dma_start3A_37 = tpu.memref_slice %arg4[%multiple_of3A_30, %dma_start3A] : memref<6656x128xi32, #tpu.memory_space<hbm>> -> memref<16x128xi32, #tpu.memory_space<hbm>>
        %dma_start3A_38 = arith.constant 0 : i32
        %dma_start3A_39 = tpu.memref_slice %arg4[%multiple_of3A_30, %dma_start3A_38] : memref<6656x128xi32, #tpu.memory_space<hbm>> -> memref<16x128xi32, #tpu.memory_space<hbm>>
        tpu.enqueue_dma source(%dma_start3A_39 : memref<16x128xi32, #tpu.memory_space<hbm>>) target(%arg7 : memref<16x128xi32, #tpu.memory_space<vmem>>) target_semaphore(%run_scoped3A : memref<!tpu.dma_semaphore, #tpu.memory_space<semaphore_mem>>)
        %dma_wait3A = arith.constant 0 : i32
        %dma_wait3A_40 = tpu.memref_slice %arg4[%multiple_of3A_30, %dma_wait3A] : memref<6656x128xi32, #tpu.memory_space<hbm>> -> memref<16x128xi32, #tpu.memory_space<hbm>>
        %dma_wait3A_41 = arith.constant 0 : i32
        %dma_wait3A_42 = tpu.memref_slice %arg4[%multiple_of3A_30, %dma_wait3A_41] : memref<6656x128xi32, #tpu.memory_space<hbm>> -> memref<16x128xi32, #tpu.memory_space<hbm>>
        tpu.wait_dma2 semaphore(%run_scoped3A : memref<!tpu.dma_semaphore, #tpu.memory_space<semaphore_mem>>) src(%dma_wait3A_42 : memref<16x128xi32, #tpu.memory_space<hbm>>) dst(%arg7 : memref<16x128xi32, #tpu.memory_space<vmem>>)
        tpu.yield
      }) : () -> ()
      "tpu.region"() ({
        %run_scoped3A = tpu.sem_alloc : memref<!tpu.dma_semaphore, #tpu.memory_space<semaphore_mem>>
        %dma_start3A = arith.constant 0 : i32
        %dma_start3A_37 = tpu.memref_slice %arg5[%multiple_of3A_30, %dma_start3A] : memref<6656x128xi32, #tpu.memory_space<hbm>> -> memref<16x128xi32, #tpu.memory_space<hbm>>
        %dma_start3A_38 = arith.constant 0 : i32
        %dma_start3A_39 = tpu.memref_slice %arg5[%multiple_of3A_30, %dma_start3A_38] : memref<6656x128xi32, #tpu.memory_space<hbm>> -> memref<16x128xi32, #tpu.memory_space<hbm>>
        tpu.enqueue_dma source(%dma_start3A_39 : memref<16x128xi32, #tpu.memory_space<hbm>>) target(%arg8 : memref<16x128xi32, #tpu.memory_space<vmem>>) target_semaphore(%run_scoped3A : memref<!tpu.dma_semaphore, #tpu.memory_space<semaphore_mem>>)
        %dma_wait3A = arith.constant 0 : i32
        %dma_wait3A_40 = tpu.memref_slice %arg5[%multiple_of3A_30, %dma_wait3A] : memref<6656x128xi32, #tpu.memory_space<hbm>> -> memref<16x128xi32, #tpu.memory_space<hbm>>
        %dma_wait3A_41 = arith.constant 0 : i32
        %dma_wait3A_42 = tpu.memref_slice %arg5[%multiple_of3A_30, %dma_wait3A_41] : memref<6656x128xi32, #tpu.memory_space<hbm>> -> memref<16x128xi32, #tpu.memory_space<hbm>>
        tpu.wait_dma2 semaphore(%run_scoped3A : memref<!tpu.dma_semaphore, #tpu.memory_space<semaphore_mem>>) src(%dma_wait3A_42 : memref<16x128xi32, #tpu.memory_space<hbm>>) dst(%arg8 : memref<16x128xi32, #tpu.memory_space<vmem>>)
        tpu.yield
      }) : () -> ()
      "tpu.region"() ({
        %run_scoped3A = tpu.sem_alloc : memref<!tpu.dma_semaphore, #tpu.memory_space<semaphore_mem>>
        %dma_start3A = arith.constant 0 : i32
        %dma_start3A_37 = tpu.memref_slice %arg3[%multiple_of3A_30, %dma_start3A] : memref<6656x128xf32, #tpu.memory_space<hbm>> -> memref<16x128xf32, #tpu.memory_space<hbm>>
        %dma_start3A_38 = arith.constant 0 : i32
        %dma_start3A_39 = tpu.memref_slice %arg3[%multiple_of3A_30, %dma_start3A_38] : memref<6656x128xf32, #tpu.memory_space<hbm>> -> memref<16x128xf32, #tpu.memory_space<hbm>>
        tpu.enqueue_dma source(%dma_start3A_39 : memref<16x128xf32, #tpu.memory_space<hbm>>) target(%arg9 : memref<16x128xf32, #tpu.memory_space<vmem>>) target_semaphore(%run_scoped3A : memref<!tpu.dma_semaphore, #tpu.memory_space<semaphore_mem>>)
        %dma_wait3A = arith.constant 0 : i32
        %dma_wait3A_40 = tpu.memref_slice %arg3[%multiple_of3A_30, %dma_wait3A] : memref<6656x128xf32, #tpu.memory_space<hbm>> -> memref<16x128xf32, #tpu.memory_space<hbm>>
        %dma_wait3A_41 = arith.constant 0 : i32
        %dma_wait3A_42 = tpu.memref_slice %arg3[%multiple_of3A_30, %dma_wait3A_41] : memref<6656x128xf32, #tpu.memory_space<hbm>> -> memref<16x128xf32, #tpu.memory_space<hbm>>
        tpu.wait_dma2 semaphore(%run_scoped3A : memref<!tpu.dma_semaphore, #tpu.memory_space<semaphore_mem>>) src(%dma_wait3A_42 : memref<16x128xf32, #tpu.memory_space<hbm>>) dst(%arg9 : memref<16x128xf32, #tpu.memory_space<vmem>>)
        tpu.yield
      }) : () -> ()
      %scan3A_31 = arith.constant 0 : i32
      %scan3A_32 = arith.constant 0 : i32
      %scan3A_33 = arith.constant 16 : i32
      %scan3A_34 = arith.addi %scan3A_32, %scan3A_33 : i32
      %scan3A_35 = arith.constant 1 : i32
      scf.for %scan3A_37 = %scan3A_32 to %scan3A_34 step %scan3A_35  : i32 {
        "tpu.region"() ({
          %run_scoped3A = tpu.sem_alloc : memref<!tpu.dma_semaphore, #tpu.memory_space<semaphore_mem>>
          %dma_start3A = arith.constant 0 : i32
          %dma_start3A_44 = tpu.memref_slice %arg7[%scan3A_37, %dma_start3A] : memref<16x128xi32, #tpu.memory_space<vmem>> -> memref<1x128xi32, #tpu.memory_space<vmem>>
          %dma_start3A_45 = tpu.memref_squeeze %dma_start3A_44 : memref<1x128xi32, #tpu.memory_space<vmem>> -> memref<128xi32, #tpu.memory_space<vmem>>
          %dma_start3A_46 = arith.constant 0 : i32
          %dma_start3A_47 = arith.constant 0 : i32
          %dma_start3A_48 = tpu.memref_slice %arg2[%dma_start3A_46, %dma_start3A_47] : memref<50176x128xf32, #tpu.memory_space<hbm>> -> memref<50176x128xf32, #tpu.memory_space<hbm>>
          tpu.enqueue_indirect_dma source(%dma_start3A_48 : memref<50176x128xf32, #tpu.memory_space<hbm>>) target(%arg10 : memref<128x128xf32, #tpu.memory_space<vmem>>) offsets(%dma_start3A_45 : memref<128xi32, #tpu.memory_space<vmem>>) semaphore(%run_scoped3A : memref<!tpu.dma_semaphore, #tpu.memory_space<semaphore_mem>>)
          %dma_wait3A = arith.constant 0 : i32
          %dma_wait3A_49 = tpu.memref_slice %arg7[%scan3A_37, %dma_wait3A] : memref<16x128xi32, #tpu.memory_space<vmem>> -> memref<1x128xi32, #tpu.memory_space<vmem>>
          %dma_wait3A_50 = tpu.memref_squeeze %dma_wait3A_49 : memref<1x128xi32, #tpu.memory_space<vmem>> -> memref<128xi32, #tpu.memory_space<vmem>>
          %dma_wait3A_51 = arith.constant 0 : i32
          %dma_wait3A_52 = arith.constant 0 : i32
          %dma_wait3A_53 = tpu.memref_slice %arg2[%dma_wait3A_51, %dma_wait3A_52] : memref<50176x128xf32, #tpu.memory_space<hbm>> -> memref<50176x128xf32, #tpu.memory_space<hbm>>
          tpu.wait_indirect_dma semaphore(%run_scoped3A : memref<!tpu.dma_semaphore, #tpu.memory_space<semaphore_mem>>) src(%dma_wait3A_53 : memref<50176x128xf32, #tpu.memory_space<hbm>>) dst(%arg10 : memref<128x128xf32, #tpu.memory_space<vmem>>)
          tpu.yield
        }) : () -> ()
        %scan3A_38 = arith.constant 0 : i32
        %scan3A_39 = arith.constant 0 : i32
        %scan3A_40 = arith.constant 8 : i32
        %scan3A_41 = arith.addi %scan3A_39, %scan3A_40 : i32
        %scan3A_42 = arith.constant 1 : i32
        scf.for %scan3A_44 = %scan3A_39 to %scan3A_41 step %scan3A_42  : i32 {
          %mul3A_45 = arith.constant 16 : i32
          %mul3A_46 = arith.muli %scan3A_44, %mul3A_45 : i32
          %get3A = arith.index_cast %scan3A_37 : i32 to index
          %get3A_47 = arith.index_cast %mul3A_46 : i32 to index
          %get3A_48 = tpu.vector_load %arg9[%get3A, %get3A_47] {strides = array<i32>} : memref<16x128xf32, #tpu.memory_space<vmem>>, vector<16xf32>,
          %mul3A_49 = arith.constant 16 : i32
          %mul3A_50 = arith.muli %scan3A_44, %mul3A_49 : i32
          %add3A_51 = arith.constant 0 : i32
          %add3A_52 = arith.addi %mul3A_50, %add3A_51 : i32
          %slice3A = vector.extract_strided_slice %get3A_48 {offsets = [0], sizes = [1], strides = [1]} : vector<16xf32> to vector<1xf32>
          %squeeze3A = vector.extract %slice3A[0] : f32 from vector<1xf32>
          %broadcast_in_dim3A = vector.broadcast %squeeze3A : f32 to vector<16xf32>
          %get3A_53 = arith.index_cast %add3A_52 : i32 to index
          %get3A_54 = arith.index_cast %multiple_of3A : i32 to index
          %get3A_55 = tpu.vector_load %arg10[%get3A_53, %get3A_54] {strides = array<i32>} : memref<128x128xf32, #tpu.memory_space<vmem>>, vector<16xf32>,
          %mul3A_56 = arith.mulf %get3A_55, %broadcast_in_dim3A : vector<16xf32>
          %swap3A = arith.index_cast %add3A_52 : i32 to index
          %swap3A_57 = arith.constant 0 : index
          %swap3A_58 = tpu.vector_load %arg11[%swap3A, %swap3A_57] {strides = array<i32>} : memref<128x32xf32, #tpu.memory_space<vmem>>, vector<16xf32>,
          tpu.vector_store %arg11[%swap3A, %swap3A_57], %mul3A_56 {strides = array<i32>} : memref<128x32xf32, #tpu.memory_space<vmem>>, vector<16xf32>,
          %add3A_59 = arith.constant 16 : i32
          %add3A_60 = arith.addi %multiple_of3A, %add3A_59 : i32
          %get3A_61 = arith.index_cast %add3A_52 : i32 to index
          %get3A_62 = arith.index_cast %add3A_60 : i32 to index
          %get3A_63 = tpu.vector_load %arg10[%get3A_61, %get3A_62] {strides = array<i32>} : memref<128x128xf32, #tpu.memory_space<vmem>>, vector<16xf32>,
          %mul3A_64 = arith.mulf %get3A_63, %broadcast_in_dim3A : vector<16xf32>
          %swap3A_65 = arith.index_cast %add3A_52 : i32 to index
          %swap3A_66 = arith.constant 16 : index
          %swap3A_67 = tpu.vector_load %arg11[%swap3A_65, %swap3A_66] {strides = array<i32>} : memref<128x32xf32, #tpu.memory_space<vmem>>, vector<16xf32>,
          tpu.vector_store %arg11[%swap3A_65, %swap3A_66], %mul3A_64 {strides = array<i32>} : memref<128x32xf32, #tpu.memory_space<vmem>>, vector<16xf32>,
          %mul3A_68 = arith.constant 16 : i32
          %mul3A_69 = arith.muli %scan3A_44, %mul3A_68 : i32
          %add3A_70 = arith.constant 1 : i32
          %add3A_71 = arith.addi %mul3A_69, %add3A_70 : i32
          %slice3A_72 = vector.extract_strided_slice %get3A_48 {offsets = [1], sizes = [1], strides = [1]} : vector<16xf32> to vector<1xf32>
          %squeeze3A_73 = vector.extract %slice3A_72[0] : f32 from vector<1xf32>
          %broadcast_in_dim3A_74 = vector.broadcast %squeeze3A_73 : f32 to vector<16xf32>
          %get3A_75 = arith.index_cast %add3A_71 : i32 to index
          %get3A_76 = arith.index_cast %multiple_of3A : i32 to index
          %get3A_77 = tpu.vector_load %arg10[%get3A_75, %get3A_76] {strides = array<i32>} : memref<128x128xf32, #tpu.memory_space<vmem>>, vector<16xf32>,
          %mul3A_78 = arith.mulf %get3A_77, %broadcast_in_dim3A_74 : vector<16xf32>
          %swap3A_79 = arith.index_cast %add3A_71 : i32 to index
          %swap3A_80 = arith.constant 0 : index
          %swap3A_81 = tpu.vector_load %arg11[%swap3A_79, %swap3A_80] {strides = array<i32>} : memref<128x32xf32, #tpu.memory_space<vmem>>, vector<16xf32>,
          tpu.vector_store %arg11[%swap3A_79, %swap3A_80], %mul3A_78 {strides = array<i32>} : memref<128x32xf32, #tpu.memory_space<vmem>>, vector<16xf32>,
          %add3A_82 = arith.constant 16 : i32
          %add3A_83 = arith.addi %multiple_of3A, %add3A_82 : i32
          %get3A_84 = arith.index_cast %add3A_71 : i32 to index
          %get3A_85 = arith.index_cast %add3A_83 : i32 to index
          %get3A_86 = tpu.vector_load %arg10[%get3A_84, %get3A_85] {strides = array<i32>} : memref<128x128xf32, #tpu.memory_space<vmem>>, vector<16xf32>,
          %mul3A_87 = arith.mulf %get3A_86, %broadcast_in_dim3A_74 : vector<16xf32>
          %swap3A_88 = arith.index_cast %add3A_71 : i32 to index
          %swap3A_89 = arith.constant 16 : index
          %swap3A_90 = tpu.vector_load %arg11[%swap3A_88, %swap3A_89] {strides = array<i32>} : memref<128x32xf32, #tpu.memory_space<vmem>>, vector<16xf32>,
          tpu.vector_store %arg11[%swap3A_88, %swap3A_89], %mul3A_87 {strides = array<i32>} : memref<128x32xf32, #tpu.memory_space<vmem>>, vector<16xf32>,
          %mul3A_91 = arith.constant 16 : i32
          %mul3A_92 = arith.muli %scan3A_44, %mul3A_91 : i32
          %add3A_93 = arith.constant 2 : i32
          %add3A_94 = arith.addi %mul3A_92, %add3A_93 : i32
          %slice3A_95 = vector.extract_strided_slice %get3A_48 {offsets = [2], sizes = [1], strides = [1]} : vector<16xf32> to vector<1xf32>
          %squeeze3A_96 = vector.extract %slice3A_95[0] : f32 from vector<1xf32>
          %broadcast_in_dim3A_97 = vector.broadcast %squeeze3A_96 : f32 to vector<16xf32>
          %get3A_98 = arith.index_cast %add3A_94 : i32 to index
          %get3A_99 = arith.index_cast %multiple_of3A : i32 to index
          %get3A_100 = tpu.vector_load %arg10[%get3A_98, %get3A_99] {strides = array<i32>} : memref<128x128xf32, #tpu.memory_space<vmem>>, vector<16xf32>,
          %mul3A_101 = arith.mulf %get3A_100, %broadcast_in_dim3A_97 : vector<16xf32>
          %swap3A_102 = arith.index_cast %add3A_94 : i32 to index
          %swap3A_103 = arith.constant 0 : index
          %swap3A_104 = tpu.vector_load %arg11[%swap3A_102, %swap3A_103] {strides = array<i32>} : memref<128x32xf32, #tpu.memory_space<vmem>>, vector<16xf32>,
          tpu.vector_store %arg11[%swap3A_102, %swap3A_103], %mul3A_101 {strides = array<i32>} : memref<128x32xf32, #tpu.memory_space<vmem>>, vector<16xf32>,
          %add3A_105 = arith.constant 16 : i32
          %add3A_106 = arith.addi %multiple_of3A, %add3A_105 : i32
          %get3A_107 = arith.index_cast %add3A_94 : i32 to index
          %get3A_108 = arith.index_cast %add3A_106 : i32 to index
          %get3A_109 = tpu.vector_load %arg10[%get3A_107, %get3A_108] {strides = array<i32>} : memref<128x128xf32, #tpu.memory_space<vmem>>, vector<16xf32>,
          %mul3A_110 = arith.mulf %get3A_109, %broadcast_in_dim3A_97 : vector<16xf32>
          %swap3A_111 = arith.index_cast %add3A_94 : i32 to index
          %swap3A_112 = arith.constant 16 : index
          %swap3A_113 = tpu.vector_load %arg11[%swap3A_111, %swap3A_112] {strides = array<i32>} : memref<128x32xf32, #tpu.memory_space<vmem>>, vector<16xf32>,
          tpu.vector_store %arg11[%swap3A_111, %swap3A_112], %mul3A_110 {strides = array<i32>} : memref<128x32xf32, #tpu.memory_space<vmem>>, vector<16xf32>,
          %mul3A_114 = arith.constant 16 : i32
          %mul3A_115 = arith.muli %scan3A_44, %mul3A_114 : i32
          %add3A_116 = arith.constant 3 : i32
          %add3A_117 = arith.addi %mul3A_115, %add3A_116 : i32
          %slice3A_118 = vector.extract_strided_slice %get3A_48 {offsets = [3], sizes = [1], strides = [1]} : vector<16xf32> to vector<1xf32>
          %squeeze3A_119 = vector.extract %slice3A_118[0] : f32 from vector<1xf32>
          %broadcast_in_dim3A_120 = vector.broadcast %squeeze3A_119 : f32 to vector<16xf32>
          %get3A_121 = arith.index_cast %add3A_117 : i32 to index
          %get3A_122 = arith.index_cast %multiple_of3A : i32 to index
          %get3A_123 = tpu.vector_load %arg10[%get3A_121, %get3A_122] {strides = array<i32>} : memref<128x128xf32, #tpu.memory_space<vmem>>, vector<16xf32>,
          %mul3A_124 = arith.mulf %get3A_123, %broadcast_in_dim3A_120 : vector<16xf32>
          %swap3A_125 = arith.index_cast %add3A_117 : i32 to index
          %swap3A_126 = arith.constant 0 : index
          %swap3A_127 = tpu.vector_load %arg11[%swap3A_125, %swap3A_126] {strides = array<i32>} : memref<128x32xf32, #tpu.memory_space<vmem>>, vector<16xf32>,
          tpu.vector_store %arg11[%swap3A_125, %swap3A_126], %mul3A_124 {strides = array<i32>} : memref<128x32xf32, #tpu.memory_space<vmem>>, vector<16xf32>,
          %add3A_128 = arith.constant 16 : i32
          %add3A_129 = arith.addi %multiple_of3A, %add3A_128 : i32
          %get3A_130 = arith.index_cast %add3A_117 : i32 to index
          %get3A_131 = arith.index_cast %add3A_129 : i32 to index
          %get3A_132 = tpu.vector_load %arg10[%get3A_130, %get3A_131] {strides = array<i32>} : memref<128x128xf32, #tpu.memory_space<vmem>>, vector<16xf32>,
          %mul3A_133 = arith.mulf %get3A_132, %broadcast_in_dim3A_120 : vector<16xf32>
          %swap3A_134 = arith.index_cast %add3A_117 : i32 to index
          %swap3A_135 = arith.constant 16 : index
          %swap3A_136 = tpu.vector_load %arg11[%swap3A_134, %swap3A_135] {strides = array<i32>} : memref<128x32xf32, #tpu.memory_space<vmem>>, vector<16xf32>,
          tpu.vector_store %arg11[%swap3A_134, %swap3A_135], %mul3A_133 {strides = array<i32>} : memref<128x32xf32, #tpu.memory_space<vmem>>, vector<16xf32>,
          %mul3A_137 = arith.constant 16 : i32
          %mul3A_138 = arith.muli %scan3A_44, %mul3A_137 : i32
          %add3A_139 = arith.constant 4 : i32
          %add3A_140 = arith.addi %mul3A_138, %add3A_139 : i32
          %slice3A_141 = vector.extract_strided_slice %get3A_48 {offsets = [4], sizes = [1], strides = [1]} : vector<16xf32> to vector<1xf32>
          %squeeze3A_142 = vector.extract %slice3A_141[0] : f32 from vector<1xf32>
          %broadcast_in_dim3A_143 = vector.broadcast %squeeze3A_142 : f32 to vector<16xf32>
          %get3A_144 = arith.index_cast %add3A_140 : i32 to index
          %get3A_145 = arith.index_cast %multiple_of3A : i32 to index
          %get3A_146 = tpu.vector_load %arg10[%get3A_144, %get3A_145] {strides = array<i32>} : memref<128x128xf32, #tpu.memory_space<vmem>>, vector<16xf32>,
          %mul3A_147 = arith.mulf %get3A_146, %broadcast_in_dim3A_143 : vector<16xf32>
          %swap3A_148 = arith.index_cast %add3A_140 : i32 to index
          %swap3A_149 = arith.constant 0 : index
          %swap3A_150 = tpu.vector_load %arg11[%swap3A_148, %swap3A_149] {strides = array<i32>} : memref<128x32xf32, #tpu.memory_space<vmem>>, vector<16xf32>,
          tpu.vector_store %arg11[%swap3A_148, %swap3A_149], %mul3A_147 {strides = array<i32>} : memref<128x32xf32, #tpu.memory_space<vmem>>, vector<16xf32>,
          %add3A_151 = arith.constant 16 : i32
          %add3A_152 = arith.addi %multiple_of3A, %add3A_151 : i32
          %get3A_153 = arith.index_cast %add3A_140 : i32 to index
          %get3A_154 = arith.index_cast %add3A_152 : i32 to index
          %get3A_155 = tpu.vector_load %arg10[%get3A_153, %get3A_154] {strides = array<i32>} : memref<128x128xf32, #tpu.memory_space<vmem>>, vector<16xf32>,
          %mul3A_156 = arith.mulf %get3A_155, %broadcast_in_dim3A_143 : vector<16xf32>
          %swap3A_157 = arith.index_cast %add3A_140 : i32 to index
          %swap3A_158 = arith.constant 16 : index
          %swap3A_159 = tpu.vector_load %arg11[%swap3A_157, %swap3A_158] {strides = array<i32>} : memref<128x32xf32, #tpu.memory_space<vmem>>, vector<16xf32>,
          tpu.vector_store %arg11[%swap3A_157, %swap3A_158], %mul3A_156 {strides = array<i32>} : memref<128x32xf32, #tpu.memory_space<vmem>>, vector<16xf32>,
          %mul3A_160 = arith.constant 16 : i32
          %mul3A_161 = arith.muli %scan3A_44, %mul3A_160 : i32
          %add3A_162 = arith.constant 5 : i32
          %add3A_163 = arith.addi %mul3A_161, %add3A_162 : i32
          %slice3A_164 = vector.extract_strided_slice %get3A_48 {offsets = [5], sizes = [1], strides = [1]} : vector<16xf32> to vector<1xf32>
          %squeeze3A_165 = vector.extract %slice3A_164[0] : f32 from vector<1xf32>
          %broadcast_in_dim3A_166 = vector.broadcast %squeeze3A_165 : f32 to vector<16xf32>
          %get3A_167 = arith.index_cast %add3A_163 : i32 to index
          %get3A_168 = arith.index_cast %multiple_of3A : i32 to index
          %get3A_169 = tpu.vector_load %arg10[%get3A_167, %get3A_168] {strides = array<i32>} : memref<128x128xf32, #tpu.memory_space<vmem>>, vector<16xf32>,
          %mul3A_170 = arith.mulf %get3A_169, %broadcast_in_dim3A_166 : vector<16xf32>
          %swap3A_171 = arith.index_cast %add3A_163 : i32 to index
          %swap3A_172 = arith.constant 0 : index
          %swap3A_173 = tpu.vector_load %arg11[%swap3A_171, %swap3A_172] {strides = array<i32>} : memref<128x32xf32, #tpu.memory_space<vmem>>, vector<16xf32>,
          tpu.vector_store %arg11[%swap3A_171, %swap3A_172], %mul3A_170 {strides = array<i32>} : memref<128x32xf32, #tpu.memory_space<vmem>>, vector<16xf32>,
          %add3A_174 = arith.constant 16 : i32
          %add3A_175 = arith.addi %multiple_of3A, %add3A_174 : i32
          %get3A_176 = arith.index_cast %add3A_163 : i32 to index
          %get3A_177 = arith.index_cast %add3A_175 : i32 to index
          %get3A_178 = tpu.vector_load %arg10[%get3A_176, %get3A_177] {strides = array<i32>} : memref<128x128xf32, #tpu.memory_space<vmem>>, vector<16xf32>,
          %mul3A_179 = arith.mulf %get3A_178, %broadcast_in_dim3A_166 : vector<16xf32>
          %swap3A_180 = arith.index_cast %add3A_163 : i32 to index
          %swap3A_181 = arith.constant 16 : index
          %swap3A_182 = tpu.vector_load %arg11[%swap3A_180, %swap3A_181] {strides = array<i32>} : memref<128x32xf32, #tpu.memory_space<vmem>>, vector<16xf32>,
          tpu.vector_store %arg11[%swap3A_180, %swap3A_181], %mul3A_179 {strides = array<i32>} : memref<128x32xf32, #tpu.memory_space<vmem>>, vector<16xf32>,
          %mul3A_183 = arith.constant 16 : i32
          %mul3A_184 = arith.muli %scan3A_44, %mul3A_183 : i32
          %add3A_185 = arith.constant 6 : i32
          %add3A_186 = arith.addi %mul3A_184, %add3A_185 : i32
          %slice3A_187 = vector.extract_strided_slice %get3A_48 {offsets = [6], sizes = [1], strides = [1]} : vector<16xf32> to vector<1xf32>
          %squeeze3A_188 = vector.extract %slice3A_187[0] : f32 from vector<1xf32>
          %broadcast_in_dim3A_189 = vector.broadcast %squeeze3A_188 : f32 to vector<16xf32>
          %get3A_190 = arith.index_cast %add3A_186 : i32 to index
          %get3A_191 = arith.index_cast %multiple_of3A : i32 to index
          %get3A_192 = tpu.vector_load %arg10[%get3A_190, %get3A_191] {strides = array<i32>} : memref<128x128xf32, #tpu.memory_space<vmem>>, vector<16xf32>,
          %mul3A_193 = arith.mulf %get3A_192, %broadcast_in_dim3A_189 : vector<16xf32>
          %swap3A_194 = arith.index_cast %add3A_186 : i32 to index
          %swap3A_195 = arith.constant 0 : index
          %swap3A_196 = tpu.vector_load %arg11[%swap3A_194, %swap3A_195] {strides = array<i32>} : memref<128x32xf32, #tpu.memory_space<vmem>>, vector<16xf32>,
          tpu.vector_store %arg11[%swap3A_194, %swap3A_195], %mul3A_193 {strides = array<i32>} : memref<128x32xf32, #tpu.memory_space<vmem>>, vector<16xf32>,
          %add3A_197 = arith.constant 16 : i32
          %add3A_198 = arith.addi %multiple_of3A, %add3A_197 : i32
          %get3A_199 = arith.index_cast %add3A_186 : i32 to index
          %get3A_200 = arith.index_cast %add3A_198 : i32 to index
          %get3A_201 = tpu.vector_load %arg10[%get3A_199, %get3A_200] {strides = array<i32>} : memref<128x128xf32, #tpu.memory_space<vmem>>, vector<16xf32>,
          %mul3A_202 = arith.mulf %get3A_201, %broadcast_in_dim3A_189 : vector<16xf32>
          %swap3A_203 = arith.index_cast %add3A_186 : i32 to index
          %swap3A_204 = arith.constant 16 : index
          %swap3A_205 = tpu.vector_load %arg11[%swap3A_203, %swap3A_204] {strides = array<i32>} : memref<128x32xf32, #tpu.memory_space<vmem>>, vector<16xf32>,
          tpu.vector_store %arg11[%swap3A_203, %swap3A_204], %mul3A_202 {strides = array<i32>} : memref<128x32xf32, #tpu.memory_space<vmem>>, vector<16xf32>,
          %mul3A_206 = arith.constant 16 : i32
          %mul3A_207 = arith.muli %scan3A_44, %mul3A_206 : i32
          %add3A_208 = arith.constant 7 : i32
          %add3A_209 = arith.addi %mul3A_207, %add3A_208 : i32
          %slice3A_210 = vector.extract_strided_slice %get3A_48 {offsets = [7], sizes = [1], strides = [1]} : vector<16xf32> to vector<1xf32>
          %squeeze3A_211 = vector.extract %slice3A_210[0] : f32 from vector<1xf32>
          %broadcast_in_dim3A_212 = vector.broadcast %squeeze3A_211 : f32 to vector<16xf32>
          %get3A_213 = arith.index_cast %add3A_209 : i32 to index
          %get3A_214 = arith.index_cast %multiple_of3A : i32 to index
          %get3A_215 = tpu.vector_load %arg10[%get3A_213, %get3A_214] {strides = array<i32>} : memref<128x128xf32, #tpu.memory_space<vmem>>, vector<16xf32>,
          %mul3A_216 = arith.mulf %get3A_215, %broadcast_in_dim3A_212 : vector<16xf32>
          %swap3A_217 = arith.index_cast %add3A_209 : i32 to index
          %swap3A_218 = arith.constant 0 : index
          %swap3A_219 = tpu.vector_load %arg11[%swap3A_217, %swap3A_218] {strides = array<i32>} : memref<128x32xf32, #tpu.memory_space<vmem>>, vector<16xf32>,
          tpu.vector_store %arg11[%swap3A_217, %swap3A_218], %mul3A_216 {strides = array<i32>} : memref<128x32xf32, #tpu.memory_space<vmem>>, vector<16xf32>,
          %add3A_220 = arith.constant 16 : i32
          %add3A_221 = arith.addi %multiple_of3A, %add3A_220 : i32
          %get3A_222 = arith.index_cast %add3A_209 : i32 to index
          %get3A_223 = arith.index_cast %add3A_221 : i32 to index
          %get3A_224 = tpu.vector_load %arg10[%get3A_222, %get3A_223] {strides = array<i32>} : memref<128x128xf32, #tpu.memory_space<vmem>>, vector<16xf32>,
          %mul3A_225 = arith.mulf %get3A_224, %broadcast_in_dim3A_212 : vector<16xf32>
          %swap3A_226 = arith.index_cast %add3A_209 : i32 to index
          %swap3A_227 = arith.constant 16 : index
          %swap3A_228 = tpu.vector_load %arg11[%swap3A_226, %swap3A_227] {strides = array<i32>} : memref<128x32xf32, #tpu.memory_space<vmem>>, vector<16xf32>,
          tpu.vector_store %arg11[%swap3A_226, %swap3A_227], %mul3A_225 {strides = array<i32>} : memref<128x32xf32, #tpu.memory_space<vmem>>, vector<16xf32>,
          %mul3A_229 = arith.constant 16 : i32
          %mul3A_230 = arith.muli %scan3A_44, %mul3A_229 : i32
          %add3A_231 = arith.constant 8 : i32
          %add3A_232 = arith.addi %mul3A_230, %add3A_231 : i32
          %slice3A_233 = vector.extract_strided_slice %get3A_48 {offsets = [8], sizes = [1], strides = [1]} : vector<16xf32> to vector<1xf32>
          %squeeze3A_234 = vector.extract %slice3A_233[0] : f32 from vector<1xf32>
          %broadcast_in_dim3A_235 = vector.broadcast %squeeze3A_234 : f32 to vector<16xf32>
          %get3A_236 = arith.index_cast %add3A_232 : i32 to index
          %get3A_237 = arith.index_cast %multiple_of3A : i32 to index
          %get3A_238 = tpu.vector_load %arg10[%get3A_236, %get3A_237] {strides = array<i32>} : memref<128x128xf32, #tpu.memory_space<vmem>>, vector<16xf32>,
          %mul3A_239 = arith.mulf %get3A_238, %broadcast_in_dim3A_235 : vector<16xf32>
          %swap3A_240 = arith.index_cast %add3A_232 : i32 to index
          %swap3A_241 = arith.constant 0 : index
          %swap3A_242 = tpu.vector_load %arg11[%swap3A_240, %swap3A_241] {strides = array<i32>} : memref<128x32xf32, #tpu.memory_space<vmem>>, vector<16xf32>,
          tpu.vector_store %arg11[%swap3A_240, %swap3A_241], %mul3A_239 {strides = array<i32>} : memref<128x32xf32, #tpu.memory_space<vmem>>, vector<16xf32>,
          %add3A_243 = arith.constant 16 : i32
          %add3A_244 = arith.addi %multiple_of3A, %add3A_243 : i32
          %get3A_245 = arith.index_cast %add3A_232 : i32 to index
          %get3A_246 = arith.index_cast %add3A_244 : i32 to index
          %get3A_247 = tpu.vector_load %arg10[%get3A_245, %get3A_246] {strides = array<i32>} : memref<128x128xf32, #tpu.memory_space<vmem>>, vector<16xf32>,
          %mul3A_248 = arith.mulf %get3A_247, %broadcast_in_dim3A_235 : vector<16xf32>
          %swap3A_249 = arith.index_cast %add3A_232 : i32 to index
          %swap3A_250 = arith.constant 16 : index
          %swap3A_251 = tpu.vector_load %arg11[%swap3A_249, %swap3A_250] {strides = array<i32>} : memref<128x32xf32, #tpu.memory_space<vmem>>, vector<16xf32>,
          tpu.vector_store %arg11[%swap3A_249, %swap3A_250], %mul3A_248 {strides = array<i32>} : memref<128x32xf32, #tpu.memory_space<vmem>>, vector<16xf32>,
          %mul3A_252 = arith.constant 16 : i32
          %mul3A_253 = arith.muli %scan3A_44, %mul3A_252 : i32
          %add3A_254 = arith.constant 9 : i32
          %add3A_255 = arith.addi %mul3A_253, %add3A_254 : i32
          %slice3A_256 = vector.extract_strided_slice %get3A_48 {offsets = [9], sizes = [1], strides = [1]} : vector<16xf32> to vector<1xf32>
          %squeeze3A_257 = vector.extract %slice3A_256[0] : f32 from vector<1xf32>
          %broadcast_in_dim3A_258 = vector.broadcast %squeeze3A_257 : f32 to vector<16xf32>
          %get3A_259 = arith.index_cast %add3A_255 : i32 to index
          %get3A_260 = arith.index_cast %multiple_of3A : i32 to index
          %get3A_261 = tpu.vector_load %arg10[%get3A_259, %get3A_260] {strides = array<i32>} : memref<128x128xf32, #tpu.memory_space<vmem>>, vector<16xf32>,
          %mul3A_262 = arith.mulf %get3A_261, %broadcast_in_dim3A_258 : vector<16xf32>
          %swap3A_263 = arith.index_cast %add3A_255 : i32 to index
          %swap3A_264 = arith.constant 0 : index
          %swap3A_265 = tpu.vector_load %arg11[%swap3A_263, %swap3A_264] {strides = array<i32>} : memref<128x32xf32, #tpu.memory_space<vmem>>, vector<16xf32>,
          tpu.vector_store %arg11[%swap3A_263, %swap3A_264], %mul3A_262 {strides = array<i32>} : memref<128x32xf32, #tpu.memory_space<vmem>>, vector<16xf32>,
          %add3A_266 = arith.constant 16 : i32
          %add3A_267 = arith.addi %multiple_of3A, %add3A_266 : i32
          %get3A_268 = arith.index_cast %add3A_255 : i32 to index
          %get3A_269 = arith.index_cast %add3A_267 : i32 to index
          %get3A_270 = tpu.vector_load %arg10[%get3A_268, %get3A_269] {strides = array<i32>} : memref<128x128xf32, #tpu.memory_space<vmem>>, vector<16xf32>,
          %mul3A_271 = arith.mulf %get3A_270, %broadcast_in_dim3A_258 : vector<16xf32>
          %swap3A_272 = arith.index_cast %add3A_255 : i32 to index
          %swap3A_273 = arith.constant 16 : index
          %swap3A_274 = tpu.vector_load %arg11[%swap3A_272, %swap3A_273] {strides = array<i32>} : memref<128x32xf32, #tpu.memory_space<vmem>>, vector<16xf32>,
          tpu.vector_store %arg11[%swap3A_272, %swap3A_273], %mul3A_271 {strides = array<i32>} : memref<128x32xf32, #tpu.memory_space<vmem>>, vector<16xf32>,
          %mul3A_275 = arith.constant 16 : i32
          %mul3A_276 = arith.muli %scan3A_44, %mul3A_275 : i32
          %add3A_277 = arith.constant 10 : i32
          %add3A_278 = arith.addi %mul3A_276, %add3A_277 : i32
          %slice3A_279 = vector.extract_strided_slice %get3A_48 {offsets = [10], sizes = [1], strides = [1]} : vector<16xf32> to vector<1xf32>
          %squeeze3A_280 = vector.extract %slice3A_279[0] : f32 from vector<1xf32>
          %broadcast_in_dim3A_281 = vector.broadcast %squeeze3A_280 : f32 to vector<16xf32>
          %get3A_282 = arith.index_cast %add3A_278 : i32 to index
          %get3A_283 = arith.index_cast %multiple_of3A : i32 to index
          %get3A_284 = tpu.vector_load %arg10[%get3A_282, %get3A_283] {strides = array<i32>} : memref<128x128xf32, #tpu.memory_space<vmem>>, vector<16xf32>,
          %mul3A_285 = arith.mulf %get3A_284, %broadcast_in_dim3A_281 : vector<16xf32>
          %swap3A_286 = arith.index_cast %add3A_278 : i32 to index
          %swap3A_287 = arith.constant 0 : index
          %swap3A_288 = tpu.vector_load %arg11[%swap3A_286, %swap3A_287] {strides = array<i32>} : memref<128x32xf32, #tpu.memory_space<vmem>>, vector<16xf32>,
          tpu.vector_store %arg11[%swap3A_286, %swap3A_287], %mul3A_285 {strides = array<i32>} : memref<128x32xf32, #tpu.memory_space<vmem>>, vector<16xf32>,
          %add3A_289 = arith.constant 16 : i32
          %add3A_290 = arith.addi %multiple_of3A, %add3A_289 : i32
          %get3A_291 = arith.index_cast %add3A_278 : i32 to index
          %get3A_292 = arith.index_cast %add3A_290 : i32 to index
          %get3A_293 = tpu.vector_load %arg10[%get3A_291, %get3A_292] {strides = array<i32>} : memref<128x128xf32, #tpu.memory_space<vmem>>, vector<16xf32>,
          %mul3A_294 = arith.mulf %get3A_293, %broadcast_in_dim3A_281 : vector<16xf32>
          %swap3A_295 = arith.index_cast %add3A_278 : i32 to index
          %swap3A_296 = arith.constant 16 : index
          %swap3A_297 = tpu.vector_load %arg11[%swap3A_295, %swap3A_296] {strides = array<i32>} : memref<128x32xf32, #tpu.memory_space<vmem>>, vector<16xf32>,
          tpu.vector_store %arg11[%swap3A_295, %swap3A_296], %mul3A_294 {strides = array<i32>} : memref<128x32xf32, #tpu.memory_space<vmem>>, vector<16xf32>,
          %mul3A_298 = arith.constant 16 : i32
          %mul3A_299 = arith.muli %scan3A_44, %mul3A_298 : i32
          %add3A_300 = arith.constant 11 : i32
          %add3A_301 = arith.addi %mul3A_299, %add3A_300 : i32
          %slice3A_302 = vector.extract_strided_slice %get3A_48 {offsets = [11], sizes = [1], strides = [1]} : vector<16xf32> to vector<1xf32>
          %squeeze3A_303 = vector.extract %slice3A_302[0] : f32 from vector<1xf32>
          %broadcast_in_dim3A_304 = vector.broadcast %squeeze3A_303 : f32 to vector<16xf32>
          %get3A_305 = arith.index_cast %add3A_301 : i32 to index
          %get3A_306 = arith.index_cast %multiple_of3A : i32 to index
          %get3A_307 = tpu.vector_load %arg10[%get3A_305, %get3A_306] {strides = array<i32>} : memref<128x128xf32, #tpu.memory_space<vmem>>, vector<16xf32>,
          %mul3A_308 = arith.mulf %get3A_307, %broadcast_in_dim3A_304 : vector<16xf32>
          %swap3A_309 = arith.index_cast %add3A_301 : i32 to index
          %swap3A_310 = arith.constant 0 : index
          %swap3A_311 = tpu.vector_load %arg11[%swap3A_309, %swap3A_310] {strides = array<i32>} : memref<128x32xf32, #tpu.memory_space<vmem>>, vector<16xf32>,
          tpu.vector_store %arg11[%swap3A_309, %swap3A_310], %mul3A_308 {strides = array<i32>} : memref<128x32xf32, #tpu.memory_space<vmem>>, vector<16xf32>,
          %add3A_312 = arith.constant 16 : i32
          %add3A_313 = arith.addi %multiple_of3A, %add3A_312 : i32
          %get3A_314 = arith.index_cast %add3A_301 : i32 to index
          %get3A_315 = arith.index_cast %add3A_313 : i32 to index
          %get3A_316 = tpu.vector_load %arg10[%get3A_314, %get3A_315] {strides = array<i32>} : memref<128x128xf32, #tpu.memory_space<vmem>>, vector<16xf32>,
          %mul3A_317 = arith.mulf %get3A_316, %broadcast_in_dim3A_304 : vector<16xf32>
          %swap3A_318 = arith.index_cast %add3A_301 : i32 to index
          %swap3A_319 = arith.constant 16 : index
          %swap3A_320 = tpu.vector_load %arg11[%swap3A_318, %swap3A_319] {strides = array<i32>} : memref<128x32xf32, #tpu.memory_space<vmem>>, vector<16xf32>,
          tpu.vector_store %arg11[%swap3A_318, %swap3A_319], %mul3A_317 {strides = array<i32>} : memref<128x32xf32, #tpu.memory_space<vmem>>, vector<16xf32>,
          %mul3A_321 = arith.constant 16 : i32
          %mul3A_322 = arith.muli %scan3A_44, %mul3A_321 : i32
          %add3A_323 = arith.constant 12 : i32
          %add3A_324 = arith.addi %mul3A_322, %add3A_323 : i32
          %slice3A_325 = vector.extract_strided_slice %get3A_48 {offsets = [12], sizes = [1], strides = [1]} : vector<16xf32> to vector<1xf32>
          %squeeze3A_326 = vector.extract %slice3A_325[0] : f32 from vector<1xf32>
          %broadcast_in_dim3A_327 = vector.broadcast %squeeze3A_326 : f32 to vector<16xf32>
          %get3A_328 = arith.index_cast %add3A_324 : i32 to index
          %get3A_329 = arith.index_cast %multiple_of3A : i32 to index
          %get3A_330 = tpu.vector_load %arg10[%get3A_328, %get3A_329] {strides = array<i32>} : memref<128x128xf32, #tpu.memory_space<vmem>>, vector<16xf32>,
          %mul3A_331 = arith.mulf %get3A_330, %broadcast_in_dim3A_327 : vector<16xf32>
          %swap3A_332 = arith.index_cast %add3A_324 : i32 to index
          %swap3A_333 = arith.constant 0 : index
          %swap3A_334 = tpu.vector_load %arg11[%swap3A_332, %swap3A_333] {strides = array<i32>} : memref<128x32xf32, #tpu.memory_space<vmem>>, vector<16xf32>,
          tpu.vector_store %arg11[%swap3A_332, %swap3A_333], %mul3A_331 {strides = array<i32>} : memref<128x32xf32, #tpu.memory_space<vmem>>, vector<16xf32>,
          %add3A_335 = arith.constant 16 : i32
          %add3A_336 = arith.addi %multiple_of3A, %add3A_335 : i32
          %get3A_337 = arith.index_cast %add3A_324 : i32 to index
          %get3A_338 = arith.index_cast %add3A_336 : i32 to index
          %get3A_339 = tpu.vector_load %arg10[%get3A_337, %get3A_338] {strides = array<i32>} : memref<128x128xf32, #tpu.memory_space<vmem>>, vector<16xf32>,
          %mul3A_340 = arith.mulf %get3A_339, %broadcast_in_dim3A_327 : vector<16xf32>
          %swap3A_341 = arith.index_cast %add3A_324 : i32 to index
          %swap3A_342 = arith.constant 16 : index
          %swap3A_343 = tpu.vector_load %arg11[%swap3A_341, %swap3A_342] {strides = array<i32>} : memref<128x32xf32, #tpu.memory_space<vmem>>, vector<16xf32>,
          tpu.vector_store %arg11[%swap3A_341, %swap3A_342], %mul3A_340 {strides = array<i32>} : memref<128x32xf32, #tpu.memory_space<vmem>>, vector<16xf32>,
          %mul3A_344 = arith.constant 16 : i32
          %mul3A_345 = arith.muli %scan3A_44, %mul3A_344 : i32
          %add3A_346 = arith.constant 13 : i32
          %add3A_347 = arith.addi %mul3A_345, %add3A_346 : i32
          %slice3A_348 = vector.extract_strided_slice %get3A_48 {offsets = [13], sizes = [1], strides = [1]} : vector<16xf32> to vector<1xf32>
          %squeeze3A_349 = vector.extract %slice3A_348[0] : f32 from vector<1xf32>
          %broadcast_in_dim3A_350 = vector.broadcast %squeeze3A_349 : f32 to vector<16xf32>
          %get3A_351 = arith.index_cast %add3A_347 : i32 to index
          %get3A_352 = arith.index_cast %multiple_of3A : i32 to index
          %get3A_353 = tpu.vector_load %arg10[%get3A_351, %get3A_352] {strides = array<i32>} : memref<128x128xf32, #tpu.memory_space<vmem>>, vector<16xf32>,
          %mul3A_354 = arith.mulf %get3A_353, %broadcast_in_dim3A_350 : vector<16xf32>
          %swap3A_355 = arith.index_cast %add3A_347 : i32 to index
          %swap3A_356 = arith.constant 0 : index
          %swap3A_357 = tpu.vector_load %arg11[%swap3A_355, %swap3A_356] {strides = array<i32>} : memref<128x32xf32, #tpu.memory_space<vmem>>, vector<16xf32>,
          tpu.vector_store %arg11[%swap3A_355, %swap3A_356], %mul3A_354 {strides = array<i32>} : memref<128x32xf32, #tpu.memory_space<vmem>>, vector<16xf32>,
          %add3A_358 = arith.constant 16 : i32
          %add3A_359 = arith.addi %multiple_of3A, %add3A_358 : i32
          %get3A_360 = arith.index_cast %add3A_347 : i32 to index
          %get3A_361 = arith.index_cast %add3A_359 : i32 to index
          %get3A_362 = tpu.vector_load %arg10[%get3A_360, %get3A_361] {strides = array<i32>} : memref<128x128xf32, #tpu.memory_space<vmem>>, vector<16xf32>,
          %mul3A_363 = arith.mulf %get3A_362, %broadcast_in_dim3A_350 : vector<16xf32>
          %swap3A_364 = arith.index_cast %add3A_347 : i32 to index
          %swap3A_365 = arith.constant 16 : index
          %swap3A_366 = tpu.vector_load %arg11[%swap3A_364, %swap3A_365] {strides = array<i32>} : memref<128x32xf32, #tpu.memory_space<vmem>>, vector<16xf32>,
          tpu.vector_store %arg11[%swap3A_364, %swap3A_365], %mul3A_363 {strides = array<i32>} : memref<128x32xf32, #tpu.memory_space<vmem>>, vector<16xf32>,
          %mul3A_367 = arith.constant 16 : i32
          %mul3A_368 = arith.muli %scan3A_44, %mul3A_367 : i32
          %add3A_369 = arith.constant 14 : i32
          %add3A_370 = arith.addi %mul3A_368, %add3A_369 : i32
          %slice3A_371 = vector.extract_strided_slice %get3A_48 {offsets = [14], sizes = [1], strides = [1]} : vector<16xf32> to vector<1xf32>
          %squeeze3A_372 = vector.extract %slice3A_371[0] : f32 from vector<1xf32>
          %broadcast_in_dim3A_373 = vector.broadcast %squeeze3A_372 : f32 to vector<16xf32>
          %get3A_374 = arith.index_cast %add3A_370 : i32 to index
          %get3A_375 = arith.index_cast %multiple_of3A : i32 to index
          %get3A_376 = tpu.vector_load %arg10[%get3A_374, %get3A_375] {strides = array<i32>} : memref<128x128xf32, #tpu.memory_space<vmem>>, vector<16xf32>,
          %mul3A_377 = arith.mulf %get3A_376, %broadcast_in_dim3A_373 : vector<16xf32>
          %swap3A_378 = arith.index_cast %add3A_370 : i32 to index
          %swap3A_379 = arith.constant 0 : index
          %swap3A_380 = tpu.vector_load %arg11[%swap3A_378, %swap3A_379] {strides = array<i32>} : memref<128x32xf32, #tpu.memory_space<vmem>>, vector<16xf32>,
          tpu.vector_store %arg11[%swap3A_378, %swap3A_379], %mul3A_377 {strides = array<i32>} : memref<128x32xf32, #tpu.memory_space<vmem>>, vector<16xf32>,
          %add3A_381 = arith.constant 16 : i32
          %add3A_382 = arith.addi %multiple_of3A, %add3A_381 : i32
          %get3A_383 = arith.index_cast %add3A_370 : i32 to index
          %get3A_384 = arith.index_cast %add3A_382 : i32 to index
          %get3A_385 = tpu.vector_load %arg10[%get3A_383, %get3A_384] {strides = array<i32>} : memref<128x128xf32, #tpu.memory_space<vmem>>, vector<16xf32>,
          %mul3A_386 = arith.mulf %get3A_385, %broadcast_in_dim3A_373 : vector<16xf32>
          %swap3A_387 = arith.index_cast %add3A_370 : i32 to index
          %swap3A_388 = arith.constant 16 : index
          %swap3A_389 = tpu.vector_load %arg11[%swap3A_387, %swap3A_388] {strides = array<i32>} : memref<128x32xf32, #tpu.memory_space<vmem>>, vector<16xf32>,
          tpu.vector_store %arg11[%swap3A_387, %swap3A_388], %mul3A_386 {strides = array<i32>} : memref<128x32xf32, #tpu.memory_space<vmem>>, vector<16xf32>,
          %mul3A_390 = arith.constant 16 : i32
          %mul3A_391 = arith.muli %scan3A_44, %mul3A_390 : i32
          %add3A_392 = arith.constant 15 : i32
          %add3A_393 = arith.addi %mul3A_391, %add3A_392 : i32
          %slice3A_394 = vector.extract_strided_slice %get3A_48 {offsets = [15], sizes = [1], strides = [1]} : vector<16xf32> to vector<1xf32>
          %squeeze3A_395 = vector.extract %slice3A_394[0] : f32 from vector<1xf32>
          %broadcast_in_dim3A_396 = vector.broadcast %squeeze3A_395 : f32 to vector<16xf32>
          %get3A_397 = arith.index_cast %add3A_393 : i32 to index
          %get3A_398 = arith.index_cast %multiple_of3A : i32 to index
          %get3A_399 = tpu.vector_load %arg10[%get3A_397, %get3A_398] {strides = array<i32>} : memref<128x128xf32, #tpu.memory_space<vmem>>, vector<16xf32>,
          %mul3A_400 = arith.mulf %get3A_399, %broadcast_in_dim3A_396 : vector<16xf32>
          %swap3A_401 = arith.index_cast %add3A_393 : i32 to index
          %swap3A_402 = arith.constant 0 : index
          %swap3A_403 = tpu.vector_load %arg11[%swap3A_401, %swap3A_402] {strides = array<i32>} : memref<128x32xf32, #tpu.memory_space<vmem>>, vector<16xf32>,
          tpu.vector_store %arg11[%swap3A_401, %swap3A_402], %mul3A_400 {strides = array<i32>} : memref<128x32xf32, #tpu.memory_space<vmem>>, vector<16xf32>,
          %add3A_404 = arith.constant 16 : i32
          %add3A_405 = arith.addi %multiple_of3A, %add3A_404 : i32
          %get3A_406 = arith.index_cast %add3A_393 : i32 to index
          %get3A_407 = arith.index_cast %add3A_405 : i32 to index
          %get3A_408 = tpu.vector_load %arg10[%get3A_406, %get3A_407] {strides = array<i32>} : memref<128x128xf32, #tpu.memory_space<vmem>>, vector<16xf32>,
          %mul3A_409 = arith.mulf %get3A_408, %broadcast_in_dim3A_396 : vector<16xf32>
          %swap3A_410 = arith.index_cast %add3A_393 : i32 to index
          %swap3A_411 = arith.constant 16 : index
          %swap3A_412 = tpu.vector_load %arg11[%swap3A_410, %swap3A_411] {strides = array<i32>} : memref<128x32xf32, #tpu.memory_space<vmem>>, vector<16xf32>,
          tpu.vector_store %arg11[%swap3A_410, %swap3A_411], %mul3A_409 {strides = array<i32>} : memref<128x32xf32, #tpu.memory_space<vmem>>, vector<16xf32>,
        }
        %scan3A_43 = arith.constant 8 : i32
        "tpu.region"() ({
          %run_scoped3A = tpu.sem_alloc : memref<!tpu.dma_semaphore, #tpu.memory_space<semaphore_mem>>
          %dma_start3A = arith.constant 0 : i32
          %dma_start3A_44 = tpu.memref_slice %arg8[%scan3A_37, %dma_start3A] : memref<16x128xi32, #tpu.memory_space<vmem>> -> memref<1x128xi32, #tpu.memory_space<vmem>>
          %dma_start3A_45 = tpu.memref_squeeze %dma_start3A_44 : memref<1x128xi32, #tpu.memory_space<vmem>> -> memref<128xi32, #tpu.memory_space<vmem>>
          %dma_start3A_46 = arith.constant 0 : i32
          %dma_start3A_47 = arith.constant 0 : i32
          %dma_start3A_48 = tpu.memref_slice %arg14[%dma_start3A_46, %dma_start3A_47] : memref<50176x32xf32, #tpu.memory_space<vmem_shared>> -> memref<50176x32xf32, #tpu.memory_space<vmem_shared>>
          tpu.enqueue_indirect_dma source(%arg11 : memref<128x32xf32, #tpu.memory_space<vmem>>) target(%dma_start3A_48 : memref<50176x32xf32, #tpu.memory_space<vmem_shared>>) offsets(%dma_start3A_45 : memref<128xi32, #tpu.memory_space<vmem>>) semaphore(%run_scoped3A : memref<!tpu.dma_semaphore, #tpu.memory_space<semaphore_mem>>) {add = true}
          %dma_wait3A = arith.constant 0 : i32
          %dma_wait3A_49 = tpu.memref_slice %arg8[%scan3A_37, %dma_wait3A] : memref<16x128xi32, #tpu.memory_space<vmem>> -> memref<1x128xi32, #tpu.memory_space<vmem>>
          %dma_wait3A_50 = tpu.memref_squeeze %dma_wait3A_49 : memref<1x128xi32, #tpu.memory_space<vmem>> -> memref<128xi32, #tpu.memory_space<vmem>>
          %dma_wait3A_51 = arith.constant 0 : i32
          %dma_wait3A_52 = arith.constant 0 : i32
          %dma_wait3A_53 = tpu.memref_slice %arg14[%dma_wait3A_51, %dma_wait3A_52] : memref<50176x32xf32, #tpu.memory_space<vmem_shared>> -> memref<50176x32xf32, #tpu.memory_space<vmem_shared>>
          tpu.wait_indirect_dma semaphore(%run_scoped3A : memref<!tpu.dma_semaphore, #tpu.memory_space<semaphore_mem>>) src(%arg11 : memref<128x32xf32, #tpu.memory_space<vmem>>) dst(%dma_wait3A_53 : memref<50176x32xf32, #tpu.memory_space<vmem_shared>>)
          tpu.yield
        }) : () -> ()
      }
      %scan3A_36 = arith.constant 16 : i32
    }
    %scan3A_19 = arith.constant 26 : i32
    %barrier3A_20 = arith.constant 0 : index
    tpu.barrier barrier_id(%barrier3A_20)
    %scan3A_21 = arith.constant 0 : i32
    %scan3A_22 = arith.constant 0 : i32
    %scan3A_23 = arith.constant 49 : i32
    %scan3A_24 = arith.addi %scan3A_22, %scan3A_23 : i32
    %scan3A_25 = arith.constant 1 : i32
    scf.for %scan3A_27 = %scan3A_22 to %scan3A_24 step %scan3A_25  : i32 {
      %mul3A_28 = arith.constant 3136 : i32
      %mul3A_29 = arith.muli %arg1, %mul3A_28 : i32
      %mul3A_30 = arith.constant 64 : i32
      %mul3A_31 = arith.muli %scan3A_27, %mul3A_30 : i32
      %add3A = arith.addi %mul3A_29, %mul3A_31 : i32
      "tpu.region"() ({
        %run_scoped3A = tpu.sem_alloc : memref<!tpu.dma_semaphore, #tpu.memory_space<semaphore_mem>>
        %dma_start3A = arith.constant 0 : i32
        %dma_start3A_58 = tpu.memref_slice %arg14[%add3A, %dma_start3A] : memref<50176x32xf32, #tpu.memory_space<vmem_shared>> -> memref<64x32xf32, #tpu.memory_space<vmem_shared>>
        %dma_start3A_59 = arith.constant 0 : i32
        %dma_start3A_60 = tpu.memref_slice %arg14[%add3A, %dma_start3A_59] : memref<50176x32xf32, #tpu.memory_space<vmem_shared>> -> memref<64x32xf32, #tpu.memory_space<vmem_shared>>
        tpu.enqueue_dma source(%dma_start3A_60 : memref<64x32xf32, #tpu.memory_space<vmem_shared>>) target(%arg12 : memref<64x32xf32, #tpu.memory_space<vmem>>) target_semaphore(%run_scoped3A : memref<!tpu.dma_semaphore, #tpu.memory_space<semaphore_mem>>)
        %dma_wait3A = arith.constant 0 : i32
        %dma_wait3A_61 = tpu.memref_slice %arg14[%add3A, %dma_wait3A] : memref<50176x32xf32, #tpu.memory_space<vmem_shared>> -> memref<64x32xf32, #tpu.memory_space<vmem_shared>>
        %dma_wait3A_62 = arith.constant 0 : i32
        %dma_wait3A_63 = tpu.memref_slice %arg14[%add3A, %dma_wait3A_62] : memref<50176x32xf32, #tpu.memory_space<vmem_shared>> -> memref<64x32xf32, #tpu.memory_space<vmem_shared>>
        tpu.wait_dma2 semaphore(%run_scoped3A : memref<!tpu.dma_semaphore, #tpu.memory_space<semaphore_mem>>) src(%dma_wait3A_63 : memref<64x32xf32, #tpu.memory_space<vmem_shared>>) dst(%arg12 : memref<64x32xf32, #tpu.memory_space<vmem>>)
        tpu.yield
      }) : () -> ()
      %scan3A_32 = arith.constant 0 : i32
      %scan3A_33 = arith.constant 0 : i32
      %scan3A_34 = arith.constant 128 : i32
      %scan3A_35 = arith.addi %scan3A_33, %scan3A_34 : i32
      %scan3A_36 = arith.constant 1 : i32
      scf.for %scan3A_58 = %scan3A_33 to %scan3A_35 step %scan3A_36  : i32 {
        %mul3A_59 = arith.constant 16 : i32
        %mul3A_60 = arith.muli %scan3A_58, %mul3A_59 : i32
        %jit3A_61 = arith.constant 32 : i32
        %div3A_62 = arith.divsi %mul3A_60, %jit3A_61 : i32
        %sign3A_63 = arith.constant 0 : i32
        %sign3A_64 = arith.cmpi sgt, %mul3A_60, %sign3A_63 : i32
        %sign3A_65 = arith.extui %sign3A_64 : i1 to i32
        %sign3A_66 = arith.constant 0 : i32
        %sign3A_67 = arith.cmpi slt, %mul3A_60, %sign3A_66 : i32
        %sign3A_68 = arith.extui %sign3A_67 : i1 to i32
        %sign3A_69 = arith.subi %sign3A_65, %sign3A_68 : i32
        %sign3A_70 = arith.constant 0 : i32
        %sign3A_71 = arith.cmpi sgt, %jit3A_61, %sign3A_70 : i32
        %sign3A_72 = arith.extui %sign3A_71 : i1 to i32
        %sign3A_73 = arith.constant 0 : i32
        %sign3A_74 = arith.cmpi slt, %jit3A_61, %sign3A_73 : i32
        %sign3A_75 = arith.extui %sign3A_74 : i1 to i32
        %sign3A_76 = arith.subi %sign3A_72, %sign3A_75 : i32
        %ne3A_77 = arith.cmpi ne, %sign3A_69, %sign3A_76 : i32
        %rem3A_78 = arith.remsi %mul3A_60, %jit3A_61 : i32
        %ne3A_79 = arith.constant 0 : i32
        %ne3A_80 = arith.cmpi ne, %rem3A_78, %ne3A_79 : i32
        %and3A_81 = arith.andi %ne3A_77, %ne3A_80 : i1
        %sub3A_82 = arith.constant 1 : i32
        %sub3A_83 = arith.subi %div3A_62, %sub3A_82 : i32
        %select_n3A_84 = arith.select %and3A_81, %sub3A_83, %div3A_62 : i32
        %jit3A_85 = arith.constant 32 : i32
        %eq3A = arith.constant 0 : i32
        %eq3A_86 = arith.cmpi eq, %jit3A_85, %eq3A : i32
        %jit3A_87 = arith.constant 1 : i32
        %select_n3A_88 = arith.select %eq3A_86, %jit3A_87, %jit3A_85 : i32
        %rem3A_89 = arith.remsi %mul3A_60, %select_n3A_88 : i32
        %ne3A_90 = arith.constant 0 : i32
        %ne3A_91 = arith.cmpi ne, %rem3A_89, %ne3A_90 : i32
        %lt3A = arith.constant 0 : i32
        %lt3A_92 = arith.cmpi slt, %rem3A_89, %lt3A : i32
        %lt3A_93 = arith.constant 0 : i32
        %lt3A_94 = arith.cmpi slt, %select_n3A_88, %lt3A_93 : i32
        %ne3A_95 = arith.xori %lt3A_92, %lt3A_94 : i1
        %and3A_96 = arith.andi %ne3A_95, %ne3A_91 : i1
        %add3A_97 = arith.addi %rem3A_89, %select_n3A_88 : i32
        %select_n3A_98 = arith.select %and3A_96, %add3A_97, %rem3A_89 : i32
        %get3A = arith.index_cast %select_n3A_84 : i32 to index
        %get3A_99 = arith.index_cast %select_n3A_98 : i32 to index
        %get3A_100 = tpu.vector_load %arg12[%get3A, %get3A_99] {strides = array<i32>} : memref<64x32xf32, #tpu.memory_space<vmem>>, vector<16xf32>,
        %jit3A_101 = arith.constant 128 : i32
        %div3A_102 = arith.divsi %mul3A_60, %jit3A_101 : i32
        %sign3A_103 = arith.constant 0 : i32
        %sign3A_104 = arith.cmpi sgt, %mul3A_60, %sign3A_103 : i32
        %sign3A_105 = arith.extui %sign3A_104 : i1 to i32
        %sign3A_106 = arith.constant 0 : i32
        %sign3A_107 = arith.cmpi slt, %mul3A_60, %sign3A_106 : i32
        %sign3A_108 = arith.extui %sign3A_107 : i1 to i32
        %sign3A_109 = arith.subi %sign3A_105, %sign3A_108 : i32
        %sign3A_110 = arith.constant 0 : i32
        %sign3A_111 = arith.cmpi sgt, %jit3A_101, %sign3A_110 : i32
        %sign3A_112 = arith.extui %sign3A_111 : i1 to i32
        %sign3A_113 = arith.constant 0 : i32
        %sign3A_114 = arith.cmpi slt, %jit3A_101, %sign3A_113 : i32
        %sign3A_115 = arith.extui %sign3A_114 : i1 to i32
        %sign3A_116 = arith.subi %sign3A_112, %sign3A_115 : i32
        %ne3A_117 = arith.cmpi ne, %sign3A_109, %sign3A_116 : i32
        %rem3A_118 = arith.remsi %mul3A_60, %jit3A_101 : i32
        %ne3A_119 = arith.constant 0 : i32
        %ne3A_120 = arith.cmpi ne, %rem3A_118, %ne3A_119 : i32
        %and3A_121 = arith.andi %ne3A_117, %ne3A_120 : i1
        %sub3A_122 = arith.constant 1 : i32
        %sub3A_123 = arith.subi %div3A_102, %sub3A_122 : i32
        %select_n3A_124 = arith.select %and3A_121, %sub3A_123, %div3A_102 : i32
        %jit3A_125 = arith.constant 128 : i32
        %eq3A_126 = arith.constant 0 : i32
        %eq3A_127 = arith.cmpi eq, %jit3A_125, %eq3A_126 : i32
        %jit3A_128 = arith.constant 1 : i32
        %select_n3A_129 = arith.select %eq3A_127, %jit3A_128, %jit3A_125 : i32
        %rem3A_130 = arith.remsi %mul3A_60, %select_n3A_129 : i32
        %ne3A_131 = arith.constant 0 : i32
        %ne3A_132 = arith.cmpi ne, %rem3A_130, %ne3A_131 : i32
        %lt3A_133 = arith.constant 0 : i32
        %lt3A_134 = arith.cmpi slt, %rem3A_130, %lt3A_133 : i32
        %lt3A_135 = arith.constant 0 : i32
        %lt3A_136 = arith.cmpi slt, %select_n3A_129, %lt3A_135 : i32
        %ne3A_137 = arith.xori %lt3A_134, %lt3A_136 : i1
        %and3A_138 = arith.andi %ne3A_137, %ne3A_132 : i1
        %add3A_139 = arith.addi %rem3A_130, %select_n3A_129 : i32
        %select_n3A_140 = arith.select %and3A_138, %add3A_139, %rem3A_130 : i32
        %swap3A = arith.index_cast %select_n3A_124 : i32 to index
        %swap3A_141 = arith.index_cast %select_n3A_140 : i32 to index
        %swap3A_142 = tpu.vector_load %arg13[%swap3A, %swap3A_141] {strides = array<i32>} : memref<16x128xf32, #tpu.memory_space<vmem>>, vector<16xf32>,
        tpu.vector_store %arg13[%swap3A, %swap3A_141], %get3A_100 {strides = array<i32>} : memref<16x128xf32, #tpu.memory_space<vmem>>, vector<16xf32>,
      }
      %scan3A_37 = arith.constant 128 : i32
      %mul3A_38 = arith.constant 12544 : i32
      %mul3A_39 = arith.muli %arg0, %mul3A_38 : i32
      %jit3A = arith.constant 4 : i32
      %div3A = arith.divsi %add3A, %jit3A : i32
      %sign3A = arith.constant 0 : i32
      %sign3A_40 = arith.cmpi sgt, %add3A, %sign3A : i32
      %sign3A_41 = arith.extui %sign3A_40 : i1 to i32
      %sign3A_42 = arith.constant 0 : i32
      %sign3A_43 = arith.cmpi slt, %add3A, %sign3A_42 : i32
      %sign3A_44 = arith.extui %sign3A_43 : i1 to i32
      %sign3A_45 = arith.subi %sign3A_41, %sign3A_44 : i32
      %sign3A_46 = arith.constant 0 : i32
      %sign3A_47 = arith.cmpi sgt, %jit3A, %sign3A_46 : i32
      %sign3A_48 = arith.extui %sign3A_47 : i1 to i32
      %sign3A_49 = arith.constant 0 : i32
      %sign3A_50 = arith.cmpi slt, %jit3A, %sign3A_49 : i32
      %sign3A_51 = arith.extui %sign3A_50 : i1 to i32
      %sign3A_52 = arith.subi %sign3A_48, %sign3A_51 : i32
      %ne3A = arith.cmpi ne, %sign3A_45, %sign3A_52 : i32
      %rem3A = arith.remsi %add3A, %jit3A : i32
      %ne3A_53 = arith.constant 0 : i32
      %ne3A_54 = arith.cmpi ne, %rem3A, %ne3A_53 : i32
      %and3A = arith.andi %ne3A, %ne3A_54 : i1
      %sub3A = arith.constant 1 : i32
      %sub3A_55 = arith.subi %div3A, %sub3A : i32
      %select_n3A = arith.select %and3A, %sub3A_55, %div3A : i32
      %add3A_56 = arith.addi %mul3A_39, %select_n3A : i32
      %multiple_of3A_57 = tpu.assume_multiple %add3A_56, 8 : i32
      "tpu.region"() ({
        %run_scoped3A = tpu.sem_alloc : memref<!tpu.dma_semaphore, #tpu.memory_space<semaphore_mem>>
        %dma_start3A = arith.constant 0 : i32
        %dma_start3A_58 = tpu.memref_slice %arg6[%multiple_of3A_57, %dma_start3A] : memref<25088x128xf32, #tpu.memory_space<hbm>> -> memref<16x128xf32, #tpu.memory_space<hbm>>
        %dma_start3A_59 = arith.constant 0 : i32
        %dma_start3A_60 = tpu.memref_slice %arg6[%multiple_of3A_57, %dma_start3A_59] : memref<25088x128xf32, #tpu.memory_space<hbm>> -> memref<16x128xf32, #tpu.memory_space<hbm>>
        tpu.enqueue_dma source(%arg13 : memref<16x128xf32, #tpu.memory_space<vmem>>) target(%dma_start3A_60 : memref<16x128xf32, #tpu.memory_space<hbm>>) target_semaphore(%run_scoped3A : memref<!tpu.dma_semaphore, #tpu.memory_space<semaphore_mem>>)
        %dma_wait3A = arith.constant 0 : i32
        %dma_wait3A_61 = tpu.memref_slice %arg6[%multiple_of3A_57, %dma_wait3A] : memref<25088x128xf32, #tpu.memory_space<hbm>> -> memref<16x128xf32, #tpu.memory_space<hbm>>
        %dma_wait3A_62 = arith.constant 0 : i32
        %dma_wait3A_63 = tpu.memref_slice %arg6[%multiple_of3A_57, %dma_wait3A_62] : memref<25088x128xf32, #tpu.memory_space<hbm>> -> memref<16x128xf32, #tpu.memory_space<hbm>>
        tpu.wait_dma2 semaphore(%run_scoped3A : memref<!tpu.dma_semaphore, #tpu.memory_space<semaphore_mem>>) src(%arg13 : memref<16x128xf32, #tpu.memory_space<vmem>>) dst(%dma_wait3A_63 : memref<16x128xf32, #tpu.memory_space<hbm>>)
        tpu.yield
      }) : () -> ()
    }
    %scan3A_26 = arith.constant 49 : i32
    return
  }
}

#map = affine_map<(d0, d1) -> (0, 0)>
module attributes {stable_mosaic.version = 14 : i64} {
  func.func @_edge_rows_body(%arg0: i32, %arg1: i32, %arg2: memref<50176x128xf32, #tpu.memory_space<hbm>>, %arg3: memref<6656x128xf32, #tpu.memory_space<hbm>>, %arg4: memref<6656x128xi32, #tpu.memory_space<hbm>>, %arg5: memref<6656x128xi32, #tpu.memory_space<hbm>>, %arg6: memref<25088x128xf32, #tpu.memory_space<hbm>>, %arg7: memref<16x128xi32, #tpu.memory_space<vmem>>, %arg8: memref<16x128xi32, #tpu.memory_space<vmem>>, %arg9: memref<16x128xf32, #tpu.memory_space<vmem>>, %arg10: memref<128x128xf32, #tpu.memory_space<vmem>>, %arg11: memref<128x32xf32, #tpu.memory_space<vmem>>, %arg12: memref<64x32xf32, #tpu.memory_space<vmem>>, %arg13: memref<16x128xf32, #tpu.memory_space<vmem>>, %arg14: memref<50176x32xf32, #tpu.memory_space<vmem_shared>>) attributes {dimension_semantics = [#tpu.dimension_semantics<core_parallel>, #tpu.dimension_semantics<subcore_parallel>], iteration_bounds = array<i64: 2, 16>, scalar_prefetch = 0 : i64, scratch_operands = 8 : i64, tpu.core_type = #tpu.core_type<sc_vector_subcore>, window_params = [{transform_indices = #map}, {transform_indices = #map}, {transform_indices = #map}, {transform_indices = #map}, {transform_indices = #map}]} {
    %mul3A = arith.constant 416 : i32
    %mul3A_0 = arith.muli %arg1, %mul3A : i32
    %mul3A_1 = arith.constant 32 : i32
    %mul3A_2 = arith.muli %arg0, %mul3A_1 : i32
    %multiple_of3A = tpu.assume_multiple %mul3A_2, 32 : i32
    %scan3A = arith.constant 0 : i32
    %scan3A_3 = arith.constant 0 : i32
    %scan3A_4 = arith.constant 128 : i32
    %scan3A_5 = arith.addi %scan3A_3, %scan3A_4 : i32
    %scan3A_6 = arith.constant 1 : i32
    scf.for %scan3A_27 = %scan3A_3 to %scan3A_5 step %scan3A_6  : i32 {
      %broadcast_in_dim3A = arith.constant 0.000000e+00 : f32
      %broadcast_in_dim3A_28 = vector.broadcast %broadcast_in_dim3A : f32 to vector<16xf32>
      %jit3A = arith.constant 2 : i32
      %div3A = arith.divsi %scan3A_27, %jit3A : i32
      %sign3A = arith.constant 0 : i32
      %sign3A_29 = arith.cmpi sgt, %scan3A_27, %sign3A : i32
      %sign3A_30 = arith.extui %sign3A_29 : i1 to i32
      %sign3A_31 = arith.constant 0 : i32
      %sign3A_32 = arith.cmpi slt, %scan3A_27, %sign3A_31 : i32
      %sign3A_33 = arith.extui %sign3A_32 : i1 to i32
      %sign3A_34 = arith.subi %sign3A_30, %sign3A_33 : i32
      %sign3A_35 = arith.constant 0 : i32
      %sign3A_36 = arith.cmpi sgt, %jit3A, %sign3A_35 : i32
      %sign3A_37 = arith.extui %sign3A_36 : i1 to i32
      %sign3A_38 = arith.constant 0 : i32
      %sign3A_39 = arith.cmpi slt, %jit3A, %sign3A_38 : i32
      %sign3A_40 = arith.extui %sign3A_39 : i1 to i32
      %sign3A_41 = arith.subi %sign3A_37, %sign3A_40 : i32
      %ne3A = arith.cmpi ne, %sign3A_34, %sign3A_41 : i32
      %rem3A = arith.remsi %scan3A_27, %jit3A : i32
      %ne3A_42 = arith.constant 0 : i32
      %ne3A_43 = arith.cmpi ne, %rem3A, %ne3A_42 : i32
      %and3A = arith.andi %ne3A, %ne3A_43 : i1
      %sub3A = arith.constant 1 : i32
      %sub3A_44 = arith.subi %div3A, %sub3A : i32
      %select_n3A = arith.select %and3A, %sub3A_44, %div3A : i32
      %jit3A_45 = arith.constant 2 : i32
      %eq3A = arith.constant 0 : i32
      %eq3A_46 = arith.cmpi eq, %jit3A_45, %eq3A : i32
      %jit3A_47 = arith.constant 1 : i32
      %select_n3A_48 = arith.select %eq3A_46, %jit3A_47, %jit3A_45 : i32
      %rem3A_49 = arith.remsi %scan3A_27, %select_n3A_48 : i32
      %ne3A_50 = arith.constant 0 : i32
      %ne3A_51 = arith.cmpi ne, %rem3A_49, %ne3A_50 : i32
      %lt3A = arith.constant 0 : i32
      %lt3A_52 = arith.cmpi slt, %rem3A_49, %lt3A : i32
      %lt3A_53 = arith.constant 0 : i32
      %lt3A_54 = arith.cmpi slt, %select_n3A_48, %lt3A_53 : i32
      %ne3A_55 = arith.xori %lt3A_52, %lt3A_54 : i1
      %and3A_56 = arith.andi %ne3A_55, %ne3A_51 : i1
      %add3A = arith.addi %rem3A_49, %select_n3A_48 : i32
      %select_n3A_57 = arith.select %and3A_56, %add3A, %rem3A_49 : i32
      %mul3A_58 = arith.constant 16 : i32
      %mul3A_59 = arith.muli %select_n3A_57, %mul3A_58 : i32
      %swap3A = arith.index_cast %select_n3A : i32 to index
      %swap3A_60 = arith.index_cast %mul3A_59 : i32 to index
      %swap3A_61 = tpu.vector_load %arg12[%swap3A, %swap3A_60] {strides = array<i32>} : memref<64x32xf32, #tpu.memory_space<vmem>>, vector<16xf32>,
      tpu.vector_store %arg12[%swap3A, %swap3A_60], %broadcast_in_dim3A_28 {strides = array<i32>} : memref<64x32xf32, #tpu.memory_space<vmem>>, vector<16xf32>,
    }
    %scan3A_7 = arith.constant 128 : i32
    %scan3A_8 = arith.constant 0 : i32
    %scan3A_9 = arith.constant 0 : i32
    %scan3A_10 = arith.constant 49 : i32
    %scan3A_11 = arith.addi %scan3A_9, %scan3A_10 : i32
    %scan3A_12 = arith.constant 1 : i32
    scf.for %scan3A_27 = %scan3A_9 to %scan3A_11 step %scan3A_12  : i32 {
      %mul3A_28 = arith.constant 3136 : i32
      %mul3A_29 = arith.muli %arg1, %mul3A_28 : i32
      %mul3A_30 = arith.constant 64 : i32
      %mul3A_31 = arith.muli %scan3A_27, %mul3A_30 : i32
      %add3A = arith.addi %mul3A_29, %mul3A_31 : i32
      "tpu.region"() ({
        %run_scoped3A = tpu.sem_alloc : memref<!tpu.dma_semaphore, #tpu.memory_space<semaphore_mem>>
        %dma_start3A = arith.constant 0 : i32
        %dma_start3A_32 = tpu.memref_slice %arg14[%add3A, %dma_start3A] : memref<50176x32xf32, #tpu.memory_space<vmem_shared>> -> memref<64x32xf32, #tpu.memory_space<vmem_shared>>
        %dma_start3A_33 = arith.constant 0 : i32
        %dma_start3A_34 = tpu.memref_slice %arg14[%add3A, %dma_start3A_33] : memref<50176x32xf32, #tpu.memory_space<vmem_shared>> -> memref<64x32xf32, #tpu.memory_space<vmem_shared>>
        tpu.enqueue_dma source(%arg12 : memref<64x32xf32, #tpu.memory_space<vmem>>) target(%dma_start3A_34 : memref<64x32xf32, #tpu.memory_space<vmem_shared>>) target_semaphore(%run_scoped3A : memref<!tpu.dma_semaphore, #tpu.memory_space<semaphore_mem>>)
        %dma_wait3A = arith.constant 0 : i32
        %dma_wait3A_35 = tpu.memref_slice %arg14[%add3A, %dma_wait3A] : memref<50176x32xf32, #tpu.memory_space<vmem_shared>> -> memref<64x32xf32, #tpu.memory_space<vmem_shared>>
        %dma_wait3A_36 = arith.constant 0 : i32
        %dma_wait3A_37 = tpu.memref_slice %arg14[%add3A, %dma_wait3A_36] : memref<50176x32xf32, #tpu.memory_space<vmem_shared>> -> memref<64x32xf32, #tpu.memory_space<vmem_shared>>
        tpu.wait_dma2 semaphore(%run_scoped3A : memref<!tpu.dma_semaphore, #tpu.memory_space<semaphore_mem>>) src(%arg12 : memref<64x32xf32, #tpu.memory_space<vmem>>) dst(%dma_wait3A_37 : memref<64x32xf32, #tpu.memory_space<vmem_shared>>)
        tpu.yield
      }) : () -> ()
    }
    %scan3A_13 = arith.constant 49 : i32
    %barrier3A = arith.constant 0 : index
    tpu.barrier barrier_id(%barrier3A)
    %scan3A_14 = arith.constant 0 : i32
    %scan3A_15 = arith.constant 0 : i32
    %scan3A_16 = arith.constant 26 : i32
    %scan3A_17 = arith.addi %scan3A_15, %scan3A_16 : i32
    %scan3A_18 = arith.constant 1 : i32
    scf.for %scan3A_27 = %scan3A_15 to %scan3A_17 step %scan3A_18  : i32 {
      %mul3A_28 = arith.constant 16 : i32
      %mul3A_29 = arith.muli %scan3A_27, %mul3A_28 : i32
      %add3A = arith.addi %mul3A_0, %mul3A_29 : i32
      %multiple_of3A_30 = tpu.assume_multiple %add3A, 8 : i32
      "tpu.region"() ({
        %run_scoped3A = tpu.sem_alloc : memref<!tpu.dma_semaphore, #tpu.memory_space<semaphore_mem>>
        %dma_start3A = arith.constant 0 : i32
        %dma_start3A_37 = tpu.memref_slice %arg4[%multiple_of3A_30, %dma_start3A] : memref<6656x128xi32, #tpu.memory_space<hbm>> -> memref<16x128xi32, #tpu.memory_space<hbm>>
        %dma_start3A_38 = arith.constant 0 : i32
        %dma_start3A_39 = tpu.memref_slice %arg4[%multiple_of3A_30, %dma_start3A_38] : memref<6656x128xi32, #tpu.memory_space<hbm>> -> memref<16x128xi32, #tpu.memory_space<hbm>>
        tpu.enqueue_dma source(%dma_start3A_39 : memref<16x128xi32, #tpu.memory_space<hbm>>) target(%arg7 : memref<16x128xi32, #tpu.memory_space<vmem>>) target_semaphore(%run_scoped3A : memref<!tpu.dma_semaphore, #tpu.memory_space<semaphore_mem>>)
        %dma_wait3A = arith.constant 0 : i32
        %dma_wait3A_40 = tpu.memref_slice %arg4[%multiple_of3A_30, %dma_wait3A] : memref<6656x128xi32, #tpu.memory_space<hbm>> -> memref<16x128xi32, #tpu.memory_space<hbm>>
        %dma_wait3A_41 = arith.constant 0 : i32
        %dma_wait3A_42 = tpu.memref_slice %arg4[%multiple_of3A_30, %dma_wait3A_41] : memref<6656x128xi32, #tpu.memory_space<hbm>> -> memref<16x128xi32, #tpu.memory_space<hbm>>
        tpu.wait_dma2 semaphore(%run_scoped3A : memref<!tpu.dma_semaphore, #tpu.memory_space<semaphore_mem>>) src(%dma_wait3A_42 : memref<16x128xi32, #tpu.memory_space<hbm>>) dst(%arg7 : memref<16x128xi32, #tpu.memory_space<vmem>>)
        tpu.yield
      }) : () -> ()
      "tpu.region"() ({
        %run_scoped3A = tpu.sem_alloc : memref<!tpu.dma_semaphore, #tpu.memory_space<semaphore_mem>>
        %dma_start3A = arith.constant 0 : i32
        %dma_start3A_37 = tpu.memref_slice %arg5[%multiple_of3A_30, %dma_start3A] : memref<6656x128xi32, #tpu.memory_space<hbm>> -> memref<16x128xi32, #tpu.memory_space<hbm>>
        %dma_start3A_38 = arith.constant 0 : i32
        %dma_start3A_39 = tpu.memref_slice %arg5[%multiple_of3A_30, %dma_start3A_38] : memref<6656x128xi32, #tpu.memory_space<hbm>> -> memref<16x128xi32, #tpu.memory_space<hbm>>
        tpu.enqueue_dma source(%dma_start3A_39 : memref<16x128xi32, #tpu.memory_space<hbm>>) target(%arg8 : memref<16x128xi32, #tpu.memory_space<vmem>>) target_semaphore(%run_scoped3A : memref<!tpu.dma_semaphore, #tpu.memory_space<semaphore_mem>>)
        %dma_wait3A = arith.constant 0 : i32
        %dma_wait3A_40 = tpu.memref_slice %arg5[%multiple_of3A_30, %dma_wait3A] : memref<6656x128xi32, #tpu.memory_space<hbm>> -> memref<16x128xi32, #tpu.memory_space<hbm>>
        %dma_wait3A_41 = arith.constant 0 : i32
        %dma_wait3A_42 = tpu.memref_slice %arg5[%multiple_of3A_30, %dma_wait3A_41] : memref<6656x128xi32, #tpu.memory_space<hbm>> -> memref<16x128xi32, #tpu.memory_space<hbm>>
        tpu.wait_dma2 semaphore(%run_scoped3A : memref<!tpu.dma_semaphore, #tpu.memory_space<semaphore_mem>>) src(%dma_wait3A_42 : memref<16x128xi32, #tpu.memory_space<hbm>>) dst(%arg8 : memref<16x128xi32, #tpu.memory_space<vmem>>)
        tpu.yield
      }) : () -> ()
      "tpu.region"() ({
        %run_scoped3A = tpu.sem_alloc : memref<!tpu.dma_semaphore, #tpu.memory_space<semaphore_mem>>
        %dma_start3A = arith.constant 0 : i32
        %dma_start3A_37 = tpu.memref_slice %arg3[%multiple_of3A_30, %dma_start3A] : memref<6656x128xf32, #tpu.memory_space<hbm>> -> memref<16x128xf32, #tpu.memory_space<hbm>>
        %dma_start3A_38 = arith.constant 0 : i32
        %dma_start3A_39 = tpu.memref_slice %arg3[%multiple_of3A_30, %dma_start3A_38] : memref<6656x128xf32, #tpu.memory_space<hbm>> -> memref<16x128xf32, #tpu.memory_space<hbm>>
        tpu.enqueue_dma source(%dma_start3A_39 : memref<16x128xf32, #tpu.memory_space<hbm>>) target(%arg9 : memref<16x128xf32, #tpu.memory_space<vmem>>) target_semaphore(%run_scoped3A : memref<!tpu.dma_semaphore, #tpu.memory_space<semaphore_mem>>)
        %dma_wait3A = arith.constant 0 : i32
        %dma_wait3A_40 = tpu.memref_slice %arg3[%multiple_of3A_30, %dma_wait3A] : memref<6656x128xf32, #tpu.memory_space<hbm>> -> memref<16x128xf32, #tpu.memory_space<hbm>>
        %dma_wait3A_41 = arith.constant 0 : i32
        %dma_wait3A_42 = tpu.memref_slice %arg3[%multiple_of3A_30, %dma_wait3A_41] : memref<6656x128xf32, #tpu.memory_space<hbm>> -> memref<16x128xf32, #tpu.memory_space<hbm>>
        tpu.wait_dma2 semaphore(%run_scoped3A : memref<!tpu.dma_semaphore, #tpu.memory_space<semaphore_mem>>) src(%dma_wait3A_42 : memref<16x128xf32, #tpu.memory_space<hbm>>) dst(%arg9 : memref<16x128xf32, #tpu.memory_space<vmem>>)
        tpu.yield
      }) : () -> ()
      %scan3A_31 = arith.constant 0 : i32
      %scan3A_32 = arith.constant 0 : i32
      %scan3A_33 = arith.constant 16 : i32
      %scan3A_34 = arith.addi %scan3A_32, %scan3A_33 : i32
      %scan3A_35 = arith.constant 1 : i32
      scf.for %scan3A_37 = %scan3A_32 to %scan3A_34 step %scan3A_35  : i32 {
        "tpu.region"() ({
          %run_scoped3A = tpu.sem_alloc : memref<!tpu.dma_semaphore, #tpu.memory_space<semaphore_mem>>
          %dma_start3A = arith.constant 0 : i32
          %dma_start3A_44 = tpu.memref_slice %arg7[%scan3A_37, %dma_start3A] : memref<16x128xi32, #tpu.memory_space<vmem>> -> memref<1x128xi32, #tpu.memory_space<vmem>>
          %dma_start3A_45 = tpu.memref_squeeze %dma_start3A_44 : memref<1x128xi32, #tpu.memory_space<vmem>> -> memref<128xi32, #tpu.memory_space<vmem>>
          %dma_start3A_46 = arith.constant 0 : i32
          %dma_start3A_47 = arith.constant 0 : i32
          %dma_start3A_48 = tpu.memref_slice %arg2[%dma_start3A_46, %dma_start3A_47] : memref<50176x128xf32, #tpu.memory_space<hbm>> -> memref<50176x128xf32, #tpu.memory_space<hbm>>
          tpu.enqueue_indirect_dma source(%dma_start3A_48 : memref<50176x128xf32, #tpu.memory_space<hbm>>) target(%arg10 : memref<128x128xf32, #tpu.memory_space<vmem>>) offsets(%dma_start3A_45 : memref<128xi32, #tpu.memory_space<vmem>>) semaphore(%run_scoped3A : memref<!tpu.dma_semaphore, #tpu.memory_space<semaphore_mem>>)
          %dma_wait3A = arith.constant 0 : i32
          %dma_wait3A_49 = tpu.memref_slice %arg7[%scan3A_37, %dma_wait3A] : memref<16x128xi32, #tpu.memory_space<vmem>> -> memref<1x128xi32, #tpu.memory_space<vmem>>
          %dma_wait3A_50 = tpu.memref_squeeze %dma_wait3A_49 : memref<1x128xi32, #tpu.memory_space<vmem>> -> memref<128xi32, #tpu.memory_space<vmem>>
          %dma_wait3A_51 = arith.constant 0 : i32
          %dma_wait3A_52 = arith.constant 0 : i32
          %dma_wait3A_53 = tpu.memref_slice %arg2[%dma_wait3A_51, %dma_wait3A_52] : memref<50176x128xf32, #tpu.memory_space<hbm>> -> memref<50176x128xf32, #tpu.memory_space<hbm>>
          tpu.wait_indirect_dma semaphore(%run_scoped3A : memref<!tpu.dma_semaphore, #tpu.memory_space<semaphore_mem>>) src(%dma_wait3A_53 : memref<50176x128xf32, #tpu.memory_space<hbm>>) dst(%arg10 : memref<128x128xf32, #tpu.memory_space<vmem>>)
          tpu.yield
        }) : () -> ()
        %scan3A_38 = arith.constant 0 : i32
        %scan3A_39 = arith.constant 0 : i32
        %scan3A_40 = arith.constant 8 : i32
        %scan3A_41 = arith.addi %scan3A_39, %scan3A_40 : i32
        %scan3A_42 = arith.constant 1 : i32
        scf.for %scan3A_44 = %scan3A_39 to %scan3A_41 step %scan3A_42  : i32 {
          %mul3A_45 = arith.constant 16 : i32
          %mul3A_46 = arith.muli %scan3A_44, %mul3A_45 : i32
          %get3A = arith.index_cast %scan3A_37 : i32 to index
          %get3A_47 = arith.index_cast %mul3A_46 : i32 to index
          %get3A_48 = tpu.vector_load %arg9[%get3A, %get3A_47] {strides = array<i32>} : memref<16x128xf32, #tpu.memory_space<vmem>>, vector<16xf32>,
          %mul3A_49 = arith.constant 16 : i32
          %mul3A_50 = arith.muli %scan3A_44, %mul3A_49 : i32
          %add3A_51 = arith.constant 0 : i32
          %add3A_52 = arith.addi %mul3A_50, %add3A_51 : i32
          %slice3A = vector.extract_strided_slice %get3A_48 {offsets = [0], sizes = [1], strides = [1]} : vector<16xf32> to vector<1xf32>
          %squeeze3A = vector.extract %slice3A[0] : f32 from vector<1xf32>
          %broadcast_in_dim3A = vector.broadcast %squeeze3A : f32 to vector<16xf32>
          %get3A_53 = arith.index_cast %add3A_52 : i32 to index
          %get3A_54 = arith.index_cast %multiple_of3A : i32 to index
          %get3A_55 = tpu.vector_load %arg10[%get3A_53, %get3A_54] {strides = array<i32>} : memref<128x128xf32, #tpu.memory_space<vmem>>, vector<16xf32>,
          %mul3A_56 = arith.mulf %get3A_55, %broadcast_in_dim3A : vector<16xf32>
          %swap3A = arith.index_cast %add3A_52 : i32 to index
          %swap3A_57 = arith.constant 0 : index
          %swap3A_58 = tpu.vector_load %arg11[%swap3A, %swap3A_57] {strides = array<i32>} : memref<128x32xf32, #tpu.memory_space<vmem>>, vector<16xf32>,
          tpu.vector_store %arg11[%swap3A, %swap3A_57], %mul3A_56 {strides = array<i32>} : memref<128x32xf32, #tpu.memory_space<vmem>>, vector<16xf32>,
          %add3A_59 = arith.constant 16 : i32
          %add3A_60 = arith.addi %multiple_of3A, %add3A_59 : i32
          %get3A_61 = arith.index_cast %add3A_52 : i32 to index
          %get3A_62 = arith.index_cast %add3A_60 : i32 to index
          %get3A_63 = tpu.vector_load %arg10[%get3A_61, %get3A_62] {strides = array<i32>} : memref<128x128xf32, #tpu.memory_space<vmem>>, vector<16xf32>,
          %mul3A_64 = arith.mulf %get3A_63, %broadcast_in_dim3A : vector<16xf32>
          %swap3A_65 = arith.index_cast %add3A_52 : i32 to index
          %swap3A_66 = arith.constant 16 : index
          %swap3A_67 = tpu.vector_load %arg11[%swap3A_65, %swap3A_66] {strides = array<i32>} : memref<128x32xf32, #tpu.memory_space<vmem>>, vector<16xf32>,
          tpu.vector_store %arg11[%swap3A_65, %swap3A_66], %mul3A_64 {strides = array<i32>} : memref<128x32xf32, #tpu.memory_space<vmem>>, vector<16xf32>,
          %mul3A_68 = arith.constant 16 : i32
          %mul3A_69 = arith.muli %scan3A_44, %mul3A_68 : i32
          %add3A_70 = arith.constant 1 : i32
          %add3A_71 = arith.addi %mul3A_69, %add3A_70 : i32
          %slice3A_72 = vector.extract_strided_slice %get3A_48 {offsets = [1], sizes = [1], strides = [1]} : vector<16xf32> to vector<1xf32>
          %squeeze3A_73 = vector.extract %slice3A_72[0] : f32 from vector<1xf32>
          %broadcast_in_dim3A_74 = vector.broadcast %squeeze3A_73 : f32 to vector<16xf32>
          %get3A_75 = arith.index_cast %add3A_71 : i32 to index
          %get3A_76 = arith.index_cast %multiple_of3A : i32 to index
          %get3A_77 = tpu.vector_load %arg10[%get3A_75, %get3A_76] {strides = array<i32>} : memref<128x128xf32, #tpu.memory_space<vmem>>, vector<16xf32>,
          %mul3A_78 = arith.mulf %get3A_77, %broadcast_in_dim3A_74 : vector<16xf32>
          %swap3A_79 = arith.index_cast %add3A_71 : i32 to index
          %swap3A_80 = arith.constant 0 : index
          %swap3A_81 = tpu.vector_load %arg11[%swap3A_79, %swap3A_80] {strides = array<i32>} : memref<128x32xf32, #tpu.memory_space<vmem>>, vector<16xf32>,
          tpu.vector_store %arg11[%swap3A_79, %swap3A_80], %mul3A_78 {strides = array<i32>} : memref<128x32xf32, #tpu.memory_space<vmem>>, vector<16xf32>,
          %add3A_82 = arith.constant 16 : i32
          %add3A_83 = arith.addi %multiple_of3A, %add3A_82 : i32
          %get3A_84 = arith.index_cast %add3A_71 : i32 to index
          %get3A_85 = arith.index_cast %add3A_83 : i32 to index
          %get3A_86 = tpu.vector_load %arg10[%get3A_84, %get3A_85] {strides = array<i32>} : memref<128x128xf32, #tpu.memory_space<vmem>>, vector<16xf32>,
          %mul3A_87 = arith.mulf %get3A_86, %broadcast_in_dim3A_74 : vector<16xf32>
          %swap3A_88 = arith.index_cast %add3A_71 : i32 to index
          %swap3A_89 = arith.constant 16 : index
          %swap3A_90 = tpu.vector_load %arg11[%swap3A_88, %swap3A_89] {strides = array<i32>} : memref<128x32xf32, #tpu.memory_space<vmem>>, vector<16xf32>,
          tpu.vector_store %arg11[%swap3A_88, %swap3A_89], %mul3A_87 {strides = array<i32>} : memref<128x32xf32, #tpu.memory_space<vmem>>, vector<16xf32>,
          %mul3A_91 = arith.constant 16 : i32
          %mul3A_92 = arith.muli %scan3A_44, %mul3A_91 : i32
          %add3A_93 = arith.constant 2 : i32
          %add3A_94 = arith.addi %mul3A_92, %add3A_93 : i32
          %slice3A_95 = vector.extract_strided_slice %get3A_48 {offsets = [2], sizes = [1], strides = [1]} : vector<16xf32> to vector<1xf32>
          %squeeze3A_96 = vector.extract %slice3A_95[0] : f32 from vector<1xf32>
          %broadcast_in_dim3A_97 = vector.broadcast %squeeze3A_96 : f32 to vector<16xf32>
          %get3A_98 = arith.index_cast %add3A_94 : i32 to index
          %get3A_99 = arith.index_cast %multiple_of3A : i32 to index
          %get3A_100 = tpu.vector_load %arg10[%get3A_98, %get3A_99] {strides = array<i32>} : memref<128x128xf32, #tpu.memory_space<vmem>>, vector<16xf32>,
          %mul3A_101 = arith.mulf %get3A_100, %broadcast_in_dim3A_97 : vector<16xf32>
          %swap3A_102 = arith.index_cast %add3A_94 : i32 to index
          %swap3A_103 = arith.constant 0 : index
          %swap3A_104 = tpu.vector_load %arg11[%swap3A_102, %swap3A_103] {strides = array<i32>} : memref<128x32xf32, #tpu.memory_space<vmem>>, vector<16xf32>,
          tpu.vector_store %arg11[%swap3A_102, %swap3A_103], %mul3A_101 {strides = array<i32>} : memref<128x32xf32, #tpu.memory_space<vmem>>, vector<16xf32>,
          %add3A_105 = arith.constant 16 : i32
          %add3A_106 = arith.addi %multiple_of3A, %add3A_105 : i32
          %get3A_107 = arith.index_cast %add3A_94 : i32 to index
          %get3A_108 = arith.index_cast %add3A_106 : i32 to index
          %get3A_109 = tpu.vector_load %arg10[%get3A_107, %get3A_108] {strides = array<i32>} : memref<128x128xf32, #tpu.memory_space<vmem>>, vector<16xf32>,
          %mul3A_110 = arith.mulf %get3A_109, %broadcast_in_dim3A_97 : vector<16xf32>
          %swap3A_111 = arith.index_cast %add3A_94 : i32 to index
          %swap3A_112 = arith.constant 16 : index
          %swap3A_113 = tpu.vector_load %arg11[%swap3A_111, %swap3A_112] {strides = array<i32>} : memref<128x32xf32, #tpu.memory_space<vmem>>, vector<16xf32>,
          tpu.vector_store %arg11[%swap3A_111, %swap3A_112], %mul3A_110 {strides = array<i32>} : memref<128x32xf32, #tpu.memory_space<vmem>>, vector<16xf32>,
          %mul3A_114 = arith.constant 16 : i32
          %mul3A_115 = arith.muli %scan3A_44, %mul3A_114 : i32
          %add3A_116 = arith.constant 3 : i32
          %add3A_117 = arith.addi %mul3A_115, %add3A_116 : i32
          %slice3A_118 = vector.extract_strided_slice %get3A_48 {offsets = [3], sizes = [1], strides = [1]} : vector<16xf32> to vector<1xf32>
          %squeeze3A_119 = vector.extract %slice3A_118[0] : f32 from vector<1xf32>
          %broadcast_in_dim3A_120 = vector.broadcast %squeeze3A_119 : f32 to vector<16xf32>
          %get3A_121 = arith.index_cast %add3A_117 : i32 to index
          %get3A_122 = arith.index_cast %multiple_of3A : i32 to index
          %get3A_123 = tpu.vector_load %arg10[%get3A_121, %get3A_122] {strides = array<i32>} : memref<128x128xf32, #tpu.memory_space<vmem>>, vector<16xf32>,
          %mul3A_124 = arith.mulf %get3A_123, %broadcast_in_dim3A_120 : vector<16xf32>
          %swap3A_125 = arith.index_cast %add3A_117 : i32 to index
          %swap3A_126 = arith.constant 0 : index
          %swap3A_127 = tpu.vector_load %arg11[%swap3A_125, %swap3A_126] {strides = array<i32>} : memref<128x32xf32, #tpu.memory_space<vmem>>, vector<16xf32>,
          tpu.vector_store %arg11[%swap3A_125, %swap3A_126], %mul3A_124 {strides = array<i32>} : memref<128x32xf32, #tpu.memory_space<vmem>>, vector<16xf32>,
          %add3A_128 = arith.constant 16 : i32
          %add3A_129 = arith.addi %multiple_of3A, %add3A_128 : i32
          %get3A_130 = arith.index_cast %add3A_117 : i32 to index
          %get3A_131 = arith.index_cast %add3A_129 : i32 to index
          %get3A_132 = tpu.vector_load %arg10[%get3A_130, %get3A_131] {strides = array<i32>} : memref<128x128xf32, #tpu.memory_space<vmem>>, vector<16xf32>,
          %mul3A_133 = arith.mulf %get3A_132, %broadcast_in_dim3A_120 : vector<16xf32>
          %swap3A_134 = arith.index_cast %add3A_117 : i32 to index
          %swap3A_135 = arith.constant 16 : index
          %swap3A_136 = tpu.vector_load %arg11[%swap3A_134, %swap3A_135] {strides = array<i32>} : memref<128x32xf32, #tpu.memory_space<vmem>>, vector<16xf32>,
          tpu.vector_store %arg11[%swap3A_134, %swap3A_135], %mul3A_133 {strides = array<i32>} : memref<128x32xf32, #tpu.memory_space<vmem>>, vector<16xf32>,
          %mul3A_137 = arith.constant 16 : i32
          %mul3A_138 = arith.muli %scan3A_44, %mul3A_137 : i32
          %add3A_139 = arith.constant 4 : i32
          %add3A_140 = arith.addi %mul3A_138, %add3A_139 : i32
          %slice3A_141 = vector.extract_strided_slice %get3A_48 {offsets = [4], sizes = [1], strides = [1]} : vector<16xf32> to vector<1xf32>
          %squeeze3A_142 = vector.extract %slice3A_141[0] : f32 from vector<1xf32>
          %broadcast_in_dim3A_143 = vector.broadcast %squeeze3A_142 : f32 to vector<16xf32>
          %get3A_144 = arith.index_cast %add3A_140 : i32 to index
          %get3A_145 = arith.index_cast %multiple_of3A : i32 to index
          %get3A_146 = tpu.vector_load %arg10[%get3A_144, %get3A_145] {strides = array<i32>} : memref<128x128xf32, #tpu.memory_space<vmem>>, vector<16xf32>,
          %mul3A_147 = arith.mulf %get3A_146, %broadcast_in_dim3A_143 : vector<16xf32>
          %swap3A_148 = arith.index_cast %add3A_140 : i32 to index
          %swap3A_149 = arith.constant 0 : index
          %swap3A_150 = tpu.vector_load %arg11[%swap3A_148, %swap3A_149] {strides = array<i32>} : memref<128x32xf32, #tpu.memory_space<vmem>>, vector<16xf32>,
          tpu.vector_store %arg11[%swap3A_148, %swap3A_149], %mul3A_147 {strides = array<i32>} : memref<128x32xf32, #tpu.memory_space<vmem>>, vector<16xf32>,
          %add3A_151 = arith.constant 16 : i32
          %add3A_152 = arith.addi %multiple_of3A, %add3A_151 : i32
          %get3A_153 = arith.index_cast %add3A_140 : i32 to index
          %get3A_154 = arith.index_cast %add3A_152 : i32 to index
          %get3A_155 = tpu.vector_load %arg10[%get3A_153, %get3A_154] {strides = array<i32>} : memref<128x128xf32, #tpu.memory_space<vmem>>, vector<16xf32>,
          %mul3A_156 = arith.mulf %get3A_155, %broadcast_in_dim3A_143 : vector<16xf32>
          %swap3A_157 = arith.index_cast %add3A_140 : i32 to index
          %swap3A_158 = arith.constant 16 : index
          %swap3A_159 = tpu.vector_load %arg11[%swap3A_157, %swap3A_158] {strides = array<i32>} : memref<128x32xf32, #tpu.memory_space<vmem>>, vector<16xf32>,
          tpu.vector_store %arg11[%swap3A_157, %swap3A_158], %mul3A_156 {strides = array<i32>} : memref<128x32xf32, #tpu.memory_space<vmem>>, vector<16xf32>,
          %mul3A_160 = arith.constant 16 : i32
          %mul3A_161 = arith.muli %scan3A_44, %mul3A_160 : i32
          %add3A_162 = arith.constant 5 : i32
          %add3A_163 = arith.addi %mul3A_161, %add3A_162 : i32
          %slice3A_164 = vector.extract_strided_slice %get3A_48 {offsets = [5], sizes = [1], strides = [1]} : vector<16xf32> to vector<1xf32>
          %squeeze3A_165 = vector.extract %slice3A_164[0] : f32 from vector<1xf32>
          %broadcast_in_dim3A_166 = vector.broadcast %squeeze3A_165 : f32 to vector<16xf32>
          %get3A_167 = arith.index_cast %add3A_163 : i32 to index
          %get3A_168 = arith.index_cast %multiple_of3A : i32 to index
          %get3A_169 = tpu.vector_load %arg10[%get3A_167, %get3A_168] {strides = array<i32>} : memref<128x128xf32, #tpu.memory_space<vmem>>, vector<16xf32>,
          %mul3A_170 = arith.mulf %get3A_169, %broadcast_in_dim3A_166 : vector<16xf32>
          %swap3A_171 = arith.index_cast %add3A_163 : i32 to index
          %swap3A_172 = arith.constant 0 : index
          %swap3A_173 = tpu.vector_load %arg11[%swap3A_171, %swap3A_172] {strides = array<i32>} : memref<128x32xf32, #tpu.memory_space<vmem>>, vector<16xf32>,
          tpu.vector_store %arg11[%swap3A_171, %swap3A_172], %mul3A_170 {strides = array<i32>} : memref<128x32xf32, #tpu.memory_space<vmem>>, vector<16xf32>,
          %add3A_174 = arith.constant 16 : i32
          %add3A_175 = arith.addi %multiple_of3A, %add3A_174 : i32
          %get3A_176 = arith.index_cast %add3A_163 : i32 to index
          %get3A_177 = arith.index_cast %add3A_175 : i32 to index
          %get3A_178 = tpu.vector_load %arg10[%get3A_176, %get3A_177] {strides = array<i32>} : memref<128x128xf32, #tpu.memory_space<vmem>>, vector<16xf32>,
          %mul3A_179 = arith.mulf %get3A_178, %broadcast_in_dim3A_166 : vector<16xf32>
          %swap3A_180 = arith.index_cast %add3A_163 : i32 to index
          %swap3A_181 = arith.constant 16 : index
          %swap3A_182 = tpu.vector_load %arg11[%swap3A_180, %swap3A_181] {strides = array<i32>} : memref<128x32xf32, #tpu.memory_space<vmem>>, vector<16xf32>,
          tpu.vector_store %arg11[%swap3A_180, %swap3A_181], %mul3A_179 {strides = array<i32>} : memref<128x32xf32, #tpu.memory_space<vmem>>, vector<16xf32>,
          %mul3A_183 = arith.constant 16 : i32
          %mul3A_184 = arith.muli %scan3A_44, %mul3A_183 : i32
          %add3A_185 = arith.constant 6 : i32
          %add3A_186 = arith.addi %mul3A_184, %add3A_185 : i32
          %slice3A_187 = vector.extract_strided_slice %get3A_48 {offsets = [6], sizes = [1], strides = [1]} : vector<16xf32> to vector<1xf32>
          %squeeze3A_188 = vector.extract %slice3A_187[0] : f32 from vector<1xf32>
          %broadcast_in_dim3A_189 = vector.broadcast %squeeze3A_188 : f32 to vector<16xf32>
          %get3A_190 = arith.index_cast %add3A_186 : i32 to index
          %get3A_191 = arith.index_cast %multiple_of3A : i32 to index
          %get3A_192 = tpu.vector_load %arg10[%get3A_190, %get3A_191] {strides = array<i32>} : memref<128x128xf32, #tpu.memory_space<vmem>>, vector<16xf32>,
          %mul3A_193 = arith.mulf %get3A_192, %broadcast_in_dim3A_189 : vector<16xf32>
          %swap3A_194 = arith.index_cast %add3A_186 : i32 to index
          %swap3A_195 = arith.constant 0 : index
          %swap3A_196 = tpu.vector_load %arg11[%swap3A_194, %swap3A_195] {strides = array<i32>} : memref<128x32xf32, #tpu.memory_space<vmem>>, vector<16xf32>,
          tpu.vector_store %arg11[%swap3A_194, %swap3A_195], %mul3A_193 {strides = array<i32>} : memref<128x32xf32, #tpu.memory_space<vmem>>, vector<16xf32>,
          %add3A_197 = arith.constant 16 : i32
          %add3A_198 = arith.addi %multiple_of3A, %add3A_197 : i32
          %get3A_199 = arith.index_cast %add3A_186 : i32 to index
          %get3A_200 = arith.index_cast %add3A_198 : i32 to index
          %get3A_201 = tpu.vector_load %arg10[%get3A_199, %get3A_200] {strides = array<i32>} : memref<128x128xf32, #tpu.memory_space<vmem>>, vector<16xf32>,
          %mul3A_202 = arith.mulf %get3A_201, %broadcast_in_dim3A_189 : vector<16xf32>
          %swap3A_203 = arith.index_cast %add3A_186 : i32 to index
          %swap3A_204 = arith.constant 16 : index
          %swap3A_205 = tpu.vector_load %arg11[%swap3A_203, %swap3A_204] {strides = array<i32>} : memref<128x32xf32, #tpu.memory_space<vmem>>, vector<16xf32>,
          tpu.vector_store %arg11[%swap3A_203, %swap3A_204], %mul3A_202 {strides = array<i32>} : memref<128x32xf32, #tpu.memory_space<vmem>>, vector<16xf32>,
          %mul3A_206 = arith.constant 16 : i32
          %mul3A_207 = arith.muli %scan3A_44, %mul3A_206 : i32
          %add3A_208 = arith.constant 7 : i32
          %add3A_209 = arith.addi %mul3A_207, %add3A_208 : i32
          %slice3A_210 = vector.extract_strided_slice %get3A_48 {offsets = [7], sizes = [1], strides = [1]} : vector<16xf32> to vector<1xf32>
          %squeeze3A_211 = vector.extract %slice3A_210[0] : f32 from vector<1xf32>
          %broadcast_in_dim3A_212 = vector.broadcast %squeeze3A_211 : f32 to vector<16xf32>
          %get3A_213 = arith.index_cast %add3A_209 : i32 to index
          %get3A_214 = arith.index_cast %multiple_of3A : i32 to index
          %get3A_215 = tpu.vector_load %arg10[%get3A_213, %get3A_214] {strides = array<i32>} : memref<128x128xf32, #tpu.memory_space<vmem>>, vector<16xf32>,
          %mul3A_216 = arith.mulf %get3A_215, %broadcast_in_dim3A_212 : vector<16xf32>
          %swap3A_217 = arith.index_cast %add3A_209 : i32 to index
          %swap3A_218 = arith.constant 0 : index
          %swap3A_219 = tpu.vector_load %arg11[%swap3A_217, %swap3A_218] {strides = array<i32>} : memref<128x32xf32, #tpu.memory_space<vmem>>, vector<16xf32>,
          tpu.vector_store %arg11[%swap3A_217, %swap3A_218], %mul3A_216 {strides = array<i32>} : memref<128x32xf32, #tpu.memory_space<vmem>>, vector<16xf32>,
          %add3A_220 = arith.constant 16 : i32
          %add3A_221 = arith.addi %multiple_of3A, %add3A_220 : i32
          %get3A_222 = arith.index_cast %add3A_209 : i32 to index
          %get3A_223 = arith.index_cast %add3A_221 : i32 to index
          %get3A_224 = tpu.vector_load %arg10[%get3A_222, %get3A_223] {strides = array<i32>} : memref<128x128xf32, #tpu.memory_space<vmem>>, vector<16xf32>,
          %mul3A_225 = arith.mulf %get3A_224, %broadcast_in_dim3A_212 : vector<16xf32>
          %swap3A_226 = arith.index_cast %add3A_209 : i32 to index
          %swap3A_227 = arith.constant 16 : index
          %swap3A_228 = tpu.vector_load %arg11[%swap3A_226, %swap3A_227] {strides = array<i32>} : memref<128x32xf32, #tpu.memory_space<vmem>>, vector<16xf32>,
          tpu.vector_store %arg11[%swap3A_226, %swap3A_227], %mul3A_225 {strides = array<i32>} : memref<128x32xf32, #tpu.memory_space<vmem>>, vector<16xf32>,
          %mul3A_229 = arith.constant 16 : i32
          %mul3A_230 = arith.muli %scan3A_44, %mul3A_229 : i32
          %add3A_231 = arith.constant 8 : i32
          %add3A_232 = arith.addi %mul3A_230, %add3A_231 : i32
          %slice3A_233 = vector.extract_strided_slice %get3A_48 {offsets = [8], sizes = [1], strides = [1]} : vector<16xf32> to vector<1xf32>
          %squeeze3A_234 = vector.extract %slice3A_233[0] : f32 from vector<1xf32>
          %broadcast_in_dim3A_235 = vector.broadcast %squeeze3A_234 : f32 to vector<16xf32>
          %get3A_236 = arith.index_cast %add3A_232 : i32 to index
          %get3A_237 = arith.index_cast %multiple_of3A : i32 to index
          %get3A_238 = tpu.vector_load %arg10[%get3A_236, %get3A_237] {strides = array<i32>} : memref<128x128xf32, #tpu.memory_space<vmem>>, vector<16xf32>,
          %mul3A_239 = arith.mulf %get3A_238, %broadcast_in_dim3A_235 : vector<16xf32>
          %swap3A_240 = arith.index_cast %add3A_232 : i32 to index
          %swap3A_241 = arith.constant 0 : index
          %swap3A_242 = tpu.vector_load %arg11[%swap3A_240, %swap3A_241] {strides = array<i32>} : memref<128x32xf32, #tpu.memory_space<vmem>>, vector<16xf32>,
          tpu.vector_store %arg11[%swap3A_240, %swap3A_241], %mul3A_239 {strides = array<i32>} : memref<128x32xf32, #tpu.memory_space<vmem>>, vector<16xf32>,
          %add3A_243 = arith.constant 16 : i32
          %add3A_244 = arith.addi %multiple_of3A, %add3A_243 : i32
          %get3A_245 = arith.index_cast %add3A_232 : i32 to index
          %get3A_246 = arith.index_cast %add3A_244 : i32 to index
          %get3A_247 = tpu.vector_load %arg10[%get3A_245, %get3A_246] {strides = array<i32>} : memref<128x128xf32, #tpu.memory_space<vmem>>, vector<16xf32>,
          %mul3A_248 = arith.mulf %get3A_247, %broadcast_in_dim3A_235 : vector<16xf32>
          %swap3A_249 = arith.index_cast %add3A_232 : i32 to index
          %swap3A_250 = arith.constant 16 : index
          %swap3A_251 = tpu.vector_load %arg11[%swap3A_249, %swap3A_250] {strides = array<i32>} : memref<128x32xf32, #tpu.memory_space<vmem>>, vector<16xf32>,
          tpu.vector_store %arg11[%swap3A_249, %swap3A_250], %mul3A_248 {strides = array<i32>} : memref<128x32xf32, #tpu.memory_space<vmem>>, vector<16xf32>,
          %mul3A_252 = arith.constant 16 : i32
          %mul3A_253 = arith.muli %scan3A_44, %mul3A_252 : i32
          %add3A_254 = arith.constant 9 : i32
          %add3A_255 = arith.addi %mul3A_253, %add3A_254 : i32
          %slice3A_256 = vector.extract_strided_slice %get3A_48 {offsets = [9], sizes = [1], strides = [1]} : vector<16xf32> to vector<1xf32>
          %squeeze3A_257 = vector.extract %slice3A_256[0] : f32 from vector<1xf32>
          %broadcast_in_dim3A_258 = vector.broadcast %squeeze3A_257 : f32 to vector<16xf32>
          %get3A_259 = arith.index_cast %add3A_255 : i32 to index
          %get3A_260 = arith.index_cast %multiple_of3A : i32 to index
          %get3A_261 = tpu.vector_load %arg10[%get3A_259, %get3A_260] {strides = array<i32>} : memref<128x128xf32, #tpu.memory_space<vmem>>, vector<16xf32>,
          %mul3A_262 = arith.mulf %get3A_261, %broadcast_in_dim3A_258 : vector<16xf32>
          %swap3A_263 = arith.index_cast %add3A_255 : i32 to index
          %swap3A_264 = arith.constant 0 : index
          %swap3A_265 = tpu.vector_load %arg11[%swap3A_263, %swap3A_264] {strides = array<i32>} : memref<128x32xf32, #tpu.memory_space<vmem>>, vector<16xf32>,
          tpu.vector_store %arg11[%swap3A_263, %swap3A_264], %mul3A_262 {strides = array<i32>} : memref<128x32xf32, #tpu.memory_space<vmem>>, vector<16xf32>,
          %add3A_266 = arith.constant 16 : i32
          %add3A_267 = arith.addi %multiple_of3A, %add3A_266 : i32
          %get3A_268 = arith.index_cast %add3A_255 : i32 to index
          %get3A_269 = arith.index_cast %add3A_267 : i32 to index
          %get3A_270 = tpu.vector_load %arg10[%get3A_268, %get3A_269] {strides = array<i32>} : memref<128x128xf32, #tpu.memory_space<vmem>>, vector<16xf32>,
          %mul3A_271 = arith.mulf %get3A_270, %broadcast_in_dim3A_258 : vector<16xf32>
          %swap3A_272 = arith.index_cast %add3A_255 : i32 to index
          %swap3A_273 = arith.constant 16 : index
          %swap3A_274 = tpu.vector_load %arg11[%swap3A_272, %swap3A_273] {strides = array<i32>} : memref<128x32xf32, #tpu.memory_space<vmem>>, vector<16xf32>,
          tpu.vector_store %arg11[%swap3A_272, %swap3A_273], %mul3A_271 {strides = array<i32>} : memref<128x32xf32, #tpu.memory_space<vmem>>, vector<16xf32>,
          %mul3A_275 = arith.constant 16 : i32
          %mul3A_276 = arith.muli %scan3A_44, %mul3A_275 : i32
          %add3A_277 = arith.constant 10 : i32
          %add3A_278 = arith.addi %mul3A_276, %add3A_277 : i32
          %slice3A_279 = vector.extract_strided_slice %get3A_48 {offsets = [10], sizes = [1], strides = [1]} : vector<16xf32> to vector<1xf32>
          %squeeze3A_280 = vector.extract %slice3A_279[0] : f32 from vector<1xf32>
          %broadcast_in_dim3A_281 = vector.broadcast %squeeze3A_280 : f32 to vector<16xf32>
          %get3A_282 = arith.index_cast %add3A_278 : i32 to index
          %get3A_283 = arith.index_cast %multiple_of3A : i32 to index
          %get3A_284 = tpu.vector_load %arg10[%get3A_282, %get3A_283] {strides = array<i32>} : memref<128x128xf32, #tpu.memory_space<vmem>>, vector<16xf32>,
          %mul3A_285 = arith.mulf %get3A_284, %broadcast_in_dim3A_281 : vector<16xf32>
          %swap3A_286 = arith.index_cast %add3A_278 : i32 to index
          %swap3A_287 = arith.constant 0 : index
          %swap3A_288 = tpu.vector_load %arg11[%swap3A_286, %swap3A_287] {strides = array<i32>} : memref<128x32xf32, #tpu.memory_space<vmem>>, vector<16xf32>,
          tpu.vector_store %arg11[%swap3A_286, %swap3A_287], %mul3A_285 {strides = array<i32>} : memref<128x32xf32, #tpu.memory_space<vmem>>, vector<16xf32>,
          %add3A_289 = arith.constant 16 : i32
          %add3A_290 = arith.addi %multiple_of3A, %add3A_289 : i32
          %get3A_291 = arith.index_cast %add3A_278 : i32 to index
          %get3A_292 = arith.index_cast %add3A_290 : i32 to index
          %get3A_293 = tpu.vector_load %arg10[%get3A_291, %get3A_292] {strides = array<i32>} : memref<128x128xf32, #tpu.memory_space<vmem>>, vector<16xf32>,
          %mul3A_294 = arith.mulf %get3A_293, %broadcast_in_dim3A_281 : vector<16xf32>
          %swap3A_295 = arith.index_cast %add3A_278 : i32 to index
          %swap3A_296 = arith.constant 16 : index
          %swap3A_297 = tpu.vector_load %arg11[%swap3A_295, %swap3A_296] {strides = array<i32>} : memref<128x32xf32, #tpu.memory_space<vmem>>, vector<16xf32>,
          tpu.vector_store %arg11[%swap3A_295, %swap3A_296], %mul3A_294 {strides = array<i32>} : memref<128x32xf32, #tpu.memory_space<vmem>>, vector<16xf32>,
          %mul3A_298 = arith.constant 16 : i32
          %mul3A_299 = arith.muli %scan3A_44, %mul3A_298 : i32
          %add3A_300 = arith.constant 11 : i32
          %add3A_301 = arith.addi %mul3A_299, %add3A_300 : i32
          %slice3A_302 = vector.extract_strided_slice %get3A_48 {offsets = [11], sizes = [1], strides = [1]} : vector<16xf32> to vector<1xf32>
          %squeeze3A_303 = vector.extract %slice3A_302[0] : f32 from vector<1xf32>
          %broadcast_in_dim3A_304 = vector.broadcast %squeeze3A_303 : f32 to vector<16xf32>
          %get3A_305 = arith.index_cast %add3A_301 : i32 to index
          %get3A_306 = arith.index_cast %multiple_of3A : i32 to index
          %get3A_307 = tpu.vector_load %arg10[%get3A_305, %get3A_306] {strides = array<i32>} : memref<128x128xf32, #tpu.memory_space<vmem>>, vector<16xf32>,
          %mul3A_308 = arith.mulf %get3A_307, %broadcast_in_dim3A_304 : vector<16xf32>
          %swap3A_309 = arith.index_cast %add3A_301 : i32 to index
          %swap3A_310 = arith.constant 0 : index
          %swap3A_311 = tpu.vector_load %arg11[%swap3A_309, %swap3A_310] {strides = array<i32>} : memref<128x32xf32, #tpu.memory_space<vmem>>, vector<16xf32>,
          tpu.vector_store %arg11[%swap3A_309, %swap3A_310], %mul3A_308 {strides = array<i32>} : memref<128x32xf32, #tpu.memory_space<vmem>>, vector<16xf32>,
          %add3A_312 = arith.constant 16 : i32
          %add3A_313 = arith.addi %multiple_of3A, %add3A_312 : i32
          %get3A_314 = arith.index_cast %add3A_301 : i32 to index
          %get3A_315 = arith.index_cast %add3A_313 : i32 to index
          %get3A_316 = tpu.vector_load %arg10[%get3A_314, %get3A_315] {strides = array<i32>} : memref<128x128xf32, #tpu.memory_space<vmem>>, vector<16xf32>,
          %mul3A_317 = arith.mulf %get3A_316, %broadcast_in_dim3A_304 : vector<16xf32>
          %swap3A_318 = arith.index_cast %add3A_301 : i32 to index
          %swap3A_319 = arith.constant 16 : index
          %swap3A_320 = tpu.vector_load %arg11[%swap3A_318, %swap3A_319] {strides = array<i32>} : memref<128x32xf32, #tpu.memory_space<vmem>>, vector<16xf32>,
          tpu.vector_store %arg11[%swap3A_318, %swap3A_319], %mul3A_317 {strides = array<i32>} : memref<128x32xf32, #tpu.memory_space<vmem>>, vector<16xf32>,
          %mul3A_321 = arith.constant 16 : i32
          %mul3A_322 = arith.muli %scan3A_44, %mul3A_321 : i32
          %add3A_323 = arith.constant 12 : i32
          %add3A_324 = arith.addi %mul3A_322, %add3A_323 : i32
          %slice3A_325 = vector.extract_strided_slice %get3A_48 {offsets = [12], sizes = [1], strides = [1]} : vector<16xf32> to vector<1xf32>
          %squeeze3A_326 = vector.extract %slice3A_325[0] : f32 from vector<1xf32>
          %broadcast_in_dim3A_327 = vector.broadcast %squeeze3A_326 : f32 to vector<16xf32>
          %get3A_328 = arith.index_cast %add3A_324 : i32 to index
          %get3A_329 = arith.index_cast %multiple_of3A : i32 to index
          %get3A_330 = tpu.vector_load %arg10[%get3A_328, %get3A_329] {strides = array<i32>} : memref<128x128xf32, #tpu.memory_space<vmem>>, vector<16xf32>,
          %mul3A_331 = arith.mulf %get3A_330, %broadcast_in_dim3A_327 : vector<16xf32>
          %swap3A_332 = arith.index_cast %add3A_324 : i32 to index
          %swap3A_333 = arith.constant 0 : index
          %swap3A_334 = tpu.vector_load %arg11[%swap3A_332, %swap3A_333] {strides = array<i32>} : memref<128x32xf32, #tpu.memory_space<vmem>>, vector<16xf32>,
          tpu.vector_store %arg11[%swap3A_332, %swap3A_333], %mul3A_331 {strides = array<i32>} : memref<128x32xf32, #tpu.memory_space<vmem>>, vector<16xf32>,
          %add3A_335 = arith.constant 16 : i32
          %add3A_336 = arith.addi %multiple_of3A, %add3A_335 : i32
          %get3A_337 = arith.index_cast %add3A_324 : i32 to index
          %get3A_338 = arith.index_cast %add3A_336 : i32 to index
          %get3A_339 = tpu.vector_load %arg10[%get3A_337, %get3A_338] {strides = array<i32>} : memref<128x128xf32, #tpu.memory_space<vmem>>, vector<16xf32>,
          %mul3A_340 = arith.mulf %get3A_339, %broadcast_in_dim3A_327 : vector<16xf32>
          %swap3A_341 = arith.index_cast %add3A_324 : i32 to index
          %swap3A_342 = arith.constant 16 : index
          %swap3A_343 = tpu.vector_load %arg11[%swap3A_341, %swap3A_342] {strides = array<i32>} : memref<128x32xf32, #tpu.memory_space<vmem>>, vector<16xf32>,
          tpu.vector_store %arg11[%swap3A_341, %swap3A_342], %mul3A_340 {strides = array<i32>} : memref<128x32xf32, #tpu.memory_space<vmem>>, vector<16xf32>,
          %mul3A_344 = arith.constant 16 : i32
          %mul3A_345 = arith.muli %scan3A_44, %mul3A_344 : i32
          %add3A_346 = arith.constant 13 : i32
          %add3A_347 = arith.addi %mul3A_345, %add3A_346 : i32
          %slice3A_348 = vector.extract_strided_slice %get3A_48 {offsets = [13], sizes = [1], strides = [1]} : vector<16xf32> to vector<1xf32>
          %squeeze3A_349 = vector.extract %slice3A_348[0] : f32 from vector<1xf32>
          %broadcast_in_dim3A_350 = vector.broadcast %squeeze3A_349 : f32 to vector<16xf32>
          %get3A_351 = arith.index_cast %add3A_347 : i32 to index
          %get3A_352 = arith.index_cast %multiple_of3A : i32 to index
          %get3A_353 = tpu.vector_load %arg10[%get3A_351, %get3A_352] {strides = array<i32>} : memref<128x128xf32, #tpu.memory_space<vmem>>, vector<16xf32>,
          %mul3A_354 = arith.mulf %get3A_353, %broadcast_in_dim3A_350 : vector<16xf32>
          %swap3A_355 = arith.index_cast %add3A_347 : i32 to index
          %swap3A_356 = arith.constant 0 : index
          %swap3A_357 = tpu.vector_load %arg11[%swap3A_355, %swap3A_356] {strides = array<i32>} : memref<128x32xf32, #tpu.memory_space<vmem>>, vector<16xf32>,
          tpu.vector_store %arg11[%swap3A_355, %swap3A_356], %mul3A_354 {strides = array<i32>} : memref<128x32xf32, #tpu.memory_space<vmem>>, vector<16xf32>,
          %add3A_358 = arith.constant 16 : i32
          %add3A_359 = arith.addi %multiple_of3A, %add3A_358 : i32
          %get3A_360 = arith.index_cast %add3A_347 : i32 to index
          %get3A_361 = arith.index_cast %add3A_359 : i32 to index
          %get3A_362 = tpu.vector_load %arg10[%get3A_360, %get3A_361] {strides = array<i32>} : memref<128x128xf32, #tpu.memory_space<vmem>>, vector<16xf32>,
          %mul3A_363 = arith.mulf %get3A_362, %broadcast_in_dim3A_350 : vector<16xf32>
          %swap3A_364 = arith.index_cast %add3A_347 : i32 to index
          %swap3A_365 = arith.constant 16 : index
          %swap3A_366 = tpu.vector_load %arg11[%swap3A_364, %swap3A_365] {strides = array<i32>} : memref<128x32xf32, #tpu.memory_space<vmem>>, vector<16xf32>,
          tpu.vector_store %arg11[%swap3A_364, %swap3A_365], %mul3A_363 {strides = array<i32>} : memref<128x32xf32, #tpu.memory_space<vmem>>, vector<16xf32>,
          %mul3A_367 = arith.constant 16 : i32
          %mul3A_368 = arith.muli %scan3A_44, %mul3A_367 : i32
          %add3A_369 = arith.constant 14 : i32
          %add3A_370 = arith.addi %mul3A_368, %add3A_369 : i32
          %slice3A_371 = vector.extract_strided_slice %get3A_48 {offsets = [14], sizes = [1], strides = [1]} : vector<16xf32> to vector<1xf32>
          %squeeze3A_372 = vector.extract %slice3A_371[0] : f32 from vector<1xf32>
          %broadcast_in_dim3A_373 = vector.broadcast %squeeze3A_372 : f32 to vector<16xf32>
          %get3A_374 = arith.index_cast %add3A_370 : i32 to index
          %get3A_375 = arith.index_cast %multiple_of3A : i32 to index
          %get3A_376 = tpu.vector_load %arg10[%get3A_374, %get3A_375] {strides = array<i32>} : memref<128x128xf32, #tpu.memory_space<vmem>>, vector<16xf32>,
          %mul3A_377 = arith.mulf %get3A_376, %broadcast_in_dim3A_373 : vector<16xf32>
          %swap3A_378 = arith.index_cast %add3A_370 : i32 to index
          %swap3A_379 = arith.constant 0 : index
          %swap3A_380 = tpu.vector_load %arg11[%swap3A_378, %swap3A_379] {strides = array<i32>} : memref<128x32xf32, #tpu.memory_space<vmem>>, vector<16xf32>,
          tpu.vector_store %arg11[%swap3A_378, %swap3A_379], %mul3A_377 {strides = array<i32>} : memref<128x32xf32, #tpu.memory_space<vmem>>, vector<16xf32>,
          %add3A_381 = arith.constant 16 : i32
          %add3A_382 = arith.addi %multiple_of3A, %add3A_381 : i32
          %get3A_383 = arith.index_cast %add3A_370 : i32 to index
          %get3A_384 = arith.index_cast %add3A_382 : i32 to index
          %get3A_385 = tpu.vector_load %arg10[%get3A_383, %get3A_384] {strides = array<i32>} : memref<128x128xf32, #tpu.memory_space<vmem>>, vector<16xf32>,
          %mul3A_386 = arith.mulf %get3A_385, %broadcast_in_dim3A_373 : vector<16xf32>
          %swap3A_387 = arith.index_cast %add3A_370 : i32 to index
          %swap3A_388 = arith.constant 16 : index
          %swap3A_389 = tpu.vector_load %arg11[%swap3A_387, %swap3A_388] {strides = array<i32>} : memref<128x32xf32, #tpu.memory_space<vmem>>, vector<16xf32>,
          tpu.vector_store %arg11[%swap3A_387, %swap3A_388], %mul3A_386 {strides = array<i32>} : memref<128x32xf32, #tpu.memory_space<vmem>>, vector<16xf32>,
          %mul3A_390 = arith.constant 16 : i32
          %mul3A_391 = arith.muli %scan3A_44, %mul3A_390 : i32
          %add3A_392 = arith.constant 15 : i32
          %add3A_393 = arith.addi %mul3A_391, %add3A_392 : i32
          %slice3A_394 = vector.extract_strided_slice %get3A_48 {offsets = [15], sizes = [1], strides = [1]} : vector<16xf32> to vector<1xf32>
          %squeeze3A_395 = vector.extract %slice3A_394[0] : f32 from vector<1xf32>
          %broadcast_in_dim3A_396 = vector.broadcast %squeeze3A_395 : f32 to vector<16xf32>
          %get3A_397 = arith.index_cast %add3A_393 : i32 to index
          %get3A_398 = arith.index_cast %multiple_of3A : i32 to index
          %get3A_399 = tpu.vector_load %arg10[%get3A_397, %get3A_398] {strides = array<i32>} : memref<128x128xf32, #tpu.memory_space<vmem>>, vector<16xf32>,
          %mul3A_400 = arith.mulf %get3A_399, %broadcast_in_dim3A_396 : vector<16xf32>
          %swap3A_401 = arith.index_cast %add3A_393 : i32 to index
          %swap3A_402 = arith.constant 0 : index
          %swap3A_403 = tpu.vector_load %arg11[%swap3A_401, %swap3A_402] {strides = array<i32>} : memref<128x32xf32, #tpu.memory_space<vmem>>, vector<16xf32>,
          tpu.vector_store %arg11[%swap3A_401, %swap3A_402], %mul3A_400 {strides = array<i32>} : memref<128x32xf32, #tpu.memory_space<vmem>>, vector<16xf32>,
          %add3A_404 = arith.constant 16 : i32
          %add3A_405 = arith.addi %multiple_of3A, %add3A_404 : i32
          %get3A_406 = arith.index_cast %add3A_393 : i32 to index
          %get3A_407 = arith.index_cast %add3A_405 : i32 to index
          %get3A_408 = tpu.vector_load %arg10[%get3A_406, %get3A_407] {strides = array<i32>} : memref<128x128xf32, #tpu.memory_space<vmem>>, vector<16xf32>,
          %mul3A_409 = arith.mulf %get3A_408, %broadcast_in_dim3A_396 : vector<16xf32>
          %swap3A_410 = arith.index_cast %add3A_393 : i32 to index
          %swap3A_411 = arith.constant 16 : index
          %swap3A_412 = tpu.vector_load %arg11[%swap3A_410, %swap3A_411] {strides = array<i32>} : memref<128x32xf32, #tpu.memory_space<vmem>>, vector<16xf32>,
          tpu.vector_store %arg11[%swap3A_410, %swap3A_411], %mul3A_409 {strides = array<i32>} : memref<128x32xf32, #tpu.memory_space<vmem>>, vector<16xf32>,
        }
        %scan3A_43 = arith.constant 8 : i32
        "tpu.region"() ({
          %run_scoped3A = tpu.sem_alloc : memref<!tpu.dma_semaphore, #tpu.memory_space<semaphore_mem>>
          %dma_start3A = arith.constant 0 : i32
          %dma_start3A_44 = tpu.memref_slice %arg8[%scan3A_37, %dma_start3A] : memref<16x128xi32, #tpu.memory_space<vmem>> -> memref<1x128xi32, #tpu.memory_space<vmem>>
          %dma_start3A_45 = tpu.memref_squeeze %dma_start3A_44 : memref<1x128xi32, #tpu.memory_space<vmem>> -> memref<128xi32, #tpu.memory_space<vmem>>
          %dma_start3A_46 = arith.constant 0 : i32
          %dma_start3A_47 = arith.constant 0 : i32
          %dma_start3A_48 = tpu.memref_slice %arg14[%dma_start3A_46, %dma_start3A_47] : memref<50176x32xf32, #tpu.memory_space<vmem_shared>> -> memref<50176x32xf32, #tpu.memory_space<vmem_shared>>
          tpu.enqueue_indirect_dma source(%arg11 : memref<128x32xf32, #tpu.memory_space<vmem>>) target(%dma_start3A_48 : memref<50176x32xf32, #tpu.memory_space<vmem_shared>>) offsets(%dma_start3A_45 : memref<128xi32, #tpu.memory_space<vmem>>) semaphore(%run_scoped3A : memref<!tpu.dma_semaphore, #tpu.memory_space<semaphore_mem>>) {add = true}
          %dma_wait3A = arith.constant 0 : i32
          %dma_wait3A_49 = tpu.memref_slice %arg8[%scan3A_37, %dma_wait3A] : memref<16x128xi32, #tpu.memory_space<vmem>> -> memref<1x128xi32, #tpu.memory_space<vmem>>
          %dma_wait3A_50 = tpu.memref_squeeze %dma_wait3A_49 : memref<1x128xi32, #tpu.memory_space<vmem>> -> memref<128xi32, #tpu.memory_space<vmem>>
          %dma_wait3A_51 = arith.constant 0 : i32
          %dma_wait3A_52 = arith.constant 0 : i32
          %dma_wait3A_53 = tpu.memref_slice %arg14[%dma_wait3A_51, %dma_wait3A_52] : memref<50176x32xf32, #tpu.memory_space<vmem_shared>> -> memref<50176x32xf32, #tpu.memory_space<vmem_shared>>
          tpu.wait_indirect_dma semaphore(%run_scoped3A : memref<!tpu.dma_semaphore, #tpu.memory_space<semaphore_mem>>) src(%arg11 : memref<128x32xf32, #tpu.memory_space<vmem>>) dst(%dma_wait3A_53 : memref<50176x32xf32, #tpu.memory_space<vmem_shared>>)
          tpu.yield
        }) : () -> ()
      }
      %scan3A_36 = arith.constant 16 : i32
    }
    %scan3A_19 = arith.constant 26 : i32
    %barrier3A_20 = arith.constant 0 : index
    tpu.barrier barrier_id(%barrier3A_20)
    %scan3A_21 = arith.constant 0 : i32
    %scan3A_22 = arith.constant 0 : i32
    %scan3A_23 = arith.constant 49 : i32
    %scan3A_24 = arith.addi %scan3A_22, %scan3A_23 : i32
    %scan3A_25 = arith.constant 1 : i32
    scf.for %scan3A_27 = %scan3A_22 to %scan3A_24 step %scan3A_25  : i32 {
      %mul3A_28 = arith.constant 3136 : i32
      %mul3A_29 = arith.muli %arg1, %mul3A_28 : i32
      %mul3A_30 = arith.constant 64 : i32
      %mul3A_31 = arith.muli %scan3A_27, %mul3A_30 : i32
      %add3A = arith.addi %mul3A_29, %mul3A_31 : i32
      "tpu.region"() ({
        %run_scoped3A = tpu.sem_alloc : memref<!tpu.dma_semaphore, #tpu.memory_space<semaphore_mem>>
        %dma_start3A = arith.constant 0 : i32
        %dma_start3A_58 = tpu.memref_slice %arg14[%add3A, %dma_start3A] : memref<50176x32xf32, #tpu.memory_space<vmem_shared>> -> memref<64x32xf32, #tpu.memory_space<vmem_shared>>
        %dma_start3A_59 = arith.constant 0 : i32
        %dma_start3A_60 = tpu.memref_slice %arg14[%add3A, %dma_start3A_59] : memref<50176x32xf32, #tpu.memory_space<vmem_shared>> -> memref<64x32xf32, #tpu.memory_space<vmem_shared>>
        tpu.enqueue_dma source(%dma_start3A_60 : memref<64x32xf32, #tpu.memory_space<vmem_shared>>) target(%arg12 : memref<64x32xf32, #tpu.memory_space<vmem>>) target_semaphore(%run_scoped3A : memref<!tpu.dma_semaphore, #tpu.memory_space<semaphore_mem>>)
        %dma_wait3A = arith.constant 0 : i32
        %dma_wait3A_61 = tpu.memref_slice %arg14[%add3A, %dma_wait3A] : memref<50176x32xf32, #tpu.memory_space<vmem_shared>> -> memref<64x32xf32, #tpu.memory_space<vmem_shared>>
        %dma_wait3A_62 = arith.constant 0 : i32
        %dma_wait3A_63 = tpu.memref_slice %arg14[%add3A, %dma_wait3A_62] : memref<50176x32xf32, #tpu.memory_space<vmem_shared>> -> memref<64x32xf32, #tpu.memory_space<vmem_shared>>
        tpu.wait_dma2 semaphore(%run_scoped3A : memref<!tpu.dma_semaphore, #tpu.memory_space<semaphore_mem>>) src(%dma_wait3A_63 : memref<64x32xf32, #tpu.memory_space<vmem_shared>>) dst(%arg12 : memref<64x32xf32, #tpu.memory_space<vmem>>)
        tpu.yield
      }) : () -> ()
      %scan3A_32 = arith.constant 0 : i32
      %scan3A_33 = arith.constant 0 : i32
      %scan3A_34 = arith.constant 128 : i32
      %scan3A_35 = arith.addi %scan3A_33, %scan3A_34 : i32
      %scan3A_36 = arith.constant 1 : i32
      scf.for %scan3A_58 = %scan3A_33 to %scan3A_35 step %scan3A_36  : i32 {
        %mul3A_59 = arith.constant 16 : i32
        %mul3A_60 = arith.muli %scan3A_58, %mul3A_59 : i32
        %jit3A_61 = arith.constant 32 : i32
        %div3A_62 = arith.divsi %mul3A_60, %jit3A_61 : i32
        %sign3A_63 = arith.constant 0 : i32
        %sign3A_64 = arith.cmpi sgt, %mul3A_60, %sign3A_63 : i32
        %sign3A_65 = arith.extui %sign3A_64 : i1 to i32
        %sign3A_66 = arith.constant 0 : i32
        %sign3A_67 = arith.cmpi slt, %mul3A_60, %sign3A_66 : i32
        %sign3A_68 = arith.extui %sign3A_67 : i1 to i32
        %sign3A_69 = arith.subi %sign3A_65, %sign3A_68 : i32
        %sign3A_70 = arith.constant 0 : i32
        %sign3A_71 = arith.cmpi sgt, %jit3A_61, %sign3A_70 : i32
        %sign3A_72 = arith.extui %sign3A_71 : i1 to i32
        %sign3A_73 = arith.constant 0 : i32
        %sign3A_74 = arith.cmpi slt, %jit3A_61, %sign3A_73 : i32
        %sign3A_75 = arith.extui %sign3A_74 : i1 to i32
        %sign3A_76 = arith.subi %sign3A_72, %sign3A_75 : i32
        %ne3A_77 = arith.cmpi ne, %sign3A_69, %sign3A_76 : i32
        %rem3A_78 = arith.remsi %mul3A_60, %jit3A_61 : i32
        %ne3A_79 = arith.constant 0 : i32
        %ne3A_80 = arith.cmpi ne, %rem3A_78, %ne3A_79 : i32
        %and3A_81 = arith.andi %ne3A_77, %ne3A_80 : i1
        %sub3A_82 = arith.constant 1 : i32
        %sub3A_83 = arith.subi %div3A_62, %sub3A_82 : i32
        %select_n3A_84 = arith.select %and3A_81, %sub3A_83, %div3A_62 : i32
        %jit3A_85 = arith.constant 32 : i32
        %eq3A = arith.constant 0 : i32
        %eq3A_86 = arith.cmpi eq, %jit3A_85, %eq3A : i32
        %jit3A_87 = arith.constant 1 : i32
        %select_n3A_88 = arith.select %eq3A_86, %jit3A_87, %jit3A_85 : i32
        %rem3A_89 = arith.remsi %mul3A_60, %select_n3A_88 : i32
        %ne3A_90 = arith.constant 0 : i32
        %ne3A_91 = arith.cmpi ne, %rem3A_89, %ne3A_90 : i32
        %lt3A = arith.constant 0 : i32
        %lt3A_92 = arith.cmpi slt, %rem3A_89, %lt3A : i32
        %lt3A_93 = arith.constant 0 : i32
        %lt3A_94 = arith.cmpi slt, %select_n3A_88, %lt3A_93 : i32
        %ne3A_95 = arith.xori %lt3A_92, %lt3A_94 : i1
        %and3A_96 = arith.andi %ne3A_95, %ne3A_91 : i1
        %add3A_97 = arith.addi %rem3A_89, %select_n3A_88 : i32
        %select_n3A_98 = arith.select %and3A_96, %add3A_97, %rem3A_89 : i32
        %get3A = arith.index_cast %select_n3A_84 : i32 to index
        %get3A_99 = arith.index_cast %select_n3A_98 : i32 to index
        %get3A_100 = tpu.vector_load %arg12[%get3A, %get3A_99] {strides = array<i32>} : memref<64x32xf32, #tpu.memory_space<vmem>>, vector<16xf32>,
        %jit3A_101 = arith.constant 128 : i32
        %div3A_102 = arith.divsi %mul3A_60, %jit3A_101 : i32
        %sign3A_103 = arith.constant 0 : i32
        %sign3A_104 = arith.cmpi sgt, %mul3A_60, %sign3A_103 : i32
        %sign3A_105 = arith.extui %sign3A_104 : i1 to i32
        %sign3A_106 = arith.constant 0 : i32
        %sign3A_107 = arith.cmpi slt, %mul3A_60, %sign3A_106 : i32
        %sign3A_108 = arith.extui %sign3A_107 : i1 to i32
        %sign3A_109 = arith.subi %sign3A_105, %sign3A_108 : i32
        %sign3A_110 = arith.constant 0 : i32
        %sign3A_111 = arith.cmpi sgt, %jit3A_101, %sign3A_110 : i32
        %sign3A_112 = arith.extui %sign3A_111 : i1 to i32
        %sign3A_113 = arith.constant 0 : i32
        %sign3A_114 = arith.cmpi slt, %jit3A_101, %sign3A_113 : i32
        %sign3A_115 = arith.extui %sign3A_114 : i1 to i32
        %sign3A_116 = arith.subi %sign3A_112, %sign3A_115 : i32
        %ne3A_117 = arith.cmpi ne, %sign3A_109, %sign3A_116 : i32
        %rem3A_118 = arith.remsi %mul3A_60, %jit3A_101 : i32
        %ne3A_119 = arith.constant 0 : i32
        %ne3A_120 = arith.cmpi ne, %rem3A_118, %ne3A_119 : i32
        %and3A_121 = arith.andi %ne3A_117, %ne3A_120 : i1
        %sub3A_122 = arith.constant 1 : i32
        %sub3A_123 = arith.subi %div3A_102, %sub3A_122 : i32
        %select_n3A_124 = arith.select %and3A_121, %sub3A_123, %div3A_102 : i32
        %jit3A_125 = arith.constant 128 : i32
        %eq3A_126 = arith.constant 0 : i32
        %eq3A_127 = arith.cmpi eq, %jit3A_125, %eq3A_126 : i32
        %jit3A_128 = arith.constant 1 : i32
        %select_n3A_129 = arith.select %eq3A_127, %jit3A_128, %jit3A_125 : i32
        %rem3A_130 = arith.remsi %mul3A_60, %select_n3A_129 : i32
        %ne3A_131 = arith.constant 0 : i32
        %ne3A_132 = arith.cmpi ne, %rem3A_130, %ne3A_131 : i32
        %lt3A_133 = arith.constant 0 : i32
        %lt3A_134 = arith.cmpi slt, %rem3A_130, %lt3A_133 : i32
        %lt3A_135 = arith.constant 0 : i32
        %lt3A_136 = arith.cmpi slt, %select_n3A_129, %lt3A_135 : i32
        %ne3A_137 = arith.xori %lt3A_134, %lt3A_136 : i1
        %and3A_138 = arith.andi %ne3A_137, %ne3A_132 : i1
        %add3A_139 = arith.addi %rem3A_130, %select_n3A_129 : i32
        %select_n3A_140 = arith.select %and3A_138, %add3A_139, %rem3A_130 : i32
        %swap3A = arith.index_cast %select_n3A_124 : i32 to index
        %swap3A_141 = arith.index_cast %select_n3A_140 : i32 to index
        %swap3A_142 = tpu.vector_load %arg13[%swap3A, %swap3A_141] {strides = array<i32>} : memref<16x128xf32, #tpu.memory_space<vmem>>, vector<16xf32>,
        tpu.vector_store %arg13[%swap3A, %swap3A_141], %get3A_100 {strides = array<i32>} : memref<16x128xf32, #tpu.memory_space<vmem>>, vector<16xf32>,
      }
      %scan3A_37 = arith.constant 128 : i32
      %mul3A_38 = arith.constant 12544 : i32
      %mul3A_39 = arith.muli %arg0, %mul3A_38 : i32
      %jit3A = arith.constant 4 : i32
      %div3A = arith.divsi %add3A, %jit3A : i32
      %sign3A = arith.constant 0 : i32
      %sign3A_40 = arith.cmpi sgt, %add3A, %sign3A : i32
      %sign3A_41 = arith.extui %sign3A_40 : i1 to i32
      %sign3A_42 = arith.constant 0 : i32
      %sign3A_43 = arith.cmpi slt, %add3A, %sign3A_42 : i32
      %sign3A_44 = arith.extui %sign3A_43 : i1 to i32
      %sign3A_45 = arith.subi %sign3A_41, %sign3A_44 : i32
      %sign3A_46 = arith.constant 0 : i32
      %sign3A_47 = arith.cmpi sgt, %jit3A, %sign3A_46 : i32
      %sign3A_48 = arith.extui %sign3A_47 : i1 to i32
      %sign3A_49 = arith.constant 0 : i32
      %sign3A_50 = arith.cmpi slt, %jit3A, %sign3A_49 : i32
      %sign3A_51 = arith.extui %sign3A_50 : i1 to i32
      %sign3A_52 = arith.subi %sign3A_48, %sign3A_51 : i32
      %ne3A = arith.cmpi ne, %sign3A_45, %sign3A_52 : i32
      %rem3A = arith.remsi %add3A, %jit3A : i32
      %ne3A_53 = arith.constant 0 : i32
      %ne3A_54 = arith.cmpi ne, %rem3A, %ne3A_53 : i32
      %and3A = arith.andi %ne3A, %ne3A_54 : i1
      %sub3A = arith.constant 1 : i32
      %sub3A_55 = arith.subi %div3A, %sub3A : i32
      %select_n3A = arith.select %and3A, %sub3A_55, %div3A : i32
      %add3A_56 = arith.addi %mul3A_39, %select_n3A : i32
      %multiple_of3A_57 = tpu.assume_multiple %add3A_56, 8 : i32
      "tpu.region"() ({
        %run_scoped3A = tpu.sem_alloc : memref<!tpu.dma_semaphore, #tpu.memory_space<semaphore_mem>>
        %dma_start3A = arith.constant 0 : i32
        %dma_start3A_58 = tpu.memref_slice %arg6[%multiple_of3A_57, %dma_start3A] : memref<25088x128xf32, #tpu.memory_space<hbm>> -> memref<16x128xf32, #tpu.memory_space<hbm>>
        %dma_start3A_59 = arith.constant 0 : i32
        %dma_start3A_60 = tpu.memref_slice %arg6[%multiple_of3A_57, %dma_start3A_59] : memref<25088x128xf32, #tpu.memory_space<hbm>> -> memref<16x128xf32, #tpu.memory_space<hbm>>
        tpu.enqueue_dma source(%arg13 : memref<16x128xf32, #tpu.memory_space<vmem>>) target(%dma_start3A_60 : memref<16x128xf32, #tpu.memory_space<hbm>>) target_semaphore(%run_scoped3A : memref<!tpu.dma_semaphore, #tpu.memory_space<semaphore_mem>>)
        %dma_wait3A = arith.constant 0 : i32
        %dma_wait3A_61 = tpu.memref_slice %arg6[%multiple_of3A_57, %dma_wait3A] : memref<25088x128xf32, #tpu.memory_space<hbm>> -> memref<16x128xf32, #tpu.memory_space<hbm>>
        %dma_wait3A_62 = arith.constant 0 : i32
        %dma_wait3A_63 = tpu.memref_slice %arg6[%multiple_of3A_57, %dma_wait3A_62] : memref<25088x128xf32, #tpu.memory_space<hbm>> -> memref<16x128xf32, #tpu.memory_space<hbm>>
        tpu.wait_dma2 semaphore(%run_scoped3A : memref<!tpu.dma_semaphore, #tpu.memory_space<semaphore_mem>>) src(%arg13 : memref<16x128xf32, #tpu.memory_space<vmem>>) dst(%dma_wait3A_63 : memref<16x128xf32, #tpu.memory_space<hbm>>)
        tpu.yield
      }) : () -> ()
    }
    %scan3A_26 = arith.constant 49 : i32
    return
  }
}

module attributes {stable_mosaic.version = 14 : i64} {
  func.func @_prep_body(%arg0: i32, %arg1: memref<3136x8xf32, #tpu.memory_space<vmem>>, %arg2: memref<8x64xf32, #tpu.memory_space<vmem>>, %arg3: memref<1x64xf32, #tpu.memory_space<vmem>>, %arg4: memref<1x64xf32, #tpu.memory_space<vmem>>, %arg5: memref<1x64xf32, #tpu.memory_space<vmem>>, %arg6: memref<64x64xf32, #tpu.memory_space<vmem>>, %arg7: memref<1x64xf32, #tpu.memory_space<vmem>>, %arg8: memref<1x64xf32, #tpu.memory_space<vmem>>, %arg9: memref<3136x128xf32, #tpu.memory_space<vmem>>, %arg10: memref<3136x1xf32, #tpu.memory_space<vmem>>, %arg11: memref<3136x1xf32, #tpu.memory_space<vmem>>, %arg12: memref<8x128xf32, #tpu.memory_space<vmem>>, %arg13: memref<8x128xf32, #tpu.memory_space<vmem>>) attributes {dimension_semantics = [#tpu.dimension_semantics<arbitrary>], iteration_bounds = array<i64: 16>, scalar_prefetch = 0 : i64, scratch_operands = 0 : i64, tpu.core_type = #tpu.core_type<tc>, window_params = [{transform_indices = @transform_0, window_bounds = array<i64: 3136, 8>}, {pipeline_mode = #tpu.pipeline_mode<synchronous>, transform_indices = @transform_1, window_bounds = array<i64: 8, 64>}, {pipeline_mode = #tpu.pipeline_mode<synchronous>, transform_indices = @transform_2, window_bounds = array<i64: 1, 64>}, {pipeline_mode = #tpu.pipeline_mode<synchronous>, transform_indices = @transform_3, window_bounds = array<i64: 1, 64>}, {pipeline_mode = #tpu.pipeline_mode<synchronous>, transform_indices = @transform_4, window_bounds = array<i64: 1, 64>}, {pipeline_mode = #tpu.pipeline_mode<synchronous>, transform_indices = @transform_5, window_bounds = array<i64: 64, 64>}, {pipeline_mode = #tpu.pipeline_mode<synchronous>, transform_indices = @transform_6, window_bounds = array<i64: 1, 64>}, {pipeline_mode = #tpu.pipeline_mode<synchronous>, transform_indices = @transform_7, window_bounds = array<i64: 1, 64>}, {transform_indices = @transform_8, window_bounds = array<i64: 3136, 128>}, {transform_indices = @transform_9, window_bounds = array<i64: 3136, 1>}, {transform_indices = @transform_10, window_bounds = array<i64: 3136, 1>}, {pipeline_mode = #tpu.pipeline_mode<synchronous>, transform_indices = @transform_11, window_bounds = array<i64: 8, 128>}, {pipeline_mode = #tpu.pipeline_mode<synchronous>, transform_indices = @transform_12, window_bounds = array<i64: 8, 128>}]} {
    %get3A = arith.constant 0 : index
    %get3A_0 = arith.constant 0 : index
    %get3A_1 = vector.load %arg1[%get3A, %get3A_0] : memref<3136x8xf32, #tpu.memory_space<vmem>>, vector<3136x8xf32>
    %get3A_2 = arith.constant 0 : index
    %get3A_3 = arith.constant 0 : index
    %get3A_4 = vector.load %arg2[%get3A_2, %get3A_3] : memref<8x64xf32, #tpu.memory_space<vmem>>, vector<8x64xf32>
    %dot_general3A = arith.constant dense<0.000000e+00> : vector<3136x64xf32>
    %dot_general3A_5 = tpu.matmul %get3A_1, %get3A_4, %dot_general3A {dimension_numbers = #tpu.dot_dimension_numbers<[1], [0], [0], [1], [0, 0, 1, 1], [], []>, precision = #tpu.contract_precision<fp32>, transpose_lhs_hint = false} : vector<3136x8xf32>, vector<8x64xf32>, vector<3136x64xf32> -> vector<3136x64xf32>
    %get3A_6 = arith.constant 0 : index
    %get3A_7 = arith.constant 0 : index
    %get3A_8 = vector.load %arg3[%get3A_6, %get3A_7] : memref<1x64xf32, #tpu.memory_space<vmem>>, vector<1x64xf32>
    %add3A = vector.broadcast %get3A_8 : vector<1x64xf32> to vector<3136x64xf32>
    %add3A_9 = arith.addf %dot_general3A_5, %add3A : vector<3136x64xf32>
    %max3A = arith.constant 0.000000e+00 : f32
    %max3A_10 = vector.broadcast %max3A : f32 to vector<3136x64xf32>
    %max3A_11 = arith.maximumf %add3A_9, %max3A_10 : vector<3136x64xf32>
    %reduce_sum3A = arith.constant dense<0.000000e+00> : vector<3136xf32>
    %reduce_sum3A_12 = vector.multi_reduction <add>, %max3A_11, %reduce_sum3A [1] : vector<3136x64xf32> to vector<3136xf32>
    %broadcast_in_dim3A = vector.shape_cast %reduce_sum3A_12 : vector<3136xf32> to vector<3136x1xf32>
    %div3A = arith.constant 6.400000e+01 : f32
    %div3A_13 = vector.broadcast %div3A : f32 to vector<3136x1xf32>
    %div3A_14 = arith.divf %broadcast_in_dim3A, %div3A_13 : vector<3136x1xf32>
    %sub3A = vector.broadcast %div3A_14 : vector<3136x1xf32> to vector<3136x64xf32>
    %sub3A_15 = arith.subf %max3A_11, %sub3A : vector<3136x64xf32>
    %integer_pow3A = arith.mulf %sub3A_15, %sub3A_15 : vector<3136x64xf32>
    %reduce_sum3A_16 = arith.constant dense<0.000000e+00> : vector<3136xf32>
    %reduce_sum3A_17 = vector.multi_reduction <add>, %integer_pow3A, %reduce_sum3A_16 [1] : vector<3136x64xf32> to vector<3136xf32>
    %broadcast_in_dim3A_18 = vector.shape_cast %reduce_sum3A_17 : vector<3136xf32> to vector<3136x1xf32>
    %div3A_19 = arith.constant 6.400000e+01 : f32
    %div3A_20 = vector.broadcast %div3A_19 : f32 to vector<3136x1xf32>
    %div3A_21 = arith.divf %broadcast_in_dim3A_18, %div3A_20 : vector<3136x1xf32>
    %sub3A_22 = vector.broadcast %div3A_14 : vector<3136x1xf32> to vector<3136x64xf32>
    %sub3A_23 = arith.subf %max3A_11, %sub3A_22 : vector<3136x64xf32>
    %add3A_24 = arith.constant 9.99999974E-6 : f32
    %add3A_25 = vector.broadcast %add3A_24 : f32 to vector<3136x1xf32>
    %add3A_26 = arith.addf %div3A_21, %add3A_25 : vector<3136x1xf32>
    %sqrt3A = math.sqrt %add3A_26 : vector<3136x1xf32>
    %div3A_27 = vector.broadcast %sqrt3A : vector<3136x1xf32> to vector<3136x64xf32>
    %div3A_28 = arith.divf %sub3A_23, %div3A_27 : vector<3136x64xf32>
    %get3A_29 = arith.constant 0 : index
    %get3A_30 = arith.constant 0 : index
    %get3A_31 = vector.load %arg4[%get3A_29, %get3A_30] : memref<1x64xf32, #tpu.memory_space<vmem>>, vector<1x64xf32>
    %mul3A = vector.broadcast %get3A_31 : vector<1x64xf32> to vector<3136x64xf32>
    %mul3A_32 = arith.mulf %div3A_28, %mul3A : vector<3136x64xf32>
    %get3A_33 = arith.constant 0 : index
    %get3A_34 = arith.constant 0 : index
    %get3A_35 = vector.load %arg5[%get3A_33, %get3A_34] : memref<1x64xf32, #tpu.memory_space<vmem>>, vector<1x64xf32>
    %add3A_36 = vector.broadcast %get3A_35 : vector<1x64xf32> to vector<3136x64xf32>
    %add3A_37 = arith.addf %mul3A_32, %add3A_36 : vector<3136x64xf32>
    %get3A_38 = arith.constant 0 : index
    %get3A_39 = arith.constant 0 : index
    %get3A_40 = vector.load %arg6[%get3A_38, %get3A_39] : memref<64x64xf32, #tpu.memory_space<vmem>>, vector<64x64xf32>
    %dot_general3A_41 = arith.constant dense<0.000000e+00> : vector<3136x64xf32>
    %dot_general3A_42 = tpu.matmul %add3A_37, %get3A_40, %dot_general3A_41 {dimension_numbers = #tpu.dot_dimension_numbers<[1], [0], [0], [1], [0, 0, 1, 1], [], []>, precision = #tpu.contract_precision<fp32>, transpose_lhs_hint = false} : vector<3136x64xf32>, vector<64x64xf32>, vector<3136x64xf32> -> vector<3136x64xf32>
    %broadcast_in_dim3A_43 = arith.constant 0.000000e+00 : f32
    %broadcast_in_dim3A_44 = vector.broadcast %broadcast_in_dim3A_43 : f32 to vector<3136x64xf32>
    %concatenate3A = tpu.concatenate %dot_general3A_42, %broadcast_in_dim3A_44 in 1 : vector<3136x64xf32>, vector<3136x64xf32> -> vector<3136x128xf32>
    %swap3A = arith.constant 0 : index
    %swap3A_45 = arith.constant 0 : index
    %swap3A_46 = vector.load %arg9[%swap3A, %swap3A_45] : memref<3136x128xf32, #tpu.memory_space<vmem>>, vector<3136x128xf32>
    tpu.vector_store %arg9[%swap3A, %swap3A_45], %concatenate3A {strides = array<i32>} : memref<3136x128xf32, #tpu.memory_space<vmem>>, vector<3136x128xf32>,
    %get3A_47 = arith.constant 0 : index
    %get3A_48 = arith.constant 0 : index
    %get3A_49 = vector.load %arg7[%get3A_47, %get3A_48] : memref<1x64xf32, #tpu.memory_space<vmem>>, vector<1x64xf32>
    %mul3A_50 = vector.broadcast %get3A_49 : vector<1x64xf32> to vector<3136x64xf32>
    %mul3A_51 = arith.mulf %dot_general3A_42, %mul3A_50 : vector<3136x64xf32>
    %reduce_sum3A_52 = arith.constant dense<0.000000e+00> : vector<3136xf32>
    %reduce_sum3A_53 = vector.multi_reduction <add>, %mul3A_51, %reduce_sum3A_52 [1] : vector<3136x64xf32> to vector<3136xf32>
    %broadcast_in_dim3A_54 = vector.shape_cast %reduce_sum3A_53 : vector<3136xf32> to vector<3136x1xf32>
    %get3A_55 = arith.constant 0 : index
    %get3A_56 = arith.constant 0 : index
    %get3A_57 = vector.load %arg8[%get3A_55, %get3A_56] : memref<1x64xf32, #tpu.memory_space<vmem>>, vector<1x64xf32>
    %mul3A_58 = vector.broadcast %get3A_57 : vector<1x64xf32> to vector<3136x64xf32>
    %mul3A_59 = arith.mulf %dot_general3A_42, %mul3A_58 : vector<3136x64xf32>
    %reduce_sum3A_60 = arith.constant dense<0.000000e+00> : vector<3136xf32>
    %reduce_sum3A_61 = vector.multi_reduction <add>, %mul3A_59, %reduce_sum3A_60 [1] : vector<3136x64xf32> to vector<3136xf32>
    %broadcast_in_dim3A_62 = vector.shape_cast %reduce_sum3A_61 : vector<3136xf32> to vector<3136x1xf32>
    %swap3A_63 = arith.constant 0 : index
    %swap3A_64 = arith.constant 0 : index
    %swap3A_65 = vector.load %arg10[%swap3A_63, %swap3A_64] : memref<3136x1xf32, #tpu.memory_space<vmem>>, vector<3136x1xf32>
    tpu.vector_store %arg10[%swap3A_63, %swap3A_64], %broadcast_in_dim3A_54 {strides = array<i32>} : memref<3136x1xf32, #tpu.memory_space<vmem>>, vector<3136x1xf32>,
    %swap3A_66 = arith.constant 0 : index
    %swap3A_67 = arith.constant 0 : index
    %swap3A_68 = vector.load %arg11[%swap3A_66, %swap3A_67] : memref<3136x1xf32, #tpu.memory_space<vmem>>, vector<3136x1xf32>
    tpu.vector_store %arg11[%swap3A_66, %swap3A_67], %broadcast_in_dim3A_62 {strides = array<i32>} : memref<3136x1xf32, #tpu.memory_space<vmem>>, vector<3136x1xf32>,
    %reduce_max3A = vector.shape_cast %broadcast_in_dim3A_54 : vector<3136x1xf32> to vector<1x3136x1xf32>
    %reduce_max3A_69 = arith.constant dense<0xFF800000> : vector<1xf32>
    %reduce_max3A_70 = vector.multi_reduction <maximumf>, %reduce_max3A, %reduce_max3A_69 [1, 2] : vector<1x3136x1xf32> to vector<1xf32>
    %reduce_max3A_71 = vector.shape_cast %reduce_max3A_70 : vector<1xf32> to vector<1x1x1xf32>
    %reduce_max3A_72 = vector.extract %reduce_max3A_71[0, 0, 0] : f32 from vector<1x1x1xf32>
    %broadcast_in_dim3A_73 = vector.broadcast %reduce_max3A_72 : f32 to vector<8x128xf32>
    %reduce_max3A_74 = vector.shape_cast %broadcast_in_dim3A_62 : vector<3136x1xf32> to vector<1x3136x1xf32>
    %reduce_max3A_75 = arith.constant dense<0xFF800000> : vector<1xf32>
    %reduce_max3A_76 = vector.multi_reduction <maximumf>, %reduce_max3A_74, %reduce_max3A_75 [1, 2] : vector<1x3136x1xf32> to vector<1xf32>
    %reduce_max3A_77 = vector.shape_cast %reduce_max3A_76 : vector<1xf32> to vector<1x1x1xf32>
    %reduce_max3A_78 = vector.extract %reduce_max3A_77[0, 0, 0] : f32 from vector<1x1x1xf32>
    %broadcast_in_dim3A_79 = vector.broadcast %reduce_max3A_78 : f32 to vector<8x128xf32>
    %eq3A = arith.constant 0 : i32
    %eq3A_80 = arith.cmpi eq, %arg0, %eq3A : i32
    %convert_element_type3A = arith.extui %eq3A_80 : i1 to i32
    %cond3A = arith.constant 0 : i32
    %cond3A_81 = arith.cmpi ne, %convert_element_type3A, %cond3A : i32
    scf.if %cond3A_81 {
      %swap3A_86 = arith.constant 0 : index
      %swap3A_87 = arith.constant 0 : index
      %swap3A_88 = vector.load %arg12[%swap3A_86, %swap3A_87] : memref<8x128xf32, #tpu.memory_space<vmem>>, vector<8x128xf32>
      tpu.vector_store %arg12[%swap3A_86, %swap3A_87], %broadcast_in_dim3A_73 {strides = array<i32>} : memref<8x128xf32, #tpu.memory_space<vmem>>, vector<8x128xf32>,
      %swap3A_89 = arith.constant 0 : index
      %swap3A_90 = arith.constant 0 : index
      %swap3A_91 = vector.load %arg13[%swap3A_89, %swap3A_90] : memref<8x128xf32, #tpu.memory_space<vmem>>, vector<8x128xf32>
      tpu.vector_store %arg13[%swap3A_89, %swap3A_90], %broadcast_in_dim3A_79 {strides = array<i32>} : memref<8x128xf32, #tpu.memory_space<vmem>>, vector<8x128xf32>,
    } else {
    }
    %gt3A = arith.constant 0 : i32
    %gt3A_82 = arith.cmpi sgt, %arg0, %gt3A : i32
    %convert_element_type3A_83 = arith.extui %gt3A_82 : i1 to i32
    %cond3A_84 = arith.constant 0 : i32
    %cond3A_85 = arith.cmpi ne, %convert_element_type3A_83, %cond3A_84 : i32
    scf.if %cond3A_85 {
      %get3A_86 = arith.constant 0 : index
      %get3A_87 = arith.constant 0 : index
      %get3A_88 = vector.load %arg12[%get3A_86, %get3A_87] : memref<8x128xf32, #tpu.memory_space<vmem>>, vector<8x128xf32>
      %max3A_89 = arith.maximumf %get3A_88, %broadcast_in_dim3A_73 : vector<8x128xf32>
      %swap3A_90 = arith.constant 0 : index
      %swap3A_91 = arith.constant 0 : index
      %swap3A_92 = vector.load %arg12[%swap3A_90, %swap3A_91] : memref<8x128xf32, #tpu.memory_space<vmem>>, vector<8x128xf32>
      tpu.vector_store %arg12[%swap3A_90, %swap3A_91], %max3A_89 {strides = array<i32>} : memref<8x128xf32, #tpu.memory_space<vmem>>, vector<8x128xf32>,
      %get3A_93 = arith.constant 0 : index
      %get3A_94 = arith.constant 0 : index
      %get3A_95 = vector.load %arg13[%get3A_93, %get3A_94] : memref<8x128xf32, #tpu.memory_space<vmem>>, vector<8x128xf32>
      %max3A_96 = arith.maximumf %get3A_95, %broadcast_in_dim3A_79 : vector<8x128xf32>
      %swap3A_97 = arith.constant 0 : index
      %swap3A_98 = arith.constant 0 : index
      %swap3A_99 = vector.load %arg13[%swap3A_97, %swap3A_98] : memref<8x128xf32, #tpu.memory_space<vmem>>, vector<8x128xf32>
      tpu.vector_store %arg13[%swap3A_97, %swap3A_98], %max3A_96 {strides = array<i32>} : memref<8x128xf32, #tpu.memory_space<vmem>>, vector<8x128xf32>,
    } else {
    }
    return
  }
  func.func @transform_0(%arg0: i32) -> (i32, i32) {
    %c0_i32 = arith.constant 0 : i32
    %c0_i32_0 = arith.constant 0 : i32
    return %arg0, %c0_i32 : i32, i32
  }
  func.func @transform_1(%arg0: i32) -> (i32, i32) {
    %c0_i32 = arith.constant 0 : i32
    %c0_i32_0 = arith.constant 0 : i32
    %c0_i32_1 = arith.constant 0 : i32
    return %c0_i32, %c0_i32_0 : i32, i32
  }
  func.func @transform_2(%arg0: i32) -> (i32, i32) {
    %c0_i32 = arith.constant 0 : i32
    %c0_i32_0 = arith.constant 0 : i32
    %c0_i32_1 = arith.constant 0 : i32
    return %c0_i32, %c0_i32_0 : i32, i32
  }
  func.func @transform_3(%arg0: i32) -> (i32, i32) {
    %c0_i32 = arith.constant 0 : i32
    %c0_i32_0 = arith.constant 0 : i32
    %c0_i32_1 = arith.constant 0 : i32
    return %c0_i32, %c0_i32_0 : i32, i32
  }
  func.func @transform_4(%arg0: i32) -> (i32, i32) {
    %c0_i32 = arith.constant 0 : i32
    %c0_i32_0 = arith.constant 0 : i32
    %c0_i32_1 = arith.constant 0 : i32
    return %c0_i32, %c0_i32_0 : i32, i32
  }
  func.func @transform_5(%arg0: i32) -> (i32, i32) {
    %c0_i32 = arith.constant 0 : i32
    %c0_i32_0 = arith.constant 0 : i32
    %c0_i32_1 = arith.constant 0 : i32
    return %c0_i32, %c0_i32_0 : i32, i32
  }
  func.func @transform_6(%arg0: i32) -> (i32, i32) {
    %c0_i32 = arith.constant 0 : i32
    %c0_i32_0 = arith.constant 0 : i32
    %c0_i32_1 = arith.constant 0 : i32
    return %c0_i32, %c0_i32_0 : i32, i32
  }
  func.func @transform_7(%arg0: i32) -> (i32, i32) {
    %c0_i32 = arith.constant 0 : i32
    %c0_i32_0 = arith.constant 0 : i32
    %c0_i32_1 = arith.constant 0 : i32
    return %c0_i32, %c0_i32_0 : i32, i32
  }
  func.func @transform_8(%arg0: i32) -> (i32, i32) {
    %c0_i32 = arith.constant 0 : i32
    %c0_i32_0 = arith.constant 0 : i32
    return %arg0, %c0_i32 : i32, i32
  }
  func.func @transform_9(%arg0: i32) -> (i32, i32) {
    %c0_i32 = arith.constant 0 : i32
    %c0_i32_0 = arith.constant 0 : i32
    return %arg0, %c0_i32 : i32, i32
  }
  func.func @transform_10(%arg0: i32) -> (i32, i32) {
    %c0_i32 = arith.constant 0 : i32
    %c0_i32_0 = arith.constant 0 : i32
    return %arg0, %c0_i32 : i32, i32
  }
  func.func @transform_11(%arg0: i32) -> (i32, i32) {
    %c0_i32 = arith.constant 0 : i32
    %c0_i32_0 = arith.constant 0 : i32
    %c0_i32_1 = arith.constant 0 : i32
    return %c0_i32, %c0_i32_0 : i32, i32
  }
  func.func @transform_12(%arg0: i32) -> (i32, i32) {
    %c0_i32 = arith.constant 0 : i32
    %c0_i32_0 = arith.constant 0 : i32
    %c0_i32_1 = arith.constant 0 : i32
    return %c0_i32, %c0_i32_0 : i32, i32
  }
}

module attributes {stable_mosaic.version = 14 : i64} {
  func.func @_mid_body(%arg0: i32, %arg1: memref<3136x32xf32, #tpu.memory_space<vmem>>, %arg2: memref<3136x32xf32, #tpu.memory_space<vmem>>, %arg3: memref<3136x1xf32, #tpu.memory_space<vmem>>, %arg4: memref<3136x1xf32, #tpu.memory_space<vmem>>, %arg5: memref<1x64xf32, #tpu.memory_space<vmem>>, %arg6: memref<64x64xf32, #tpu.memory_space<vmem>>, %arg7: memref<1x64xf32, #tpu.memory_space<vmem>>, %arg8: memref<1x64xf32, #tpu.memory_space<vmem>>, %arg9: memref<3136x128xf32, #tpu.memory_space<vmem>>, %arg10: memref<3136x1xf32, #tpu.memory_space<vmem>>, %arg11: memref<3136x1xf32, #tpu.memory_space<vmem>>, %arg12: memref<8x128xf32, #tpu.memory_space<vmem>>, %arg13: memref<8x128xf32, #tpu.memory_space<vmem>>) attributes {dimension_semantics = [#tpu.dimension_semantics<arbitrary>], iteration_bounds = array<i64: 16>, scalar_prefetch = 0 : i64, scratch_operands = 0 : i64, tpu.core_type = #tpu.core_type<tc>, window_params = [{transform_indices = @transform_0, window_bounds = array<i64: 3136, 32>}, {transform_indices = @transform_1, window_bounds = array<i64: 3136, 32>}, {transform_indices = @transform_2, window_bounds = array<i64: 3136, 1>}, {transform_indices = @transform_3, window_bounds = array<i64: 3136, 1>}, {pipeline_mode = #tpu.pipeline_mode<synchronous>, transform_indices = @transform_4, window_bounds = array<i64: 1, 64>}, {pipeline_mode = #tpu.pipeline_mode<synchronous>, transform_indices = @transform_5, window_bounds = array<i64: 64, 64>}, {pipeline_mode = #tpu.pipeline_mode<synchronous>, transform_indices = @transform_6, window_bounds = array<i64: 1, 64>}, {pipeline_mode = #tpu.pipeline_mode<synchronous>, transform_indices = @transform_7, window_bounds = array<i64: 1, 64>}, {transform_indices = @transform_8, window_bounds = array<i64: 3136, 128>}, {transform_indices = @transform_9, window_bounds = array<i64: 3136, 1>}, {transform_indices = @transform_10, window_bounds = array<i64: 3136, 1>}, {pipeline_mode = #tpu.pipeline_mode<synchronous>, transform_indices = @transform_11, window_bounds = array<i64: 8, 128>}, {pipeline_mode = #tpu.pipeline_mode<synchronous>, transform_indices = @transform_12, window_bounds = array<i64: 8, 128>}]} {
    %get3A = arith.constant 0 : index
    %get3A_0 = arith.constant 0 : index
    %get3A_1 = vector.load %arg1[%get3A, %get3A_0] : memref<3136x32xf32, #tpu.memory_space<vmem>>, vector<3136x32xf32>
    %get3A_2 = arith.constant 0 : index
    %get3A_3 = arith.constant 0 : index
    %get3A_4 = vector.load %arg2[%get3A_2, %get3A_3] : memref<3136x32xf32, #tpu.memory_space<vmem>>, vector<3136x32xf32>
    %concatenate3A = tpu.concatenate %get3A_1, %get3A_4 in 1 : vector<3136x32xf32>, vector<3136x32xf32> -> vector<3136x64xf32>
    %get3A_5 = arith.constant 0 : index
    %get3A_6 = arith.constant 0 : index
    %get3A_7 = vector.load %arg3[%get3A_5, %get3A_6] : memref<3136x1xf32, #tpu.memory_space<vmem>>, vector<3136x1xf32>
    %get3A_8 = arith.constant 0 : index
    %get3A_9 = arith.constant 0 : index
    %get3A_10 = vector.load %arg4[%get3A_8, %get3A_9] : memref<3136x1xf32, #tpu.memory_space<vmem>>, vector<3136x1xf32>
    %add3A = arith.addf %get3A_7, %get3A_10 : vector<3136x1xf32>
    %add3A_11 = arith.constant 1.000000e-16 : f32
    %add3A_12 = vector.broadcast %add3A_11 : f32 to vector<3136x1xf32>
    %add3A_13 = arith.addf %add3A, %add3A_12 : vector<3136x1xf32>
    %div3A = vector.broadcast %add3A_13 : vector<3136x1xf32> to vector<3136x64xf32>
    %div3A_14 = arith.divf %concatenate3A, %div3A : vector<3136x64xf32>
    %get3A_15 = arith.constant 0 : index
    %get3A_16 = arith.constant 0 : index
    %get3A_17 = vector.load %arg5[%get3A_15, %get3A_16] : memref<1x64xf32, #tpu.memory_space<vmem>>, vector<1x64xf32>
    %add3A_18 = vector.broadcast %get3A_17 : vector<1x64xf32> to vector<3136x64xf32>
    %add3A_19 = arith.addf %div3A_14, %add3A_18 : vector<3136x64xf32>
    %max3A = arith.constant 0.000000e+00 : f32
    %max3A_20 = vector.broadcast %max3A : f32 to vector<3136x64xf32>
    %max3A_21 = arith.maximumf %add3A_19, %max3A_20 : vector<3136x64xf32>
    %get3A_22 = arith.constant 0 : index
    %get3A_23 = arith.constant 0 : index
    %get3A_24 = vector.load %arg6[%get3A_22, %get3A_23] : memref<64x64xf32, #tpu.memory_space<vmem>>, vector<64x64xf32>
    %dot_general3A = arith.constant dense<0.000000e+00> : vector<3136x64xf32>
    %dot_general3A_25 = tpu.matmul %max3A_21, %get3A_24, %dot_general3A {dimension_numbers = #tpu.dot_dimension_numbers<[1], [0], [0], [1], [0, 0, 1, 1], [], []>, precision = #tpu.contract_precision<fp32>, transpose_lhs_hint = false} : vector<3136x64xf32>, vector<64x64xf32>, vector<3136x64xf32> -> vector<3136x64xf32>
    %broadcast_in_dim3A = arith.constant 0.000000e+00 : f32
    %broadcast_in_dim3A_26 = vector.broadcast %broadcast_in_dim3A : f32 to vector<3136x64xf32>
    %concatenate3A_27 = tpu.concatenate %dot_general3A_25, %broadcast_in_dim3A_26 in 1 : vector<3136x64xf32>, vector<3136x64xf32> -> vector<3136x128xf32>
    %swap3A = arith.constant 0 : index
    %swap3A_28 = arith.constant 0 : index
    %swap3A_29 = vector.load %arg9[%swap3A, %swap3A_28] : memref<3136x128xf32, #tpu.memory_space<vmem>>, vector<3136x128xf32>
    tpu.vector_store %arg9[%swap3A, %swap3A_28], %concatenate3A_27 {strides = array<i32>} : memref<3136x128xf32, #tpu.memory_space<vmem>>, vector<3136x128xf32>,
    %get3A_30 = arith.constant 0 : index
    %get3A_31 = arith.constant 0 : index
    %get3A_32 = vector.load %arg7[%get3A_30, %get3A_31] : memref<1x64xf32, #tpu.memory_space<vmem>>, vector<1x64xf32>
    %mul3A = vector.broadcast %get3A_32 : vector<1x64xf32> to vector<3136x64xf32>
    %mul3A_33 = arith.mulf %dot_general3A_25, %mul3A : vector<3136x64xf32>
    %reduce_sum3A = arith.constant dense<0.000000e+00> : vector<3136xf32>
    %reduce_sum3A_34 = vector.multi_reduction <add>, %mul3A_33, %reduce_sum3A [1] : vector<3136x64xf32> to vector<3136xf32>
    %broadcast_in_dim3A_35 = vector.shape_cast %reduce_sum3A_34 : vector<3136xf32> to vector<3136x1xf32>
    %get3A_36 = arith.constant 0 : index
    %get3A_37 = arith.constant 0 : index
    %get3A_38 = vector.load %arg8[%get3A_36, %get3A_37] : memref<1x64xf32, #tpu.memory_space<vmem>>, vector<1x64xf32>
    %mul3A_39 = vector.broadcast %get3A_38 : vector<1x64xf32> to vector<3136x64xf32>
    %mul3A_40 = arith.mulf %dot_general3A_25, %mul3A_39 : vector<3136x64xf32>
    %reduce_sum3A_41 = arith.constant dense<0.000000e+00> : vector<3136xf32>
    %reduce_sum3A_42 = vector.multi_reduction <add>, %mul3A_40, %reduce_sum3A_41 [1] : vector<3136x64xf32> to vector<3136xf32>
    %broadcast_in_dim3A_43 = vector.shape_cast %reduce_sum3A_42 : vector<3136xf32> to vector<3136x1xf32>
    %swap3A_44 = arith.constant 0 : index
    %swap3A_45 = arith.constant 0 : index
    %swap3A_46 = vector.load %arg10[%swap3A_44, %swap3A_45] : memref<3136x1xf32, #tpu.memory_space<vmem>>, vector<3136x1xf32>
    tpu.vector_store %arg10[%swap3A_44, %swap3A_45], %broadcast_in_dim3A_35 {strides = array<i32>} : memref<3136x1xf32, #tpu.memory_space<vmem>>, vector<3136x1xf32>,
    %swap3A_47 = arith.constant 0 : index
    %swap3A_48 = arith.constant 0 : index
    %swap3A_49 = vector.load %arg11[%swap3A_47, %swap3A_48] : memref<3136x1xf32, #tpu.memory_space<vmem>>, vector<3136x1xf32>
    tpu.vector_store %arg11[%swap3A_47, %swap3A_48], %broadcast_in_dim3A_43 {strides = array<i32>} : memref<3136x1xf32, #tpu.memory_space<vmem>>, vector<3136x1xf32>,
    %reduce_max3A = vector.shape_cast %broadcast_in_dim3A_35 : vector<3136x1xf32> to vector<1x3136x1xf32>
    %reduce_max3A_50 = arith.constant dense<0xFF800000> : vector<1xf32>
    %reduce_max3A_51 = vector.multi_reduction <maximumf>, %reduce_max3A, %reduce_max3A_50 [1, 2] : vector<1x3136x1xf32> to vector<1xf32>
    %reduce_max3A_52 = vector.shape_cast %reduce_max3A_51 : vector<1xf32> to vector<1x1x1xf32>
    %reduce_max3A_53 = vector.extract %reduce_max3A_52[0, 0, 0] : f32 from vector<1x1x1xf32>
    %broadcast_in_dim3A_54 = vector.broadcast %reduce_max3A_53 : f32 to vector<8x128xf32>
    %reduce_max3A_55 = vector.shape_cast %broadcast_in_dim3A_43 : vector<3136x1xf32> to vector<1x3136x1xf32>
    %reduce_max3A_56 = arith.constant dense<0xFF800000> : vector<1xf32>
    %reduce_max3A_57 = vector.multi_reduction <maximumf>, %reduce_max3A_55, %reduce_max3A_56 [1, 2] : vector<1x3136x1xf32> to vector<1xf32>
    %reduce_max3A_58 = vector.shape_cast %reduce_max3A_57 : vector<1xf32> to vector<1x1x1xf32>
    %reduce_max3A_59 = vector.extract %reduce_max3A_58[0, 0, 0] : f32 from vector<1x1x1xf32>
    %broadcast_in_dim3A_60 = vector.broadcast %reduce_max3A_59 : f32 to vector<8x128xf32>
    %eq3A = arith.constant 0 : i32
    %eq3A_61 = arith.cmpi eq, %arg0, %eq3A : i32
    %convert_element_type3A = arith.extui %eq3A_61 : i1 to i32
    %cond3A = arith.constant 0 : i32
    %cond3A_62 = arith.cmpi ne, %convert_element_type3A, %cond3A : i32
    scf.if %cond3A_62 {
      %swap3A_67 = arith.constant 0 : index
      %swap3A_68 = arith.constant 0 : index
      %swap3A_69 = vector.load %arg12[%swap3A_67, %swap3A_68] : memref<8x128xf32, #tpu.memory_space<vmem>>, vector<8x128xf32>
      tpu.vector_store %arg12[%swap3A_67, %swap3A_68], %broadcast_in_dim3A_54 {strides = array<i32>} : memref<8x128xf32, #tpu.memory_space<vmem>>, vector<8x128xf32>,
      %swap3A_70 = arith.constant 0 : index
      %swap3A_71 = arith.constant 0 : index
      %swap3A_72 = vector.load %arg13[%swap3A_70, %swap3A_71] : memref<8x128xf32, #tpu.memory_space<vmem>>, vector<8x128xf32>
      tpu.vector_store %arg13[%swap3A_70, %swap3A_71], %broadcast_in_dim3A_60 {strides = array<i32>} : memref<8x128xf32, #tpu.memory_space<vmem>>, vector<8x128xf32>,
    } else {
    }
    %gt3A = arith.constant 0 : i32
    %gt3A_63 = arith.cmpi sgt, %arg0, %gt3A : i32
    %convert_element_type3A_64 = arith.extui %gt3A_63 : i1 to i32
    %cond3A_65 = arith.constant 0 : i32
    %cond3A_66 = arith.cmpi ne, %convert_element_type3A_64, %cond3A_65 : i32
    scf.if %cond3A_66 {
      %get3A_67 = arith.constant 0 : index
      %get3A_68 = arith.constant 0 : index
      %get3A_69 = vector.load %arg12[%get3A_67, %get3A_68] : memref<8x128xf32, #tpu.memory_space<vmem>>, vector<8x128xf32>
      %max3A_70 = arith.maximumf %get3A_69, %broadcast_in_dim3A_54 : vector<8x128xf32>
      %swap3A_71 = arith.constant 0 : index
      %swap3A_72 = arith.constant 0 : index
      %swap3A_73 = vector.load %arg12[%swap3A_71, %swap3A_72] : memref<8x128xf32, #tpu.memory_space<vmem>>, vector<8x128xf32>
      tpu.vector_store %arg12[%swap3A_71, %swap3A_72], %max3A_70 {strides = array<i32>} : memref<8x128xf32, #tpu.memory_space<vmem>>, vector<8x128xf32>,
      %get3A_74 = arith.constant 0 : index
      %get3A_75 = arith.constant 0 : index
      %get3A_76 = vector.load %arg13[%get3A_74, %get3A_75] : memref<8x128xf32, #tpu.memory_space<vmem>>, vector<8x128xf32>
      %max3A_77 = arith.maximumf %get3A_76, %broadcast_in_dim3A_60 : vector<8x128xf32>
      %swap3A_78 = arith.constant 0 : index
      %swap3A_79 = arith.constant 0 : index
      %swap3A_80 = vector.load %arg13[%swap3A_78, %swap3A_79] : memref<8x128xf32, #tpu.memory_space<vmem>>, vector<8x128xf32>
      tpu.vector_store %arg13[%swap3A_78, %swap3A_79], %max3A_77 {strides = array<i32>} : memref<8x128xf32, #tpu.memory_space<vmem>>, vector<8x128xf32>,
    } else {
    }
    return
  }
  func.func @transform_0(%arg0: i32) -> (i32, i32) {
    %c0_i32 = arith.constant 0 : i32
    %c0_i32_0 = arith.constant 0 : i32
    return %arg0, %c0_i32 : i32, i32
  }
  func.func @transform_1(%arg0: i32) -> (i32, i32) {
    %c0_i32 = arith.constant 0 : i32
    %c0_i32_0 = arith.constant 0 : i32
    return %arg0, %c0_i32 : i32, i32
  }
  func.func @transform_2(%arg0: i32) -> (i32, i32) {
    %c0_i32 = arith.constant 0 : i32
    %c0_i32_0 = arith.constant 0 : i32
    return %arg0, %c0_i32 : i32, i32
  }
  func.func @transform_3(%arg0: i32) -> (i32, i32) {
    %c0_i32 = arith.constant 0 : i32
    %c0_i32_0 = arith.constant 0 : i32
    return %arg0, %c0_i32 : i32, i32
  }
  func.func @transform_4(%arg0: i32) -> (i32, i32) {
    %c0_i32 = arith.constant 0 : i32
    %c0_i32_0 = arith.constant 0 : i32
    %c0_i32_1 = arith.constant 0 : i32
    return %c0_i32, %c0_i32_0 : i32, i32
  }
  func.func @transform_5(%arg0: i32) -> (i32, i32) {
    %c0_i32 = arith.constant 0 : i32
    %c0_i32_0 = arith.constant 0 : i32
    %c0_i32_1 = arith.constant 0 : i32
    return %c0_i32, %c0_i32_0 : i32, i32
  }
  func.func @transform_6(%arg0: i32) -> (i32, i32) {
    %c0_i32 = arith.constant 0 : i32
    %c0_i32_0 = arith.constant 0 : i32
    %c0_i32_1 = arith.constant 0 : i32
    return %c0_i32, %c0_i32_0 : i32, i32
  }
  func.func @transform_7(%arg0: i32) -> (i32, i32) {
    %c0_i32 = arith.constant 0 : i32
    %c0_i32_0 = arith.constant 0 : i32
    %c0_i32_1 = arith.constant 0 : i32
    return %c0_i32, %c0_i32_0 : i32, i32
  }
  func.func @transform_8(%arg0: i32) -> (i32, i32) {
    %c0_i32 = arith.constant 0 : i32
    %c0_i32_0 = arith.constant 0 : i32
    return %arg0, %c0_i32 : i32, i32
  }
  func.func @transform_9(%arg0: i32) -> (i32, i32) {
    %c0_i32 = arith.constant 0 : i32
    %c0_i32_0 = arith.constant 0 : i32
    return %arg0, %c0_i32 : i32, i32
  }
  func.func @transform_10(%arg0: i32) -> (i32, i32) {
    %c0_i32 = arith.constant 0 : i32
    %c0_i32_0 = arith.constant 0 : i32
    return %arg0, %c0_i32 : i32, i32
  }
  func.func @transform_11(%arg0: i32) -> (i32, i32) {
    %c0_i32 = arith.constant 0 : i32
    %c0_i32_0 = arith.constant 0 : i32
    %c0_i32_1 = arith.constant 0 : i32
    return %c0_i32, %c0_i32_0 : i32, i32
  }
  func.func @transform_12(%arg0: i32) -> (i32, i32) {
    %c0_i32 = arith.constant 0 : i32
    %c0_i32_0 = arith.constant 0 : i32
    %c0_i32_1 = arith.constant 0 : i32
    return %c0_i32, %c0_i32_0 : i32, i32
  }
}

module attributes {stable_mosaic.version = 14 : i64} {
  func.func @_poolA_body(%arg0: i32, %arg1: memref<3136x32xf32, #tpu.memory_space<vmem>>, %arg2: memref<3136x32xf32, #tpu.memory_space<vmem>>, %arg3: memref<3136x1xf32, #tpu.memory_space<vmem>>, %arg4: memref<3136x1xf32, #tpu.memory_space<vmem>>, %arg5: memref<1x64xf32, #tpu.memory_space<vmem>>, %arg6: memref<1x64xf32, #tpu.memory_space<vmem>>, %arg7: memref<1x1xf32, #tpu.memory_space<vmem>>, %arg8: memref<3136x1xf32, #tpu.memory_space<vmem>>, %arg9: memref<3136x64xf32, #tpu.memory_space<vmem>>, %arg10: memref<3136x1xf32, #tpu.memory_space<vmem>>, %arg11: memref<8x128xf32, #tpu.memory_space<vmem>>) attributes {dimension_semantics = [#tpu.dimension_semantics<arbitrary>], iteration_bounds = array<i64: 16>, scalar_prefetch = 0 : i64, scratch_operands = 0 : i64, tpu.core_type = #tpu.core_type<tc>, window_params = [{transform_indices = @transform_0, window_bounds = array<i64: 3136, 32>}, {transform_indices = @transform_1, window_bounds = array<i64: 3136, 32>}, {transform_indices = @transform_2, window_bounds = array<i64: 3136, 1>}, {transform_indices = @transform_3, window_bounds = array<i64: 3136, 1>}, {pipeline_mode = #tpu.pipeline_mode<synchronous>, transform_indices = @transform_4, window_bounds = array<i64: 1, 64>}, {pipeline_mode = #tpu.pipeline_mode<synchronous>, transform_indices = @transform_5, window_bounds = array<i64: 1, 64>}, {pipeline_mode = #tpu.pipeline_mode<synchronous>, transform_indices = @transform_6, window_bounds = array<i64: 1, 1>}, {transform_indices = @transform_7, window_bounds = array<i64: 3136, 1>}, {transform_indices = @transform_8, window_bounds = array<i64: 3136, 64>}, {transform_indices = @transform_9, window_bounds = array<i64: 3136, 1>}, {pipeline_mode = #tpu.pipeline_mode<synchronous>, transform_indices = @transform_10, window_bounds = array<i64: 8, 128>}]} {
    %get3A = arith.constant 0 : index
    %get3A_0 = arith.constant 0 : index
    %get3A_1 = vector.load %arg1[%get3A, %get3A_0] : memref<3136x32xf32, #tpu.memory_space<vmem>>, vector<3136x32xf32>
    %get3A_2 = arith.constant 0 : index
    %get3A_3 = arith.constant 0 : index
    %get3A_4 = vector.load %arg2[%get3A_2, %get3A_3] : memref<3136x32xf32, #tpu.memory_space<vmem>>, vector<3136x32xf32>
    %concatenate3A = tpu.concatenate %get3A_1, %get3A_4 in 1 : vector<3136x32xf32>, vector<3136x32xf32> -> vector<3136x64xf32>
    %get3A_5 = arith.constant 0 : index
    %get3A_6 = arith.constant 0 : index
    %get3A_7 = vector.load %arg3[%get3A_5, %get3A_6] : memref<3136x1xf32, #tpu.memory_space<vmem>>, vector<3136x1xf32>
    %get3A_8 = arith.constant 0 : index
    %get3A_9 = arith.constant 0 : index
    %get3A_10 = vector.load %arg4[%get3A_8, %get3A_9] : memref<3136x1xf32, #tpu.memory_space<vmem>>, vector<3136x1xf32>
    %add3A = arith.addf %get3A_7, %get3A_10 : vector<3136x1xf32>
    %add3A_11 = arith.constant 1.000000e-16 : f32
    %add3A_12 = vector.broadcast %add3A_11 : f32 to vector<3136x1xf32>
    %add3A_13 = arith.addf %add3A, %add3A_12 : vector<3136x1xf32>
    %div3A = vector.broadcast %add3A_13 : vector<3136x1xf32> to vector<3136x64xf32>
    %div3A_14 = arith.divf %concatenate3A, %div3A : vector<3136x64xf32>
    %get3A_15 = arith.constant 0 : index
    %get3A_16 = arith.constant 0 : index
    %get3A_17 = vector.load %arg5[%get3A_15, %get3A_16] : memref<1x64xf32, #tpu.memory_space<vmem>>, vector<1x64xf32>
    %add3A_18 = vector.broadcast %get3A_17 : vector<1x64xf32> to vector<3136x64xf32>
    %add3A_19 = arith.addf %div3A_14, %add3A_18 : vector<3136x64xf32>
    %max3A = arith.constant 0.000000e+00 : f32
    %max3A_20 = vector.broadcast %max3A : f32 to vector<3136x64xf32>
    %max3A_21 = arith.maximumf %add3A_19, %max3A_20 : vector<3136x64xf32>
    %swap3A = arith.constant 0 : index
    %swap3A_22 = arith.constant 0 : index
    %swap3A_23 = vector.load %arg9[%swap3A, %swap3A_22] : memref<3136x64xf32, #tpu.memory_space<vmem>>, vector<3136x64xf32>
    tpu.vector_store %arg9[%swap3A, %swap3A_22], %max3A_21 {strides = array<i32>} : memref<3136x64xf32, #tpu.memory_space<vmem>>, vector<3136x64xf32>,
    %get3A_24 = arith.constant 0 : index
    %get3A_25 = arith.constant 0 : index
    %get3A_26 = vector.load %arg6[%get3A_24, %get3A_25] : memref<1x64xf32, #tpu.memory_space<vmem>>, vector<1x64xf32>
    %mul3A = vector.broadcast %get3A_26 : vector<1x64xf32> to vector<3136x64xf32>
    %mul3A_27 = arith.mulf %max3A_21, %mul3A : vector<3136x64xf32>
    %reduce_sum3A = arith.constant dense<0.000000e+00> : vector<3136xf32>
    %reduce_sum3A_28 = vector.multi_reduction <add>, %mul3A_27, %reduce_sum3A [1] : vector<3136x64xf32> to vector<3136xf32>
    %broadcast_in_dim3A = vector.shape_cast %reduce_sum3A_28 : vector<3136xf32> to vector<3136x1xf32>
    %get3A_29 = arith.constant 0 : index
    %get3A_30 = arith.constant 0 : index
    %get3A_31 = vector.load %arg7[%get3A_29, %get3A_30] : memref<1x1xf32, #tpu.memory_space<vmem>>, vector<1x1xf32>
    %add3A_32 = vector.broadcast %get3A_31 : vector<1x1xf32> to vector<3136x1xf32>
    %add3A_33 = arith.addf %broadcast_in_dim3A, %add3A_32 : vector<3136x1xf32>
    %swap3A_34 = arith.constant 0 : index
    %swap3A_35 = arith.constant 0 : index
    %swap3A_36 = vector.load %arg10[%swap3A_34, %swap3A_35] : memref<3136x1xf32, #tpu.memory_space<vmem>>, vector<3136x1xf32>
    tpu.vector_store %arg10[%swap3A_34, %swap3A_35], %add3A_33 {strides = array<i32>} : memref<3136x1xf32, #tpu.memory_space<vmem>>, vector<3136x1xf32>,
    %get3A_37 = arith.constant 0 : index
    %get3A_38 = arith.constant 0 : index
    %get3A_39 = vector.load %arg8[%get3A_37, %get3A_38] : memref<3136x1xf32, #tpu.memory_space<vmem>>, vector<3136x1xf32>
    %eq3A = arith.constant 0.000000e+00 : f32
    %eq3A_40 = vector.broadcast %eq3A : f32 to vector<3136x1xf32>
    %eq3A_41 = arith.cmpf oeq, %get3A_39, %eq3A_40 : vector<3136x1xf32>
    %jit3A = arith.constant -3.400000e+38 : f32
    %broadcast_in_dim3A_42 = vector.broadcast %jit3A : f32 to vector<3136x1xf32>
    %select_n3A = arith.select %eq3A_41, %add3A_33, %broadcast_in_dim3A_42 : vector<3136x1xi1>, vector<3136x1xf32>
    %reduce_max3A = vector.shape_cast %select_n3A : vector<3136x1xf32> to vector<1x3136x1xf32>
    %reduce_max3A_43 = arith.constant dense<0xFF800000> : vector<1xf32>
    %reduce_max3A_44 = vector.multi_reduction <maximumf>, %reduce_max3A, %reduce_max3A_43 [1, 2] : vector<1x3136x1xf32> to vector<1xf32>
    %reduce_max3A_45 = vector.shape_cast %reduce_max3A_44 : vector<1xf32> to vector<1x1x1xf32>
    %reduce_max3A_46 = vector.extract %reduce_max3A_45[0, 0, 0] : f32 from vector<1x1x1xf32>
    %broadcast_in_dim3A_47 = vector.broadcast %reduce_max3A_46 : f32 to vector<1x128xf32>
    %eq3A_48 = arith.constant 1.000000e+00 : f32
    %eq3A_49 = vector.broadcast %eq3A_48 : f32 to vector<3136x1xf32>
    %eq3A_50 = arith.cmpf oeq, %get3A_39, %eq3A_49 : vector<3136x1xf32>
    %jit3A_51 = arith.constant -3.400000e+38 : f32
    %broadcast_in_dim3A_52 = vector.broadcast %jit3A_51 : f32 to vector<3136x1xf32>
    %select_n3A_53 = arith.select %eq3A_50, %add3A_33, %broadcast_in_dim3A_52 : vector<3136x1xi1>, vector<3136x1xf32>
    %reduce_max3A_54 = vector.shape_cast %select_n3A_53 : vector<3136x1xf32> to vector<1x3136x1xf32>
    %reduce_max3A_55 = arith.constant dense<0xFF800000> : vector<1xf32>
    %reduce_max3A_56 = vector.multi_reduction <maximumf>, %reduce_max3A_54, %reduce_max3A_55 [1, 2] : vector<1x3136x1xf32> to vector<1xf32>
    %reduce_max3A_57 = vector.shape_cast %reduce_max3A_56 : vector<1xf32> to vector<1x1x1xf32>
    %reduce_max3A_58 = vector.extract %reduce_max3A_57[0, 0, 0] : f32 from vector<1x1x1xf32>
    %broadcast_in_dim3A_59 = vector.broadcast %reduce_max3A_58 : f32 to vector<1x128xf32>
    %eq3A_60 = arith.constant 2.000000e+00 : f32
    %eq3A_61 = vector.broadcast %eq3A_60 : f32 to vector<3136x1xf32>
    %eq3A_62 = arith.cmpf oeq, %get3A_39, %eq3A_61 : vector<3136x1xf32>
    %jit3A_63 = arith.constant -3.400000e+38 : f32
    %broadcast_in_dim3A_64 = vector.broadcast %jit3A_63 : f32 to vector<3136x1xf32>
    %select_n3A_65 = arith.select %eq3A_62, %add3A_33, %broadcast_in_dim3A_64 : vector<3136x1xi1>, vector<3136x1xf32>
    %reduce_max3A_66 = vector.shape_cast %select_n3A_65 : vector<3136x1xf32> to vector<1x3136x1xf32>
    %reduce_max3A_67 = arith.constant dense<0xFF800000> : vector<1xf32>
    %reduce_max3A_68 = vector.multi_reduction <maximumf>, %reduce_max3A_66, %reduce_max3A_67 [1, 2] : vector<1x3136x1xf32> to vector<1xf32>
    %reduce_max3A_69 = vector.shape_cast %reduce_max3A_68 : vector<1xf32> to vector<1x1x1xf32>
    %reduce_max3A_70 = vector.extract %reduce_max3A_69[0, 0, 0] : f32 from vector<1x1x1xf32>
    %broadcast_in_dim3A_71 = vector.broadcast %reduce_max3A_70 : f32 to vector<1x128xf32>
    %eq3A_72 = arith.constant 3.000000e+00 : f32
    %eq3A_73 = vector.broadcast %eq3A_72 : f32 to vector<3136x1xf32>
    %eq3A_74 = arith.cmpf oeq, %get3A_39, %eq3A_73 : vector<3136x1xf32>
    %jit3A_75 = arith.constant -3.400000e+38 : f32
    %broadcast_in_dim3A_76 = vector.broadcast %jit3A_75 : f32 to vector<3136x1xf32>
    %select_n3A_77 = arith.select %eq3A_74, %add3A_33, %broadcast_in_dim3A_76 : vector<3136x1xi1>, vector<3136x1xf32>
    %reduce_max3A_78 = vector.shape_cast %select_n3A_77 : vector<3136x1xf32> to vector<1x3136x1xf32>
    %reduce_max3A_79 = arith.constant dense<0xFF800000> : vector<1xf32>
    %reduce_max3A_80 = vector.multi_reduction <maximumf>, %reduce_max3A_78, %reduce_max3A_79 [1, 2] : vector<1x3136x1xf32> to vector<1xf32>
    %reduce_max3A_81 = vector.shape_cast %reduce_max3A_80 : vector<1xf32> to vector<1x1x1xf32>
    %reduce_max3A_82 = vector.extract %reduce_max3A_81[0, 0, 0] : f32 from vector<1x1x1xf32>
    %broadcast_in_dim3A_83 = vector.broadcast %reduce_max3A_82 : f32 to vector<1x128xf32>
    %eq3A_84 = arith.constant 4.000000e+00 : f32
    %eq3A_85 = vector.broadcast %eq3A_84 : f32 to vector<3136x1xf32>
    %eq3A_86 = arith.cmpf oeq, %get3A_39, %eq3A_85 : vector<3136x1xf32>
    %jit3A_87 = arith.constant -3.400000e+38 : f32
    %broadcast_in_dim3A_88 = vector.broadcast %jit3A_87 : f32 to vector<3136x1xf32>
    %select_n3A_89 = arith.select %eq3A_86, %add3A_33, %broadcast_in_dim3A_88 : vector<3136x1xi1>, vector<3136x1xf32>
    %reduce_max3A_90 = vector.shape_cast %select_n3A_89 : vector<3136x1xf32> to vector<1x3136x1xf32>
    %reduce_max3A_91 = arith.constant dense<0xFF800000> : vector<1xf32>
    %reduce_max3A_92 = vector.multi_reduction <maximumf>, %reduce_max3A_90, %reduce_max3A_91 [1, 2] : vector<1x3136x1xf32> to vector<1xf32>
    %reduce_max3A_93 = vector.shape_cast %reduce_max3A_92 : vector<1xf32> to vector<1x1x1xf32>
    %reduce_max3A_94 = vector.extract %reduce_max3A_93[0, 0, 0] : f32 from vector<1x1x1xf32>
    %broadcast_in_dim3A_95 = vector.broadcast %reduce_max3A_94 : f32 to vector<1x128xf32>
    %eq3A_96 = arith.constant 5.000000e+00 : f32
    %eq3A_97 = vector.broadcast %eq3A_96 : f32 to vector<3136x1xf32>
    %eq3A_98 = arith.cmpf oeq, %get3A_39, %eq3A_97 : vector<3136x1xf32>
    %jit3A_99 = arith.constant -3.400000e+38 : f32
    %broadcast_in_dim3A_100 = vector.broadcast %jit3A_99 : f32 to vector<3136x1xf32>
    %select_n3A_101 = arith.select %eq3A_98, %add3A_33, %broadcast_in_dim3A_100 : vector<3136x1xi1>, vector<3136x1xf32>
    %reduce_max3A_102 = vector.shape_cast %select_n3A_101 : vector<3136x1xf32> to vector<1x3136x1xf32>
    %reduce_max3A_103 = arith.constant dense<0xFF800000> : vector<1xf32>
    %reduce_max3A_104 = vector.multi_reduction <maximumf>, %reduce_max3A_102, %reduce_max3A_103 [1, 2] : vector<1x3136x1xf32> to vector<1xf32>
    %reduce_max3A_105 = vector.shape_cast %reduce_max3A_104 : vector<1xf32> to vector<1x1x1xf32>
    %reduce_max3A_106 = vector.extract %reduce_max3A_105[0, 0, 0] : f32 from vector<1x1x1xf32>
    %broadcast_in_dim3A_107 = vector.broadcast %reduce_max3A_106 : f32 to vector<1x128xf32>
    %eq3A_108 = arith.constant 6.000000e+00 : f32
    %eq3A_109 = vector.broadcast %eq3A_108 : f32 to vector<3136x1xf32>
    %eq3A_110 = arith.cmpf oeq, %get3A_39, %eq3A_109 : vector<3136x1xf32>
    %jit3A_111 = arith.constant -3.400000e+38 : f32
    %broadcast_in_dim3A_112 = vector.broadcast %jit3A_111 : f32 to vector<3136x1xf32>
    %select_n3A_113 = arith.select %eq3A_110, %add3A_33, %broadcast_in_dim3A_112 : vector<3136x1xi1>, vector<3136x1xf32>
    %reduce_max3A_114 = vector.shape_cast %select_n3A_113 : vector<3136x1xf32> to vector<1x3136x1xf32>
    %reduce_max3A_115 = arith.constant dense<0xFF800000> : vector<1xf32>
    %reduce_max3A_116 = vector.multi_reduction <maximumf>, %reduce_max3A_114, %reduce_max3A_115 [1, 2] : vector<1x3136x1xf32> to vector<1xf32>
    %reduce_max3A_117 = vector.shape_cast %reduce_max3A_116 : vector<1xf32> to vector<1x1x1xf32>
    %reduce_max3A_118 = vector.extract %reduce_max3A_117[0, 0, 0] : f32 from vector<1x1x1xf32>
    %broadcast_in_dim3A_119 = vector.broadcast %reduce_max3A_118 : f32 to vector<1x128xf32>
    %eq3A_120 = arith.constant 7.000000e+00 : f32
    %eq3A_121 = vector.broadcast %eq3A_120 : f32 to vector<3136x1xf32>
    %eq3A_122 = arith.cmpf oeq, %get3A_39, %eq3A_121 : vector<3136x1xf32>
    %jit3A_123 = arith.constant -3.400000e+38 : f32
    %broadcast_in_dim3A_124 = vector.broadcast %jit3A_123 : f32 to vector<3136x1xf32>
    %select_n3A_125 = arith.select %eq3A_122, %add3A_33, %broadcast_in_dim3A_124 : vector<3136x1xi1>, vector<3136x1xf32>
    %reduce_max3A_126 = vector.shape_cast %select_n3A_125 : vector<3136x1xf32> to vector<1x3136x1xf32>
    %reduce_max3A_127 = arith.constant dense<0xFF800000> : vector<1xf32>
    %reduce_max3A_128 = vector.multi_reduction <maximumf>, %reduce_max3A_126, %reduce_max3A_127 [1, 2] : vector<1x3136x1xf32> to vector<1xf32>
    %reduce_max3A_129 = vector.shape_cast %reduce_max3A_128 : vector<1xf32> to vector<1x1x1xf32>
    %reduce_max3A_130 = vector.extract %reduce_max3A_129[0, 0, 0] : f32 from vector<1x1x1xf32>
    %broadcast_in_dim3A_131 = vector.broadcast %reduce_max3A_130 : f32 to vector<1x128xf32>
    %concatenate3A_132 = tpu.concatenate %broadcast_in_dim3A_47, %broadcast_in_dim3A_59, %broadcast_in_dim3A_71, %broadcast_in_dim3A_83, %broadcast_in_dim3A_95, %broadcast_in_dim3A_107, %broadcast_in_dim3A_119, %broadcast_in_dim3A_131 in 0 : vector<1x128xf32>, vector<1x128xf32>, vector<1x128xf32>, vector<1x128xf32>, vector<1x128xf32>, vector<1x128xf32>, vector<1x128xf32>, vector<1x128xf32> -> vector<8x128xf32>
    %eq3A_133 = arith.constant 0 : i32
    %eq3A_134 = arith.cmpi eq, %arg0, %eq3A_133 : i32
    %convert_element_type3A = arith.extui %eq3A_134 : i1 to i32
    %cond3A = arith.constant 0 : i32
    %cond3A_135 = arith.cmpi ne, %convert_element_type3A, %cond3A : i32
    scf.if %cond3A_135 {
      %swap3A_140 = arith.constant 0 : index
      %swap3A_141 = arith.constant 0 : index
      %swap3A_142 = vector.load %arg11[%swap3A_140, %swap3A_141] : memref<8x128xf32, #tpu.memory_space<vmem>>, vector<8x128xf32>
      tpu.vector_store %arg11[%swap3A_140, %swap3A_141], %concatenate3A_132 {strides = array<i32>} : memref<8x128xf32, #tpu.memory_space<vmem>>, vector<8x128xf32>,
    } else {
    }
    %gt3A = arith.constant 0 : i32
    %gt3A_136 = arith.cmpi sgt, %arg0, %gt3A : i32
    %convert_element_type3A_137 = arith.extui %gt3A_136 : i1 to i32
    %cond3A_138 = arith.constant 0 : i32
    %cond3A_139 = arith.cmpi ne, %convert_element_type3A_137, %cond3A_138 : i32
    scf.if %cond3A_139 {
      %get3A_140 = arith.constant 0 : index
      %get3A_141 = arith.constant 0 : index
      %get3A_142 = vector.load %arg11[%get3A_140, %get3A_141] : memref<8x128xf32, #tpu.memory_space<vmem>>, vector<8x128xf32>
      %max3A_143 = arith.maximumf %get3A_142, %concatenate3A_132 : vector<8x128xf32>
      %swap3A_144 = arith.constant 0 : index
      %swap3A_145 = arith.constant 0 : index
      %swap3A_146 = vector.load %arg11[%swap3A_144, %swap3A_145] : memref<8x128xf32, #tpu.memory_space<vmem>>, vector<8x128xf32>
      tpu.vector_store %arg11[%swap3A_144, %swap3A_145], %max3A_143 {strides = array<i32>} : memref<8x128xf32, #tpu.memory_space<vmem>>, vector<8x128xf32>,
    } else {
    }
    return
  }
  func.func @transform_0(%arg0: i32) -> (i32, i32) {
    %c0_i32 = arith.constant 0 : i32
    %c0_i32_0 = arith.constant 0 : i32
    return %arg0, %c0_i32 : i32, i32
  }
  func.func @transform_1(%arg0: i32) -> (i32, i32) {
    %c0_i32 = arith.constant 0 : i32
    %c0_i32_0 = arith.constant 0 : i32
    return %arg0, %c0_i32 : i32, i32
  }
  func.func @transform_2(%arg0: i32) -> (i32, i32) {
    %c0_i32 = arith.constant 0 : i32
    %c0_i32_0 = arith.constant 0 : i32
    return %arg0, %c0_i32 : i32, i32
  }
  func.func @transform_3(%arg0: i32) -> (i32, i32) {
    %c0_i32 = arith.constant 0 : i32
    %c0_i32_0 = arith.constant 0 : i32
    return %arg0, %c0_i32 : i32, i32
  }
  func.func @transform_4(%arg0: i32) -> (i32, i32) {
    %c0_i32 = arith.constant 0 : i32
    %c0_i32_0 = arith.constant 0 : i32
    %c0_i32_1 = arith.constant 0 : i32
    return %c0_i32, %c0_i32_0 : i32, i32
  }
  func.func @transform_5(%arg0: i32) -> (i32, i32) {
    %c0_i32 = arith.constant 0 : i32
    %c0_i32_0 = arith.constant 0 : i32
    %c0_i32_1 = arith.constant 0 : i32
    return %c0_i32, %c0_i32_0 : i32, i32
  }
  func.func @transform_6(%arg0: i32) -> (i32, i32) {
    %c0_i32 = arith.constant 0 : i32
    %c0_i32_0 = arith.constant 0 : i32
    %c0_i32_1 = arith.constant 0 : i32
    return %c0_i32, %c0_i32_0 : i32, i32
  }
  func.func @transform_7(%arg0: i32) -> (i32, i32) {
    %c0_i32 = arith.constant 0 : i32
    %c0_i32_0 = arith.constant 0 : i32
    return %arg0, %c0_i32 : i32, i32
  }
  func.func @transform_8(%arg0: i32) -> (i32, i32) {
    %c0_i32 = arith.constant 0 : i32
    %c0_i32_0 = arith.constant 0 : i32
    return %arg0, %c0_i32 : i32, i32
  }
  func.func @transform_9(%arg0: i32) -> (i32, i32) {
    %c0_i32 = arith.constant 0 : i32
    %c0_i32_0 = arith.constant 0 : i32
    return %arg0, %c0_i32 : i32, i32
  }
  func.func @transform_10(%arg0: i32) -> (i32, i32) {
    %c0_i32 = arith.constant 0 : i32
    %c0_i32_0 = arith.constant 0 : i32
    %c0_i32_1 = arith.constant 0 : i32
    return %c0_i32, %c0_i32_0 : i32, i32
  }
}

module attributes {stable_mosaic.version = 14 : i64} {
  func.func @_poolB_body(%arg0: i32, %arg1: memref<3136x64xf32, #tpu.memory_space<vmem>>, %arg2: memref<3136x1xf32, #tpu.memory_space<vmem>>, %arg3: memref<8x128xf32, #tpu.memory_space<vmem>>, %arg4: memref<3136x1xf32, #tpu.memory_space<vmem>>, %arg5: memref<64x64xf32, #tpu.memory_space<vmem>>, %arg6: memref<1x64xf32, #tpu.memory_space<vmem>>, %arg7: memref<64x10xf32, #tpu.memory_space<vmem>>, %arg8: memref<1x10xf32, #tpu.memory_space<vmem>>, %arg9: memref<8x10xf32, #tpu.memory_space<vmem>>, %arg10: memref<8x64xf32, #tpu.memory_space<vmem>>, %arg11: memref<8x128xf32, #tpu.memory_space<vmem>>) attributes {dimension_semantics = [#tpu.dimension_semantics<arbitrary>], iteration_bounds = array<i64: 16>, scalar_prefetch = 0 : i64, scratch_operands = 2 : i64, tpu.core_type = #tpu.core_type<tc>, window_params = [{transform_indices = @transform_0, window_bounds = array<i64: 3136, 64>}, {transform_indices = @transform_1, window_bounds = array<i64: 3136, 1>}, {pipeline_mode = #tpu.pipeline_mode<synchronous>, transform_indices = @transform_2, window_bounds = array<i64: 8, 128>}, {transform_indices = @transform_3, window_bounds = array<i64: 3136, 1>}, {pipeline_mode = #tpu.pipeline_mode<synchronous>, transform_indices = @transform_4, window_bounds = array<i64: 64, 64>}, {pipeline_mode = #tpu.pipeline_mode<synchronous>, transform_indices = @transform_5, window_bounds = array<i64: 1, 64>}, {pipeline_mode = #tpu.pipeline_mode<synchronous>, transform_indices = @transform_6, window_bounds = array<i64: 64, 10>}, {pipeline_mode = #tpu.pipeline_mode<synchronous>, transform_indices = @transform_7, window_bounds = array<i64: 1, 10>}, {pipeline_mode = #tpu.pipeline_mode<synchronous>, transform_indices = @transform_8, window_bounds = array<i64: 8, 10>}]} {
    %eq3A = arith.constant 0 : i32
    %eq3A_0 = arith.cmpi eq, %arg0, %eq3A : i32
    %convert_element_type3A = arith.extui %eq3A_0 : i1 to i32
    %cond3A = arith.constant 0 : i32
    %cond3A_1 = arith.cmpi ne, %convert_element_type3A, %cond3A : i32
    scf.if %cond3A_1 {
      %broadcast_in_dim3A_245 = arith.constant 0.000000e+00 : f32
      %broadcast_in_dim3A_246 = vector.broadcast %broadcast_in_dim3A_245 : f32 to vector<8x64xf32>
      %swap3A_247 = arith.constant 0 : index
      %swap3A_248 = arith.constant 0 : index
      %swap3A_249 = vector.load %arg10[%swap3A_247, %swap3A_248] : memref<8x64xf32, #tpu.memory_space<vmem>>, vector<8x64xf32>
      tpu.vector_store %arg10[%swap3A_247, %swap3A_248], %broadcast_in_dim3A_246 {strides = array<i32>} : memref<8x64xf32, #tpu.memory_space<vmem>>, vector<8x64xf32>,
      %broadcast_in_dim3A_250 = arith.constant 0.000000e+00 : f32
      %broadcast_in_dim3A_251 = vector.broadcast %broadcast_in_dim3A_250 : f32 to vector<8x128xf32>
      %swap3A_252 = arith.constant 0 : index
      %swap3A_253 = arith.constant 0 : index
      %swap3A_254 = vector.load %arg11[%swap3A_252, %swap3A_253] : memref<8x128xf32, #tpu.memory_space<vmem>>, vector<8x128xf32>
      tpu.vector_store %arg11[%swap3A_252, %swap3A_253], %broadcast_in_dim3A_251 {strides = array<i32>} : memref<8x128xf32, #tpu.memory_space<vmem>>, vector<8x128xf32>,
    } else {
    }
    %get3A = arith.constant 0 : index
    %get3A_2 = arith.constant 0 : index
    %get3A_3 = vector.load %arg4[%get3A, %get3A_2] : memref<3136x1xf32, #tpu.memory_space<vmem>>, vector<3136x1xf32>
    %get3A_4 = arith.constant 0 : index
    %get3A_5 = arith.constant 0 : index
    %get3A_6 = vector.load %arg2[%get3A_4, %get3A_5] : memref<3136x1xf32, #tpu.memory_space<vmem>>, vector<3136x1xf32>
    %get3A_7 = arith.constant 0 : index
    %get3A_8 = arith.constant 0 : index
    %get3A_9 = vector.load %arg3[%get3A_7, %get3A_8] : memref<8x128xf32, #tpu.memory_space<vmem>>, vector<8x128xf32>
    %broadcast_in_dim3A = arith.constant 0.000000e+00 : f32
    %broadcast_in_dim3A_10 = vector.broadcast %broadcast_in_dim3A : f32 to vector<3136x1xf32>
    %eq3A_11 = arith.constant 0.000000e+00 : f32
    %eq3A_12 = vector.broadcast %eq3A_11 : f32 to vector<3136x1xf32>
    %eq3A_13 = arith.cmpf oeq, %get3A_3, %eq3A_12 : vector<3136x1xf32>
    %slice3A = vector.extract_strided_slice %get3A_9 {offsets = [0, 0], sizes = [1, 1], strides = [1, 1]} : vector<8x128xf32> to vector<1x1xf32>
    %jit3A = arith.constant 0.000000e+00 : f32
    %broadcast_in_dim3A_14 = vector.shape_cast %slice3A : vector<1x1xf32> to vector<1x1xf32>
    %broadcast_in_dim3A_15 = vector.broadcast %broadcast_in_dim3A_14 : vector<1x1xf32> to vector<3136x1xf32>
    %broadcast_in_dim3A_16 = vector.broadcast %jit3A : f32 to vector<3136x1xf32>
    %select_n3A = arith.select %eq3A_13, %broadcast_in_dim3A_15, %broadcast_in_dim3A_16 : vector<3136x1xi1>, vector<3136x1xf32>
    %add3A = arith.addf %broadcast_in_dim3A_10, %select_n3A : vector<3136x1xf32>
    %eq3A_17 = arith.constant 1.000000e+00 : f32
    %eq3A_18 = vector.broadcast %eq3A_17 : f32 to vector<3136x1xf32>
    %eq3A_19 = arith.cmpf oeq, %get3A_3, %eq3A_18 : vector<3136x1xf32>
    %slice3A_20 = vector.extract_strided_slice %get3A_9 {offsets = [1, 0], sizes = [1, 1], strides = [1, 1]} : vector<8x128xf32> to vector<1x1xf32>
    %jit3A_21 = arith.constant 0.000000e+00 : f32
    %broadcast_in_dim3A_22 = vector.shape_cast %slice3A_20 : vector<1x1xf32> to vector<1x1xf32>
    %broadcast_in_dim3A_23 = vector.broadcast %broadcast_in_dim3A_22 : vector<1x1xf32> to vector<3136x1xf32>
    %broadcast_in_dim3A_24 = vector.broadcast %jit3A_21 : f32 to vector<3136x1xf32>
    %select_n3A_25 = arith.select %eq3A_19, %broadcast_in_dim3A_23, %broadcast_in_dim3A_24 : vector<3136x1xi1>, vector<3136x1xf32>
    %add3A_26 = arith.addf %add3A, %select_n3A_25 : vector<3136x1xf32>
    %eq3A_27 = arith.constant 2.000000e+00 : f32
    %eq3A_28 = vector.broadcast %eq3A_27 : f32 to vector<3136x1xf32>
    %eq3A_29 = arith.cmpf oeq, %get3A_3, %eq3A_28 : vector<3136x1xf32>
    %slice3A_30 = vector.extract_strided_slice %get3A_9 {offsets = [2, 0], sizes = [1, 1], strides = [1, 1]} : vector<8x128xf32> to vector<1x1xf32>
    %jit3A_31 = arith.constant 0.000000e+00 : f32
    %broadcast_in_dim3A_32 = vector.shape_cast %slice3A_30 : vector<1x1xf32> to vector<1x1xf32>
    %broadcast_in_dim3A_33 = vector.broadcast %broadcast_in_dim3A_32 : vector<1x1xf32> to vector<3136x1xf32>
    %broadcast_in_dim3A_34 = vector.broadcast %jit3A_31 : f32 to vector<3136x1xf32>
    %select_n3A_35 = arith.select %eq3A_29, %broadcast_in_dim3A_33, %broadcast_in_dim3A_34 : vector<3136x1xi1>, vector<3136x1xf32>
    %add3A_36 = arith.addf %add3A_26, %select_n3A_35 : vector<3136x1xf32>
    %eq3A_37 = arith.constant 3.000000e+00 : f32
    %eq3A_38 = vector.broadcast %eq3A_37 : f32 to vector<3136x1xf32>
    %eq3A_39 = arith.cmpf oeq, %get3A_3, %eq3A_38 : vector<3136x1xf32>
    %slice3A_40 = vector.extract_strided_slice %get3A_9 {offsets = [3, 0], sizes = [1, 1], strides = [1, 1]} : vector<8x128xf32> to vector<1x1xf32>
    %jit3A_41 = arith.constant 0.000000e+00 : f32
    %broadcast_in_dim3A_42 = vector.shape_cast %slice3A_40 : vector<1x1xf32> to vector<1x1xf32>
    %broadcast_in_dim3A_43 = vector.broadcast %broadcast_in_dim3A_42 : vector<1x1xf32> to vector<3136x1xf32>
    %broadcast_in_dim3A_44 = vector.broadcast %jit3A_41 : f32 to vector<3136x1xf32>
    %select_n3A_45 = arith.select %eq3A_39, %broadcast_in_dim3A_43, %broadcast_in_dim3A_44 : vector<3136x1xi1>, vector<3136x1xf32>
    %add3A_46 = arith.addf %add3A_36, %select_n3A_45 : vector<3136x1xf32>
    %eq3A_47 = arith.constant 4.000000e+00 : f32
    %eq3A_48 = vector.broadcast %eq3A_47 : f32 to vector<3136x1xf32>
    %eq3A_49 = arith.cmpf oeq, %get3A_3, %eq3A_48 : vector<3136x1xf32>
    %slice3A_50 = vector.extract_strided_slice %get3A_9 {offsets = [4, 0], sizes = [1, 1], strides = [1, 1]} : vector<8x128xf32> to vector<1x1xf32>
    %jit3A_51 = arith.constant 0.000000e+00 : f32
    %broadcast_in_dim3A_52 = vector.shape_cast %slice3A_50 : vector<1x1xf32> to vector<1x1xf32>
    %broadcast_in_dim3A_53 = vector.broadcast %broadcast_in_dim3A_52 : vector<1x1xf32> to vector<3136x1xf32>
    %broadcast_in_dim3A_54 = vector.broadcast %jit3A_51 : f32 to vector<3136x1xf32>
    %select_n3A_55 = arith.select %eq3A_49, %broadcast_in_dim3A_53, %broadcast_in_dim3A_54 : vector<3136x1xi1>, vector<3136x1xf32>
    %add3A_56 = arith.addf %add3A_46, %select_n3A_55 : vector<3136x1xf32>
    %eq3A_57 = arith.constant 5.000000e+00 : f32
    %eq3A_58 = vector.broadcast %eq3A_57 : f32 to vector<3136x1xf32>
    %eq3A_59 = arith.cmpf oeq, %get3A_3, %eq3A_58 : vector<3136x1xf32>
    %slice3A_60 = vector.extract_strided_slice %get3A_9 {offsets = [5, 0], sizes = [1, 1], strides = [1, 1]} : vector<8x128xf32> to vector<1x1xf32>
    %jit3A_61 = arith.constant 0.000000e+00 : f32
    %broadcast_in_dim3A_62 = vector.shape_cast %slice3A_60 : vector<1x1xf32> to vector<1x1xf32>
    %broadcast_in_dim3A_63 = vector.broadcast %broadcast_in_dim3A_62 : vector<1x1xf32> to vector<3136x1xf32>
    %broadcast_in_dim3A_64 = vector.broadcast %jit3A_61 : f32 to vector<3136x1xf32>
    %select_n3A_65 = arith.select %eq3A_59, %broadcast_in_dim3A_63, %broadcast_in_dim3A_64 : vector<3136x1xi1>, vector<3136x1xf32>
    %add3A_66 = arith.addf %add3A_56, %select_n3A_65 : vector<3136x1xf32>
    %eq3A_67 = arith.constant 6.000000e+00 : f32
    %eq3A_68 = vector.broadcast %eq3A_67 : f32 to vector<3136x1xf32>
    %eq3A_69 = arith.cmpf oeq, %get3A_3, %eq3A_68 : vector<3136x1xf32>
    %slice3A_70 = vector.extract_strided_slice %get3A_9 {offsets = [6, 0], sizes = [1, 1], strides = [1, 1]} : vector<8x128xf32> to vector<1x1xf32>
    %jit3A_71 = arith.constant 0.000000e+00 : f32
    %broadcast_in_dim3A_72 = vector.shape_cast %slice3A_70 : vector<1x1xf32> to vector<1x1xf32>
    %broadcast_in_dim3A_73 = vector.broadcast %broadcast_in_dim3A_72 : vector<1x1xf32> to vector<3136x1xf32>
    %broadcast_in_dim3A_74 = vector.broadcast %jit3A_71 : f32 to vector<3136x1xf32>
    %select_n3A_75 = arith.select %eq3A_69, %broadcast_in_dim3A_73, %broadcast_in_dim3A_74 : vector<3136x1xi1>, vector<3136x1xf32>
    %add3A_76 = arith.addf %add3A_66, %select_n3A_75 : vector<3136x1xf32>
    %eq3A_77 = arith.constant 7.000000e+00 : f32
    %eq3A_78 = vector.broadcast %eq3A_77 : f32 to vector<3136x1xf32>
    %eq3A_79 = arith.cmpf oeq, %get3A_3, %eq3A_78 : vector<3136x1xf32>
    %slice3A_80 = vector.extract_strided_slice %get3A_9 {offsets = [7, 0], sizes = [1, 1], strides = [1, 1]} : vector<8x128xf32> to vector<1x1xf32>
    %jit3A_81 = arith.constant 0.000000e+00 : f32
    %broadcast_in_dim3A_82 = vector.shape_cast %slice3A_80 : vector<1x1xf32> to vector<1x1xf32>
    %broadcast_in_dim3A_83 = vector.broadcast %broadcast_in_dim3A_82 : vector<1x1xf32> to vector<3136x1xf32>
    %broadcast_in_dim3A_84 = vector.broadcast %jit3A_81 : f32 to vector<3136x1xf32>
    %select_n3A_85 = arith.select %eq3A_79, %broadcast_in_dim3A_83, %broadcast_in_dim3A_84 : vector<3136x1xi1>, vector<3136x1xf32>
    %add3A_86 = arith.addf %add3A_76, %select_n3A_85 : vector<3136x1xf32>
    %sub3A = arith.subf %get3A_6, %add3A_86 : vector<3136x1xf32>
    %min3A = arith.constant 6.000000e+01 : f32
    %min3A_87 = vector.broadcast %min3A : f32 to vector<3136x1xf32>
    %min3A_88 = arith.minimumf %sub3A, %min3A_87 : vector<3136x1xf32>
    %exp3A = math.exp %min3A_88 : vector<3136x1xf32>
    %get3A_89 = arith.constant 0 : index
    %get3A_90 = arith.constant 0 : index
    %get3A_91 = vector.load %arg1[%get3A_89, %get3A_90] : memref<3136x64xf32, #tpu.memory_space<vmem>>, vector<3136x64xf32>
    %eq3A_92 = arith.constant 0.000000e+00 : f32
    %eq3A_93 = vector.broadcast %eq3A_92 : f32 to vector<3136x1xf32>
    %eq3A_94 = arith.cmpf oeq, %get3A_3, %eq3A_93 : vector<3136x1xf32>
    %jit3A_95 = arith.constant 0.000000e+00 : f32
    %broadcast_in_dim3A_96 = vector.broadcast %jit3A_95 : f32 to vector<3136x1xf32>
    %select_n3A_97 = arith.select %eq3A_94, %exp3A, %broadcast_in_dim3A_96 : vector<3136x1xi1>, vector<3136x1xf32>
    %reduce_sum3A = vector.shape_cast %select_n3A_97 : vector<3136x1xf32> to vector<1x3136x1xf32>
    %reduce_sum3A_98 = arith.constant dense<0.000000e+00> : vector<1xf32>
    %reduce_sum3A_99 = vector.multi_reduction <add>, %reduce_sum3A, %reduce_sum3A_98 [1, 2] : vector<1x3136x1xf32> to vector<1xf32>
    %reduce_sum3A_100 = vector.shape_cast %reduce_sum3A_99 : vector<1xf32> to vector<1x1x1xf32>
    %reduce_sum3A_101 = vector.extract %reduce_sum3A_100[0, 0, 0] : f32 from vector<1x1x1xf32>
    %broadcast_in_dim3A_102 = vector.broadcast %reduce_sum3A_101 : f32 to vector<1x128xf32>
    %mul3A = vector.broadcast %select_n3A_97 : vector<3136x1xf32> to vector<3136x64xf32>
    %mul3A_103 = arith.mulf %mul3A, %get3A_91 : vector<3136x64xf32>
    %reduce_sum3A_104 = arith.constant dense<0.000000e+00> : vector<64xf32>
    %reduce_sum3A_105 = vector.multi_reduction <add>, %mul3A_103, %reduce_sum3A_104 [0] : vector<3136x64xf32> to vector<64xf32>
    %broadcast_in_dim3A_106 = vector.shape_cast %reduce_sum3A_105 : vector<64xf32> to vector<1x64xf32>
    %eq3A_107 = arith.constant 1.000000e+00 : f32
    %eq3A_108 = vector.broadcast %eq3A_107 : f32 to vector<3136x1xf32>
    %eq3A_109 = arith.cmpf oeq, %get3A_3, %eq3A_108 : vector<3136x1xf32>
    %jit3A_110 = arith.constant 0.000000e+00 : f32
    %broadcast_in_dim3A_111 = vector.broadcast %jit3A_110 : f32 to vector<3136x1xf32>
    %select_n3A_112 = arith.select %eq3A_109, %exp3A, %broadcast_in_dim3A_111 : vector<3136x1xi1>, vector<3136x1xf32>
    %reduce_sum3A_113 = vector.shape_cast %select_n3A_112 : vector<3136x1xf32> to vector<1x3136x1xf32>
    %reduce_sum3A_114 = arith.constant dense<0.000000e+00> : vector<1xf32>
    %reduce_sum3A_115 = vector.multi_reduction <add>, %reduce_sum3A_113, %reduce_sum3A_114 [1, 2] : vector<1x3136x1xf32> to vector<1xf32>
    %reduce_sum3A_116 = vector.shape_cast %reduce_sum3A_115 : vector<1xf32> to vector<1x1x1xf32>
    %reduce_sum3A_117 = vector.extract %reduce_sum3A_116[0, 0, 0] : f32 from vector<1x1x1xf32>
    %broadcast_in_dim3A_118 = vector.broadcast %reduce_sum3A_117 : f32 to vector<1x128xf32>
    %mul3A_119 = vector.broadcast %select_n3A_112 : vector<3136x1xf32> to vector<3136x64xf32>
    %mul3A_120 = arith.mulf %mul3A_119, %get3A_91 : vector<3136x64xf32>
    %reduce_sum3A_121 = arith.constant dense<0.000000e+00> : vector<64xf32>
    %reduce_sum3A_122 = vector.multi_reduction <add>, %mul3A_120, %reduce_sum3A_121 [0] : vector<3136x64xf32> to vector<64xf32>
    %broadcast_in_dim3A_123 = vector.shape_cast %reduce_sum3A_122 : vector<64xf32> to vector<1x64xf32>
    %eq3A_124 = arith.constant 2.000000e+00 : f32
    %eq3A_125 = vector.broadcast %eq3A_124 : f32 to vector<3136x1xf32>
    %eq3A_126 = arith.cmpf oeq, %get3A_3, %eq3A_125 : vector<3136x1xf32>
    %jit3A_127 = arith.constant 0.000000e+00 : f32
    %broadcast_in_dim3A_128 = vector.broadcast %jit3A_127 : f32 to vector<3136x1xf32>
    %select_n3A_129 = arith.select %eq3A_126, %exp3A, %broadcast_in_dim3A_128 : vector<3136x1xi1>, vector<3136x1xf32>
    %reduce_sum3A_130 = vector.shape_cast %select_n3A_129 : vector<3136x1xf32> to vector<1x3136x1xf32>
    %reduce_sum3A_131 = arith.constant dense<0.000000e+00> : vector<1xf32>
    %reduce_sum3A_132 = vector.multi_reduction <add>, %reduce_sum3A_130, %reduce_sum3A_131 [1, 2] : vector<1x3136x1xf32> to vector<1xf32>
    %reduce_sum3A_133 = vector.shape_cast %reduce_sum3A_132 : vector<1xf32> to vector<1x1x1xf32>
    %reduce_sum3A_134 = vector.extract %reduce_sum3A_133[0, 0, 0] : f32 from vector<1x1x1xf32>
    %broadcast_in_dim3A_135 = vector.broadcast %reduce_sum3A_134 : f32 to vector<1x128xf32>
    %mul3A_136 = vector.broadcast %select_n3A_129 : vector<3136x1xf32> to vector<3136x64xf32>
    %mul3A_137 = arith.mulf %mul3A_136, %get3A_91 : vector<3136x64xf32>
    %reduce_sum3A_138 = arith.constant dense<0.000000e+00> : vector<64xf32>
    %reduce_sum3A_139 = vector.multi_reduction <add>, %mul3A_137, %reduce_sum3A_138 [0] : vector<3136x64xf32> to vector<64xf32>
    %broadcast_in_dim3A_140 = vector.shape_cast %reduce_sum3A_139 : vector<64xf32> to vector<1x64xf32>
    %eq3A_141 = arith.constant 3.000000e+00 : f32
    %eq3A_142 = vector.broadcast %eq3A_141 : f32 to vector<3136x1xf32>
    %eq3A_143 = arith.cmpf oeq, %get3A_3, %eq3A_142 : vector<3136x1xf32>
    %jit3A_144 = arith.constant 0.000000e+00 : f32
    %broadcast_in_dim3A_145 = vector.broadcast %jit3A_144 : f32 to vector<3136x1xf32>
    %select_n3A_146 = arith.select %eq3A_143, %exp3A, %broadcast_in_dim3A_145 : vector<3136x1xi1>, vector<3136x1xf32>
    %reduce_sum3A_147 = vector.shape_cast %select_n3A_146 : vector<3136x1xf32> to vector<1x3136x1xf32>
    %reduce_sum3A_148 = arith.constant dense<0.000000e+00> : vector<1xf32>
    %reduce_sum3A_149 = vector.multi_reduction <add>, %reduce_sum3A_147, %reduce_sum3A_148 [1, 2] : vector<1x3136x1xf32> to vector<1xf32>
    %reduce_sum3A_150 = vector.shape_cast %reduce_sum3A_149 : vector<1xf32> to vector<1x1x1xf32>
    %reduce_sum3A_151 = vector.extract %reduce_sum3A_150[0, 0, 0] : f32 from vector<1x1x1xf32>
    %broadcast_in_dim3A_152 = vector.broadcast %reduce_sum3A_151 : f32 to vector<1x128xf32>
    %mul3A_153 = vector.broadcast %select_n3A_146 : vector<3136x1xf32> to vector<3136x64xf32>
    %mul3A_154 = arith.mulf %mul3A_153, %get3A_91 : vector<3136x64xf32>
    %reduce_sum3A_155 = arith.constant dense<0.000000e+00> : vector<64xf32>
    %reduce_sum3A_156 = vector.multi_reduction <add>, %mul3A_154, %reduce_sum3A_155 [0] : vector<3136x64xf32> to vector<64xf32>
    %broadcast_in_dim3A_157 = vector.shape_cast %reduce_sum3A_156 : vector<64xf32> to vector<1x64xf32>
    %eq3A_158 = arith.constant 4.000000e+00 : f32
    %eq3A_159 = vector.broadcast %eq3A_158 : f32 to vector<3136x1xf32>
    %eq3A_160 = arith.cmpf oeq, %get3A_3, %eq3A_159 : vector<3136x1xf32>
    %jit3A_161 = arith.constant 0.000000e+00 : f32
    %broadcast_in_dim3A_162 = vector.broadcast %jit3A_161 : f32 to vector<3136x1xf32>
    %select_n3A_163 = arith.select %eq3A_160, %exp3A, %broadcast_in_dim3A_162 : vector<3136x1xi1>, vector<3136x1xf32>
    %reduce_sum3A_164 = vector.shape_cast %select_n3A_163 : vector<3136x1xf32> to vector<1x3136x1xf32>
    %reduce_sum3A_165 = arith.constant dense<0.000000e+00> : vector<1xf32>
    %reduce_sum3A_166 = vector.multi_reduction <add>, %reduce_sum3A_164, %reduce_sum3A_165 [1, 2] : vector<1x3136x1xf32> to vector<1xf32>
    %reduce_sum3A_167 = vector.shape_cast %reduce_sum3A_166 : vector<1xf32> to vector<1x1x1xf32>
    %reduce_sum3A_168 = vector.extract %reduce_sum3A_167[0, 0, 0] : f32 from vector<1x1x1xf32>
    %broadcast_in_dim3A_169 = vector.broadcast %reduce_sum3A_168 : f32 to vector<1x128xf32>
    %mul3A_170 = vector.broadcast %select_n3A_163 : vector<3136x1xf32> to vector<3136x64xf32>
    %mul3A_171 = arith.mulf %mul3A_170, %get3A_91 : vector<3136x64xf32>
    %reduce_sum3A_172 = arith.constant dense<0.000000e+00> : vector<64xf32>
    %reduce_sum3A_173 = vector.multi_reduction <add>, %mul3A_171, %reduce_sum3A_172 [0] : vector<3136x64xf32> to vector<64xf32>
    %broadcast_in_dim3A_174 = vector.shape_cast %reduce_sum3A_173 : vector<64xf32> to vector<1x64xf32>
    %eq3A_175 = arith.constant 5.000000e+00 : f32
    %eq3A_176 = vector.broadcast %eq3A_175 : f32 to vector<3136x1xf32>
    %eq3A_177 = arith.cmpf oeq, %get3A_3, %eq3A_176 : vector<3136x1xf32>
    %jit3A_178 = arith.constant 0.000000e+00 : f32
    %broadcast_in_dim3A_179 = vector.broadcast %jit3A_178 : f32 to vector<3136x1xf32>
    %select_n3A_180 = arith.select %eq3A_177, %exp3A, %broadcast_in_dim3A_179 : vector<3136x1xi1>, vector<3136x1xf32>
    %reduce_sum3A_181 = vector.shape_cast %select_n3A_180 : vector<3136x1xf32> to vector<1x3136x1xf32>
    %reduce_sum3A_182 = arith.constant dense<0.000000e+00> : vector<1xf32>
    %reduce_sum3A_183 = vector.multi_reduction <add>, %reduce_sum3A_181, %reduce_sum3A_182 [1, 2] : vector<1x3136x1xf32> to vector<1xf32>
    %reduce_sum3A_184 = vector.shape_cast %reduce_sum3A_183 : vector<1xf32> to vector<1x1x1xf32>
    %reduce_sum3A_185 = vector.extract %reduce_sum3A_184[0, 0, 0] : f32 from vector<1x1x1xf32>
    %broadcast_in_dim3A_186 = vector.broadcast %reduce_sum3A_185 : f32 to vector<1x128xf32>
    %mul3A_187 = vector.broadcast %select_n3A_180 : vector<3136x1xf32> to vector<3136x64xf32>
    %mul3A_188 = arith.mulf %mul3A_187, %get3A_91 : vector<3136x64xf32>
    %reduce_sum3A_189 = arith.constant dense<0.000000e+00> : vector<64xf32>
    %reduce_sum3A_190 = vector.multi_reduction <add>, %mul3A_188, %reduce_sum3A_189 [0] : vector<3136x64xf32> to vector<64xf32>
    %broadcast_in_dim3A_191 = vector.shape_cast %reduce_sum3A_190 : vector<64xf32> to vector<1x64xf32>
    %eq3A_192 = arith.constant 6.000000e+00 : f32
    %eq3A_193 = vector.broadcast %eq3A_192 : f32 to vector<3136x1xf32>
    %eq3A_194 = arith.cmpf oeq, %get3A_3, %eq3A_193 : vector<3136x1xf32>
    %jit3A_195 = arith.constant 0.000000e+00 : f32
    %broadcast_in_dim3A_196 = vector.broadcast %jit3A_195 : f32 to vector<3136x1xf32>
    %select_n3A_197 = arith.select %eq3A_194, %exp3A, %broadcast_in_dim3A_196 : vector<3136x1xi1>, vector<3136x1xf32>
    %reduce_sum3A_198 = vector.shape_cast %select_n3A_197 : vector<3136x1xf32> to vector<1x3136x1xf32>
    %reduce_sum3A_199 = arith.constant dense<0.000000e+00> : vector<1xf32>
    %reduce_sum3A_200 = vector.multi_reduction <add>, %reduce_sum3A_198, %reduce_sum3A_199 [1, 2] : vector<1x3136x1xf32> to vector<1xf32>
    %reduce_sum3A_201 = vector.shape_cast %reduce_sum3A_200 : vector<1xf32> to vector<1x1x1xf32>
    %reduce_sum3A_202 = vector.extract %reduce_sum3A_201[0, 0, 0] : f32 from vector<1x1x1xf32>
    %broadcast_in_dim3A_203 = vector.broadcast %reduce_sum3A_202 : f32 to vector<1x128xf32>
    %mul3A_204 = vector.broadcast %select_n3A_197 : vector<3136x1xf32> to vector<3136x64xf32>
    %mul3A_205 = arith.mulf %mul3A_204, %get3A_91 : vector<3136x64xf32>
    %reduce_sum3A_206 = arith.constant dense<0.000000e+00> : vector<64xf32>
    %reduce_sum3A_207 = vector.multi_reduction <add>, %mul3A_205, %reduce_sum3A_206 [0] : vector<3136x64xf32> to vector<64xf32>
    %broadcast_in_dim3A_208 = vector.shape_cast %reduce_sum3A_207 : vector<64xf32> to vector<1x64xf32>
    %eq3A_209 = arith.constant 7.000000e+00 : f32
    %eq3A_210 = vector.broadcast %eq3A_209 : f32 to vector<3136x1xf32>
    %eq3A_211 = arith.cmpf oeq, %get3A_3, %eq3A_210 : vector<3136x1xf32>
    %jit3A_212 = arith.constant 0.000000e+00 : f32
    %broadcast_in_dim3A_213 = vector.broadcast %jit3A_212 : f32 to vector<3136x1xf32>
    %select_n3A_214 = arith.select %eq3A_211, %exp3A, %broadcast_in_dim3A_213 : vector<3136x1xi1>, vector<3136x1xf32>
    %reduce_sum3A_215 = vector.shape_cast %select_n3A_214 : vector<3136x1xf32> to vector<1x3136x1xf32>
    %reduce_sum3A_216 = arith.constant dense<0.000000e+00> : vector<1xf32>
    %reduce_sum3A_217 = vector.multi_reduction <add>, %reduce_sum3A_215, %reduce_sum3A_216 [1, 2] : vector<1x3136x1xf32> to vector<1xf32>
    %reduce_sum3A_218 = vector.shape_cast %reduce_sum3A_217 : vector<1xf32> to vector<1x1x1xf32>
    %reduce_sum3A_219 = vector.extract %reduce_sum3A_218[0, 0, 0] : f32 from vector<1x1x1xf32>
    %broadcast_in_dim3A_220 = vector.broadcast %reduce_sum3A_219 : f32 to vector<1x128xf32>
    %mul3A_221 = vector.broadcast %select_n3A_214 : vector<3136x1xf32> to vector<3136x64xf32>
    %mul3A_222 = arith.mulf %mul3A_221, %get3A_91 : vector<3136x64xf32>
    %reduce_sum3A_223 = arith.constant dense<0.000000e+00> : vector<64xf32>
    %reduce_sum3A_224 = vector.multi_reduction <add>, %mul3A_222, %reduce_sum3A_223 [0] : vector<3136x64xf32> to vector<64xf32>
    %broadcast_in_dim3A_225 = vector.shape_cast %reduce_sum3A_224 : vector<64xf32> to vector<1x64xf32>
    %get3A_226 = arith.constant 0 : index
    %get3A_227 = arith.constant 0 : index
    %get3A_228 = vector.load %arg10[%get3A_226, %get3A_227] : memref<8x64xf32, #tpu.memory_space<vmem>>, vector<8x64xf32>
    %concatenate3A = tpu.concatenate %broadcast_in_dim3A_106, %broadcast_in_dim3A_123, %broadcast_in_dim3A_140, %broadcast_in_dim3A_157, %broadcast_in_dim3A_174, %broadcast_in_dim3A_191, %broadcast_in_dim3A_208, %broadcast_in_dim3A_225 in 0 : vector<1x64xf32>, vector<1x64xf32>, vector<1x64xf32>, vector<1x64xf32>, vector<1x64xf32>, vector<1x64xf32>, vector<1x64xf32>, vector<1x64xf32> -> vector<8x64xf32>
    %add3A_229 = arith.addf %get3A_228, %concatenate3A : vector<8x64xf32>
    %swap3A = arith.constant 0 : index
    %swap3A_230 = arith.constant 0 : index
    %swap3A_231 = vector.load %arg10[%swap3A, %swap3A_230] : memref<8x64xf32, #tpu.memory_space<vmem>>, vector<8x64xf32>
    tpu.vector_store %arg10[%swap3A, %swap3A_230], %add3A_229 {strides = array<i32>} : memref<8x64xf32, #tpu.memory_space<vmem>>, vector<8x64xf32>,
    %get3A_232 = arith.constant 0 : index
    %get3A_233 = arith.constant 0 : index
    %get3A_234 = vector.load %arg11[%get3A_232, %get3A_233] : memref<8x128xf32, #tpu.memory_space<vmem>>, vector<8x128xf32>
    %concatenate3A_235 = tpu.concatenate %broadcast_in_dim3A_102, %broadcast_in_dim3A_118, %broadcast_in_dim3A_135, %broadcast_in_dim3A_152, %broadcast_in_dim3A_169, %broadcast_in_dim3A_186, %broadcast_in_dim3A_203, %broadcast_in_dim3A_220 in 0 : vector<1x128xf32>, vector<1x128xf32>, vector<1x128xf32>, vector<1x128xf32>, vector<1x128xf32>, vector<1x128xf32>, vector<1x128xf32>, vector<1x128xf32> -> vector<8x128xf32>
    %add3A_236 = arith.addf %get3A_234, %concatenate3A_235 : vector<8x128xf32>
    %swap3A_237 = arith.constant 0 : index
    %swap3A_238 = arith.constant 0 : index
    %swap3A_239 = vector.load %arg11[%swap3A_237, %swap3A_238] : memref<8x128xf32, #tpu.memory_space<vmem>>, vector<8x128xf32>
    tpu.vector_store %arg11[%swap3A_237, %swap3A_238], %add3A_236 {strides = array<i32>} : memref<8x128xf32, #tpu.memory_space<vmem>>, vector<8x128xf32>,
    %eq3A_240 = arith.constant 15 : i32
    %eq3A_241 = arith.cmpi eq, %arg0, %eq3A_240 : i32
    %convert_element_type3A_242 = arith.extui %eq3A_241 : i1 to i32
    %cond3A_243 = arith.constant 0 : i32
    %cond3A_244 = arith.cmpi ne, %convert_element_type3A_242, %cond3A_243 : i32
    scf.if %cond3A_244 {
      %get3A_245 = arith.constant 0 : index
      %get3A_246 = arith.constant 0 : index
      %get3A_247 = vector.load %arg10[%get3A_245, %get3A_246] : memref<8x64xf32, #tpu.memory_space<vmem>>, vector<8x64xf32>
      %get3A_248 = arith.constant 0 : index
      %get3A_249 = arith.constant 0 : index
      %get3A_250 = vector.load %arg11[%get3A_248, %get3A_249] : memref<8x128xf32, #tpu.memory_space<vmem>>, vector<8x128xf32>
      %slice3A_251 = vector.extract_strided_slice %get3A_250 {offsets = [0, 0], sizes = [8, 1], strides = [1, 1]} : vector<8x128xf32> to vector<8x1xf32>
      %add3A_252 = arith.constant 1.000000e-16 : f32
      %add3A_253 = vector.broadcast %add3A_252 : f32 to vector<8x1xf32>
      %add3A_254 = arith.addf %slice3A_251, %add3A_253 : vector<8x1xf32>
      %div3A = vector.broadcast %add3A_254 : vector<8x1xf32> to vector<8x64xf32>
      %div3A_255 = arith.divf %get3A_247, %div3A : vector<8x64xf32>
      %get3A_256 = arith.constant 0 : index
      %get3A_257 = arith.constant 0 : index
      %get3A_258 = vector.load %arg5[%get3A_256, %get3A_257] : memref<64x64xf32, #tpu.memory_space<vmem>>, vector<64x64xf32>
      %dot_general3A = arith.constant dense<0.000000e+00> : vector<8x64xf32>
      %dot_general3A_259 = tpu.matmul %div3A_255, %get3A_258, %dot_general3A {dimension_numbers = #tpu.dot_dimension_numbers<[1], [0], [0], [1], [0, 0, 1, 1], [], []>, precision = #tpu.contract_precision<fp32>, transpose_lhs_hint = false} : vector<8x64xf32>, vector<64x64xf32>, vector<8x64xf32> -> vector<8x64xf32>
      %get3A_260 = arith.constant 0 : index
      %get3A_261 = arith.constant 0 : index
      %get3A_262 = vector.load %arg6[%get3A_260, %get3A_261] : memref<1x64xf32, #tpu.memory_space<vmem>>, vector<1x64xf32>
      %add3A_263 = vector.broadcast %get3A_262 : vector<1x64xf32> to vector<8x64xf32>
      %add3A_264 = arith.addf %dot_general3A_259, %add3A_263 : vector<8x64xf32>
      %max3A = arith.constant 0.000000e+00 : f32
      %max3A_265 = vector.broadcast %max3A : f32 to vector<8x64xf32>
      %max3A_266 = arith.maximumf %add3A_264, %max3A_265 : vector<8x64xf32>
      %get3A_267 = arith.constant 0 : index
      %get3A_268 = arith.constant 0 : index
      %get3A_269 = vector.load %arg7[%get3A_267, %get3A_268] : memref<64x10xf32, #tpu.memory_space<vmem>>, vector<64x10xf32>
      %dot_general3A_270 = arith.constant dense<0.000000e+00> : vector<8x10xf32>
      %dot_general3A_271 = tpu.matmul %max3A_266, %get3A_269, %dot_general3A_270 {dimension_numbers = #tpu.dot_dimension_numbers<[1], [0], [0], [1], [0, 0, 1, 1], [], []>, precision = #tpu.contract_precision<fp32>, transpose_lhs_hint = false} : vector<8x64xf32>, vector<64x10xf32>, vector<8x10xf32> -> vector<8x10xf32>
      %get3A_272 = arith.constant 0 : index
      %get3A_273 = arith.constant 0 : index
      %get3A_274 = vector.load %arg8[%get3A_272, %get3A_273] : memref<1x10xf32, #tpu.memory_space<vmem>>, vector<1x10xf32>
      %add3A_275 = vector.broadcast %get3A_274 : vector<1x10xf32> to vector<8x10xf32>
      %add3A_276 = arith.addf %dot_general3A_271, %add3A_275 : vector<8x10xf32>
      %swap3A_277 = arith.constant 0 : index
      %swap3A_278 = arith.constant 0 : index
      %swap3A_279 = vector.load %arg9[%swap3A_277, %swap3A_278] : memref<8x10xf32, #tpu.memory_space<vmem>>, vector<8x10xf32>
      tpu.vector_store %arg9[%swap3A_277, %swap3A_278], %add3A_276 {strides = array<i32>} : memref<8x10xf32, #tpu.memory_space<vmem>>, vector<8x10xf32>,
    } else {
    }
    return
  }
  func.func @transform_0(%arg0: i32) -> (i32, i32) {
    %c0_i32 = arith.constant 0 : i32
    %c0_i32_0 = arith.constant 0 : i32
    return %arg0, %c0_i32 : i32, i32
  }
  func.func @transform_1(%arg0: i32) -> (i32, i32) {
    %c0_i32 = arith.constant 0 : i32
    %c0_i32_0 = arith.constant 0 : i32
    return %arg0, %c0_i32 : i32, i32
  }
  func.func @transform_2(%arg0: i32) -> (i32, i32) {
    %c0_i32 = arith.constant 0 : i32
    %c0_i32_0 = arith.constant 0 : i32
    %c0_i32_1 = arith.constant 0 : i32
    return %c0_i32, %c0_i32_0 : i32, i32
  }
  func.func @transform_3(%arg0: i32) -> (i32, i32) {
    %c0_i32 = arith.constant 0 : i32
    %c0_i32_0 = arith.constant 0 : i32
    return %arg0, %c0_i32 : i32, i32
  }
  func.func @transform_4(%arg0: i32) -> (i32, i32) {
    %c0_i32 = arith.constant 0 : i32
    %c0_i32_0 = arith.constant 0 : i32
    %c0_i32_1 = arith.constant 0 : i32
    return %c0_i32, %c0_i32_0 : i32, i32
  }
  func.func @transform_5(%arg0: i32) -> (i32, i32) {
    %c0_i32 = arith.constant 0 : i32
    %c0_i32_0 = arith.constant 0 : i32
    %c0_i32_1 = arith.constant 0 : i32
    return %c0_i32, %c0_i32_0 : i32, i32
  }
  func.func @transform_6(%arg0: i32) -> (i32, i32) {
    %c0_i32 = arith.constant 0 : i32
    %c0_i32_0 = arith.constant 0 : i32
    %c0_i32_1 = arith.constant 0 : i32
    return %c0_i32, %c0_i32_0 : i32, i32
  }
  func.func @transform_7(%arg0: i32) -> (i32, i32) {
    %c0_i32 = arith.constant 0 : i32
    %c0_i32_0 = arith.constant 0 : i32
    %c0_i32_1 = arith.constant 0 : i32
    return %c0_i32, %c0_i32_0 : i32, i32
  }
  func.func @transform_8(%arg0: i32) -> (i32, i32) {
    %c0_i32 = arith.constant 0 : i32
    %c0_i32_0 = arith.constant 0 : i32
    %c0_i32_1 = arith.constant 0 : i32
    return %c0_i32, %c0_i32_0 : i32, i32
  }
}

</mosaic_0001>

<sc_bundles>
// kernel: kernel.10.cloned.1.call-start
scs
__scs_entry_jumppad:
0x0: {  	(pc) =	sbr.rel $0x88, $3  }
0x1: {  	(tag) =	ssettag $0x0;
	lr =	simm.s32 $0x1  }
0x2: {  	[smem:$0x3F8C] =	sst lr;
	_ =	strace $0xD0000000  }
0x3: {  	_ = 	snop  }
0x4: {  	_ = 	snop  }
0x5: {  	_ = 	snop  }
0x6: {  	_ = 	snop  }
0x7: {  	_ = 	snop  }
__scs_overlays_trampoline_lowered:
0x8: {  	[smem:$0x3F9B] =	sst s0  }
0x9: {  	[smem:$0x3F9C] =	sst s1  }
0xa: {  	[smem:$0x3F9D] =	sst s2  }
0xb: {  	[smem:$0x3F9E] =	sst s3  }
0xc: {  	[smem:$0x3F9F] =	sst s4  }
0xd: {  	[smem:$0x3FA0] =	sst s5  }
0xe: {  	[smem:$0x3FA1] =	sst s6  }
0xf: {  	[smem:$0x3FA2] =	sst s7  }
0x10: {  	[smem:$0x3FA3] =	sst s8  }
0x11: {  	[smem:$0x3FA4] =	sst s9;
	s0 =	simm.s32 @!p0 $0x0  }
0x12: {  	s1 =	sld [smem:$0x3F8A];
	s0 =	simm.s32 @p0 $0x1  }
0x13: {  	[smem:$0x3FA5] =	sst s0;
	s0 =	simm.s32 @!p1 $0x0  }
0x14: {  	s2 =	sld [smem:$0x3F89];
	s0 =	simm.s32 @p1 $0x1  }
0x15: {  	[smem:$0x3FA6] =	sst s0;
	s0 =	simm.s32 @!p2 $0x0  }
0x16: {  	s3 =	sld [smem:$0x3FDB];
	s0 =	simm.s32 @p2 $0x1  }
0x17: {  	s4 =	simm.s32 $0x1BF5;
	[smem:$0x3FA8] =	sst s0  }
0x18: {  	s0 =	sld [smem:$0x3F8B];
	_ =	swait.ge [sflag:s4], $0x0  }
0x19: {  	s7 =	sld [smem:$0x3F8C]  }
0x1a: {  	s8 =	sadd.s32 $0xFFFFE003, lr  }
0x1b: {  	s9 =	sadd.s32 $0xFFFFFEF7, lr;
	s5 =	simm.s32 $0xFFFFFFFF;
	p2 =	slt.u32 s8, $0xFFFFF086  }
0x1c: {  	p1 =	slt.u32 s9, $0xF7A;
	s5 =	simm.s32 @!p2 $0x0  }
0x1d: {  	s5 =	simm.s32 @p1 $0x1;
	p0 =	seq.s32 s7, s2  }
0x1e: {  	s7 =	smul.u32 @!p0 $0xF7A, s2;
	p2 =	seq.s32 @!p0 s5, $0x0  }
0x1f: {  	s9 =	smul.u32 $0xF7A, s1;
	s8 =	simm.s32 @!p0 $0x1BF5;
	p2 =	por !p2, p0  }
0x20: {  	[sflag:s8] =	ssyncset.s32 @!p0 $0xFFFFF086;
	s6 =	sadd.s32 @!p0 s3, s7;
	s7 =	simm.s32 @!p0 $0x108  }
0x21: {  	s3 =	sadd.s32 s3, s9;
	s6 =	sadd.s32 @!p0 $0x88, s6;
	s7 =	simm.s32 @p2 $0x1082  }
0x22: {  	[simem:s7], [sflag:s8] =	dma.local @!p0 [hbm:s6], $0xF7A  }
0x23: {  	s9 =	sor.u32 $0xD0000000, s2;
	s6 =	simm.s32 $0x108;
	_ =	swait.ge @!p0 [sflag:s8], $0x0  }
0x24: {  	s3 =	sadd.s32 $0x88, s3;
	s6 =	simm.s32 @!p1 $0x1082;
	[sflag:s4] =	ssyncset.s32 $0xFFFFF086  }
0x25: {  	[simem:s6], [sflag:s4] =	dma.local [hbm:s3], $0xF7A  }
0x26: {  	[smem:$0x3F8C] =	sst s1;
	(tag) =	ssettag s2;
	_ =	strace s9  }
0x27: {  	s1 =	sld [smem:$0x3F9C]  }
0x28: {  	s2 =	sld [smem:$0x3F9D]  }
0x29: {  	s4 =	sld [smem:$0x3F9F]  }
0x2a: {  	p0 =	seq.s32 s5, $0x0;
	s5 =	sld [smem:$0x3FA0]  }
0x2b: {  	s6 =	sld [smem:$0x3FA1]  }
0x2c: {  	s7 =	sld [smem:$0x3FA2]  }
0x2d: {  	s3 =	simm.s32 $0x108;
	s8 =	sld [smem:$0x3FA3]  }
0x2e: {  	s3 =	simm.s32 @!p0 $0x1082;
	s9 =	sld [smem:$0x3FA4]  }
0x2f: {  	lr =	sadd.s32 s0, s3;
	s0 =	sld [smem:$0x3F9B]  }
0x30: {  	s3 =	sld [smem:$0x3F9E]  }
0x31: {  	[smem:$0x3FA7] =	sst s10  }
0x32: {  	s10 =	sld [smem:$0x3FA5];
	_ =	sdelay $0x3  }
0x33: {  	p0 =	seq.s32 s10, $0x1;
	s10 =	sld [smem:$0x3FA7];
	_ =	sdelay $0x3  }
0x34: {  	[smem:$0x3FA7] =	sst s10  }
0x35: {  	s10 =	sld [smem:$0x3FA6];
	_ =	sdelay $0x3  }
0x36: {  	p1 =	seq.s32 s10, $0x1;
	s10 =	sld [smem:$0x3FA7];
	_ =	sdelay $0x3  }
0x37: {  	[smem:$0x3FA7] =	sst s10  }
0x38: {  	s10 =	sld [smem:$0x3FA8]  }
0x39: {  	_ = 	snop;
	(pc) =	sbr.ind lr, $3  }
0x3a: {  	_ = 	snop  }
0x3b: {  	_ = 	snop  }
0x3c: {  	p2 =	seq.s32 s10, $0x1;
	s10 =	sld [smem:$0x3FA7]  }
0x3d: {  	_ =	shalt  }
0x3e: {  	_ =	shalt  }
0x3f: {  	_ =	shalt  }
0x40: {  	_ =	shalt  }
0x41: {  	_ =	shalt  }
0x42: {  	_ =	shalt  }
0x43: {  	_ =	shalt  }
0x44: {  	_ =	shalt  }
0x45: {  	_ =	shalt  }
0x46: {  	_ =	shalt  }
0x47: {  	_ =	shalt  }
0x48: {  	_ =	shalt  }
0x49: {  	_ =	shalt  }
0x4a: {  	_ =	shalt  }
0x4b: {  	_ =	shalt  }
0x4c: {  	_ =	shalt  }
0x4d: {  	_ =	shalt  }
0x4e: {  	_ =	shalt  }
0x4f: {  	_ =	shalt  }
0x50: {  	_ =	shalt  }
0x51: {  	_ =	shalt  }
0x52: {  	_ =	shalt  }
0x53: {  	_ =	shalt  }
0x54: {  	_ =	shalt  }
0x55: {  	_ =	shalt  }
0x56: {  	_ =	shalt  }
0x57: {  	_ =	shalt  }
0x58: {  	_ =	shalt  }
0x59: {  	_ =	shalt  }
0x5a: {  	_ =	shalt  }
0x5b: {  	_ =	shalt  }
0x5c: {  	_ =	shalt  }
0x5d: {  	_ =	shalt  }
0x5e: {  	_ =	shalt  }
0x5f: {  	_ =	shalt  }
0x60: {  	_ =	shalt  }
0x61: {  	_ =	shalt  }
0x62: {  	_ =	shalt  }
0x63: {  	_ =	shalt  }
0x64: {  	_ =	shalt  }
0x65: {  	_ =	shalt  }
0x66: {  	_ =	shalt  }
0x67: {  	_ =	shalt  }
0x68: {  	_ =	shalt  }
0x69: {  	_ =	shalt  }
0x6a: {  	_ =	shalt  }
0x6b: {  	_ =	shalt  }
0x6c: {  	_ =	shalt  }
0x6d: {  	_ =	shalt  }
0x6e: {  	_ =	shalt  }
0x6f: {  	_ =	shalt  }
0x70: {  	_ =	shalt  }
0x71: {  	_ =	shalt  }
0x72: {  	_ =	shalt  }
0x73: {  	_ =	shalt  }
0x74: {  	_ =	shalt  }
0x75: {  	_ =	shalt  }
0x76: {  	_ =	shalt  }
0x77: {  	_ =	shalt  }
0x78: {  	_ =	shalt  }
0x79: {  	_ =	shalt  }
0x7a: {  	_ =	shalt  }
0x7b: {  	_ =	shalt  }
0x7c: {  	_ =	shalt  }
0x7d: {  	_ =	shalt  }
0x7e: {  	_ =	shalt  }
0x7f: {  	_ =	shalt  }
0x80: {  	_ =	shalt  }
0x81: {  	_ =	shalt  }
0x82: {  	_ =	shalt  }
0x83: {  	_ =	shalt  }
0x84: {  	_ =	shalt  }
0x85: {  	_ =	shalt  }
0x86: {  	_ =	shalt  }
0x87: {  	_ =	shalt  }
.Lfunc_end0:
.L_simem_size_0:
called_computation_lowered:
.L_overlay_start_0:
0x88: {  	s2 =	sld [smem:$0x3FD9]  }
0x89: {  	s3 =	sld [smem:$0x3FFE];
	_ =	sdelay $0x1  }
0x8a: {  	s1 =	srdreg.scid  }
0x8b: {  	s0 =	sand.u32 $0x1, s1  }
0x8c: {  	s17 =	sshll.u32 s0, $0xA;
	s2 =	sadd.s32 s3, s2  }
0x8d: {  	s2 =	sadd.s32 s2, s17  }
0x8e: {  	[smem:$0x3FB3] =	sst s2  }
0x8f: {  	_ = 	snop  }
0x90: {  	s2 =	sld [smem:$0x3FD0];
	(tm) =	ssettm $0x1  }
0x91: {  	s18 =	sld [smem:$0x3FFB];
	_ =	sdelay $0x3  }
0x92: {  	_ =	strace s18  }
0x93: {  	s3 =	sld [smem:$0x3FFC];
	_ =	sdelay $0x3  }
0x94: {  	_ =	strace s3  }
0x95: {  	s3 =	sld [smem:$0x3FFD];
	_ =	sdelay $0x3  }
0x96: {  	_ =	strace s3  }
0x97: {  	_ =	strace $0x8FFFFFFF  }
0x98: {  	s19 =	sld [smem:$0x3FDB];
	_ =	sdelay $0x1  }
0x99: {  	s4 =	simm.s32 $_scs_section_size  }
0x9a: {  	s5 =	simm.s32 $_size__tile_overlayer_lowered;
	s6 =	simm.s32 $_tile_overlayer_lowered  }
0x9b: {  	s22 =	simm.s32 $0x1BFF;
	s21 =	sshll.u32 s6, $0x1;
	s3 =	sadd.s32 s4, s19  }
0x9c: {  	s7 =	simm.s32 $0x0;
	s20 =	sshll.u32 s5, $0x1;
	s5 =	sadd.s32 s21, s3  }
0x9d: {  	[timem:s7], [sflag:s22] =	dma.local [hbm:s5], s20  }
0x9e: {  	_ =	swait.ge [sflag:s22], s20  }
0x9f: {  	s4 =	ssub.s32 $0x0, s20;
	[sflag:s22] =	ssyncset.done $0x0  }
0xa0: {  	[sflag:s22] =	ssyncadd.s32 s4;
	_ =	sdelay $0x1  }
0xa1: {  	s23 =	simm.s32 $0x1B8B  }
0xa2: {  	_ =	swait.ge [sflag:s23], $0x1  }
0xa3: {  	[sflag:s23] =	ssyncset.done $0x0  }
0xa4: {  	s25 =	simm.s32 $0x1B8E;
	s24 =	sld [smem:$0x3FFE];
	[sflag:s23] =	ssyncadd.s32 $0xFFFFFFFF  }
0xa5: {  	s26 =	simm.s32 $execute0_lowered;
	[smem:$0x3FD2] =	sst s25  }
0xa6: {  	s5 =	sshll.u32 s26, $0x1;
	_ =	strace $0x80000046;
	[dreg:$0x1] =	wrdreg $0xFFFFFFFF  }
0xa7: {  	s28 =	simm.s32 $_size_execute0_lowered;
	s3 =	sadd.s32 s3, s5;
	[dreg:$0x0] =	wrdreg $0x0  }
0xa8: {  	s5 =	sshll.u32 s28, $0x1;
	[dreg:$0x2] =	wrdreg s3  }
0xa9: {  	[dreg:$0x3] =	wrdreg s5  }
0xaa: {  	[dreg:$0x4] =	wrdreg $0xC0  }
0xab: {  	_ =	task [dreg:s7], $0x5FFFF  }
0xac: {  	[dreg:$0x1] =	wrdreg $0xFFFFFFFF  }
0xad: {  	[dreg:$0x0] =	wrdreg $0x60  }
0xae: {  	[dreg:$0x2] =	wrdreg s24  }
0xaf: {  	[dreg:$0x3] =	wrdreg s2  }
0xb0: {  	[dreg:$0x4] =	wrdreg $0x1AD000  }
0xb1: {  	[dreg:$0x5] =	wrdreg $0x9  }
0xb2: {  	_ =	task.clear_ibuf [dreg:s7], $0x6FFFF;
	_ =	strace $0x90000046  }
0xb3: {  	s29 =	simm.s32 $0x9;
	_ =	strace $0x80000048  }
0xb4: {  	_ =	swait.ge [sflag:s29], $0x1  }
0xb5: {  	[sflag:s29] =	ssyncadd.s32 $0xFFFFFFFF  }
0xb6: {  	_ =	strace $0x90000048  }
0xb7: {  	_ =	sfence  }
0xb8: {  	s30 =	sld [smem:$0x0];
	_ =	sdelay $0x2  }
0xb9: {  	s31 =	sshll.u32 s1, $0xD;
	s1 =	sshrl.u32 s1, $0x2  }
0xba: {  	s3 =	sand.u32 $0x4000, s31;
	s1 =	sadd.s32 s1, s30  }
0xbb: {  	s0 =	sor.u32 s3, s0;
	s1 =	sshll.u32 s1, $0x11  }
0xbc: {  	s0 =	sor.u32 s1, s0  }
0xbd: {  	s0 =	sadd.s32 $0x8F2B, s0  }
0xbe: {  	[sflag:s0] =	ssyncadd.remote.s32 $0x1  }
0xbf: {  	_ =	sfence.sel $0xFFFF  }
0xc0: {  	[dreg:$0x0] =	wrdreg $0xFFFFFFFF;
	(pc) =	sbr.abs _section_cstart, $3  }
0xc1: {  	[dreg:$0x1] =	wrdreg $0xFFFFFFFF  }
0xc2: {  	_ =	task.clear_ibuf [dreg:s7], $0x2FFFF;
	_ =	strace $0x9FFFFFFF  }
0xc3: {  	(tm) =	ssettm $0x7FFFFFFF  }
tec
execute0_lowered:
.L_overlay_start_1:
0x0: {  	(tag) =	ssettag $0x1  }
0x1: {  	s0 =	rddreg [dreg:$0x0]  }
0x2: {  	s3 =	rddreg [dreg:$0x2]  }
0x3: {  	s1 =	srdreg.scid;
	s10 =	stileid.u32;
	s4 =	simm.s32 $0x0  }
0x4: {  	s15 =	simm.s32 $0x1;
	s16 =	simm.s32 $0xC400;
	s19 =	simm.s32 $0x19000  }
0x5: {  	s20 =	simm.s32 $0x19800;
	s21 =	simm.s32 $0x80;
	s13 =	simm.s32 $0x19480  }
0x6: {  	s14 =	simm.s32 $0x19C80;
	s18 =	simm.s32 $0x19D00;
	s22 =	simm.s32 $0x19580  }
0x7: {  	s28 =	simm.s32 $0x19E80;
	s29 =	simm.s32 $0x19700;
	s30 =	simm.s32 $0x19F00  }
0x8: {  	s31 =	simm.s32 $0x19780;
	s1 =	sand.u32 $0x1, s1;
	s2 =	smul.u32 $0xC40, s10  }
0x9: {  	[smem:$0x7FF] =	sst s4;
	s6 =	sadd.s32 $0x39000, s0;
	s23 =	sadd.s32 $0x3AA00, s0  }
0xa: {  	s7 =	sadd.s32 $0x5000, s0;
	s8 =	sadd.s32 $0x1F000, s0;
	s9 =	sadd.s32 $0x3F600, s0  }
0xb: {  	s5 =	smul.u32 $0xC400, s1;
	_ =	strace $0x80000047;
	[dreg:$0x4] =	wrdreg s6  }
0xc: {  	[dreg:$0x5] =	wrdreg s23;
	s24 =	ssub.s32 $0x2, s1;
	s1 =	sshll.u32 s1, $0x4  }
0xd: {  	s23 =	simm.s32 $0x19D80;
	s25 =	sshrl.u32 s24, $0x1;
	s1 =	sor.u32 s10, s1  }
0xe: {  	s6 =	sadd.s32 s2, s3;
	s10 =	simm.s32 $0x19500;
	s5 =	sadd.s32 s2, s5  }
0xf: {  	s11 =	smul.u32 $0x6800, s1;
	s2 =	simm.s32 $0x0;
	s5 =	sshrl.u32 s5, $0x3  }
0x10: {  	[dreg:$0x6] =	wrdreg s6;
	s0 =	sadd.s32 s5, s0;
	s5 =	ssub.s32 s24, s25  }
0x11: {  	s24 =	simm.s32 $0x19600;
	s25 =	simm.s32 $0x19E00;
	s0 =	sadd.s32 $0x3C400, s0  }
0x12: {  	s26 =	smax.u32 s5, $0x1;
	s5 =	simm.s32 $0x1A000;
	[dreg:$0x7] =	wrdreg s0  }
0x13: {  	v0 =	vimm.f32 $0.0e+00;
	[dreg:$0x8] =	wrdreg s26;
	s26 =	simm.s32 $0x19680;
	s0 =	simm.s32 $0x19F80  }
.LBB2_1:
0x14: {  	[dreg:$0x9] =	wrdreg s2;
	s1 =	simm.s32 $0x40;
	s2 =	simm.s32 $0x0  }
.LBB2_2:
0x15: {  	p0 =	sne.s32 s1, $0x30C0;
	[tilespmem:s2+$0x1A000] =	vst v0;
	s2 =	smov.u32 s1;
	s1 =	sadd.s32 $0x40, s1  }
.Ltmp0:
0x16: {  	(pc) =	sbr.rel @p0 .LBB2_2-.Ltmp0, $2  }
0x17: {  	_ =	sdelay $0x2  }
0x18: {  	s2 =	sshra.s32 s2, $0x2  }
0x19: {  	[tilespmem:s2+$0x1A000] =	vst v0  }
0x1a: {  	[spmem:s6] =	stream.linear.scatter [tilespmem:s5], [sflag:$0x1], $0xC40, $0x38;
	[tilespmem:$0x1B940] =	vst v63  }
0x1b: {  	_ =	swait.ge [sflag:s15], $0xC40  }
0x1c: {  	[sflag:s15] =	ssyncset.done $0x0  }
0x1d: {  	s1 =	simm.s32 $0x0;
	s5 =	rddreg [dreg:$0x4];
	[sflag:s15] =	ssyncadd.s32 $0xFFFFF3C0  }
0x1e: {  	[tilespmem:s1], [sflag:$0x1] =	stream.linear.gather [hbm4b:s5+s1], $0xC400, $0x38;
	[tilespmem:$0x1B940] =	vst v63  }
0x1f: {  	_ =	swait.ge [sflag:s15], $0xC400  }
0x20: {  	[sflag:s15] =	ssyncset.done $0x0  }
0x21: {  	s6 =	rddreg [dreg:$0x5];
	[sflag:s15] =	ssyncadd.s32 $0xFFFF3C00  }
0x22: {  	[tilespmem:s16], [sflag:$0x1] =	stream.linear.gather [hbm4b:s6+s1], $0xC400, $0x38;
	[tilespmem:$0x1B940] =	vst v63  }
0x23: {  	_ =	swait.ge [sflag:s15], $0xC400  }
0x24: {  	[sflag:s15] =	ssyncset.done $0x0  }
0x25: {  	[sflag:s15] =	ssyncadd.s32 $0xFFFF3C00  }
0x26: {  	s17 =	simm.s32 $0x1AC80;
	s12 =	rddreg [dreg:$0x1]  }
0x27: {  	[tilespmem:s17], [sflag:$0x1] =	stream.linear.gather [hbm4b:s12+s1], $0x80, $0x38;
	[tilespmem:$0x1B940] =	vst v63  }
0x28: {  	_ =	swait.ge [sflag:s15], $0x80  }
0x29: {  	[sflag:s15] =	ssyncset.done $0x0  }
0x2a: {  	[sflag:s15] =	ssyncadd.s32 $0xFFFFFF80  }
0x2b: {  	[bflag:$0x0] =	sbarrier.arrive $0xFFFF  }
0x2c: {  	s2 =	simm.s32 $0x0;
	v1 =	vld [tilespmem:$0x1AC80]  }
.LBB2_4:
0x2d: {  	s5 =	sshll.u32 s2, $0xB  }
0x2e: {  	s5 =	sadd.s32 s11, s5  }
0x2f: {  	s17 =	sshrl.u32 s5, $0x3  }
0x30: {  	s6 =	simm.s32 $0x18800;
	s5 =	sadd.s32 s7, s17  }
0x31: {  	[tilespmem:s6], [sflag:$0x1] =	stream.linear.gather [hbm4b:s5+s1], $0x800, $0x38;
	[tilespmem:$0x1B940] =	vst v63  }
0x32: {  	_ =	swait.ge [sflag:s15], $0x800  }
0x33: {  	[sflag:s15] =	ssyncset.done $0x0  }
0x34: {  	s12 =	sadd.s32 s8, s17;
	[sflag:s15] =	ssyncadd.s32 $0xFFFFF800  }
0x35: {  	[tilespmem:s19], [sflag:$0x1] =	stream.linear.gather [hbm4b:s12+s1], $0x800, $0x38;
	[tilespmem:$0x1B940] =	vst v63  }
0x36: {  	_ =	swait.ge [sflag:s15], $0x800  }
0x37: {  	[sflag:s15] =	ssyncset.done $0x0  }
0x38: {  	s5 =	simm.s32 $0x0;
	[sflag:s15] =	ssyncadd.s32 $0xFFFFF800  }
0x39: {  	v2 =	vld [tilespmem:s5+$0x19000]  }
0x3a: {  	v3 =	vld [tilespmem:s5+$0x18800];
	_ =	sdelay $0x6  }
0x3b: {  	v2 =	vld.idx.msk [tilespmem:v2+s16+$0x0], $0xffff  }
0x3c: {  	v3 =	vld.idx.msk [tilespmem:v3+s4+$0x0], $0xffff;
	_ =	sdelay $0x4  }
0x3d: {  	v2 =	vadd.f32 v2, v3;
	_ =	sdelay $0x1  }
0x3e: {  	v3 =	vmul.f32 $2.000000030e-01, v2  }
0x3f: {  	vm0 =	vgt.f32 v2, $0.0e+00  }
0x40: {  	v2 =	vsel vm0, v2, v3  }
0x41: {  	v2 =	vsub.f32 v2, v1;
	_ =	sdelay $0x1  }
0x42: {  	v2 =	vmul.f32 $1.442695020e+00, v2;
	_ =	sdelay $0x1  }
0x43: {  	(erf) = vpow2.f32 v2;
	_ =	sdelay $0x1  }
0x44: {  	s12 =	simm.s32 $0x10  }
0x45: {  	s6 =	simm.s32 $0x80;
	v2 =	vld [tilespmem:s12+$0x19000]  }
.LBB2_5:
0x46: {  	p0 =	sne.s32 s6, $0x1FC0;
	v3 =	vld [tilespmem:s12+$0x18800];
	_ =	sdelay $0x4  }
0x47: {  	v4 =	vpop (erf)  }
0x48: {  	[tilespmem:s5+$0x19800] =	vst v4;
	s5 =	smov.u32 s12  }
0x49: {  	v2 =	vld.idx.msk [tilespmem:v2+s16+$0x0], $0xffff  }
0x4a: {  	v3 =	vld.idx.msk [tilespmem:v3+s4+$0x0], $0xffff;
	_ =	sdelay $0x5  }
0x4b: {  	v2 =	vadd.f32 v2, v3;
	_ =	sdelay $0x1  }
0x4c: {  	v3 =	vmul.f32 $2.000000030e-01, v2  }
0x4d: {  	vm0 =	vgt.f32 v2, $0.0e+00  }
0x4e: {  	v2 =	vsel vm0, v2, v3  }
0x4f: {  	v2 =	vsub.f32 v2, v1;
	_ =	sdelay $0x1  }
0x50: {  	v2 =	vmul.f32 $1.442695020e+00, v2  }
.Ltmp1:
0x51: {  	(pc) =	sbr.rel @p0 .LBB2_5-.Ltmp1, $3  }
0x52: {  	(erf) = vpow2.f32 v2;
	_ =	sdelay $0x1  }
0x53: {  	s12 =	sshra.s32 s6, $0x2  }
0x54: {  	s6 =	sadd.s32 $0x40, s6;
	v2 =	vld [tilespmem:s12+$0x19000]  }
0x55: {  	_ = 	snop  }
0x56: {  	v3 =	vld [tilespmem:s12+$0x18800];
	_ =	sdelay $0x4  }
0x57: {  	v4 =	vpop (erf)  }
0x58: {  	[tilespmem:s5+$0x19800] =	vst v4  }
0x59: {  	v2 =	vld.idx.msk [tilespmem:v2+s16+$0x0], $0xffff  }
0x5a: {  	v3 =	vld.idx.msk [tilespmem:v3+s4+$0x0], $0xffff;
	_ =	sdelay $0x4  }
0x5b: {  	v2 =	vadd.f32 v2, v3;
	_ =	sdelay $0x1  }
0x5c: {  	v3 =	vmul.f32 $2.000000030e-01, v2  }
0x5d: {  	vm0 =	vgt.f32 v2, $0.0e+00  }
0x5e: {  	v2 =	vsel vm0, v2, v3  }
0x5f: {  	v2 =	vsub.f32 v2, v1;
	_ =	sdelay $0x1  }
0x60: {  	v2 =	vmul.f32 $1.442695020e+00, v2;
	_ =	sdelay $0x1  }
0x61: {  	(erf) = vpow2.f32 v2;
	_ =	sdelay $0x8  }
0x62: {  	v2 =	vpop (erf)  }
0x63: {  	[tilespmem:s12+$0x19800] =	vst v2;
	s12 =	sadd.s32 s9, s17  }
0x64: {  	[hbm4b:s12+s4] =	stream.linear.scatter [tilespmem:s20], [sflag:$0x1], $0x800, $0x38;
	[tilespmem:$0x1B940] =	vst v63  }
0x65: {  	_ =	swait.ge [sflag:s15], $0x800  }
0x66: {  	[sflag:s15] =	ssyncset.done $0x0  }
0x67: {  	[sflag:s15] =	ssyncadd.s32 $0xFFFFF800  }
0x68: {  	[spmem:s3] =	stream.indirect.scatter.add.f32 [tilespmem:s20], [sflag:$0x1], $0x1, s19, s21, $0xb8;
	[tilespmem:$0x1B940] =	vst v63  }
0x69: {  	_ =	swait.ge [sflag:s15], $0x80  }
0x6a: {  	[sflag:s15] =	ssyncset.done $0x0  }
0x6b: {  	s6 =	simm.s32 $0x19880;
	s17 =	simm.s32 $0x19080;
	[sflag:s15] =	ssyncadd.s32 $0xFFFFFF80  }
0x6c: {  	[spmem:s3] =	stream.indirect.scatter.add.f32 [tilespmem:s6], [sflag:$0x1], $0x1, s17, s21, $0xb8;
	[tilespmem:$0x1B940] =	vst v63  }
0x6d: {  	_ =	swait.ge [sflag:s15], $0x80  }
0x6e: {  	[sflag:s15] =	ssyncset.done $0x0  }
0x6f: {  	s12 =	simm.s32 $0x19100;
	s17 =	simm.s32 $0x19900;
	[sflag:s15] =	ssyncadd.s32 $0xFFFFFF80  }
0x70: {  	[spmem:s3] =	stream.indirect.scatter.add.f32 [tilespmem:s17], [sflag:$0x1], $0x1, s12, s21, $0xb8;
	[tilespmem:$0x1B940] =	vst v63  }
0x71: {  	_ =	swait.ge [sflag:s15], $0x80  }
0x72: {  	[sflag:s15] =	ssyncset.done $0x0  }
0x73: {  	s12 =	simm.s32 $0x19180;
	s17 =	simm.s32 $0x19980;
	[sflag:s15] =	ssyncadd.s32 $0xFFFFFF80  }
0x74: {  	[spmem:s3] =	stream.indirect.scatter.add.f32 [tilespmem:s17], [sflag:$0x1], $0x1, s12, s21, $0xb8;
	[tilespmem:$0x1B940] =	vst v63  }
0x75: {  	_ =	swait.ge [sflag:s15], $0x80  }
0x76: {  	[sflag:s15] =	ssyncset.done $0x0  }
0x77: {  	s12 =	simm.s32 $0x19200;
	s17 =	simm.s32 $0x19A00;
	[sflag:s15] =	ssyncadd.s32 $0xFFFFFF80  }
0x78: {  	[spmem:s3] =	stream.indirect.scatter.add.f32 [tilespmem:s17], [sflag:$0x1], $0x1, s12, s21, $0xb8;
	[tilespmem:$0x1B940] =	vst v63  }
0x79: {  	_ =	swait.ge [sflag:s15], $0x80  }
0x7a: {  	[sflag:s15] =	ssyncset.done $0x0  }
0x7b: {  	s12 =	simm.s32 $0x19280;
	s17 =	simm.s32 $0x19A80;
	[sflag:s15] =	ssyncadd.s32 $0xFFFFFF80  }
0x7c: {  	[spmem:s3] =	stream.indirect.scatter.add.f32 [tilespmem:s17], [sflag:$0x1], $0x1, s12, s21, $0xb8;
	[tilespmem:$0x1B940] =	vst v63  }
0x7d: {  	_ =	swait.ge [sflag:s15], $0x80  }
0x7e: {  	[sflag:s15] =	ssyncset.done $0x0  }
0x7f: {  	s12 =	simm.s32 $0x19300;
	s17 =	simm.s32 $0x19B00;
	[sflag:s15] =	ssyncadd.s32 $0xFFFFFF80  }
0x80: {  	[spmem:s3] =	stream.indirect.scatter.add.f32 [tilespmem:s17], [sflag:$0x1], $0x1, s12, s21, $0xb8;
	[tilespmem:$0x1B940] =	vst v63  }
0x81: {  	_ =	swait.ge [sflag:s15], $0x80  }
0x82: {  	[sflag:s15] =	ssyncset.done $0x0  }
0x83: {  	s12 =	simm.s32 $0x19380;
	s17 =	simm.s32 $0x19B80;
	[sflag:s15] =	ssyncadd.s32 $0xFFFFFF80  }
0x84: {  	[spmem:s3] =	stream.indirect.scatter.add.f32 [tilespmem:s17], [sflag:$0x1], $0x1, s12, s21, $0xb8;
	[tilespmem:$0x1B940] =	vst v63  }
0x85: {  	_ =	swait.ge [sflag:s15], $0x80  }
0x86: {  	[sflag:s15] =	ssyncset.done $0x0  }
0x87: {  	s12 =	simm.s32 $0x19400;
	s17 =	simm.s32 $0x19C00;
	[sflag:s15] =	ssyncadd.s32 $0xFFFFFF80  }
0x88: {  	[spmem:s3] =	stream.indirect.scatter.add.f32 [tilespmem:s17], [sflag:$0x1], $0x1, s12, s21, $0xb8;
	[tilespmem:$0x1B940] =	vst v63  }
0x89: {  	_ =	swait.ge [sflag:s15], $0x80  }
0x8a: {  	[sflag:s15] =	ssyncset.done $0x0  }
0x8b: {  	[sflag:s15] =	ssyncadd.s32 $0xFFFFFF80  }
0x8c: {  	[spmem:s3] =	stream.indirect.scatter.add.f32 [tilespmem:s14], [sflag:$0x1], $0x1, s13, s21, $0xb8;
	[tilespmem:$0x1B940] =	vst v63  }
0x8d: {  	_ =	swait.ge [sflag:s15], $0x80  }
0x8e: {  	[sflag:s15] =	ssyncset.done $0x0  }
0x8f: {  	[sflag:s15] =	ssyncadd.s32 $0xFFFFFF80  }
0x90: {  	[spmem:s3] =	stream.indirect.scatter.add.f32 [tilespmem:s18], [sflag:$0x1], $0x1, s10, s21, $0xb8;
	[tilespmem:$0x1B940] =	vst v63  }
0x91: {  	_ =	swait.ge [sflag:s15], $0x80  }
0x92: {  	[sflag:s15] =	ssyncset.done $0x0  }
0x93: {  	[sflag:s15] =	ssyncadd.s32 $0xFFFFFF80  }
0x94: {  	[spmem:s3] =	stream.indirect.scatter.add.f32 [tilespmem:s23], [sflag:$0x1], $0x1, s22, s21, $0xb8;
	[tilespmem:$0x1B940] =	vst v63  }
0x95: {  	_ =	swait.ge [sflag:s15], $0x80  }
0x96: {  	[sflag:s15] =	ssyncset.done $0x0  }
0x97: {  	[sflag:s15] =	ssyncadd.s32 $0xFFFFFF80  }
0x98: {  	[spmem:s3] =	stream.indirect.scatter.add.f32 [tilespmem:s25], [sflag:$0x1], $0x1, s24, s21, $0xb8;
	[tilespmem:$0x1B940] =	vst v63  }
0x99: {  	_ =	swait.ge [sflag:s15], $0x80  }
0x9a: {  	[sflag:s15] =	ssyncset.done $0x0  }
0x9b: {  	[sflag:s15] =	ssyncadd.s32 $0xFFFFFF80  }
0x9c: {  	[spmem:s3] =	stream.indirect.scatter.add.f32 [tilespmem:s28], [sflag:$0x1], $0x1, s26, s21, $0xb8;
	[tilespmem:$0x1B940] =	vst v63  }
0x9d: {  	_ =	swait.ge [sflag:s15], $0x80  }
0x9e: {  	[sflag:s15] =	ssyncset.done $0x0  }
0x9f: {  	[sflag:s15] =	ssyncadd.s32 $0xFFFFFF80  }
0xa0: {  	[spmem:s3] =	stream.indirect.scatter.add.f32 [tilespmem:s30], [sflag:$0x1], $0x1, s29, s21, $0xb8;
	[tilespmem:$0x1B940] =	vst v63  }
0xa1: {  	s2 =	sadd.s32 $0x1, s2;
	_ =	swait.ge [sflag:s15], $0x80  }
0xa2: {  	p0 =	sne.s32 s2, $0xD;
	[sflag:s15] =	ssyncset.done $0x0  }
.Ltmp2:
0xa3: {  	[sflag:s15] =	ssyncadd.s32 $0xFFFFFF80;
	(pc) =	sbr.rel @p0 .LBB2_4-.Ltmp2, $4  }
0xa4: {  	[spmem:s3] =	stream.indirect.scatter.add.f32 [tilespmem:s0], [sflag:$0x1], $0x1, s31, s21, $0xb8;
	[tilespmem:$0x1B940] =	vst v63  }
0xa5: {  	_ =	swait.ge [sflag:s15], $0x80  }
0xa6: {  	[sflag:s15] =	ssyncset.done $0x0  }
0xa7: {  	[sflag:s15] =	ssyncadd.s32 $0xFFFFFF80  }
0xa8: {  	[bflag:$0x0] =	sbarrier.arrive $0xFFFF  }
0xa9: {  	s5 =	simm.s32 $0x1A000;
	s6 =	rddreg [dreg:$0x6]  }
0xaa: {  	[tilespmem:s5], [sflag:$0x1] =	stream.linear.gather [spmem:s6], $0xC40, $0x38;
	[tilespmem:$0x1B940] =	vst v63  }
0xab: {  	_ =	swait.ge [sflag:s15], $0xC40  }
0xac: {  	[sflag:s15] =	ssyncset.done $0x0  }
0xad: {  	s1 =	rddreg [dreg:$0x7];
	[sflag:s15] =	ssyncadd.s32 $0xFFFFF3C0  }
0xae: {  	[hbm4b:s1+s4] =	stream.linear.scatter [tilespmem:s5], [sflag:$0x1], $0xC40, $0x38;
	[tilespmem:$0x1B940] =	vst v63  }
0xaf: {  	_ =	swait.ge [sflag:s15], $0xC40  }
0xb0: {  	s2 =	rddreg [dreg:$0x9]  }
0xb1: {  	s17 =	rddreg [dreg:$0x8];
	s2 =	sadd.s32 $0x1, s2  }
0xb2: {  	p0 =	sne.s32 s2, s17  }
.Ltmp3:
0xb3: {  	_ = 	snop;
	(pc) =	sbr.rel @p0 .LBB2_1-.Ltmp3, $3  }
0xb4: {  	_ =	sdelay $0x1  }
0xb5: {  	[sflag:s15] =	ssyncset.done $0x0  }
0xb6: {  	[sflag:s15] =	ssyncadd.s32 $0xFFFFF3C0  }
0xb7: {  	_ =	sfence.sel $0x180000  }
0xb8: {  	[bflag:$0x0] =	sbarrier.arrive $0xFFFF  }
0xb9: {  	_ =	strace $0x90000047  }
0xba: {  	s0 =	stileid.u32;
	[bflag:$0x2] =	sbarrier.arrive $0xFFFF  }
0xbb: {  	p0 =	sne.s32 s0, $0x0;
	s0 =	rddreg [dreg:$0x3]  }
0xbc: {  	s0 =	sadd.s32 @!p0 $0x100000, s0  }
0xbd: {  	[sflag:s0] =	ssyncadd.tile.s32 @!p0 $0x1;
	_ =	shalt  }
.Lfunc_end2:
_tile_overlayer_lowered:
.L_overlay_start_2:
0xbe: {  	(tag) =	ssettag $0x2  }
0xbf: {  	s0 =	rddreg [dreg:$0x0];
	s2 =	stileid.u32  }
0xc0: {  	s1 =	rddreg [dreg:$0x1];
	p0 =	sne.s32 s2, $0x0  }
0xc1: {  	s3 =	rddreg [dreg:$0x2];
	[bflag:$0x3] =	sbarrier.arrive $0xFFFF;
	s2 =	simm.s32 @!p0 $0x1C01  }
0xc2: {  	[timem:s3], [sflag:s2] =	dma.local @!p0 [hbm:s0], s1  }
0xc3: {  	s0 =	simm.s32 @!p0 $0x1  }
0xc4: {  	_ =	swait.ge @!p0 [sflag:s0], s1  }
0xc5: {  	s1 =	ssub.s32 @!p0 $0x0, s1;
	[sflag:s0] =	ssyncset.done @!p0 $0x0  }
0xc6: {  	[sflag:s0] =	ssyncadd.s32 @!p0 s1  }
0xc7: {  	[bflag:$0x3] =	sbarrier.arrive $0xFFFF  }
0xc8: {  	_ =	shalt  }

// kernel: kernel.13.cloned.1.call-start
scs
__scs_entry_jumppad:
0x0: {  	(pc) =	sbr.rel $0x88, $3  }
0x1: {  	(tag) =	ssettag $0x0;
	lr =	simm.s32 $0x1  }
0x2: {  	[smem:$0x3F8C] =	sst lr;
	_ =	strace $0xD0000000  }
0x3: {  	_ = 	snop  }
0x4: {  	_ = 	snop  }
0x5: {  	_ = 	snop  }
0x6: {  	_ = 	snop  }
0x7: {  	_ = 	snop  }
__scs_overlays_trampoline_lowered:
0x8: {  	[smem:$0x3F9B] =	sst s0  }
0x9: {  	[smem:$0x3F9C] =	sst s1  }
0xa: {  	[smem:$0x3F9D] =	sst s2  }
0xb: {  	[smem:$0x3F9E] =	sst s3  }
0xc: {  	[smem:$0x3F9F] =	sst s4  }
0xd: {  	[smem:$0x3FA0] =	sst s5  }
0xe: {  	[smem:$0x3FA1] =	sst s6  }
0xf: {  	[smem:$0x3FA2] =	sst s7  }
0x10: {  	[smem:$0x3FA3] =	sst s8  }
0x11: {  	[smem:$0x3FA4] =	sst s9;
	s0 =	simm.s32 @!p0 $0x0  }
0x12: {  	s1 =	sld [smem:$0x3F8A];
	s0 =	simm.s32 @p0 $0x1  }
0x13: {  	[smem:$0x3FA5] =	sst s0;
	s0 =	simm.s32 @!p1 $0x0  }
0x14: {  	s2 =	sld [smem:$0x3F89];
	s0 =	simm.s32 @p1 $0x1  }
0x15: {  	[smem:$0x3FA6] =	sst s0;
	s0 =	simm.s32 @!p2 $0x0  }
0x16: {  	s3 =	sld [smem:$0x3FDB];
	s0 =	simm.s32 @p2 $0x1  }
0x17: {  	s4 =	simm.s32 $0x1BF5;
	[smem:$0x3FA8] =	sst s0  }
0x18: {  	s0 =	sld [smem:$0x3F8B];
	_ =	swait.ge [sflag:s4], $0x0  }
0x19: {  	s7 =	sld [smem:$0x3F8C]  }
0x1a: {  	s8 =	sadd.s32 $0xFFFFE003, lr  }
0x1b: {  	s9 =	sadd.s32 $0xFFFFFEF7, lr;
	s5 =	simm.s32 $0xFFFFFFFF;
	p2 =	slt.u32 s8, $0xFFFFF086  }
0x1c: {  	p1 =	slt.u32 s9, $0xF7A;
	s5 =	simm.s32 @!p2 $0x0  }
0x1d: {  	s5 =	simm.s32 @p1 $0x1;
	p0 =	seq.s32 s7, s2  }
0x1e: {  	s7 =	smul.u32 @!p0 $0xF7A, s2;
	p2 =	seq.s32 @!p0 s5, $0x0  }
0x1f: {  	s9 =	smul.u32 $0xF7A, s1;
	s8 =	simm.s32 @!p0 $0x1BF5;
	p2 =	por !p2, p0  }
0x20: {  	[sflag:s8] =	ssyncset.s32 @!p0 $0xFFFFF086;
	s6 =	sadd.s32 @!p0 s3, s7;
	s7 =	simm.s32 @!p0 $0x108  }
0x21: {  	s3 =	sadd.s32 s3, s9;
	s6 =	sadd.s32 @!p0 $0x88, s6;
	s7 =	simm.s32 @p2 $0x1082  }
0x22: {  	[simem:s7], [sflag:s8] =	dma.local @!p0 [hbm:s6], $0xF7A  }
0x23: {  	s9 =	sor.u32 $0xD0000000, s2;
	s6 =	simm.s32 $0x108;
	_ =	swait.ge @!p0 [sflag:s8], $0x0  }
0x24: {  	s3 =	sadd.s32 $0x88, s3;
	s6 =	simm.s32 @!p1 $0x1082;
	[sflag:s4] =	ssyncset.s32 $0xFFFFF086  }
0x25: {  	[simem:s6], [sflag:s4] =	dma.local [hbm:s3], $0xF7A  }
0x26: {  	[smem:$0x3F8C] =	sst s1;
	(tag) =	ssettag s2;
	_ =	strace s9  }
0x27: {  	s1 =	sld [smem:$0x3F9C]  }
0x28: {  	s2 =	sld [smem:$0x3F9D]  }
0x29: {  	s4 =	sld [smem:$0x3F9F]  }
0x2a: {  	p0 =	seq.s32 s5, $0x0;
	s5 =	sld [smem:$0x3FA0]  }
0x2b: {  	s6 =	sld [smem:$0x3FA1]  }
0x2c: {  	s7 =	sld [smem:$0x3FA2]  }
0x2d: {  	s3 =	simm.s32 $0x108;
	s8 =	sld [smem:$0x3FA3]  }
0x2e: {  	s3 =	simm.s32 @!p0 $0x1082;
	s9 =	sld [smem:$0x3FA4]  }
0x2f: {  	lr =	sadd.s32 s0, s3;
	s0 =	sld [smem:$0x3F9B]  }
0x30: {  	s3 =	sld [smem:$0x3F9E]  }
0x31: {  	[smem:$0x3FA7] =	sst s10  }
0x32: {  	s10 =	sld [smem:$0x3FA5];
	_ =	sdelay $0x3  }
0x33: {  	p0 =	seq.s32 s10, $0x1;
	s10 =	sld [smem:$0x3FA7];
	_ =	sdelay $0x3  }
0x34: {  	[smem:$0x3FA7] =	sst s10  }
0x35: {  	s10 =	sld [smem:$0x3FA6];
	_ =	sdelay $0x3  }
0x36: {  	p1 =	seq.s32 s10, $0x1;
	s10 =	sld [smem:$0x3FA7];
	_ =	sdelay $0x3  }
0x37: {  	[smem:$0x3FA7] =	sst s10  }
0x38: {  	s10 =	sld [smem:$0x3FA8]  }
0x39: {  	_ = 	snop;
	(pc) =	sbr.ind lr, $3  }
0x3a: {  	_ = 	snop  }
0x3b: {  	_ = 	snop  }
0x3c: {  	p2 =	seq.s32 s10, $0x1;
	s10 =	sld [smem:$0x3FA7]  }
0x3d: {  	_ =	shalt  }
0x3e: {  	_ =	shalt  }
0x3f: {  	_ =	shalt  }
0x40: {  	_ =	shalt  }
0x41: {  	_ =	shalt  }
0x42: {  	_ =	shalt  }
0x43: {  	_ =	shalt  }
0x44: {  	_ =	shalt  }
0x45: {  	_ =	shalt  }
0x46: {  	_ =	shalt  }
0x47: {  	_ =	shalt  }
0x48: {  	_ =	shalt  }
0x49: {  	_ =	shalt  }
0x4a: {  	_ =	shalt  }
0x4b: {  	_ =	shalt  }
0x4c: {  	_ =	shalt  }
0x4d: {  	_ =	shalt  }
0x4e: {  	_ =	shalt  }
0x4f: {  	_ =	shalt  }
0x50: {  	_ =	shalt  }
0x51: {  	_ =	shalt  }
0x52: {  	_ =	shalt  }
0x53: {  	_ =	shalt  }
0x54: {  	_ =	shalt  }
0x55: {  	_ =	shalt  }
0x56: {  	_ =	shalt  }
0x57: {  	_ =	shalt  }
0x58: {  	_ =	shalt  }
0x59: {  	_ =	shalt  }
0x5a: {  	_ =	shalt  }
0x5b: {  	_ =	shalt  }
0x5c: {  	_ =	shalt  }
0x5d: {  	_ =	shalt  }
0x5e: {  	_ =	shalt  }
0x5f: {  	_ =	shalt  }
0x60: {  	_ =	shalt  }
0x61: {  	_ =	shalt  }
0x62: {  	_ =	shalt  }
0x63: {  	_ =	shalt  }
0x64: {  	_ =	shalt  }
0x65: {  	_ =	shalt  }
0x66: {  	_ =	shalt  }
0x67: {  	_ =	shalt  }
0x68: {  	_ =	shalt  }
0x69: {  	_ =	shalt  }
0x6a: {  	_ =	shalt  }
0x6b: {  	_ =	shalt  }
0x6c: {  	_ =	shalt  }
0x6d: {  	_ =	shalt  }
0x6e: {  	_ =	shalt  }
0x6f: {  	_ =	shalt  }
0x70: {  	_ =	shalt  }
0x71: {  	_ =	shalt  }
0x72: {  	_ =	shalt  }
0x73: {  	_ =	shalt  }
0x74: {  	_ =	shalt  }
0x75: {  	_ =	shalt  }
0x76: {  	_ =	shalt  }
0x77: {  	_ =	shalt  }
0x78: {  	_ =	shalt  }
0x79: {  	_ =	shalt  }
0x7a: {  	_ =	shalt  }
0x7b: {  	_ =	shalt  }
0x7c: {  	_ =	shalt  }
0x7d: {  	_ =	shalt  }
0x7e: {  	_ =	shalt  }
0x7f: {  	_ =	shalt  }
0x80: {  	_ =	shalt  }
0x81: {  	_ =	shalt  }
0x82: {  	_ =	shalt  }
0x83: {  	_ =	shalt  }
0x84: {  	_ =	shalt  }
0x85: {  	_ =	shalt  }
0x86: {  	_ =	shalt  }
0x87: {  	_ =	shalt  }
.Lfunc_end0:
.L_simem_size_0:
called_computation.1_lowered:
.L_overlay_start_0:
0x88: {  	s2 =	sld [smem:$0x3FD9]  }
0x89: {  	s3 =	sld [smem:$0x3FFE];
	_ =	sdelay $0x1  }
0x8a: {  	s1 =	srdreg.scid  }
0x8b: {  	s0 =	sand.u32 $0x1, s1  }
0x8c: {  	s16 =	sshll.u32 s0, $0xA;
	s2 =	sadd.s32 s3, s2  }
0x8d: {  	s2 =	sadd.s32 s2, s16  }
0x8e: {  	[smem:$0x3FB3] =	sst s2  }
0x8f: {  	_ = 	snop  }
0x90: {  	(tm) =	ssettm $0x1  }
0x91: {  	s17 =	sld [smem:$0x3FFB];
	_ =	sdelay $0x3  }
0x92: {  	_ =	strace s17  }
0x93: {  	s2 =	sld [smem:$0x3FFC];
	_ =	sdelay $0x3  }
0x94: {  	_ =	strace s2  }
0x95: {  	s2 =	sld [smem:$0x3FFD];
	_ =	sdelay $0x3  }
0x96: {  	_ =	strace s2  }
0x97: {  	_ =	strace $0x8FFFFFFF  }
0x98: {  	s18 =	sld [smem:$0x3FDB];
	_ =	sdelay $0x1  }
0x99: {  	s19 =	simm.s32 $_scs_section_size  }
0x9a: {  	s4 =	simm.s32 $_size__tile_overlayer_lowered;
	s5 =	simm.s32 $_tile_overlayer_lowered  }
0x9b: {  	s22 =	simm.s32 $0x1BFF;
	s21 =	sshll.u32 s5, $0x1;
	s2 =	sadd.s32 s19, s18  }
0x9c: {  	s6 =	simm.s32 $0x0;
	s20 =	sshll.u32 s4, $0x1;
	s4 =	sadd.s32 s21, s2  }
0x9d: {  	[timem:s6], [sflag:s22] =	dma.local [hbm:s4], s20  }
0x9e: {  	_ =	swait.ge [sflag:s22], s20  }
0x9f: {  	s3 =	ssub.s32 $0x0, s20;
	[sflag:s22] =	ssyncset.done $0x0  }
0xa0: {  	[sflag:s22] =	ssyncadd.s32 s3;
	_ =	sdelay $0x1  }
0xa1: {  	s23 =	simm.s32 $0x1B8B  }
0xa2: {  	_ =	swait.ge [sflag:s23], $0x1  }
0xa3: {  	[sflag:s23] =	ssyncset.done $0x0  }
0xa4: {  	s25 =	simm.s32 $0x1B8E;
	s24 =	sld [smem:$0x3FFE];
	[sflag:s23] =	ssyncadd.s32 $0xFFFFFFFF  }
0xa5: {  	s26 =	simm.s32 $execute0_lowered;
	[smem:$0x3FD2] =	sst s25  }
0xa6: {  	s4 =	sshll.u32 s26, $0x1;
	_ =	strace $0x80000049;
	[dreg:$0x1] =	wrdreg $0xFFFFFFFF  }
0xa7: {  	s28 =	simm.s32 $_size_execute0_lowered;
	s2 =	sadd.s32 s2, s4;
	[dreg:$0x0] =	wrdreg $0x0  }
0xa8: {  	s4 =	sshll.u32 s28, $0x1;
	[dreg:$0x2] =	wrdreg s2  }
0xa9: {  	[dreg:$0x3] =	wrdreg s4  }
0xaa: {  	[dreg:$0x4] =	wrdreg $0xC0  }
0xab: {  	_ =	task [dreg:s6], $0x5FFFF  }
0xac: {  	[dreg:$0x1] =	wrdreg $0xFFFFFFFF  }
0xad: {  	[dreg:$0x0] =	wrdreg $0x60  }
0xae: {  	[dreg:$0x2] =	wrdreg s24  }
0xaf: {  	[dreg:$0x3] =	wrdreg $0x78000  }
0xb0: {  	[dreg:$0x4] =	wrdreg $0x9  }
0xb1: {  	_ =	task.clear_ibuf [dreg:s6], $0x5FFFF;
	_ =	strace $0x90000049  }
0xb2: {  	s29 =	simm.s32 $0x9;
	_ =	strace $0x8000004B  }
0xb3: {  	_ =	swait.ge [sflag:s29], $0x1  }
0xb4: {  	[sflag:s29] =	ssyncadd.s32 $0xFFFFFFFF  }
0xb5: {  	_ =	strace $0x9000004B  }
0xb6: {  	_ =	sfence  }
0xb7: {  	s30 =	sld [smem:$0x0];
	_ =	sdelay $0x2  }
0xb8: {  	s31 =	sshll.u32 s1, $0xD;
	s1 =	sshrl.u32 s1, $0x2  }
0xb9: {  	s3 =	sand.u32 $0x4000, s31;
	s1 =	sadd.s32 s1, s30  }
0xba: {  	s0 =	sor.u32 s3, s0;
	s1 =	sshll.u32 s1, $0x11  }
0xbb: {  	s0 =	sor.u32 s1, s0  }
0xbc: {  	s0 =	sadd.s32 $0x8F2B, s0  }
0xbd: {  	[sflag:s0] =	ssyncadd.remote.s32 $0x1  }
0xbe: {  	_ =	sfence.sel $0xFFFF  }
0xbf: {  	[dreg:$0x0] =	wrdreg $0xFFFFFFFF;
	(pc) =	sbr.abs _section_cstart, $3  }
0xc0: {  	[dreg:$0x1] =	wrdreg $0xFFFFFFFF  }
0xc1: {  	_ =	task.clear_ibuf [dreg:s6], $0x2FFFF;
	_ =	strace $0x9FFFFFFF  }
0xc2: {  	(tm) =	ssettm $0x7FFFFFFF  }
0xc3: {  	_ =	shalt  }
tec
execute0_lowered:
.L_overlay_start_1:
0x0: {  	(tag) =	ssettag $0x1  }
0x1: {  	s0 =	rddreg [dreg:$0x0]  }
0x2: {  	s1 =	rddreg [dreg:$0x1];
	s2 =	simm.s32 $0x0;
	s3 =	srdreg.scid  }
0x3: {  	s12 =	stileid.u32;
	s15 =	simm.s32 $0x6800;
	s16 =	simm.s32 $0x1  }
0x4: {  	s17 =	simm.s32 $0x800;
	s18 =	simm.s32 $0x80;
	s19 =	simm.s32 $0x1800  }
0x5: {  	s20 =	simm.s32 $0x5800;
	s21 =	simm.s32 $0x7000;
	s22 =	simm.s32 $0x0  }
0x6: {  	[smem:$0x7FF] =	sst s2;
	s4 =	sadd.s32 $0x251000, s0;
	s5 =	sadd.s32 $0x3F600, s0  }
0x7: {  	s6 =	sadd.s32 $0x5000, s0;
	s3 =	sand.u32 $0x1, s3;
	s9 =	smul.u32 $0x62000, s12  }
0x8: {  	s7 =	sadd.s32 $0x1F000, s0;
	s8 =	sadd.s32 $0x59600, s0;
	s30 =	ssub.s32 $0x2, s3  }
0x9: {  	_ =	strace $0x8000004A;
	s31 =	sshll.u32 s3, $0x5;
	s10 =	sshrl.u32 s30, $0x1  }
0xa: {  	s11 =	sshrl.u32 s9, $0x2;
	s9 =	smul.u32 $0xD000, s12;
	s0 =	ssub.s32 s30, s10  }
0xb: {  	s10 =	sadd.s32 s11, s1;
	s11 =	smul.u32 $0xC40, s12;
	s0 =	smax.u32 s0, $0x1  }
0xc: {  	v0 =	vimm.f32 $0.0e+00;
	s14 =	sor.u32 $0x1C00, s31;
	s12 =	smul.u32 $0x3100, s3;
	[dreg:$0x3] =	wrdreg s0  }
.LBB2_1:
0xd: {  	s0 =	simm.s32 $0x0;
	s3 =	simm.s32 $0x0  }
.LBB2_2:
0xe: {  	p0 =	sne.s32 s3, $0x1FC0  }
.Ltmp0:
0xf: {  	_ = 	snop;
	(pc) =	sbr.rel @p0 .LBB2_2-.Ltmp0, $4  }
0x10: {  	s23 =	sand.u32 $0x1F80, s3  }
0x11: {  	s24 =	sand.u32 $0x10, s0;
	s23 =	sshrl.u32 s23, $0x2  }
0x12: {  	s23 =	sor.u32 s24, s23  }
0x13: {  	s0 =	sadd.s32 $0x10, s0;
	s3 =	sadd.s32 $0x40, s3;
	[tilespmem:s23+$0x6800] =	vst v0  }
0x14: {  	s0 =	sadd.s32 $0x0, s10  }
0x15: {  	[spmem:s0] =	stream.linear.scatter [tilespmem:s15], [sflag:$0x1], $0x800, $0x38;
	v63 =	vld [tilespmem:$0x0]  }
0x16: {  	s0 =	simm.s32 $0x2000;
	_ =	swait.ge [sflag:s16], $0x800  }
.LBB2_4:
0x17: {  	s3 =	sshra.s32 s0, $0x2;
	[sflag:s16] =	ssyncset.done $0x0;
	p0 =	sne.s32 s0, $0x60000  }
.Ltmp1:
0x18: {  	s3 =	sadd.s32 s3, s10;
	[sflag:s16] =	ssyncadd.s32 $0xFFFFF800;
	(pc) =	sbr.rel @p0 .LBB2_4-.Ltmp1, $3  }
0x19: {  	[spmem:s3] =	stream.linear.scatter [tilespmem:s15], [sflag:$0x1], $0x800, $0x38;
	v63 =	vld [tilespmem:$0x0]  }
0x1a: {  	s0 =	sadd.s32 $0x2000, s0;
	_ =	sdelay $0x1  }
0x1b: {  	_ =	swait.ge [sflag:s16], $0x800  }
0x1c: {  	[sflag:s16] =	ssyncset.done $0x0  }
0x1d: {  	[sflag:s16] =	ssyncadd.s32 $0xFFFFF800  }
0x1e: {  	s23 =	simm.s32 $0x0;
	s24 =	simm.s32 $0x0;
	[bflag:$0x0] =	sbarrier.arrive $0xFFFF  }
.LBB2_6:
0x1f: {  	s0 =	sshll.u32 s24, $0xB  }
0x20: {  	s0 =	sadd.s32 s9, s0  }
0x21: {  	s0 =	sshrl.u32 s0, $0x3  }
0x22: {  	s3 =	sadd.s32 s6, s0  }
0x23: {  	[tilespmem:s23], [sflag:$0x1] =	stream.linear.gather [hbm4b:s3+s23], $0x800, $0x38;
	v63 =	vld [tilespmem:$0x0]  }
0x24: {  	_ =	swait.ge [sflag:s16], $0x800  }
0x25: {  	[sflag:s16] =	ssyncset.done $0x0  }
0x26: {  	s31 =	sadd.s32 s7, s0;
	[sflag:s16] =	ssyncadd.s32 $0xFFFFF800  }
0x27: {  	[tilespmem:s17], [sflag:$0x1] =	stream.linear.gather [hbm4b:s31+s23], $0x800, $0x38;
	v63 =	vld [tilespmem:$0x0]  }
0x28: {  	_ =	swait.ge [sflag:s16], $0x800  }
0x29: {  	[sflag:s16] =	ssyncset.done $0x0  }
0x2a: {  	s25 =	simm.s32 $0x1000;
	s0 =	sadd.s32 s5, s0;
	[sflag:s16] =	ssyncadd.s32 $0xFFFFF800  }
0x2b: {  	[tilespmem:s25], [sflag:$0x1] =	stream.linear.gather [hbm4b:s0+s23], $0x800, $0x38;
	v63 =	vld [tilespmem:$0x0]  }
0x2c: {  	_ =	swait.ge [sflag:s16], $0x800  }
0x2d: {  	[sflag:s16] =	ssyncset.done $0x0  }
0x2e: {  	s26 =	simm.s32 $0x0;
	[sflag:s16] =	ssyncadd.s32 $0xFFFFF800  }
.LBB2_7:
0x2f: {  	s28 =	sshll.u32 s26, $0x7;
	v1 =	vmov s25  }
0x30: {  	[tilespmem:s19], [sflag:$0x1] =	stream.indirect.gather [hbm4b:s4+s18], $0x80, s28, s18, $0xb8;
	v63 =	vld [tilespmem:$0x0]  }
0x31: {  	_ =	swait.ge [sflag:s16], $0x4000  }
0x32: {  	[sflag:s16] =	ssyncset.done $0x0  }
0x33: {  	s0 =	simm.s32 $0x0;
	[sflag:s16] =	ssyncadd.s32 $0xFFFFC000  }
0x34: {  	v2 =	vld.idx.msk [tilespmem:v1+s0+$0x0 ss:$0x1], $0xffff;
	_ =	sdelay $0x1  }
0x35: {  	v3 =	vld [tilespmem:s14+$0xFFFFFC00];
	_ =	sdelay $0x2  }
0x36: {  	v4 =	vbroadcast v2, $0x0;
	_ =	sdelay $0x1  }
0x37: {  	v3 =	vmul.f32 v4, v3  }
0x38: {  	s29 =	simm.s32 $0x5900  }
0x39: {  	[tilespmem:s29+$0xFFFFFF00] =	vst v3  }
0x3a: {  	v3 =	vld [tilespmem:s14+$0xFFFFFC10];
	_ =	sdelay $0x4  }
0x3b: {  	v3 =	vmul.f32 v3, v4;
	_ =	sdelay $0x1  }
0x3c: {  	[tilespmem:s29+$0xFFFFFF10] =	vst v3  }
0x3d: {  	v3 =	vld [tilespmem:s14+$0xFFFFFC80];
	_ =	sdelay $0x2  }
0x3e: {  	v49 =	vbroadcast v2, $0x1;
	_ =	sdelay $0x1  }
0x3f: {  	v3 =	vmul.f32 v3, v49;
	_ =	sdelay $0x1  }
0x40: {  	[tilespmem:s29+$0xFFFFFF20] =	vst v3  }
0x41: {  	v3 =	vld [tilespmem:s14+$0xFFFFFC90];
	_ =	sdelay $0x4  }
0x42: {  	v3 =	vmul.f32 v3, v49;
	_ =	sdelay $0x1  }
0x43: {  	[tilespmem:s29+$0xFFFFFF30] =	vst v3  }
0x44: {  	v3 =	vld [tilespmem:s14+$0xFFFFFD00];
	_ =	sdelay $0x2  }
0x45: {  	v50 =	vbroadcast v2, $0x2;
	_ =	sdelay $0x1  }
0x46: {  	v3 =	vmul.f32 v3, v50;
	_ =	sdelay $0x1  }
0x47: {  	[tilespmem:s29+$0xFFFFFF40] =	vst v3  }
0x48: {  	v3 =	vld [tilespmem:s14+$0xFFFFFD10];
	_ =	sdelay $0x4  }
0x49: {  	v3 =	vmul.f32 v3, v50;
	_ =	sdelay $0x1  }
0x4a: {  	[tilespmem:s29+$0xFFFFFF50] =	vst v3  }
0x4b: {  	v3 =	vld [tilespmem:s14+$0xFFFFFD80];
	_ =	sdelay $0x2  }
0x4c: {  	v51 =	vbroadcast v2, $0x3;
	_ =	sdelay $0x1  }
0x4d: {  	v3 =	vmul.f32 v3, v51;
	_ =	sdelay $0x1  }
0x4e: {  	[tilespmem:s29+$0xFFFFFF60] =	vst v3  }
0x4f: {  	v3 =	vld [tilespmem:s14+$0xFFFFFD90];
	_ =	sdelay $0x4  }
0x50: {  	v3 =	vmul.f32 v3, v51;
	_ =	sdelay $0x1  }
0x51: {  	[tilespmem:s29+$0xFFFFFF70] =	vst v3  }
0x52: {  	v3 =	vld [tilespmem:s14+$0xFFFFFE00];
	_ =	sdelay $0x2  }
0x53: {  	v52 =	vbroadcast v2, $0x4;
	_ =	sdelay $0x1  }
0x54: {  	v3 =	vmul.f32 v3, v52;
	_ =	sdelay $0x1  }
0x55: {  	[tilespmem:s29+$0xFFFFFF80] =	vst v3  }
0x56: {  	v3 =	vld [tilespmem:s14+$0xFFFFFE10];
	_ =	sdelay $0x4  }
0x57: {  	v3 =	vmul.f32 v3, v52;
	_ =	sdelay $0x1  }
0x58: {  	[tilespmem:s29+$0xFFFFFF90] =	vst v3  }
0x59: {  	v3 =	vld [tilespmem:s14+$0xFFFFFE80];
	_ =	sdelay $0x2  }
0x5a: {  	v53 =	vbroadcast v2, $0x5;
	_ =	sdelay $0x1  }
0x5b: {  	v3 =	vmul.f32 v3, v53;
	_ =	sdelay $0x1  }
0x5c: {  	[tilespmem:s29+$0xFFFFFFA0] =	vst v3  }
0x5d: {  	v3 =	vld [tilespmem:s14+$0xFFFFFE90];
	_ =	sdelay $0x4  }
0x5e: {  	v3 =	vmul.f32 v3, v53;
	_ =	sdelay $0x1  }
0x5f: {  	[tilespmem:s29+$0xFFFFFFB0] =	vst v3  }
0x60: {  	v3 =	vld [tilespmem:s14+$0xFFFFFF00];
	_ =	sdelay $0x2  }
0x61: {  	v54 =	vbroadcast v2, $0x6;
	_ =	sdelay $0x1  }
0x62: {  	v3 =	vmul.f32 v3, v54;
	_ =	sdelay $0x1  }
0x63: {  	[tilespmem:s29+$0xFFFFFFC0] =	vst v3  }
0x64: {  	v3 =	vld [tilespmem:s14+$0xFFFFFF10];
	_ =	sdelay $0x4  }
0x65: {  	v3 =	vmul.f32 v3, v54;
	_ =	sdelay $0x1  }
0x66: {  	[tilespmem:s29+$0xFFFFFFD0] =	vst v3  }
0x67: {  	v3 =	vld [tilespmem:s14+$0xFFFFFF80];
	_ =	sdelay $0x2  }
0x68: {  	v55 =	vbroadcast v2, $0x7;
	_ =	sdelay $0x1  }
0x69: {  	v3 =	vmul.f32 v3, v55;
	_ =	sdelay $0x1  }
0x6a: {  	[tilespmem:s29+$0xFFFFFFE0] =	vst v3  }
0x6b: {  	v3 =	vld [tilespmem:s14+$0xFFFFFF90];
	_ =	sdelay $0x4  }
0x6c: {  	v3 =	vmul.f32 v3, v55;
	_ =	sdelay $0x1  }
0x6d: {  	[tilespmem:s29+$0xFFFFFFF0] =	vst v3  }
0x6e: {  	v3 =	vld [tilespmem:s14+$0x0];
	_ =	sdelay $0x2  }
0x6f: {  	v56 =	vbroadcast v2, $0x8;
	_ =	sdelay $0x1  }
0x70: {  	v3 =	vmul.f32 v3, v56;
	_ =	sdelay $0x1  }
0x71: {  	[tilespmem:s29+$0x0] =	vst v3  }
0x72: {  	v3 =	vld [tilespmem:s14+$0x10];
	_ =	sdelay $0x4  }
0x73: {  	v3 =	vmul.f32 v3, v56;
	_ =	sdelay $0x1  }
0x74: {  	[tilespmem:s29+$0x10] =	vst v3  }
0x75: {  	v3 =	vld [tilespmem:s14+$0x80];
	_ =	sdelay $0x2  }
0x76: {  	v57 =	vbroadcast v2, $0x9;
	_ =	sdelay $0x1  }
0x77: {  	v3 =	vmul.f32 v3, v57;
	_ =	sdelay $0x1  }
0x78: {  	[tilespmem:s29+$0x20] =	vst v3  }
0x79: {  	v3 =	vld [tilespmem:s14+$0x90];
	_ =	sdelay $0x4  }
0x7a: {  	v3 =	vmul.f32 v3, v57;
	_ =	sdelay $0x1  }
0x7b: {  	[tilespmem:s29+$0x30] =	vst v3  }
0x7c: {  	v3 =	vld [tilespmem:s14+$0x100];
	_ =	sdelay $0x2  }
0x7d: {  	v58 =	vbroadcast v2, $0xA;
	_ =	sdelay $0x1  }
0x7e: {  	v3 =	vmul.f32 v3, v58;
	_ =	sdelay $0x1  }
0x7f: {  	[tilespmem:s29+$0x40] =	vst v3  }
0x80: {  	v3 =	vld [tilespmem:s14+$0x110];
	_ =	sdelay $0x4  }
0x81: {  	v3 =	vmul.f32 v3, v58;
	_ =	sdelay $0x1  }
0x82: {  	[tilespmem:s29+$0x50] =	vst v3  }
0x83: {  	v3 =	vld [tilespmem:s14+$0x180];
	_ =	sdelay $0x2  }
0x84: {  	v59 =	vbroadcast v2, $0xB;
	_ =	sdelay $0x1  }
0x85: {  	v3 =	vmul.f32 v3, v59;
	_ =	sdelay $0x1  }
0x86: {  	[tilespmem:s29+$0x60] =	vst v3  }
0x87: {  	v3 =	vld [tilespmem:s14+$0x190];
	_ =	sdelay $0x4  }
0x88: {  	v3 =	vmul.f32 v3, v59;
	_ =	sdelay $0x1  }
0x89: {  	[tilespmem:s29+$0x70] =	vst v3  }
0x8a: {  	v3 =	vld [tilespmem:s14+$0x200];
	_ =	sdelay $0x2  }
0x8b: {  	v60 =	vbroadcast v2, $0xC;
	_ =	sdelay $0x1  }
0x8c: {  	v3 =	vmul.f32 v3, v60;
	_ =	sdelay $0x1  }
0x8d: {  	[tilespmem:s29+$0x80] =	vst v3  }
0x8e: {  	v3 =	vld [tilespmem:s14+$0x210];
	_ =	sdelay $0x4  }
0x8f: {  	v3 =	vmul.f32 v3, v60;
	_ =	sdelay $0x1  }
0x90: {  	[tilespmem:s29+$0x90] =	vst v3  }
0x91: {  	v3 =	vld [tilespmem:s14+$0x280];
	_ =	sdelay $0x2  }
0x92: {  	v61 =	vbroadcast v2, $0xD;
	_ =	sdelay $0x1  }
0x93: {  	v3 =	vmul.f32 v3, v61;
	_ =	sdelay $0x1  }
0x94: {  	[tilespmem:s29+$0xA0] =	vst v3  }
0x95: {  	v3 =	vld [tilespmem:s14+$0x290];
	_ =	sdelay $0x4  }
0x96: {  	v3 =	vmul.f32 v3, v61;
	_ =	sdelay $0x1  }
0x97: {  	[tilespmem:s29+$0xB0] =	vst v3  }
0x98: {  	v3 =	vld [tilespmem:s14+$0x300];
	_ =	sdelay $0x2  }
0x99: {  	v62 =	vbroadcast v2, $0xE;
	_ =	sdelay $0x1  }
0x9a: {  	v3 =	vmul.f32 v3, v62;
	_ =	sdelay $0x1  }
0x9b: {  	[tilespmem:s29+$0xC0] =	vst v3  }
0x9c: {  	v3 =	vld [tilespmem:s14+$0x310];
	_ =	sdelay $0x4  }
0x9d: {  	v3 =	vmul.f32 v3, v62;
	_ =	sdelay $0x1  }
0x9e: {  	[tilespmem:s29+$0xD0] =	vst v3  }
0x9f: {  	v3 =	vld [tilespmem:s14+$0x380];
	_ =	sdelay $0x2  }
0xa0: {  	v2 =	vbroadcast v2, $0xF;
	_ =	sdelay $0x1  }
0xa1: {  	v3 =	vmul.f32 v3, v2;
	_ =	sdelay $0x1  }
0xa2: {  	[tilespmem:s29+$0xE0] =	vst v3  }
0xa3: {  	v3 =	vld [tilespmem:s14+$0x390];
	_ =	sdelay $0x4  }
0xa4: {  	s31 =	simm.s32 $0x40;
	s30 =	sadd.s32 $0x800, s14;
	s0 =	simm.s32 $0x80;
	v2 =	vmul.f32 v3, v2  }
.LBB2_8:
0xa5: {  	s13 =	sshra.s32 s31, $0x2  }
0xa6: {  	[tilespmem:s29+$0xF0] =	vst v2;
	s29 =	sadd.s32 $0x200, s29;
	s31 =	smov.u32 s0;
	s3 =	sadd.s32 $0x40, s0  }
0xa7: {  	p0 =	sne.s32 s0, $0x1C0;
	v2 =	vld.idx.msk [tilespmem:v1+s13+$0x0 ss:$0x1], $0xffff;
	_ =	sdelay $0x2  }
0xa8: {  	v3 =	vld [tilespmem:s30+$0xFFFFFC00];
	_ =	sdelay $0x2  }
0xa9: {  	v4 =	vbroadcast v2, $0x0;
	_ =	sdelay $0x1  }
0xaa: {  	v3 =	vmul.f32 v4, v3;
	_ =	sdelay $0x1  }
0xab: {  	[tilespmem:s29+$0xFFFFFF00] =	vst v3  }
0xac: {  	v3 =	vld [tilespmem:s30+$0xFFFFFC10];
	_ =	sdelay $0x4  }
0xad: {  	v3 =	vmul.f32 v3, v4;
	_ =	sdelay $0x1  }
0xae: {  	[tilespmem:s29+$0xFFFFFF10] =	vst v3  }
0xaf: {  	v3 =	vld [tilespmem:s30+$0xFFFFFC80];
	_ =	sdelay $0x2  }
0xb0: {  	v4 =	vbroadcast v2, $0x1;
	_ =	sdelay $0x1  }
0xb1: {  	v3 =	vmul.f32 v3, v4;
	_ =	sdelay $0x1  }
0xb2: {  	[tilespmem:s29+$0xFFFFFF20] =	vst v3  }
0xb3: {  	v3 =	vld [tilespmem:s30+$0xFFFFFC90];
	_ =	sdelay $0x4  }
0xb4: {  	v3 =	vmul.f32 v3, v4;
	_ =	sdelay $0x1  }
0xb5: {  	[tilespmem:s29+$0xFFFFFF30] =	vst v3  }
0xb6: {  	v3 =	vld [tilespmem:s30+$0xFFFFFD00];
	_ =	sdelay $0x2  }
0xb7: {  	v4 =	vbroadcast v2, $0x2;
	_ =	sdelay $0x1  }
0xb8: {  	v3 =	vmul.f32 v3, v4;
	_ =	sdelay $0x1  }
0xb9: {  	[tilespmem:s29+$0xFFFFFF40] =	vst v3  }
0xba: {  	v3 =	vld [tilespmem:s30+$0xFFFFFD10];
	_ =	sdelay $0x4  }
0xbb: {  	v3 =	vmul.f32 v3, v4;
	_ =	sdelay $0x1  }
0xbc: {  	[tilespmem:s29+$0xFFFFFF50] =	vst v3  }
0xbd: {  	v3 =	vld [tilespmem:s30+$0xFFFFFD80];
	_ =	sdelay $0x2  }
0xbe: {  	v4 =	vbroadcast v2, $0x3;
	_ =	sdelay $0x1  }
0xbf: {  	v3 =	vmul.f32 v3, v4;
	_ =	sdelay $0x1  }
0xc0: {  	[tilespmem:s29+$0xFFFFFF60] =	vst v3  }
0xc1: {  	v3 =	vld [tilespmem:s30+$0xFFFFFD90];
	_ =	sdelay $0x4  }
0xc2: {  	v3 =	vmul.f32 v3, v4;
	_ =	sdelay $0x1  }
0xc3: {  	[tilespmem:s29+$0xFFFFFF70] =	vst v3  }
0xc4: {  	v3 =	vld [tilespmem:s30+$0xFFFFFE00];
	_ =	sdelay $0x2  }
0xc5: {  	v4 =	vbroadcast v2, $0x4;
	_ =	sdelay $0x1  }
0xc6: {  	v3 =	vmul.f32 v3, v4;
	_ =	sdelay $0x1  }
0xc7: {  	[tilespmem:s29+$0xFFFFFF80] =	vst v3  }
0xc8: {  	v3 =	vld [tilespmem:s30+$0xFFFFFE10];
	_ =	sdelay $0x4  }
0xc9: {  	v3 =	vmul.f32 v3, v4;
	_ =	sdelay $0x1  }
0xca: {  	[tilespmem:s29+$0xFFFFFF90] =	vst v3  }
0xcb: {  	v3 =	vld [tilespmem:s30+$0xFFFFFE80];
	_ =	sdelay $0x2  }
0xcc: {  	v4 =	vbroadcast v2, $0x5;
	_ =	sdelay $0x1  }
0xcd: {  	v3 =	vmul.f32 v3, v4;
	_ =	sdelay $0x1  }
0xce: {  	[tilespmem:s29+$0xFFFFFFA0] =	vst v3  }
0xcf: {  	v3 =	vld [tilespmem:s30+$0xFFFFFE90];
	_ =	sdelay $0x4  }
0xd0: {  	v3 =	vmul.f32 v3, v4;
	_ =	sdelay $0x1  }
0xd1: {  	[tilespmem:s29+$0xFFFFFFB0] =	vst v3  }
0xd2: {  	v3 =	vld [tilespmem:s30+$0xFFFFFF00];
	_ =	sdelay $0x2  }
0xd3: {  	v4 =	vbroadcast v2, $0x6;
	_ =	sdelay $0x1  }
0xd4: {  	v3 =	vmul.f32 v3, v4;
	_ =	sdelay $0x1  }
0xd5: {  	[tilespmem:s29+$0xFFFFFFC0] =	vst v3  }
0xd6: {  	v3 =	vld [tilespmem:s30+$0xFFFFFF10];
	_ =	sdelay $0x4  }
0xd7: {  	v3 =	vmul.f32 v3, v4;
	_ =	sdelay $0x1  }
0xd8: {  	[tilespmem:s29+$0xFFFFFFD0] =	vst v3  }
0xd9: {  	v3 =	vld [tilespmem:s30+$0xFFFFFF80];
	_ =	sdelay $0x2  }
0xda: {  	v4 =	vbroadcast v2, $0x7;
	_ =	sdelay $0x1  }
0xdb: {  	v3 =	vmul.f32 v3, v4;
	_ =	sdelay $0x1  }
0xdc: {  	[tilespmem:s29+$0xFFFFFFE0] =	vst v3  }
0xdd: {  	v3 =	vld [tilespmem:s30+$0xFFFFFF90];
	_ =	sdelay $0x4  }
0xde: {  	v3 =	vmul.f32 v3, v4;
	_ =	sdelay $0x1  }
0xdf: {  	[tilespmem:s29+$0xFFFFFFF0] =	vst v3  }
0xe0: {  	v3 =	vld [tilespmem:s30+$0x0];
	_ =	sdelay $0x2  }
0xe1: {  	v4 =	vbroadcast v2, $0x8;
	_ =	sdelay $0x1  }
0xe2: {  	v3 =	vmul.f32 v3, v4;
	_ =	sdelay $0x1  }
0xe3: {  	[tilespmem:s29+$0x0] =	vst v3  }
0xe4: {  	v3 =	vld [tilespmem:s30+$0x10];
	_ =	sdelay $0x4  }
0xe5: {  	v3 =	vmul.f32 v3, v4;
	_ =	sdelay $0x1  }
0xe6: {  	[tilespmem:s29+$0x10] =	vst v3  }
0xe7: {  	v3 =	vld [tilespmem:s30+$0x80];
	_ =	sdelay $0x2  }
0xe8: {  	v4 =	vbroadcast v2, $0x9;
	_ =	sdelay $0x1  }
0xe9: {  	v3 =	vmul.f32 v3, v4;
	_ =	sdelay $0x1  }
0xea: {  	[tilespmem:s29+$0x20] =	vst v3  }
0xeb: {  	v3 =	vld [tilespmem:s30+$0x90];
	_ =	sdelay $0x4  }
0xec: {  	v3 =	vmul.f32 v3, v4;
	_ =	sdelay $0x1  }
0xed: {  	[tilespmem:s29+$0x30] =	vst v3  }
0xee: {  	v3 =	vld [tilespmem:s30+$0x100];
	_ =	sdelay $0x2  }
0xef: {  	v4 =	vbroadcast v2, $0xA;
	_ =	sdelay $0x1  }
0xf0: {  	v3 =	vmul.f32 v3, v4;
	_ =	sdelay $0x1  }
0xf1: {  	[tilespmem:s29+$0x40] =	vst v3  }
0xf2: {  	v3 =	vld [tilespmem:s30+$0x110];
	_ =	sdelay $0x4  }
0xf3: {  	v3 =	vmul.f32 v3, v4;
	_ =	sdelay $0x1  }
0xf4: {  	[tilespmem:s29+$0x50] =	vst v3  }
0xf5: {  	v3 =	vld [tilespmem:s30+$0x180];
	_ =	sdelay $0x2  }
0xf6: {  	v4 =	vbroadcast v2, $0xB;
	_ =	sdelay $0x1  }
0xf7: {  	v3 =	vmul.f32 v3, v4;
	_ =	sdelay $0x1  }
0xf8: {  	[tilespmem:s29+$0x60] =	vst v3  }
0xf9: {  	v3 =	vld [tilespmem:s30+$0x190];
	_ =	sdelay $0x4  }
0xfa: {  	v3 =	vmul.f32 v3, v4;
	_ =	sdelay $0x1  }
0xfb: {  	[tilespmem:s29+$0x70] =	vst v3  }
0xfc: {  	v3 =	vld [tilespmem:s30+$0x200];
	_ =	sdelay $0x2  }
0xfd: {  	v4 =	vbroadcast v2, $0xC;
	_ =	sdelay $0x1  }
0xfe: {  	v3 =	vmul.f32 v3, v4;
	_ =	sdelay $0x1  }
0xff: {  	[tilespmem:s29+$0x80] =	vst v3  }
0x100: {  	v3 =	vld [tilespmem:s30+$0x210];
	_ =	sdelay $0x4  }
0x101: {  	v3 =	vmul.f32 v3, v4;
	_ =	sdelay $0x1  }
0x102: {  	[tilespmem:s29+$0x90] =	vst v3  }
0x103: {  	v3 =	vld [tilespmem:s30+$0x280];
	_ =	sdelay $0x2  }
0x104: {  	v4 =	vbroadcast v2, $0xD;
	_ =	sdelay $0x1  }
0x105: {  	v3 =	vmul.f32 v3, v4;
	_ =	sdelay $0x1  }
0x106: {  	[tilespmem:s29+$0xA0] =	vst v3  }
0x107: {  	v3 =	vld [tilespmem:s30+$0x290];
	_ =	sdelay $0x4  }
0x108: {  	v3 =	vmul.f32 v3, v4;
	_ =	sdelay $0x1  }
0x109: {  	[tilespmem:s29+$0xB0] =	vst v3  }
0x10a: {  	v3 =	vld [tilespmem:s30+$0x300];
	_ =	sdelay $0x2  }
0x10b: {  	v4 =	vbroadcast v2, $0xE;
	_ =	sdelay $0x1  }
0x10c: {  	v3 =	vmul.f32 v3, v4;
	_ =	sdelay $0x1  }
0x10d: {  	[tilespmem:s29+$0xC0] =	vst v3  }
0x10e: {  	v3 =	vld [tilespmem:s30+$0x310];
	_ =	sdelay $0x4  }
0x10f: {  	v3 =	vmul.f32 v3, v4;
	_ =	sdelay $0x1  }
0x110: {  	[tilespmem:s29+$0xD0] =	vst v3  }
0x111: {  	v3 =	vld [tilespmem:s30+$0x380];
	_ =	sdelay $0x2  }
0x112: {  	v2 =	vbroadcast v2, $0xF;
	_ =	sdelay $0x1  }
0x113: {  	v3 =	vmul.f32 v3, v2;
	_ =	sdelay $0x1  }
0x114: {  	[tilespmem:s29+$0xE0] =	vst v3  }
0x115: {  	v3 =	vld [tilespmem:s30+$0x390];
	_ =	sdelay $0x1  }
.Ltmp2:
0x116: {  	(pc) =	sbr.rel @p0 .LBB2_8-.Ltmp2, $3  }
0x117: {  	_ =	sdelay $0x1  }
0x118: {  	v2 =	vmul.f32 v3, v2  }
0x119: {  	s0 =	smov.u32 s3;
	s30 =	sadd.s32 $0x800, s30  }
0x11a: {  	_ =	sdelay $0x2  }
0x11b: {  	s0 =	sshra.s32 s31, $0x2;
	[tilespmem:s29+$0xF0] =	vst v2  }
0x11c: {  	v1 =	vld.idx.msk [tilespmem:v1+s0+$0x0 ss:$0x1], $0xffff;
	_ =	sdelay $0x1  }
0x11d: {  	v2 =	vld [tilespmem:s30+$0xFFFFFC00];
	_ =	sdelay $0x2  }
0x11e: {  	v3 =	vbroadcast v1, $0x0;
	_ =	sdelay $0x1  }
0x11f: {  	v2 =	vmul.f32 v3, v2  }
0x120: {  	s29 =	sadd.s32 $0x200, s29  }
0x121: {  	[tilespmem:s29+$0xFFFFFF00] =	vst v2  }
0x122: {  	v2 =	vld [tilespmem:s30+$0xFFFFFC10];
	_ =	sdelay $0x4  }
0x123: {  	v2 =	vmul.f32 v2, v3;
	_ =	sdelay $0x1  }
0x124: {  	[tilespmem:s29+$0xFFFFFF10] =	vst v2  }
0x125: {  	v2 =	vld [tilespmem:s30+$0xFFFFFC80];
	_ =	sdelay $0x2  }
0x126: {  	v3 =	vbroadcast v1, $0x1;
	_ =	sdelay $0x1  }
0x127: {  	v2 =	vmul.f32 v2, v3;
	_ =	sdelay $0x1  }
0x128: {  	[tilespmem:s29+$0xFFFFFF20] =	vst v2  }
0x129: {  	v2 =	vld [tilespmem:s30+$0xFFFFFC90];
	_ =	sdelay $0x4  }
0x12a: {  	v2 =	vmul.f32 v2, v3;
	_ =	sdelay $0x1  }
0x12b: {  	[tilespmem:s29+$0xFFFFFF30] =	vst v2  }
0x12c: {  	v2 =	vld [tilespmem:s30+$0xFFFFFD00];
	_ =	sdelay $0x2  }
0x12d: {  	v3 =	vbroadcast v1, $0x2;
	_ =	sdelay $0x1  }
0x12e: {  	v2 =	vmul.f32 v2, v3;
	_ =	sdelay $0x1  }
0x12f: {  	[tilespmem:s29+$0xFFFFFF40] =	vst v2  }
0x130: {  	v2 =	vld [tilespmem:s30+$0xFFFFFD10];
	_ =	sdelay $0x4  }
0x131: {  	v2 =	vmul.f32 v2, v3;
	_ =	sdelay $0x1  }
0x132: {  	[tilespmem:s29+$0xFFFFFF50] =	vst v2  }
0x133: {  	v2 =	vld [tilespmem:s30+$0xFFFFFD80];
	_ =	sdelay $0x2  }
0x134: {  	v3 =	vbroadcast v1, $0x3;
	_ =	sdelay $0x1  }
0x135: {  	v2 =	vmul.f32 v2, v3;
	_ =	sdelay $0x1  }
0x136: {  	[tilespmem:s29+$0xFFFFFF60] =	vst v2  }
0x137: {  	v2 =	vld [tilespmem:s30+$0xFFFFFD90];
	_ =	sdelay $0x4  }
0x138: {  	v2 =	vmul.f32 v2, v3;
	_ =	sdelay $0x1  }
0x139: {  	[tilespmem:s29+$0xFFFFFF70] =	vst v2  }
0x13a: {  	v2 =	vld [tilespmem:s30+$0xFFFFFE00];
	_ =	sdelay $0x2  }
0x13b: {  	v3 =	vbroadcast v1, $0x4;
	_ =	sdelay $0x1  }
0x13c: {  	v2 =	vmul.f32 v2, v3;
	_ =	sdelay $0x1  }
0x13d: {  	[tilespmem:s29+$0xFFFFFF80] =	vst v2  }
0x13e: {  	v2 =	vld [tilespmem:s30+$0xFFFFFE10];
	_ =	sdelay $0x4  }
0x13f: {  	v2 =	vmul.f32 v2, v3;
	_ =	sdelay $0x1  }
0x140: {  	[tilespmem:s29+$0xFFFFFF90] =	vst v2  }
0x141: {  	v2 =	vld [tilespmem:s30+$0xFFFFFE80];
	_ =	sdelay $0x2  }
0x142: {  	v3 =	vbroadcast v1, $0x5;
	_ =	sdelay $0x1  }
0x143: {  	v2 =	vmul.f32 v2, v3;
	_ =	sdelay $0x1  }
0x144: {  	[tilespmem:s29+$0xFFFFFFA0] =	vst v2  }
0x145: {  	v2 =	vld [tilespmem:s30+$0xFFFFFE90];
	_ =	sdelay $0x4  }
0x146: {  	v2 =	vmul.f32 v2, v3;
	_ =	sdelay $0x1  }
0x147: {  	[tilespmem:s29+$0xFFFFFFB0] =	vst v2  }
0x148: {  	v2 =	vld [tilespmem:s30+$0xFFFFFF00];
	_ =	sdelay $0x2  }
0x149: {  	v3 =	vbroadcast v1, $0x6;
	_ =	sdelay $0x1  }
0x14a: {  	v2 =	vmul.f32 v2, v3;
	_ =	sdelay $0x1  }
0x14b: {  	[tilespmem:s29+$0xFFFFFFC0] =	vst v2  }
0x14c: {  	v2 =	vld [tilespmem:s30+$0xFFFFFF10];
	_ =	sdelay $0x4  }
0x14d: {  	v2 =	vmul.f32 v2, v3;
	_ =	sdelay $0x1  }
0x14e: {  	[tilespmem:s29+$0xFFFFFFD0] =	vst v2  }
0x14f: {  	v2 =	vld [tilespmem:s30+$0xFFFFFF80];
	_ =	sdelay $0x2  }
0x150: {  	v3 =	vbroadcast v1, $0x7;
	_ =	sdelay $0x1  }
0x151: {  	v2 =	vmul.f32 v2, v3;
	_ =	sdelay $0x1  }
0x152: {  	[tilespmem:s29+$0xFFFFFFE0] =	vst v2  }
0x153: {  	v2 =	vld [tilespmem:s30+$0xFFFFFF90];
	_ =	sdelay $0x4  }
0x154: {  	v2 =	vmul.f32 v2, v3;
	_ =	sdelay $0x1  }
0x155: {  	[tilespmem:s29+$0xFFFFFFF0] =	vst v2  }
0x156: {  	v2 =	vld [tilespmem:s30+$0x0];
	_ =	sdelay $0x2  }
0x157: {  	v3 =	vbroadcast v1, $0x8;
	_ =	sdelay $0x1  }
0x158: {  	v2 =	vmul.f32 v2, v3;
	_ =	sdelay $0x1  }
0x159: {  	[tilespmem:s29+$0x0] =	vst v2  }
0x15a: {  	v2 =	vld [tilespmem:s30+$0x10];
	_ =	sdelay $0x4  }
0x15b: {  	v2 =	vmul.f32 v2, v3;
	_ =	sdelay $0x1  }
0x15c: {  	[tilespmem:s29+$0x10] =	vst v2  }
0x15d: {  	v2 =	vld [tilespmem:s30+$0x80];
	_ =	sdelay $0x2  }
0x15e: {  	v3 =	vbroadcast v1, $0x9;
	_ =	sdelay $0x1  }
0x15f: {  	v2 =	vmul.f32 v2, v3;
	_ =	sdelay $0x1  }
0x160: {  	[tilespmem:s29+$0x20] =	vst v2  }
0x161: {  	v2 =	vld [tilespmem:s30+$0x90];
	_ =	sdelay $0x4  }
0x162: {  	v2 =	vmul.f32 v2, v3;
	_ =	sdelay $0x1  }
0x163: {  	[tilespmem:s29+$0x30] =	vst v2  }
0x164: {  	v2 =	vld [tilespmem:s30+$0x100];
	_ =	sdelay $0x2  }
0x165: {  	v3 =	vbroadcast v1, $0xA;
	_ =	sdelay $0x1  }
0x166: {  	v2 =	vmul.f32 v2, v3;
	_ =	sdelay $0x1  }
0x167: {  	[tilespmem:s29+$0x40] =	vst v2  }
0x168: {  	v2 =	vld [tilespmem:s30+$0x110];
	_ =	sdelay $0x4  }
0x169: {  	v2 =	vmul.f32 v2, v3;
	_ =	sdelay $0x1  }
0x16a: {  	[tilespmem:s29+$0x50] =	vst v2  }
0x16b: {  	v2 =	vld [tilespmem:s30+$0x180];
	_ =	sdelay $0x2  }
0x16c: {  	v3 =	vbroadcast v1, $0xB;
	_ =	sdelay $0x1  }
0x16d: {  	v2 =	vmul.f32 v2, v3;
	_ =	sdelay $0x1  }
0x16e: {  	[tilespmem:s29+$0x60] =	vst v2  }
0x16f: {  	v2 =	vld [tilespmem:s30+$0x190];
	_ =	sdelay $0x4  }
0x170: {  	v2 =	vmul.f32 v2, v3;
	_ =	sdelay $0x1  }
0x171: {  	[tilespmem:s29+$0x70] =	vst v2  }
0x172: {  	v2 =	vld [tilespmem:s30+$0x200];
	_ =	sdelay $0x2  }
0x173: {  	v3 =	vbroadcast v1, $0xC;
	_ =	sdelay $0x1  }
0x174: {  	v2 =	vmul.f32 v2, v3;
	_ =	sdelay $0x1  }
0x175: {  	[tilespmem:s29+$0x80] =	vst v2  }
0x176: {  	v2 =	vld [tilespmem:s30+$0x210];
	_ =	sdelay $0x4  }
0x177: {  	v2 =	vmul.f32 v2, v3;
	_ =	sdelay $0x1  }
0x178: {  	[tilespmem:s29+$0x90] =	vst v2  }
0x179: {  	v2 =	vld [tilespmem:s30+$0x280];
	_ =	sdelay $0x2  }
0x17a: {  	v3 =	vbroadcast v1, $0xD;
	_ =	sdelay $0x1  }
0x17b: {  	v2 =	vmul.f32 v2, v3;
	_ =	sdelay $0x1  }
0x17c: {  	[tilespmem:s29+$0xA0] =	vst v2  }
0x17d: {  	v2 =	vld [tilespmem:s30+$0x290];
	_ =	sdelay $0x4  }
0x17e: {  	v2 =	vmul.f32 v2, v3;
	_ =	sdelay $0x1  }
0x17f: {  	[tilespmem:s29+$0xB0] =	vst v2  }
0x180: {  	v2 =	vld [tilespmem:s30+$0x300];
	_ =	sdelay $0x2  }
0x181: {  	v3 =	vbroadcast v1, $0xE;
	_ =	sdelay $0x1  }
0x182: {  	v2 =	vmul.f32 v2, v3;
	_ =	sdelay $0x1  }
0x183: {  	[tilespmem:s29+$0xC0] =	vst v2  }
0x184: {  	v2 =	vld [tilespmem:s30+$0x310];
	_ =	sdelay $0x4  }
0x185: {  	v2 =	vmul.f32 v2, v3;
	_ =	sdelay $0x1  }
0x186: {  	[tilespmem:s29+$0xD0] =	vst v2  }
0x187: {  	v2 =	vld [tilespmem:s30+$0x380];
	_ =	sdelay $0x2  }
0x188: {  	v1 =	vbroadcast v1, $0xF;
	_ =	sdelay $0x1  }
0x189: {  	v2 =	vmul.f32 v2, v1;
	_ =	sdelay $0x1  }
0x18a: {  	[tilespmem:s29+$0xE0] =	vst v2  }
0x18b: {  	v2 =	vld [tilespmem:s30+$0x390];
	_ =	sdelay $0x4  }
0x18c: {  	s26 =	sadd.s32 $0x1, s26;
	v1 =	vmul.f32 v2, v1  }
0x18d: {  	p0 =	sne.s32 s26, $0x10  }
.Ltmp3:
0x18e: {  	s31 =	sadd.s32 $0x800, s28;
	[tilespmem:s29+$0xF0] =	vst v1;
	(pc) =	sbr.rel @p0 .LBB2_7-.Ltmp3, $4  }
0x18f: {  	[spmem:s1] =	stream.indirect.scatter.add.f32 [tilespmem:s20], [sflag:$0x1], $0x20, s31, s18, $0xb8;
	v63 =	vld [tilespmem:$0x0]  }
0x190: {  	_ =	swait.ge [sflag:s16], $0x1000  }
0x191: {  	[sflag:s16] =	ssyncset.done $0x0  }
0x192: {  	s25 =	sadd.s32 $0x80, s25;
	[sflag:s16] =	ssyncadd.s32 $0xFFFFF000  }
0x193: {  	s24 =	sadd.s32 $0x1, s24  }
0x194: {  	p0 =	sne.s32 s24, $0x1A  }
.Ltmp4:
0x195: {  	_ = 	snop;
	(pc) =	sbr.rel @p0 .LBB2_6-.Ltmp4, $1  }
0x196: {  	_ =	sdelay $0x3  }
0x197: {  	[bflag:$0x0] =	sbarrier.arrive $0xFFFF;
	s0 =	simm.s32 $0x0;
	s23 =	simm.s32 $0x0  }
.LBB2_12:
0x198: {  	s3 =	sshll.u32 s23, $0x6  }
0x199: {  	s24 =	sadd.s32 s11, s3  }
0x19a: {  	s3 =	sshll.u32 s24, $0x5  }
0x19b: {  	s3 =	sand.u32 $0x3FFFFFE0, s3  }
0x19c: {  	s3 =	sadd.s32 s3, s1  }
0x19d: {  	[tilespmem:s15], [sflag:$0x1] =	stream.linear.gather [spmem:s3], $0x800, $0x38;
	v63 =	vld [tilespmem:$0x0]  }
0x19e: {  	s31 =	sand.u32 $0x1F80, s0;
	_ =	swait.ge [sflag:s16], $0x800  }
0x19f: {  	s13 =	sand.u32 $0x10, s0;
	s3 =	sshrl.u32 s31, $0x2;
	[sflag:s16] =	ssyncset.done $0x0  }
0x1a0: {  	s25 =	simm.s32 $0x40;
	s3 =	sor.u32 s13, s3;
	[sflag:s16] =	ssyncadd.s32 $0xFFFFF800  }
0x1a1: {  	s26 =	simm.s32 $0x10;
	s28 =	simm.s32 $0x0;
	s29 =	simm.s32 $0x0;
	v1 =	vld [tilespmem:s3+$0x6800]  }
.LBB2_13:
0x1a2: {  	s3 =	sand.u32 $0x1F80, s25;
	s13 =	sand.u32 $0x70, s28;
	s30 =	sand.u32 $0x1E00, s29  }
0x1a3: {  	s29 =	smov.u32 s25;
	s28 =	smov.u32 s26;
	p0 =	sne.s32 s25, $0x1FC0  }
.Ltmp5:
0x1a4: {  	s25 =	sadd.s32 $0x40, s25;
	s30 =	sshrl.u32 s30, $0x2;
	(pc) =	sbr.rel @p0 .LBB2_13-.Ltmp5, $4  }
0x1a5: {  	s31 =	sand.u32 $0x10, s26;
	s3 =	sshrl.u32 s3, $0x2;
	s13 =	sor.u32 s13, s30  }
0x1a6: {  	s3 =	sor.u32 s31, s3;
	[tilespmem:s13+$0x7000] =	vst v1  }
0x1a7: {  	v1 =	vld [tilespmem:s3+$0x6800]  }
0x1a8: {  	s26 =	sadd.s32 $0x10, s26  }
0x1a9: {  	s3 =	sand.u32 $0x1E00, s29;
	s13 =	sshrl.u32 s24, $0x2;
	s30 =	sand.u32 $0x70, s28  }
0x1aa: {  	s23 =	sadd.s32 $0x1, s23;
	s3 =	sshrl.u32 s3, $0x2;
	s13 =	sadd.s32 s12, s13  }
0x1ab: {  	p0 =	sne.s32 s23, $0x31;
	s3 =	sor.u32 s30, s3;
	s13 =	sshll.u32 s13, $0x4  }
.Ltmp6:
0x1ac: {  	[tilespmem:s3+$0x7000] =	vst v1;
	s31 =	sadd.s32 s8, s13;
	(pc) =	sbr.rel @p0 .LBB2_12-.Ltmp6, $4  }
0x1ad: {  	[hbm4b:s31+s2] =	stream.linear.scatter [tilespmem:s21], [sflag:$0x1], $0x800, $0x38;
	v63 =	vld [tilespmem:$0x0]  }
0x1ae: {  	_ =	swait.ge [sflag:s16], $0x800  }
0x1af: {  	[sflag:s16] =	ssyncset.done $0x0  }
0x1b0: {  	[sflag:s16] =	ssyncadd.s32 $0xFFFFF800  }
0x1b1: {  	s22 =	sadd.s32 $0x1, s22;
	s0 =	rddreg [dreg:$0x3]  }
0x1b2: {  	p0 =	sne.s32 s22, s0  }
.Ltmp7:
0x1b3: {  	_ = 	snop;
	(pc) =	sbr.rel @p0 .LBB2_1-.Ltmp7, $1  }
0x1b4: {  	_ =	sdelay $0x3  }
0x1b5: {  	_ =	sfence.sel $0x180000  }
0x1b6: {  	[bflag:$0x0] =	sbarrier.arrive $0xFFFF  }
0x1b7: {  	_ =	strace $0x9000004A  }
0x1b8: {  	s0 =	stileid.u32;
	[bflag:$0x2] =	sbarrier.arrive $0xFFFF  }
0x1b9: {  	p0 =	sne.s32 s0, $0x0;
	s0 =	rddreg [dreg:$0x2]  }
0x1ba: {  	s0 =	sadd.s32 @!p0 $0x100000, s0  }
0x1bb: {  	[sflag:s0] =	ssyncadd.tile.s32 @!p0 $0x1;
	_ =	shalt  }
.Lfunc_end2:
_tile_overlayer_lowered:
.L_overlay_start_2:
0x1bc: {  	(tag) =	ssettag $0x2  }
0x1bd: {  	s0 =	rddreg [dreg:$0x0];
	s2 =	stileid.u32  }
0x1be: {  	s1 =	rddreg [dreg:$0x1];
	p0 =	sne.s32 s2, $0x0  }
0x1bf: {  	s3 =	rddreg [dreg:$0x2];
	[bflag:$0x3] =	sbarrier.arrive $0xFFFF;
	s2 =	simm.s32 @!p0 $0x1C01  }
0x1c0: {  	[timem:s3], [sflag:s2] =	dma.local @!p0 [hbm:s0], s1  }
0x1c1: {  	s0 =	simm.s32 @!p0 $0x1  }
0x1c2: {  	_ =	swait.ge @!p0 [sflag:s0], s1  }
0x1c3: {  	s1 =	ssub.s32 @!p0 $0x0, s1;
	[sflag:s0] =	ssyncset.done @!p0 $0x0  }
0x1c4: {  	[sflag:s0] =	ssyncadd.s32 @!p0 s1  }
0x1c5: {  	[bflag:$0x3] =	sbarrier.arrive $0xFFFF  }
0x1c6: {  	_ =	shalt  }

// kernel: kernel.16.cloned.1.call-start
scs
__scs_entry_jumppad:
0x0: {  	(pc) =	sbr.rel $0x88, $3  }
0x1: {  	(tag) =	ssettag $0x0;
	lr =	simm.s32 $0x1  }
0x2: {  	[smem:$0x3F8C] =	sst lr;
	_ =	strace $0xD0000000  }
0x3: {  	_ = 	snop  }
0x4: {  	_ = 	snop  }
0x5: {  	_ = 	snop  }
0x6: {  	_ = 	snop  }
0x7: {  	_ = 	snop  }
__scs_overlays_trampoline_lowered:
0x8: {  	[smem:$0x3F9B] =	sst s0  }
0x9: {  	[smem:$0x3F9C] =	sst s1  }
0xa: {  	[smem:$0x3F9D] =	sst s2  }
0xb: {  	[smem:$0x3F9E] =	sst s3  }
0xc: {  	[smem:$0x3F9F] =	sst s4  }
0xd: {  	[smem:$0x3FA0] =	sst s5  }
0xe: {  	[smem:$0x3FA1] =	sst s6  }
0xf: {  	[smem:$0x3FA2] =	sst s7  }
0x10: {  	[smem:$0x3FA3] =	sst s8  }
0x11: {  	[smem:$0x3FA4] =	sst s9;
	s0 =	simm.s32 @!p0 $0x0  }
0x12: {  	s1 =	sld [smem:$0x3F8A];
	s0 =	simm.s32 @p0 $0x1  }
0x13: {  	[smem:$0x3FA5] =	sst s0;
	s0 =	simm.s32 @!p1 $0x0  }
0x14: {  	s2 =	sld [smem:$0x3F89];
	s0 =	simm.s32 @p1 $0x1  }
0x15: {  	[smem:$0x3FA6] =	sst s0;
	s0 =	simm.s32 @!p2 $0x0  }
0x16: {  	s3 =	sld [smem:$0x3FDB];
	s0 =	simm.s32 @p2 $0x1  }
0x17: {  	s4 =	simm.s32 $0x1BF5;
	[smem:$0x3FA8] =	sst s0  }
0x18: {  	s0 =	sld [smem:$0x3F8B];
	_ =	swait.ge [sflag:s4], $0x0  }
0x19: {  	s7 =	sld [smem:$0x3F8C]  }
0x1a: {  	s8 =	sadd.s32 $0xFFFFE003, lr  }
0x1b: {  	s9 =	sadd.s32 $0xFFFFFEF7, lr;
	s5 =	simm.s32 $0xFFFFFFFF;
	p2 =	slt.u32 s8, $0xFFFFF086  }
0x1c: {  	p1 =	slt.u32 s9, $0xF7A;
	s5 =	simm.s32 @!p2 $0x0  }
0x1d: {  	s5 =	simm.s32 @p1 $0x1;
	p0 =	seq.s32 s7, s2  }
0x1e: {  	s7 =	smul.u32 @!p0 $0xF7A, s2;
	p2 =	seq.s32 @!p0 s5, $0x0  }
0x1f: {  	s9 =	smul.u32 $0xF7A, s1;
	s8 =	simm.s32 @!p0 $0x1BF5;
	p2 =	por !p2, p0  }
0x20: {  	[sflag:s8] =	ssyncset.s32 @!p0 $0xFFFFF086;
	s6 =	sadd.s32 @!p0 s3, s7;
	s7 =	simm.s32 @!p0 $0x108  }
0x21: {  	s3 =	sadd.s32 s3, s9;
	s6 =	sadd.s32 @!p0 $0x88, s6;
	s7 =	simm.s32 @p2 $0x1082  }
0x22: {  	[simem:s7], [sflag:s8] =	dma.local @!p0 [hbm:s6], $0xF7A  }
0x23: {  	s9 =	sor.u32 $0xD0000000, s2;
	s6 =	simm.s32 $0x108;
	_ =	swait.ge @!p0 [sflag:s8], $0x0  }
0x24: {  	s3 =	sadd.s32 $0x88, s3;
	s6 =	simm.s32 @!p1 $0x1082;
	[sflag:s4] =	ssyncset.s32 $0xFFFFF086  }
0x25: {  	[simem:s6], [sflag:s4] =	dma.local [hbm:s3], $0xF7A  }
0x26: {  	[smem:$0x3F8C] =	sst s1;
	(tag) =	ssettag s2;
	_ =	strace s9  }
0x27: {  	s1 =	sld [smem:$0x3F9C]  }
0x28: {  	s2 =	sld [smem:$0x3F9D]  }
0x29: {  	s4 =	sld [smem:$0x3F9F]  }
0x2a: {  	p0 =	seq.s32 s5, $0x0;
	s5 =	sld [smem:$0x3FA0]  }
0x2b: {  	s6 =	sld [smem:$0x3FA1]  }
0x2c: {  	s7 =	sld [smem:$0x3FA2]  }
0x2d: {  	s3 =	simm.s32 $0x108;
	s8 =	sld [smem:$0x3FA3]  }
0x2e: {  	s3 =	simm.s32 @!p0 $0x1082;
	s9 =	sld [smem:$0x3FA4]  }
0x2f: {  	lr =	sadd.s32 s0, s3;
	s0 =	sld [smem:$0x3F9B]  }
0x30: {  	s3 =	sld [smem:$0x3F9E]  }
0x31: {  	[smem:$0x3FA7] =	sst s10  }
0x32: {  	s10 =	sld [smem:$0x3FA5];
	_ =	sdelay $0x3  }
0x33: {  	p0 =	seq.s32 s10, $0x1;
	s10 =	sld [smem:$0x3FA7];
	_ =	sdelay $0x3  }
0x34: {  	[smem:$0x3FA7] =	sst s10  }
0x35: {  	s10 =	sld [smem:$0x3FA6];
	_ =	sdelay $0x3  }
0x36: {  	p1 =	seq.s32 s10, $0x1;
	s10 =	sld [smem:$0x3FA7];
	_ =	sdelay $0x3  }
0x37: {  	[smem:$0x3FA7] =	sst s10  }
0x38: {  	s10 =	sld [smem:$0x3FA8]  }
0x39: {  	_ = 	snop;
	(pc) =	sbr.ind lr, $3  }
0x3a: {  	_ = 	snop  }
0x3b: {  	_ = 	snop  }
0x3c: {  	p2 =	seq.s32 s10, $0x1;
	s10 =	sld [smem:$0x3FA7]  }
0x3d: {  	_ =	shalt  }
0x3e: {  	_ =	shalt  }
0x3f: {  	_ =	shalt  }
0x40: {  	_ =	shalt  }
0x41: {  	_ =	shalt  }
0x42: {  	_ =	shalt  }
0x43: {  	_ =	shalt  }
0x44: {  	_ =	shalt  }
0x45: {  	_ =	shalt  }
0x46: {  	_ =	shalt  }
0x47: {  	_ =	shalt  }
0x48: {  	_ =	shalt  }
0x49: {  	_ =	shalt  }
0x4a: {  	_ =	shalt  }
0x4b: {  	_ =	shalt  }
0x4c: {  	_ =	shalt  }
0x4d: {  	_ =	shalt  }
0x4e: {  	_ =	shalt  }
0x4f: {  	_ =	shalt  }
0x50: {  	_ =	shalt  }
0x51: {  	_ =	shalt  }
0x52: {  	_ =	shalt  }
0x53: {  	_ =	shalt  }
0x54: {  	_ =	shalt  }
0x55: {  	_ =	shalt  }
0x56: {  	_ =	shalt  }
0x57: {  	_ =	shalt  }
0x58: {  	_ =	shalt  }
0x59: {  	_ =	shalt  }
0x5a: {  	_ =	shalt  }
0x5b: {  	_ =	shalt  }
0x5c: {  	_ =	shalt  }
0x5d: {  	_ =	shalt  }
0x5e: {  	_ =	shalt  }
0x5f: {  	_ =	shalt  }
0x60: {  	_ =	shalt  }
0x61: {  	_ =	shalt  }
0x62: {  	_ =	shalt  }
0x63: {  	_ =	shalt  }
0x64: {  	_ =	shalt  }
0x65: {  	_ =	shalt  }
0x66: {  	_ =	shalt  }
0x67: {  	_ =	shalt  }
0x68: {  	_ =	shalt  }
0x69: {  	_ =	shalt  }
0x6a: {  	_ =	shalt  }
0x6b: {  	_ =	shalt  }
0x6c: {  	_ =	shalt  }
0x6d: {  	_ =	shalt  }
0x6e: {  	_ =	shalt  }
0x6f: {  	_ =	shalt  }
0x70: {  	_ =	shalt  }
0x71: {  	_ =	shalt  }
0x72: {  	_ =	shalt  }
0x73: {  	_ =	shalt  }
0x74: {  	_ =	shalt  }
0x75: {  	_ =	shalt  }
0x76: {  	_ =	shalt  }
0x77: {  	_ =	shalt  }
0x78: {  	_ =	shalt  }
0x79: {  	_ =	shalt  }
0x7a: {  	_ =	shalt  }
0x7b: {  	_ =	shalt  }
0x7c: {  	_ =	shalt  }
0x7d: {  	_ =	shalt  }
0x7e: {  	_ =	shalt  }
0x7f: {  	_ =	shalt  }
0x80: {  	_ =	shalt  }
0x81: {  	_ =	shalt  }
0x82: {  	_ =	shalt  }
0x83: {  	_ =	shalt  }
0x84: {  	_ =	shalt  }
0x85: {  	_ =	shalt  }
0x86: {  	_ =	shalt  }
0x87: {  	_ =	shalt  }
.Lfunc_end0:
.L_simem_size_0:
called_computation.2_lowered:
.L_overlay_start_0:
0x88: {  	s2 =	sld [smem:$0x3FD9]  }
0x89: {  	s3 =	sld [smem:$0x3FFE];
	_ =	sdelay $0x1  }
0x8a: {  	s1 =	srdreg.scid  }
0x8b: {  	s0 =	sand.u32 $0x1, s1  }
0x8c: {  	s17 =	sshll.u32 s0, $0xA;
	s2 =	sadd.s32 s3, s2  }
0x8d: {  	s2 =	sadd.s32 s2, s17  }
0x8e: {  	[smem:$0x3FB3] =	sst s2  }
0x8f: {  	_ = 	snop  }
0x90: {  	s2 =	sld [smem:$0x3FD0];
	(tm) =	ssettm $0x1  }
0x91: {  	s18 =	sld [smem:$0x3FFB];
	_ =	sdelay $0x3  }
0x92: {  	_ =	strace s18  }
0x93: {  	s3 =	sld [smem:$0x3FFC];
	_ =	sdelay $0x3  }
0x94: {  	_ =	strace s3  }
0x95: {  	s3 =	sld [smem:$0x3FFD];
	_ =	sdelay $0x3  }
0x96: {  	_ =	strace s3  }
0x97: {  	_ =	strace $0x8FFFFFFF  }
0x98: {  	s19 =	sld [smem:$0x3FDB];
	_ =	sdelay $0x1  }
0x99: {  	s4 =	simm.s32 $_scs_section_size  }
0x9a: {  	s5 =	simm.s32 $_size__tile_overlayer_lowered;
	s6 =	simm.s32 $_tile_overlayer_lowered  }
0x9b: {  	s22 =	simm.s32 $0x1BFF;
	s21 =	sshll.u32 s6, $0x1;
	s3 =	sadd.s32 s4, s19  }
0x9c: {  	s7 =	simm.s32 $0x0;
	s20 =	sshll.u32 s5, $0x1;
	s5 =	sadd.s32 s21, s3  }
0x9d: {  	[timem:s7], [sflag:s22] =	dma.local [hbm:s5], s20  }
0x9e: {  	_ =	swait.ge [sflag:s22], s20  }
0x9f: {  	s4 =	ssub.s32 $0x0, s20;
	[sflag:s22] =	ssyncset.done $0x0  }
0xa0: {  	[sflag:s22] =	ssyncadd.s32 s4;
	_ =	sdelay $0x1  }
0xa1: {  	s23 =	simm.s32 $0x1B8B  }
0xa2: {  	_ =	swait.ge [sflag:s23], $0x1  }
0xa3: {  	[sflag:s23] =	ssyncset.done $0x0  }
0xa4: {  	s25 =	simm.s32 $0x1B8E;
	s24 =	sld [smem:$0x3FFE];
	[sflag:s23] =	ssyncadd.s32 $0xFFFFFFFF  }
0xa5: {  	s26 =	simm.s32 $execute0_lowered;
	[smem:$0x3FD2] =	sst s25  }
0xa6: {  	s5 =	sshll.u32 s26, $0x1;
	_ =	strace $0x8000004C;
	[dreg:$0x1] =	wrdreg $0xFFFFFFFF  }
0xa7: {  	s28 =	simm.s32 $_size_execute0_lowered;
	s3 =	sadd.s32 s3, s5;
	[dreg:$0x0] =	wrdreg $0x0  }
0xa8: {  	s5 =	sshll.u32 s28, $0x1;
	[dreg:$0x2] =	wrdreg s3  }
0xa9: {  	[dreg:$0x3] =	wrdreg s5  }
0xaa: {  	[dreg:$0x4] =	wrdreg $0xC0  }
0xab: {  	_ =	task [dreg:s7], $0x5FFFF  }
0xac: {  	[dreg:$0x1] =	wrdreg $0xFFFFFFFF  }
0xad: {  	[dreg:$0x0] =	wrdreg $0x60  }
0xae: {  	[dreg:$0x2] =	wrdreg s24  }
0xaf: {  	[dreg:$0x3] =	wrdreg s2  }
0xb0: {  	[dreg:$0x4] =	wrdreg $0x1AD000  }
0xb1: {  	[dreg:$0x5] =	wrdreg $0x9  }
0xb2: {  	_ =	task.clear_ibuf [dreg:s7], $0x6FFFF;
	_ =	strace $0x9000004C  }
0xb3: {  	s29 =	simm.s32 $0x9;
	_ =	strace $0x8000004E  }
0xb4: {  	_ =	swait.ge [sflag:s29], $0x1  }
0xb5: {  	[sflag:s29] =	ssyncadd.s32 $0xFFFFFFFF  }
0xb6: {  	_ =	strace $0x9000004E  }
0xb7: {  	_ =	sfence  }
0xb8: {  	s30 =	sld [smem:$0x0];
	_ =	sdelay $0x2  }
0xb9: {  	s31 =	sshll.u32 s1, $0xD;
	s1 =	sshrl.u32 s1, $0x2  }
0xba: {  	s3 =	sand.u32 $0x4000, s31;
	s1 =	sadd.s32 s1, s30  }
0xbb: {  	s0 =	sor.u32 s3, s0;
	s1 =	sshll.u32 s1, $0x11  }
0xbc: {  	s0 =	sor.u32 s1, s0  }
0xbd: {  	s0 =	sadd.s32 $0x8F2B, s0  }
0xbe: {  	[sflag:s0] =	ssyncadd.remote.s32 $0x1  }
0xbf: {  	_ =	sfence.sel $0xFFFF  }
0xc0: {  	[dreg:$0x0] =	wrdreg $0xFFFFFFFF;
	(pc) =	sbr.abs _section_cstart, $3  }
0xc1: {  	[dreg:$0x1] =	wrdreg $0xFFFFFFFF  }
0xc2: {  	_ =	task.clear_ibuf [dreg:s7], $0x2FFFF;
	_ =	strace $0x9FFFFFFF  }
0xc3: {  	(tm) =	ssettm $0x7FFFFFFF  }
tec
execute0_lowered:
.L_overlay_start_1:
0x0: {  	(tag) =	ssettag $0x1  }
0x1: {  	s0 =	rddreg [dreg:$0x0]  }
0x2: {  	s3 =	rddreg [dreg:$0x2]  }
0x3: {  	s4 =	simm.s32 $0x0;
	s1 =	srdreg.scid;
	s10 =	stileid.u32  }
0x4: {  	s15 =	simm.s32 $0x1;
	s16 =	simm.s32 $0xC400;
	s19 =	simm.s32 $0x19000  }
0x5: {  	s20 =	simm.s32 $0x19800;
	s21 =	simm.s32 $0x80;
	s13 =	simm.s32 $0x19480  }
0x6: {  	s14 =	simm.s32 $0x19C80;
	s18 =	simm.s32 $0x19D00;
	s22 =	simm.s32 $0x19580  }
0x7: {  	s28 =	simm.s32 $0x19E80;
	s29 =	simm.s32 $0x19700;
	s30 =	simm.s32 $0x19F00  }
0x8: {  	s31 =	simm.s32 $0x19780;
	[smem:$0x7FF] =	sst s4;
	s1 =	sand.u32 $0x1, s1  }
0x9: {  	s2 =	smul.u32 $0xC40, s10;
	s6 =	sadd.s32 $0x3CB600, s0;
	s23 =	sadd.s32 $0x3CD000, s0  }
0xa: {  	s7 =	sadd.s32 $0x5000, s0;
	s8 =	sadd.s32 $0x1F000, s0;
	s9 =	sadd.s32 $0x3D1C00, s0  }
0xb: {  	_ =	strace $0x8000004D;
	s5 =	smul.u32 $0xC400, s1;
	[dreg:$0x4] =	wrdreg s6  }
0xc: {  	[dreg:$0x5] =	wrdreg s23;
	s24 =	ssub.s32 $0x2, s1;
	s1 =	sshll.u32 s1, $0x4  }
0xd: {  	s23 =	simm.s32 $0x19D80;
	s25 =	sshrl.u32 s24, $0x1;
	s1 =	sor.u32 s10, s1  }
0xe: {  	s6 =	sadd.s32 s2, s3;
	s10 =	simm.s32 $0x19500;
	s5 =	sadd.s32 s2, s5  }
0xf: {  	s11 =	smul.u32 $0x6800, s1;
	s2 =	simm.s32 $0x0;
	s5 =	sshrl.u32 s5, $0x3  }
0x10: {  	[dreg:$0x6] =	wrdreg s6;
	s0 =	sadd.s32 s5, s0;
	s5 =	ssub.s32 s24, s25  }
0x11: {  	s24 =	simm.s32 $0x19600;
	s25 =	simm.s32 $0x19E00;
	s0 =	sadd.s32 $0x3CEA00, s0  }
0x12: {  	s26 =	smax.u32 s5, $0x1;
	s5 =	simm.s32 $0x1A000;
	[dreg:$0x7] =	wrdreg s0  }
0x13: {  	v0 =	vimm.f32 $0.0e+00;
	[dreg:$0x8] =	wrdreg s26;
	s26 =	simm.s32 $0x19680;
	s0 =	simm.s32 $0x19F80  }
.LBB2_1:
0x14: {  	[dreg:$0x9] =	wrdreg s2;
	s1 =	simm.s32 $0x40;
	s2 =	simm.s32 $0x0  }
.LBB2_2:
0x15: {  	p0 =	sne.s32 s1, $0x30C0;
	[tilespmem:s2+$0x1A000] =	vst v0;
	s2 =	smov.u32 s1;
	s1 =	sadd.s32 $0x40, s1  }
.Ltmp0:
0x16: {  	(pc) =	sbr.rel @p0 .LBB2_2-.Ltmp0, $2  }
0x17: {  	_ =	sdelay $0x2  }
0x18: {  	s2 =	sshra.s32 s2, $0x2  }
0x19: {  	[tilespmem:s2+$0x1A000] =	vst v0  }
0x1a: {  	[spmem:s6] =	stream.linear.scatter [tilespmem:s5], [sflag:$0x1], $0xC40, $0x38;
	[tilespmem:$0x1B940] =	vst v63  }
0x1b: {  	_ =	swait.ge [sflag:s15], $0xC40  }
0x1c: {  	[sflag:s15] =	ssyncset.done $0x0  }
0x1d: {  	s2 =	simm.s32 $0x0;
	s1 =	rddreg [dreg:$0x4];
	[sflag:s15] =	ssyncadd.s32 $0xFFFFF3C0  }
0x1e: {  	[tilespmem:s2], [sflag:$0x1] =	stream.linear.gather [hbm4b:s1+s2], $0xC400, $0x38;
	[tilespmem:$0x1B940] =	vst v63  }
0x1f: {  	_ =	swait.ge [sflag:s15], $0xC400  }
0x20: {  	[sflag:s15] =	ssyncset.done $0x0  }
0x21: {  	s6 =	rddreg [dreg:$0x5];
	[sflag:s15] =	ssyncadd.s32 $0xFFFF3C00  }
0x22: {  	[tilespmem:s16], [sflag:$0x1] =	stream.linear.gather [hbm4b:s6+s2], $0xC400, $0x38;
	[tilespmem:$0x1B940] =	vst v63  }
0x23: {  	_ =	swait.ge [sflag:s15], $0xC400  }
0x24: {  	[sflag:s15] =	ssyncset.done $0x0  }
0x25: {  	[sflag:s15] =	ssyncadd.s32 $0xFFFF3C00  }
0x26: {  	s17 =	simm.s32 $0x1AC80;
	s12 =	rddreg [dreg:$0x1]  }
0x27: {  	[tilespmem:s17], [sflag:$0x1] =	stream.linear.gather [hbm4b:s12+s2], $0x80, $0x38;
	[tilespmem:$0x1B940] =	vst v63  }
0x28: {  	_ =	swait.ge [sflag:s15], $0x80  }
0x29: {  	[sflag:s15] =	ssyncset.done $0x0  }
0x2a: {  	[sflag:s15] =	ssyncadd.s32 $0xFFFFFF80  }
0x2b: {  	[bflag:$0x0] =	sbarrier.arrive $0xFFFF  }
0x2c: {  	s1 =	simm.s32 $0x0;
	v1 =	vld [tilespmem:$0x1AC80]  }
.LBB2_4:
0x2d: {  	s5 =	sshll.u32 s1, $0xB  }
0x2e: {  	s5 =	sadd.s32 s11, s5  }
0x2f: {  	s17 =	sshrl.u32 s5, $0x3  }
0x30: {  	s6 =	simm.s32 $0x18800;
	s5 =	sadd.s32 s7, s17  }
0x31: {  	[tilespmem:s6], [sflag:$0x1] =	stream.linear.gather [hbm4b:s5+s2], $0x800, $0x38;
	[tilespmem:$0x1B940] =	vst v63  }
0x32: {  	_ =	swait.ge [sflag:s15], $0x800  }
0x33: {  	[sflag:s15] =	ssyncset.done $0x0  }
0x34: {  	s12 =	sadd.s32 s8, s17;
	[sflag:s15] =	ssyncadd.s32 $0xFFFFF800  }
0x35: {  	[tilespmem:s19], [sflag:$0x1] =	stream.linear.gather [hbm4b:s12+s2], $0x800, $0x38;
	[tilespmem:$0x1B940] =	vst v63  }
0x36: {  	_ =	swait.ge [sflag:s15], $0x800  }
0x37: {  	[sflag:s15] =	ssyncset.done $0x0  }
0x38: {  	s5 =	simm.s32 $0x0;
	[sflag:s15] =	ssyncadd.s32 $0xFFFFF800  }
0x39: {  	v2 =	vld [tilespmem:s5+$0x19000]  }
0x3a: {  	v3 =	vld [tilespmem:s5+$0x18800];
	_ =	sdelay $0x6  }
0x3b: {  	v2 =	vld.idx.msk [tilespmem:v2+s16+$0x0], $0xffff  }
0x3c: {  	v3 =	vld.idx.msk [tilespmem:v3+s4+$0x0], $0xffff;
	_ =	sdelay $0x4  }
0x3d: {  	v2 =	vadd.f32 v2, v3;
	_ =	sdelay $0x1  }
0x3e: {  	v3 =	vmul.f32 $2.000000030e-01, v2  }
0x3f: {  	vm0 =	vgt.f32 v2, $0.0e+00  }
0x40: {  	v2 =	vsel vm0, v2, v3  }
0x41: {  	v2 =	vsub.f32 v2, v1;
	_ =	sdelay $0x1  }
0x42: {  	v2 =	vmul.f32 $1.442695020e+00, v2;
	_ =	sdelay $0x1  }
0x43: {  	(erf) = vpow2.f32 v2;
	_ =	sdelay $0x1  }
0x44: {  	s12 =	simm.s32 $0x10  }
0x45: {  	s6 =	simm.s32 $0x80;
	v2 =	vld [tilespmem:s12+$0x19000]  }
.LBB2_5:
0x46: {  	p0 =	sne.s32 s6, $0x1FC0;
	v3 =	vld [tilespmem:s12+$0x18800];
	_ =	sdelay $0x4  }
0x47: {  	v4 =	vpop (erf)  }
0x48: {  	[tilespmem:s5+$0x19800] =	vst v4;
	s5 =	smov.u32 s12  }
0x49: {  	v2 =	vld.idx.msk [tilespmem:v2+s16+$0x0], $0xffff  }
0x4a: {  	v3 =	vld.idx.msk [tilespmem:v3+s4+$0x0], $0xffff;
	_ =	sdelay $0x5  }
0x4b: {  	v2 =	vadd.f32 v2, v3;
	_ =	sdelay $0x1  }
0x4c: {  	v3 =	vmul.f32 $2.000000030e-01, v2  }
0x4d: {  	vm0 =	vgt.f32 v2, $0.0e+00  }
0x4e: {  	v2 =	vsel vm0, v2, v3  }
0x4f: {  	v2 =	vsub.f32 v2, v1;
	_ =	sdelay $0x1  }
0x50: {  	v2 =	vmul.f32 $1.442695020e+00, v2  }
.Ltmp1:
0x51: {  	(pc) =	sbr.rel @p0 .LBB2_5-.Ltmp1, $3  }
0x52: {  	(erf) = vpow2.f32 v2;
	_ =	sdelay $0x1  }
0x53: {  	s12 =	sshra.s32 s6, $0x2  }
0x54: {  	s6 =	sadd.s32 $0x40, s6;
	v2 =	vld [tilespmem:s12+$0x19000]  }
0x55: {  	_ = 	snop  }
0x56: {  	v3 =	vld [tilespmem:s12+$0x18800];
	_ =	sdelay $0x4  }
0x57: {  	v4 =	vpop (erf)  }
0x58: {  	[tilespmem:s5+$0x19800] =	vst v4  }
0x59: {  	v2 =	vld.idx.msk [tilespmem:v2+s16+$0x0], $0xffff  }
0x5a: {  	v3 =	vld.idx.msk [tilespmem:v3+s4+$0x0], $0xffff;
	_ =	sdelay $0x4  }
0x5b: {  	v2 =	vadd.f32 v2, v3;
	_ =	sdelay $0x1  }
0x5c: {  	v3 =	vmul.f32 $2.000000030e-01, v2  }
0x5d: {  	vm0 =	vgt.f32 v2, $0.0e+00  }
0x5e: {  	v2 =	vsel vm0, v2, v3  }
0x5f: {  	v2 =	vsub.f32 v2, v1;
	_ =	sdelay $0x1  }
0x60: {  	v2 =	vmul.f32 $1.442695020e+00, v2;
	_ =	sdelay $0x1  }
0x61: {  	(erf) = vpow2.f32 v2;
	_ =	sdelay $0x8  }
0x62: {  	v2 =	vpop (erf)  }
0x63: {  	[tilespmem:s12+$0x19800] =	vst v2;
	s12 =	sadd.s32 s9, s17  }
0x64: {  	[hbm4b:s12+s4] =	stream.linear.scatter [tilespmem:s20], [sflag:$0x1], $0x800, $0x38;
	[tilespmem:$0x1B940] =	vst v63  }
0x65: {  	_ =	swait.ge [sflag:s15], $0x800  }
0x66: {  	[sflag:s15] =	ssyncset.done $0x0  }
0x67: {  	[sflag:s15] =	ssyncadd.s32 $0xFFFFF800  }
0x68: {  	[spmem:s3] =	stream.indirect.scatter.add.f32 [tilespmem:s20], [sflag:$0x1], $0x1, s19, s21, $0xb8;
	[tilespmem:$0x1B940] =	vst v63  }
0x69: {  	_ =	swait.ge [sflag:s15], $0x80  }
0x6a: {  	[sflag:s15] =	ssyncset.done $0x0  }
0x6b: {  	s6 =	simm.s32 $0x19880;
	s17 =	simm.s32 $0x19080;
	[sflag:s15] =	ssyncadd.s32 $0xFFFFFF80  }
0x6c: {  	[spmem:s3] =	stream.indirect.scatter.add.f32 [tilespmem:s6], [sflag:$0x1], $0x1, s17, s21, $0xb8;
	[tilespmem:$0x1B940] =	vst v63  }
0x6d: {  	_ =	swait.ge [sflag:s15], $0x80  }
0x6e: {  	[sflag:s15] =	ssyncset.done $0x0  }
0x6f: {  	s12 =	simm.s32 $0x19100;
	s17 =	simm.s32 $0x19900;
	[sflag:s15] =	ssyncadd.s32 $0xFFFFFF80  }
0x70: {  	[spmem:s3] =	stream.indirect.scatter.add.f32 [tilespmem:s17], [sflag:$0x1], $0x1, s12, s21, $0xb8;
	[tilespmem:$0x1B940] =	vst v63  }
0x71: {  	_ =	swait.ge [sflag:s15], $0x80  }
0x72: {  	[sflag:s15] =	ssyncset.done $0x0  }
0x73: {  	s12 =	simm.s32 $0x19180;
	s17 =	simm.s32 $0x19980;
	[sflag:s15] =	ssyncadd.s32 $0xFFFFFF80  }
0x74: {  	[spmem:s3] =	stream.indirect.scatter.add.f32 [tilespmem:s17], [sflag:$0x1], $0x1, s12, s21, $0xb8;
	[tilespmem:$0x1B940] =	vst v63  }
0x75: {  	_ =	swait.ge [sflag:s15], $0x80  }
0x76: {  	[sflag:s15] =	ssyncset.done $0x0  }
0x77: {  	s12 =	simm.s32 $0x19200;
	s17 =	simm.s32 $0x19A00;
	[sflag:s15] =	ssyncadd.s32 $0xFFFFFF80  }
0x78: {  	[spmem:s3] =	stream.indirect.scatter.add.f32 [tilespmem:s17], [sflag:$0x1], $0x1, s12, s21, $0xb8;
	[tilespmem:$0x1B940] =	vst v63  }
0x79: {  	_ =	swait.ge [sflag:s15], $0x80  }
0x7a: {  	[sflag:s15] =	ssyncset.done $0x0  }
0x7b: {  	s12 =	simm.s32 $0x19280;
	s17 =	simm.s32 $0x19A80;
	[sflag:s15] =	ssyncadd.s32 $0xFFFFFF80  }
0x7c: {  	[spmem:s3] =	stream.indirect.scatter.add.f32 [tilespmem:s17], [sflag:$0x1], $0x1, s12, s21, $0xb8;
	[tilespmem:$0x1B940] =	vst v63  }
0x7d: {  	_ =	swait.ge [sflag:s15], $0x80  }
0x7e: {  	[sflag:s15] =	ssyncset.done $0x0  }
0x7f: {  	s12 =	simm.s32 $0x19300;
	s17 =	simm.s32 $0x19B00;
	[sflag:s15] =	ssyncadd.s32 $0xFFFFFF80  }
0x80: {  	[spmem:s3] =	stream.indirect.scatter.add.f32 [tilespmem:s17], [sflag:$0x1], $0x1, s12, s21, $0xb8;
	[tilespmem:$0x1B940] =	vst v63  }
0x81: {  	_ =	swait.ge [sflag:s15], $0x80  }
0x82: {  	[sflag:s15] =	ssyncset.done $0x0  }
0x83: {  	s12 =	simm.s32 $0x19380;
	s17 =	simm.s32 $0x19B80;
	[sflag:s15] =	ssyncadd.s32 $0xFFFFFF80  }
0x84: {  	[spmem:s3] =	stream.indirect.scatter.add.f32 [tilespmem:s17], [sflag:$0x1], $0x1, s12, s21, $0xb8;
	[tilespmem:$0x1B940] =	vst v63  }
0x85: {  	_ =	swait.ge [sflag:s15], $0x80  }
0x86: {  	[sflag:s15] =	ssyncset.done $0x0  }
0x87: {  	s12 =	simm.s32 $0x19400;
	s17 =	simm.s32 $0x19C00;
	[sflag:s15] =	ssyncadd.s32 $0xFFFFFF80  }
0x88: {  	[spmem:s3] =	stream.indirect.scatter.add.f32 [tilespmem:s17], [sflag:$0x1], $0x1, s12, s21, $0xb8;
	[tilespmem:$0x1B940] =	vst v63  }
0x89: {  	_ =	swait.ge [sflag:s15], $0x80  }
0x8a: {  	[sflag:s15] =	ssyncset.done $0x0  }
0x8b: {  	[sflag:s15] =	ssyncadd.s32 $0xFFFFFF80  }
0x8c: {  	[spmem:s3] =	stream.indirect.scatter.add.f32 [tilespmem:s14], [sflag:$0x1], $0x1, s13, s21, $0xb8;
	[tilespmem:$0x1B940] =	vst v63  }
0x8d: {  	_ =	swait.ge [sflag:s15], $0x80  }
0x8e: {  	[sflag:s15] =	ssyncset.done $0x0  }
0x8f: {  	[sflag:s15] =	ssyncadd.s32 $0xFFFFFF80  }
0x90: {  	[spmem:s3] =	stream.indirect.scatter.add.f32 [tilespmem:s18], [sflag:$0x1], $0x1, s10, s21, $0xb8;
	[tilespmem:$0x1B940] =	vst v63  }
0x91: {  	_ =	swait.ge [sflag:s15], $0x80  }
0x92: {  	[sflag:s15] =	ssyncset.done $0x0  }
0x93: {  	[sflag:s15] =	ssyncadd.s32 $0xFFFFFF80  }
0x94: {  	[spmem:s3] =	stream.indirect.scatter.add.f32 [tilespmem:s23], [sflag:$0x1], $0x1, s22, s21, $0xb8;
	[tilespmem:$0x1B940] =	vst v63  }
0x95: {  	_ =	swait.ge [sflag:s15], $0x80  }
0x96: {  	[sflag:s15] =	ssyncset.done $0x0  }
0x97: {  	[sflag:s15] =	ssyncadd.s32 $0xFFFFFF80  }
0x98: {  	[spmem:s3] =	stream.indirect.scatter.add.f32 [tilespmem:s25], [sflag:$0x1], $0x1, s24, s21, $0xb8;
	[tilespmem:$0x1B940] =	vst v63  }
0x99: {  	_ =	swait.ge [sflag:s15], $0x80  }
0x9a: {  	[sflag:s15] =	ssyncset.done $0x0  }
0x9b: {  	[sflag:s15] =	ssyncadd.s32 $0xFFFFFF80  }
0x9c: {  	[spmem:s3] =	stream.indirect.scatter.add.f32 [tilespmem:s28], [sflag:$0x1], $0x1, s26, s21, $0xb8;
	[tilespmem:$0x1B940] =	vst v63  }
0x9d: {  	_ =	swait.ge [sflag:s15], $0x80  }
0x9e: {  	[sflag:s15] =	ssyncset.done $0x0  }
0x9f: {  	[sflag:s15] =	ssyncadd.s32 $0xFFFFFF80  }
0xa0: {  	[spmem:s3] =	stream.indirect.scatter.add.f32 [tilespmem:s30], [sflag:$0x1], $0x1, s29, s21, $0xb8;
	[tilespmem:$0x1B940] =	vst v63  }
0xa1: {  	s1 =	sadd.s32 $0x1, s1;
	_ =	swait.ge [sflag:s15], $0x80  }
0xa2: {  	p0 =	sne.s32 s1, $0xD;
	[sflag:s15] =	ssyncset.done $0x0  }
.Ltmp2:
0xa3: {  	[sflag:s15] =	ssyncadd.s32 $0xFFFFFF80;
	(pc) =	sbr.rel @p0 .LBB2_4-.Ltmp2, $4  }
0xa4: {  	[spmem:s3] =	stream.indirect.scatter.add.f32 [tilespmem:s0], [sflag:$0x1], $0x1, s31, s21, $0xb8;
	[tilespmem:$0x1B940] =	vst v63  }
0xa5: {  	_ =	swait.ge [sflag:s15], $0x80  }
0xa6: {  	[sflag:s15] =	ssyncset.done $0x0  }
0xa7: {  	[sflag:s15] =	ssyncadd.s32 $0xFFFFFF80  }
0xa8: {  	[bflag:$0x0] =	sbarrier.arrive $0xFFFF  }
0xa9: {  	s5 =	simm.s32 $0x1A000;
	s6 =	rddreg [dreg:$0x6]  }
0xaa: {  	[tilespmem:s5], [sflag:$0x1] =	stream.linear.gather [spmem:s6], $0xC40, $0x38;
	[tilespmem:$0x1B940] =	vst v63  }
0xab: {  	_ =	swait.ge [sflag:s15], $0xC40  }
0xac: {  	[sflag:s15] =	ssyncset.done $0x0  }
0xad: {  	s1 =	rddreg [dreg:$0x7];
	[sflag:s15] =	ssyncadd.s32 $0xFFFFF3C0  }
0xae: {  	[hbm4b:s1+s4] =	stream.linear.scatter [tilespmem:s5], [sflag:$0x1], $0xC40, $0x38;
	[tilespmem:$0x1B940] =	vst v63  }
0xaf: {  	_ =	swait.ge [sflag:s15], $0xC40  }
0xb0: {  	s2 =	rddreg [dreg:$0x9]  }
0xb1: {  	s17 =	rddreg [dreg:$0x8];
	s2 =	sadd.s32 $0x1, s2  }
0xb2: {  	p0 =	sne.s32 s2, s17  }
.Ltmp3:
0xb3: {  	_ = 	snop;
	(pc) =	sbr.rel @p0 .LBB2_1-.Ltmp3, $3  }
0xb4: {  	_ =	sdelay $0x1  }
0xb5: {  	[sflag:s15] =	ssyncset.done $0x0  }
0xb6: {  	[sflag:s15] =	ssyncadd.s32 $0xFFFFF3C0  }
0xb7: {  	_ =	sfence.sel $0x180000  }
0xb8: {  	[bflag:$0x0] =	sbarrier.arrive $0xFFFF  }
0xb9: {  	_ =	strace $0x9000004D  }
0xba: {  	s0 =	stileid.u32;
	[bflag:$0x2] =	sbarrier.arrive $0xFFFF  }
0xbb: {  	p0 =	sne.s32 s0, $0x0;
	s0 =	rddreg [dreg:$0x3]  }
0xbc: {  	s0 =	sadd.s32 @!p0 $0x100000, s0  }
0xbd: {  	[sflag:s0] =	ssyncadd.tile.s32 @!p0 $0x1;
	_ =	shalt  }
.Lfunc_end2:
_tile_overlayer_lowered:
.L_overlay_start_2:
0xbe: {  	(tag) =	ssettag $0x2  }
0xbf: {  	s0 =	rddreg [dreg:$0x0];
	s2 =	stileid.u32  }
0xc0: {  	s1 =	rddreg [dreg:$0x1];
	p0 =	sne.s32 s2, $0x0  }
0xc1: {  	s3 =	rddreg [dreg:$0x2];
	[bflag:$0x3] =	sbarrier.arrive $0xFFFF;
	s2 =	simm.s32 @!p0 $0x1C01  }
0xc2: {  	[timem:s3], [sflag:s2] =	dma.local @!p0 [hbm:s0], s1  }
0xc3: {  	s0 =	simm.s32 @!p0 $0x1  }
0xc4: {  	_ =	swait.ge @!p0 [sflag:s0], s1  }
0xc5: {  	s1 =	ssub.s32 @!p0 $0x0, s1;
	[sflag:s0] =	ssyncset.done @!p0 $0x0  }
0xc6: {  	[sflag:s0] =	ssyncadd.s32 @!p0 s1  }
0xc7: {  	[bflag:$0x3] =	sbarrier.arrive $0xFFFF  }
0xc8: {  	_ =	shalt  }

// kernel: kernel.19.cloned.1.call-start
scs
__scs_entry_jumppad:
0x0: {  	(pc) =	sbr.rel $0x88, $3  }
0x1: {  	(tag) =	ssettag $0x0;
	lr =	simm.s32 $0x1  }
0x2: {  	[smem:$0x3F8C] =	sst lr;
	_ =	strace $0xD0000000  }
0x3: {  	_ = 	snop  }
0x4: {  	_ = 	snop  }
0x5: {  	_ = 	snop  }
0x6: {  	_ = 	snop  }
0x7: {  	_ = 	snop  }
__scs_overlays_trampoline_lowered:
0x8: {  	[smem:$0x3F9B] =	sst s0  }
0x9: {  	[smem:$0x3F9C] =	sst s1  }
0xa: {  	[smem:$0x3F9D] =	sst s2  }
0xb: {  	[smem:$0x3F9E] =	sst s3  }
0xc: {  	[smem:$0x3F9F] =	sst s4  }
0xd: {  	[smem:$0x3FA0] =	sst s5  }
0xe: {  	[smem:$0x3FA1] =	sst s6  }
0xf: {  	[smem:$0x3FA2] =	sst s7  }
0x10: {  	[smem:$0x3FA3] =	sst s8  }
0x11: {  	[smem:$0x3FA4] =	sst s9;
	s0 =	simm.s32 @!p0 $0x0  }
0x12: {  	s1 =	sld [smem:$0x3F8A];
	s0 =	simm.s32 @p0 $0x1  }
0x13: {  	[smem:$0x3FA5] =	sst s0;
	s0 =	simm.s32 @!p1 $0x0  }
0x14: {  	s2 =	sld [smem:$0x3F89];
	s0 =	simm.s32 @p1 $0x1  }
0x15: {  	[smem:$0x3FA6] =	sst s0;
	s0 =	simm.s32 @!p2 $0x0  }
0x16: {  	s3 =	sld [smem:$0x3FDB];
	s0 =	simm.s32 @p2 $0x1  }
0x17: {  	s4 =	simm.s32 $0x1BF5;
	[smem:$0x3FA8] =	sst s0  }
0x18: {  	s0 =	sld [smem:$0x3F8B];
	_ =	swait.ge [sflag:s4], $0x0  }
0x19: {  	s7 =	sld [smem:$0x3F8C]  }
0x1a: {  	s8 =	sadd.s32 $0xFFFFE003, lr  }
0x1b: {  	s9 =	sadd.s32 $0xFFFFFEF7, lr;
	s5 =	simm.s32 $0xFFFFFFFF;
	p2 =	slt.u32 s8, $0xFFFFF086  }
0x1c: {  	p1 =	slt.u32 s9, $0xF7A;
	s5 =	simm.s32 @!p2 $0x0  }
0x1d: {  	s5 =	simm.s32 @p1 $0x1;
	p0 =	seq.s32 s7, s2  }
0x1e: {  	s7 =	smul.u32 @!p0 $0xF7A, s2;
	p2 =	seq.s32 @!p0 s5, $0x0  }
0x1f: {  	s9 =	smul.u32 $0xF7A, s1;
	s8 =	simm.s32 @!p0 $0x1BF5;
	p2 =	por !p2, p0  }
0x20: {  	[sflag:s8] =	ssyncset.s32 @!p0 $0xFFFFF086;
	s6 =	sadd.s32 @!p0 s3, s7;
	s7 =	simm.s32 @!p0 $0x108  }
0x21: {  	s3 =	sadd.s32 s3, s9;
	s6 =	sadd.s32 @!p0 $0x88, s6;
	s7 =	simm.s32 @p2 $0x1082  }
0x22: {  	[simem:s7], [sflag:s8] =	dma.local @!p0 [hbm:s6], $0xF7A  }
0x23: {  	s9 =	sor.u32 $0xD0000000, s2;
	s6 =	simm.s32 $0x108;
	_ =	swait.ge @!p0 [sflag:s8], $0x0  }
0x24: {  	s3 =	sadd.s32 $0x88, s3;
	s6 =	simm.s32 @!p1 $0x1082;
	[sflag:s4] =	ssyncset.s32 $0xFFFFF086  }
0x25: {  	[simem:s6], [sflag:s4] =	dma.local [hbm:s3], $0xF7A  }
0x26: {  	[smem:$0x3F8C] =	sst s1;
	(tag) =	ssettag s2;
	_ =	strace s9  }
0x27: {  	s1 =	sld [smem:$0x3F9C]  }
0x28: {  	s2 =	sld [smem:$0x3F9D]  }
0x29: {  	s4 =	sld [smem:$0x3F9F]  }
0x2a: {  	p0 =	seq.s32 s5, $0x0;
	s5 =	sld [smem:$0x3FA0]  }
0x2b: {  	s6 =	sld [smem:$0x3FA1]  }
0x2c: {  	s7 =	sld [smem:$0x3FA2]  }
0x2d: {  	s3 =	simm.s32 $0x108;
	s8 =	sld [smem:$0x3FA3]  }
0x2e: {  	s3 =	simm.s32 @!p0 $0x1082;
	s9 =	sld [smem:$0x3FA4]  }
0x2f: {  	lr =	sadd.s32 s0, s3;
	s0 =	sld [smem:$0x3F9B]  }
0x30: {  	s3 =	sld [smem:$0x3F9E]  }
0x31: {  	[smem:$0x3FA7] =	sst s10  }
0x32: {  	s10 =	sld [smem:$0x3FA5];
	_ =	sdelay $0x3  }
0x33: {  	p0 =	seq.s32 s10, $0x1;
	s10 =	sld [smem:$0x3FA7];
	_ =	sdelay $0x3  }
0x34: {  	[smem:$0x3FA7] =	sst s10  }
0x35: {  	s10 =	sld [smem:$0x3FA6];
	_ =	sdelay $0x3  }
0x36: {  	p1 =	seq.s32 s10, $0x1;
	s10 =	sld [smem:$0x3FA7];
	_ =	sdelay $0x3  }
0x37: {  	[smem:$0x3FA7] =	sst s10  }
0x38: {  	s10 =	sld [smem:$0x3FA8]  }
0x39: {  	_ = 	snop;
	(pc) =	sbr.ind lr, $3  }
0x3a: {  	_ = 	snop  }
0x3b: {  	_ = 	snop  }
0x3c: {  	p2 =	seq.s32 s10, $0x1;
	s10 =	sld [smem:$0x3FA7]  }
0x3d: {  	_ =	shalt  }
0x3e: {  	_ =	shalt  }
0x3f: {  	_ =	shalt  }
0x40: {  	_ =	shalt  }
0x41: {  	_ =	shalt  }
0x42: {  	_ =	shalt  }
0x43: {  	_ =	shalt  }
0x44: {  	_ =	shalt  }
0x45: {  	_ =	shalt  }
0x46: {  	_ =	shalt  }
0x47: {  	_ =	shalt  }
0x48: {  	_ =	shalt  }
0x49: {  	_ =	shalt  }
0x4a: {  	_ =	shalt  }
0x4b: {  	_ =	shalt  }
0x4c: {  	_ =	shalt  }
0x4d: {  	_ =	shalt  }
0x4e: {  	_ =	shalt  }
0x4f: {  	_ =	shalt  }
0x50: {  	_ =	shalt  }
0x51: {  	_ =	shalt  }
0x52: {  	_ =	shalt  }
0x53: {  	_ =	shalt  }
0x54: {  	_ =	shalt  }
0x55: {  	_ =	shalt  }
0x56: {  	_ =	shalt  }
0x57: {  	_ =	shalt  }
0x58: {  	_ =	shalt  }
0x59: {  	_ =	shalt  }
0x5a: {  	_ =	shalt  }
0x5b: {  	_ =	shalt  }
0x5c: {  	_ =	shalt  }
0x5d: {  	_ =	shalt  }
0x5e: {  	_ =	shalt  }
0x5f: {  	_ =	shalt  }
0x60: {  	_ =	shalt  }
0x61: {  	_ =	shalt  }
0x62: {  	_ =	shalt  }
0x63: {  	_ =	shalt  }
0x64: {  	_ =	shalt  }
0x65: {  	_ =	shalt  }
0x66: {  	_ =	shalt  }
0x67: {  	_ =	shalt  }
0x68: {  	_ =	shalt  }
0x69: {  	_ =	shalt  }
0x6a: {  	_ =	shalt  }
0x6b: {  	_ =	shalt  }
0x6c: {  	_ =	shalt  }
0x6d: {  	_ =	shalt  }
0x6e: {  	_ =	shalt  }
0x6f: {  	_ =	shalt  }
0x70: {  	_ =	shalt  }
0x71: {  	_ =	shalt  }
0x72: {  	_ =	shalt  }
0x73: {  	_ =	shalt  }
0x74: {  	_ =	shalt  }
0x75: {  	_ =	shalt  }
0x76: {  	_ =	shalt  }
0x77: {  	_ =	shalt  }
0x78: {  	_ =	shalt  }
0x79: {  	_ =	shalt  }
0x7a: {  	_ =	shalt  }
0x7b: {  	_ =	shalt  }
0x7c: {  	_ =	shalt  }
0x7d: {  	_ =	shalt  }
0x7e: {  	_ =	shalt  }
0x7f: {  	_ =	shalt  }
0x80: {  	_ =	shalt  }
0x81: {  	_ =	shalt  }
0x82: {  	_ =	shalt  }
0x83: {  	_ =	shalt  }
0x84: {  	_ =	shalt  }
0x85: {  	_ =	shalt  }
0x86: {  	_ =	shalt  }
0x87: {  	_ =	shalt  }
.Lfunc_end0:
.L_simem_size_0:
called_computation.3_lowered:
.L_overlay_start_0:
0x88: {  	s2 =	sld [smem:$0x3FD9]  }
0x89: {  	s3 =	sld [smem:$0x3FFE];
	_ =	sdelay $0x1  }
0x8a: {  	s1 =	srdreg.scid  }
0x8b: {  	s0 =	sand.u32 $0x1, s1  }
0x8c: {  	s16 =	sshll.u32 s0, $0xA;
	s2 =	sadd.s32 s3, s2  }
0x8d: {  	s2 =	sadd.s32 s2, s16  }
0x8e: {  	[smem:$0x3FB3] =	sst s2  }
0x8f: {  	_ = 	snop  }
0x90: {  	(tm) =	ssettm $0x1  }
0x91: {  	s17 =	sld [smem:$0x3FFB];
	_ =	sdelay $0x3  }
0x92: {  	_ =	strace s17  }
0x93: {  	s2 =	sld [smem:$0x3FFC];
	_ =	sdelay $0x3  }
0x94: {  	_ =	strace s2  }
0x95: {  	s2 =	sld [smem:$0x3FFD];
	_ =	sdelay $0x3  }
0x96: {  	_ =	strace s2  }
0x97: {  	_ =	strace $0x8FFFFFFF  }
0x98: {  	s18 =	sld [smem:$0x3FDB];
	_ =	sdelay $0x1  }
0x99: {  	s19 =	simm.s32 $_scs_section_size  }
0x9a: {  	s4 =	simm.s32 $_size__tile_overlayer_lowered;
	s5 =	simm.s32 $_tile_overlayer_lowered  }
0x9b: {  	s22 =	simm.s32 $0x1BFF;
	s21 =	sshll.u32 s5, $0x1;
	s2 =	sadd.s32 s19, s18  }
0x9c: {  	s6 =	simm.s32 $0x0;
	s20 =	sshll.u32 s4, $0x1;
	s4 =	sadd.s32 s21, s2  }
0x9d: {  	[timem:s6], [sflag:s22] =	dma.local [hbm:s4], s20  }
0x9e: {  	_ =	swait.ge [sflag:s22], s20  }
0x9f: {  	s3 =	ssub.s32 $0x0, s20;
	[sflag:s22] =	ssyncset.done $0x0  }
0xa0: {  	[sflag:s22] =	ssyncadd.s32 s3;
	_ =	sdelay $0x1  }
0xa1: {  	s23 =	simm.s32 $0x1B8B  }
0xa2: {  	_ =	swait.ge [sflag:s23], $0x1  }
0xa3: {  	[sflag:s23] =	ssyncset.done $0x0  }
0xa4: {  	s25 =	simm.s32 $0x1B8E;
	s24 =	sld [smem:$0x3FFE];
	[sflag:s23] =	ssyncadd.s32 $0xFFFFFFFF  }
0xa5: {  	s26 =	simm.s32 $execute0_lowered;
	[smem:$0x3FD2] =	sst s25  }
0xa6: {  	s4 =	sshll.u32 s26, $0x1;
	_ =	strace $0x8000004F;
	[dreg:$0x1] =	wrdreg $0xFFFFFFFF  }
0xa7: {  	s28 =	simm.s32 $_size_execute0_lowered;
	s2 =	sadd.s32 s2, s4;
	[dreg:$0x0] =	wrdreg $0x0  }
0xa8: {  	s4 =	sshll.u32 s28, $0x1;
	[dreg:$0x2] =	wrdreg s2  }
0xa9: {  	[dreg:$0x3] =	wrdreg s4  }
0xaa: {  	[dreg:$0x4] =	wrdreg $0xC0  }
0xab: {  	_ =	task [dreg:s6], $0x5FFFF  }
0xac: {  	[dreg:$0x1] =	wrdreg $0xFFFFFFFF  }
0xad: {  	[dreg:$0x0] =	wrdreg $0x60  }
0xae: {  	[dreg:$0x2] =	wrdreg s24  }
0xaf: {  	[dreg:$0x3] =	wrdreg $0x78000  }
0xb0: {  	[dreg:$0x4] =	wrdreg $0x9  }
0xb1: {  	_ =	task.clear_ibuf [dreg:s6], $0x5FFFF;
	_ =	strace $0x9000004F  }
0xb2: {  	s29 =	simm.s32 $0x9;
	_ =	strace $0x80000051  }
0xb3: {  	_ =	swait.ge [sflag:s29], $0x1  }
0xb4: {  	[sflag:s29] =	ssyncadd.s32 $0xFFFFFFFF  }
0xb5: {  	_ =	strace $0x90000051  }
0xb6: {  	_ =	sfence  }
0xb7: {  	s30 =	sld [smem:$0x0];
	_ =	sdelay $0x2  }
0xb8: {  	s31 =	sshll.u32 s1, $0xD;
	s1 =	sshrl.u32 s1, $0x2  }
0xb9: {  	s3 =	sand.u32 $0x4000, s31;
	s1 =	sadd.s32 s1, s30  }
0xba: {  	s0 =	sor.u32 s3, s0;
	s1 =	sshll.u32 s1, $0x11  }
0xbb: {  	s0 =	sor.u32 s1, s0  }
0xbc: {  	s0 =	sadd.s32 $0x8F2B, s0  }
0xbd: {  	[sflag:s0] =	ssyncadd.remote.s32 $0x1  }
0xbe: {  	_ =	sfence.sel $0xFFFF  }
0xbf: {  	[dreg:$0x0] =	wrdreg $0xFFFFFFFF;
	(pc) =	sbr.abs _section_cstart, $3  }
0xc0: {  	[dreg:$0x1] =	wrdreg $0xFFFFFFFF  }
0xc1: {  	_ =	task.clear_ibuf [dreg:s6], $0x2FFFF;
	_ =	strace $0x9FFFFFFF  }
0xc2: {  	(tm) =	ssettm $0x7FFFFFFF  }
0xc3: {  	_ =	shalt  }
tec
execute0_lowered:
.L_overlay_start_1:
0x0: {  	(tag) =	ssettag $0x1  }
0x1: {  	s0 =	rddreg [dreg:$0x0]  }
0x2: {  	s1 =	rddreg [dreg:$0x1];
	s2 =	simm.s32 $0x0;
	s3 =	srdreg.scid  }
0x3: {  	s12 =	stileid.u32;
	s15 =	simm.s32 $0x6800;
	s16 =	simm.s32 $0x1  }
0x4: {  	s17 =	simm.s32 $0x800;
	s18 =	simm.s32 $0x80;
	s19 =	simm.s32 $0x1800  }
0x5: {  	s20 =	simm.s32 $0x5800;
	s21 =	simm.s32 $0x7000;
	[smem:$0x7FF] =	sst s2  }
0x6: {  	s22 =	simm.s32 $0x0;
	s4 =	sadd.s32 $0x553600, s0;
	s5 =	sadd.s32 $0x3D1C00, s0  }
0x7: {  	s6 =	sadd.s32 $0x5000, s0;
	s3 =	sand.u32 $0x1, s3;
	s9 =	smul.u32 $0x62000, s12  }
0x8: {  	s7 =	sadd.s32 $0x1F000, s0;
	s8 =	sadd.s32 $0x3EBC00, s0;
	s30 =	ssub.s32 $0x2, s3  }
0x9: {  	_ =	strace $0x80000050;
	s31 =	sshll.u32 s3, $0x5;
	s10 =	sshrl.u32 s30, $0x1  }
0xa: {  	s11 =	sshrl.u32 s9, $0x2;
	s9 =	smul.u32 $0xD000, s12;
	s0 =	ssub.s32 s30, s10  }
0xb: {  	s10 =	sadd.s32 s11, s1;
	s11 =	smul.u32 $0xC40, s12;
	s0 =	smax.u32 s0, $0x1  }
0xc: {  	v0 =	vimm.f32 $0.0e+00;
	s14 =	sor.u32 $0x1C00, s31;
	s12 =	smul.u32 $0x3100, s3;
	[dreg:$0x3] =	wrdreg s0  }
.LBB2_1:
0xd: {  	s0 =	simm.s32 $0x0;
	s3 =	simm.s32 $0x0  }
.LBB2_2:
0xe: {  	p0 =	sne.s32 s3, $0x1FC0  }
.Ltmp0:
0xf: {  	_ = 	snop;
	(pc) =	sbr.rel @p0 .LBB2_2-.Ltmp0, $4  }
0x10: {  	s23 =	sand.u32 $0x1F80, s3  }
0x11: {  	s24 =	sand.u32 $0x10, s0;
	s23 =	sshrl.u32 s23, $0x2  }
0x12: {  	s23 =	sor.u32 s24, s23  }
0x13: {  	s0 =	sadd.s32 $0x10, s0;
	s3 =	sadd.s32 $0x40, s3;
	[tilespmem:s23+$0x6800] =	vst v0  }
0x14: {  	s0 =	sadd.s32 $0x0, s10  }
0x15: {  	[spmem:s0] =	stream.linear.scatter [tilespmem:s15], [sflag:$0x1], $0x800, $0x38;
	v63 =	vld [tilespmem:$0x0]  }
0x16: {  	s0 =	simm.s32 $0x2000;
	_ =	swait.ge [sflag:s16], $0x800  }
.LBB2_4:
0x17: {  	s3 =	sshra.s32 s0, $0x2;
	[sflag:s16] =	ssyncset.done $0x0;
	p0 =	sne.s32 s0, $0x60000  }
.Ltmp1:
0x18: {  	s3 =	sadd.s32 s3, s10;
	[sflag:s16] =	ssyncadd.s32 $0xFFFFF800;
	(pc) =	sbr.rel @p0 .LBB2_4-.Ltmp1, $3  }
0x19: {  	[spmem:s3] =	stream.linear.scatter [tilespmem:s15], [sflag:$0x1], $0x800, $0x38;
	v63 =	vld [tilespmem:$0x0]  }
0x1a: {  	s0 =	sadd.s32 $0x2000, s0;
	_ =	sdelay $0x1  }
0x1b: {  	_ =	swait.ge [sflag:s16], $0x800  }
0x1c: {  	[sflag:s16] =	ssyncset.done $0x0  }
0x1d: {  	[sflag:s16] =	ssyncadd.s32 $0xFFFFF800  }
0x1e: {  	s23 =	simm.s32 $0x0;
	s24 =	simm.s32 $0x0;
	[bflag:$0x0] =	sbarrier.arrive $0xFFFF  }
.LBB2_6:
0x1f: {  	s0 =	sshll.u32 s24, $0xB  }
0x20: {  	s0 =	sadd.s32 s9, s0  }
0x21: {  	s0 =	sshrl.u32 s0, $0x3  }
0x22: {  	s3 =	sadd.s32 s6, s0  }
0x23: {  	[tilespmem:s23], [sflag:$0x1] =	stream.linear.gather [hbm4b:s3+s23], $0x800, $0x38;
	v63 =	vld [tilespmem:$0x0]  }
0x24: {  	_ =	swait.ge [sflag:s16], $0x800  }
0x25: {  	[sflag:s16] =	ssyncset.done $0x0  }
0x26: {  	s31 =	sadd.s32 s7, s0;
	[sflag:s16] =	ssyncadd.s32 $0xFFFFF800  }
0x27: {  	[tilespmem:s17], [sflag:$0x1] =	stream.linear.gather [hbm4b:s31+s23], $0x800, $0x38;
	v63 =	vld [tilespmem:$0x0]  }
0x28: {  	_ =	swait.ge [sflag:s16], $0x800  }
0x29: {  	[sflag:s16] =	ssyncset.done $0x0  }
0x2a: {  	s25 =	simm.s32 $0x1000;
	s0 =	sadd.s32 s5, s0;
	[sflag:s16] =	ssyncadd.s32 $0xFFFFF800  }
0x2b: {  	[tilespmem:s25], [sflag:$0x1] =	stream.linear.gather [hbm4b:s0+s23], $0x800, $0x38;
	v63 =	vld [tilespmem:$0x0]  }
0x2c: {  	_ =	swait.ge [sflag:s16], $0x800  }
0x2d: {  	[sflag:s16] =	ssyncset.done $0x0  }
0x2e: {  	s26 =	simm.s32 $0x0;
	[sflag:s16] =	ssyncadd.s32 $0xFFFFF800  }
.LBB2_7:
0x2f: {  	s28 =	sshll.u32 s26, $0x7;
	v1 =	vmov s25  }
0x30: {  	[tilespmem:s19], [sflag:$0x1] =	stream.indirect.gather [hbm4b:s4+s18], $0x80, s28, s18, $0xb8;
	v63 =	vld [tilespmem:$0x0]  }
0x31: {  	_ =	swait.ge [sflag:s16], $0x4000  }
0x32: {  	[sflag:s16] =	ssyncset.done $0x0  }
0x33: {  	s0 =	simm.s32 $0x0;
	[sflag:s16] =	ssyncadd.s32 $0xFFFFC000  }
0x34: {  	v2 =	vld.idx.msk [tilespmem:v1+s0+$0x0 ss:$0x1], $0xffff;
	_ =	sdelay $0x1  }
0x35: {  	v3 =	vld [tilespmem:s14+$0xFFFFFC00];
	_ =	sdelay $0x2  }
0x36: {  	v4 =	vbroadcast v2, $0x0;
	_ =	sdelay $0x1  }
0x37: {  	v3 =	vmul.f32 v4, v3  }
0x38: {  	s29 =	simm.s32 $0x5900  }
0x39: {  	[tilespmem:s29+$0xFFFFFF00] =	vst v3  }
0x3a: {  	v3 =	vld [tilespmem:s14+$0xFFFFFC10];
	_ =	sdelay $0x4  }
0x3b: {  	v3 =	vmul.f32 v3, v4;
	_ =	sdelay $0x1  }
0x3c: {  	[tilespmem:s29+$0xFFFFFF10] =	vst v3  }
0x3d: {  	v3 =	vld [tilespmem:s14+$0xFFFFFC80];
	_ =	sdelay $0x2  }
0x3e: {  	v49 =	vbroadcast v2, $0x1;
	_ =	sdelay $0x1  }
0x3f: {  	v3 =	vmul.f32 v3, v49;
	_ =	sdelay $0x1  }
0x40: {  	[tilespmem:s29+$0xFFFFFF20] =	vst v3  }
0x41: {  	v3 =	vld [tilespmem:s14+$0xFFFFFC90];
	_ =	sdelay $0x4  }
0x42: {  	v3 =	vmul.f32 v3, v49;
	_ =	sdelay $0x1  }
0x43: {  	[tilespmem:s29+$0xFFFFFF30] =	vst v3  }
0x44: {  	v3 =	vld [tilespmem:s14+$0xFFFFFD00];
	_ =	sdelay $0x2  }
0x45: {  	v50 =	vbroadcast v2, $0x2;
	_ =	sdelay $0x1  }
0x46: {  	v3 =	vmul.f32 v3, v50;
	_ =	sdelay $0x1  }
0x47: {  	[tilespmem:s29+$0xFFFFFF40] =	vst v3  }
0x48: {  	v3 =	vld [tilespmem:s14+$0xFFFFFD10];
	_ =	sdelay $0x4  }
0x49: {  	v3 =	vmul.f32 v3, v50;
	_ =	sdelay $0x1  }
0x4a: {  	[tilespmem:s29+$0xFFFFFF50] =	vst v3  }
0x4b: {  	v3 =	vld [tilespmem:s14+$0xFFFFFD80];
	_ =	sdelay $0x2  }
0x4c: {  	v51 =	vbroadcast v2, $0x3;
	_ =	sdelay $0x1  }
0x4d: {  	v3 =	vmul.f32 v3, v51;
	_ =	sdelay $0x1  }
0x4e: {  	[tilespmem:s29+$0xFFFFFF60] =	vst v3  }
0x4f: {  	v3 =	vld [tilespmem:s14+$0xFFFFFD90];
	_ =	sdelay $0x4  }
0x50: {  	v3 =	vmul.f32 v3, v51;
	_ =	sdelay $0x1  }
0x51: {  	[tilespmem:s29+$0xFFFFFF70] =	vst v3  }
0x52: {  	v3 =	vld [tilespmem:s14+$0xFFFFFE00];
	_ =	sdelay $0x2  }
0x53: {  	v52 =	vbroadcast v2, $0x4;
	_ =	sdelay $0x1  }
0x54: {  	v3 =	vmul.f32 v3, v52;
	_ =	sdelay $0x1  }
0x55: {  	[tilespmem:s29+$0xFFFFFF80] =	vst v3  }
0x56: {  	v3 =	vld [tilespmem:s14+$0xFFFFFE10];
	_ =	sdelay $0x4  }
0x57: {  	v3 =	vmul.f32 v3, v52;
	_ =	sdelay $0x1  }
0x58: {  	[tilespmem:s29+$0xFFFFFF90] =	vst v3  }
0x59: {  	v3 =	vld [tilespmem:s14+$0xFFFFFE80];
	_ =	sdelay $0x2  }
0x5a: {  	v53 =	vbroadcast v2, $0x5;
	_ =	sdelay $0x1  }
0x5b: {  	v3 =	vmul.f32 v3, v53;
	_ =	sdelay $0x1  }
0x5c: {  	[tilespmem:s29+$0xFFFFFFA0] =	vst v3  }
0x5d: {  	v3 =	vld [tilespmem:s14+$0xFFFFFE90];
	_ =	sdelay $0x4  }
0x5e: {  	v3 =	vmul.f32 v3, v53;
	_ =	sdelay $0x1  }
0x5f: {  	[tilespmem:s29+$0xFFFFFFB0] =	vst v3  }
0x60: {  	v3 =	vld [tilespmem:s14+$0xFFFFFF00];
	_ =	sdelay $0x2  }
0x61: {  	v54 =	vbroadcast v2, $0x6;
	_ =	sdelay $0x1  }
0x62: {  	v3 =	vmul.f32 v3, v54;
	_ =	sdelay $0x1  }
0x63: {  	[tilespmem:s29+$0xFFFFFFC0] =	vst v3  }
0x64: {  	v3 =	vld [tilespmem:s14+$0xFFFFFF10];
	_ =	sdelay $0x4  }
0x65: {  	v3 =	vmul.f32 v3, v54;
	_ =	sdelay $0x1  }
0x66: {  	[tilespmem:s29+$0xFFFFFFD0] =	vst v3  }
0x67: {  	v3 =	vld [tilespmem:s14+$0xFFFFFF80];
	_ =	sdelay $0x2  }
0x68: {  	v55 =	vbroadcast v2, $0x7;
	_ =	sdelay $0x1  }
0x69: {  	v3 =	vmul.f32 v3, v55;
	_ =	sdelay $0x1  }
0x6a: {  	[tilespmem:s29+$0xFFFFFFE0] =	vst v3  }
0x6b: {  	v3 =	vld [tilespmem:s14+$0xFFFFFF90];
	_ =	sdelay $0x4  }
0x6c: {  	v3 =	vmul.f32 v3, v55;
	_ =	sdelay $0x1  }
0x6d: {  	[tilespmem:s29+$0xFFFFFFF0] =	vst v3  }
0x6e: {  	v3 =	vld [tilespmem:s14+$0x0];
	_ =	sdelay $0x2  }
0x6f: {  	v56 =	vbroadcast v2, $0x8;
	_ =	sdelay $0x1  }
0x70: {  	v3 =	vmul.f32 v3, v56;
	_ =	sdelay $0x1  }
0x71: {  	[tilespmem:s29+$0x0] =	vst v3  }
0x72: {  	v3 =	vld [tilespmem:s14+$0x10];
	_ =	sdelay $0x4  }
0x73: {  	v3 =	vmul.f32 v3, v56;
	_ =	sdelay $0x1  }
0x74: {  	[tilespmem:s29+$0x10] =	vst v3  }
0x75: {  	v3 =	vld [tilespmem:s14+$0x80];
	_ =	sdelay $0x2  }
0x76: {  	v57 =	vbroadcast v2, $0x9;
	_ =	sdelay $0x1  }
0x77: {  	v3 =	vmul.f32 v3, v57;
	_ =	sdelay $0x1  }
0x78: {  	[tilespmem:s29+$0x20] =	vst v3  }
0x79: {  	v3 =	vld [tilespmem:s14+$0x90];
	_ =	sdelay $0x4  }
0x7a: {  	v3 =	vmul.f32 v3, v57;
	_ =	sdelay $0x1  }
0x7b: {  	[tilespmem:s29+$0x30] =	vst v3  }
0x7c: {  	v3 =	vld [tilespmem:s14+$0x100];
	_ =	sdelay $0x2  }
0x7d: {  	v58 =	vbroadcast v2, $0xA;
	_ =	sdelay $0x1  }
0x7e: {  	v3 =	vmul.f32 v3, v58;
	_ =	sdelay $0x1  }
0x7f: {  	[tilespmem:s29+$0x40] =	vst v3  }
0x80: {  	v3 =	vld [tilespmem:s14+$0x110];
	_ =	sdelay $0x4  }
0x81: {  	v3 =	vmul.f32 v3, v58;
	_ =	sdelay $0x1  }
0x82: {  	[tilespmem:s29+$0x50] =	vst v3  }
0x83: {  	v3 =	vld [tilespmem:s14+$0x180];
	_ =	sdelay $0x2  }
0x84: {  	v59 =	vbroadcast v2, $0xB;
	_ =	sdelay $0x1  }
0x85: {  	v3 =	vmul.f32 v3, v59;
	_ =	sdelay $0x1  }
0x86: {  	[tilespmem:s29+$0x60] =	vst v3  }
0x87: {  	v3 =	vld [tilespmem:s14+$0x190];
	_ =	sdelay $0x4  }
0x88: {  	v3 =	vmul.f32 v3, v59;
	_ =	sdelay $0x1  }
0x89: {  	[tilespmem:s29+$0x70] =	vst v3  }
0x8a: {  	v3 =	vld [tilespmem:s14+$0x200];
	_ =	sdelay $0x2  }
0x8b: {  	v60 =	vbroadcast v2, $0xC;
	_ =	sdelay $0x1  }
0x8c: {  	v3 =	vmul.f32 v3, v60;
	_ =	sdelay $0x1  }
0x8d: {  	[tilespmem:s29+$0x80] =	vst v3  }
0x8e: {  	v3 =	vld [tilespmem:s14+$0x210];
	_ =	sdelay $0x4  }
0x8f: {  	v3 =	vmul.f32 v3, v60;
	_ =	sdelay $0x1  }
0x90: {  	[tilespmem:s29+$0x90] =	vst v3  }
0x91: {  	v3 =	vld [tilespmem:s14+$0x280];
	_ =	sdelay $0x2  }
0x92: {  	v61 =	vbroadcast v2, $0xD;
	_ =	sdelay $0x1  }
0x93: {  	v3 =	vmul.f32 v3, v61;
	_ =	sdelay $0x1  }
0x94: {  	[tilespmem:s29+$0xA0] =	vst v3  }
0x95: {  	v3 =	vld [tilespmem:s14+$0x290];
	_ =	sdelay $0x4  }
0x96: {  	v3 =	vmul.f32 v3, v61;
	_ =	sdelay $0x1  }
0x97: {  	[tilespmem:s29+$0xB0] =	vst v3  }
0x98: {  	v3 =	vld [tilespmem:s14+$0x300];
	_ =	sdelay $0x2  }
0x99: {  	v62 =	vbroadcast v2, $0xE;
	_ =	sdelay $0x1  }
0x9a: {  	v3 =	vmul.f32 v3, v62;
	_ =	sdelay $0x1  }
0x9b: {  	[tilespmem:s29+$0xC0] =	vst v3  }
0x9c: {  	v3 =	vld [tilespmem:s14+$0x310];
	_ =	sdelay $0x4  }
0x9d: {  	v3 =	vmul.f32 v3, v62;
	_ =	sdelay $0x1  }
0x9e: {  	[tilespmem:s29+$0xD0] =	vst v3  }
0x9f: {  	v3 =	vld [tilespmem:s14+$0x380];
	_ =	sdelay $0x2  }
0xa0: {  	v2 =	vbroadcast v2, $0xF;
	_ =	sdelay $0x1  }
0xa1: {  	v3 =	vmul.f32 v3, v2;
	_ =	sdelay $0x1  }
0xa2: {  	[tilespmem:s29+$0xE0] =	vst v3  }
0xa3: {  	v3 =	vld [tilespmem:s14+$0x390];
	_ =	sdelay $0x4  }
0xa4: {  	s31 =	simm.s32 $0x40;
	s30 =	sadd.s32 $0x800, s14;
	s0 =	simm.s32 $0x80;
	v2 =	vmul.f32 v3, v2  }
.LBB2_8:
0xa5: {  	s13 =	sshra.s32 s31, $0x2  }
0xa6: {  	[tilespmem:s29+$0xF0] =	vst v2;
	s29 =	sadd.s32 $0x200, s29;
	s31 =	smov.u32 s0;
	s3 =	sadd.s32 $0x40, s0  }
0xa7: {  	p0 =	sne.s32 s0, $0x1C0;
	v2 =	vld.idx.msk [tilespmem:v1+s13+$0x0 ss:$0x1], $0xffff;
	_ =	sdelay $0x2  }
0xa8: {  	v3 =	vld [tilespmem:s30+$0xFFFFFC00];
	_ =	sdelay $0x2  }
0xa9: {  	v4 =	vbroadcast v2, $0x0;
	_ =	sdelay $0x1  }
0xaa: {  	v3 =	vmul.f32 v4, v3;
	_ =	sdelay $0x1  }
0xab: {  	[tilespmem:s29+$0xFFFFFF00] =	vst v3  }
0xac: {  	v3 =	vld [tilespmem:s30+$0xFFFFFC10];
	_ =	sdelay $0x4  }
0xad: {  	v3 =	vmul.f32 v3, v4;
	_ =	sdelay $0x1  }
0xae: {  	[tilespmem:s29+$0xFFFFFF10] =	vst v3  }
0xaf: {  	v3 =	vld [tilespmem:s30+$0xFFFFFC80];
	_ =	sdelay $0x2  }
0xb0: {  	v4 =	vbroadcast v2, $0x1;
	_ =	sdelay $0x1  }
0xb1: {  	v3 =	vmul.f32 v3, v4;
	_ =	sdelay $0x1  }
0xb2: {  	[tilespmem:s29+$0xFFFFFF20] =	vst v3  }
0xb3: {  	v3 =	vld [tilespmem:s30+$0xFFFFFC90];
	_ =	sdelay $0x4  }
0xb4: {  	v3 =	vmul.f32 v3, v4;
	_ =	sdelay $0x1  }
0xb5: {  	[tilespmem:s29+$0xFFFFFF30] =	vst v3  }
0xb6: {  	v3 =	vld [tilespmem:s30+$0xFFFFFD00];
	_ =	sdelay $0x2  }
0xb7: {  	v4 =	vbroadcast v2, $0x2;
	_ =	sdelay $0x1  }
0xb8: {  	v3 =	vmul.f32 v3, v4;
	_ =	sdelay $0x1  }
0xb9: {  	[tilespmem:s29+$0xFFFFFF40] =	vst v3  }
0xba: {  	v3 =	vld [tilespmem:s30+$0xFFFFFD10];
	_ =	sdelay $0x4  }
0xbb: {  	v3 =	vmul.f32 v3, v4;
	_ =	sdelay $0x1  }
0xbc: {  	[tilespmem:s29+$0xFFFFFF50] =	vst v3  }
0xbd: {  	v3 =	vld [tilespmem:s30+$0xFFFFFD80];
	_ =	sdelay $0x2  }
0xbe: {  	v4 =	vbroadcast v2, $0x3;
	_ =	sdelay $0x1  }
0xbf: {  	v3 =	vmul.f32 v3, v4;
	_ =	sdelay $0x1  }
0xc0: {  	[tilespmem:s29+$0xFFFFFF60] =	vst v3  }
0xc1: {  	v3 =	vld [tilespmem:s30+$0xFFFFFD90];
	_ =	sdelay $0x4  }
0xc2: {  	v3 =	vmul.f32 v3, v4;
	_ =	sdelay $0x1  }
0xc3: {  	[tilespmem:s29+$0xFFFFFF70] =	vst v3  }
0xc4: {  	v3 =	vld [tilespmem:s30+$0xFFFFFE00];
	_ =	sdelay $0x2  }
0xc5: {  	v4 =	vbroadcast v2, $0x4;
	_ =	sdelay $0x1  }
0xc6: {  	v3 =	vmul.f32 v3, v4;
	_ =	sdelay $0x1  }
0xc7: {  	[tilespmem:s29+$0xFFFFFF80] =	vst v3  }
0xc8: {  	v3 =	vld [tilespmem:s30+$0xFFFFFE10];
	_ =	sdelay $0x4  }
0xc9: {  	v3 =	vmul.f32 v3, v4;
	_ =	sdelay $0x1  }
0xca: {  	[tilespmem:s29+$0xFFFFFF90] =	vst v3  }
0xcb: {  	v3 =	vld [tilespmem:s30+$0xFFFFFE80];
	_ =	sdelay $0x2  }
0xcc: {  	v4 =	vbroadcast v2, $0x5;
	_ =	sdelay $0x1  }
0xcd: {  	v3 =	vmul.f32 v3, v4;
	_ =	sdelay $0x1  }
0xce: {  	[tilespmem:s29+$0xFFFFFFA0] =	vst v3  }
0xcf: {  	v3 =	vld [tilespmem:s30+$0xFFFFFE90];
	_ =	sdelay $0x4  }
0xd0: {  	v3 =	vmul.f32 v3, v4;
	_ =	sdelay $0x1  }
0xd1: {  	[tilespmem:s29+$0xFFFFFFB0] =	vst v3  }
0xd2: {  	v3 =	vld [tilespmem:s30+$0xFFFFFF00];
	_ =	sdelay $0x2  }
0xd3: {  	v4 =	vbroadcast v2, $0x6;
	_ =	sdelay $0x1  }
0xd4: {  	v3 =	vmul.f32 v3, v4;
	_ =	sdelay $0x1  }
0xd5: {  	[tilespmem:s29+$0xFFFFFFC0] =	vst v3  }
0xd6: {  	v3 =	vld [tilespmem:s30+$0xFFFFFF10];
	_ =	sdelay $0x4  }
0xd7: {  	v3 =	vmul.f32 v3, v4;
	_ =	sdelay $0x1  }
0xd8: {  	[tilespmem:s29+$0xFFFFFFD0] =	vst v3  }
0xd9: {  	v3 =	vld [tilespmem:s30+$0xFFFFFF80];
	_ =	sdelay $0x2  }
0xda: {  	v4 =	vbroadcast v2, $0x7;
	_ =	sdelay $0x1  }
0xdb: {  	v3 =	vmul.f32 v3, v4;
	_ =	sdelay $0x1  }
0xdc: {  	[tilespmem:s29+$0xFFFFFFE0] =	vst v3  }
0xdd: {  	v3 =	vld [tilespmem:s30+$0xFFFFFF90];
	_ =	sdelay $0x4  }
0xde: {  	v3 =	vmul.f32 v3, v4;
	_ =	sdelay $0x1  }
0xdf: {  	[tilespmem:s29+$0xFFFFFFF0] =	vst v3  }
0xe0: {  	v3 =	vld [tilespmem:s30+$0x0];
	_ =	sdelay $0x2  }
0xe1: {  	v4 =	vbroadcast v2, $0x8;
	_ =	sdelay $0x1  }
0xe2: {  	v3 =	vmul.f32 v3, v4;
	_ =	sdelay $0x1  }
0xe3: {  	[tilespmem:s29+$0x0] =	vst v3  }
0xe4: {  	v3 =	vld [tilespmem:s30+$0x10];
	_ =	sdelay $0x4  }
0xe5: {  	v3 =	vmul.f32 v3, v4;
	_ =	sdelay $0x1  }
0xe6: {  	[tilespmem:s29+$0x10] =	vst v3  }
0xe7: {  	v3 =	vld [tilespmem:s30+$0x80];
	_ =	sdelay $0x2  }
0xe8: {  	v4 =	vbroadcast v2, $0x9;
	_ =	sdelay $0x1  }
0xe9: {  	v3 =	vmul.f32 v3, v4;
	_ =	sdelay $0x1  }
0xea: {  	[tilespmem:s29+$0x20] =	vst v3  }
0xeb: {  	v3 =	vld [tilespmem:s30+$0x90];
	_ =	sdelay $0x4  }
0xec: {  	v3 =	vmul.f32 v3, v4;
	_ =	sdelay $0x1  }
0xed: {  	[tilespmem:s29+$0x30] =	vst v3  }
0xee: {  	v3 =	vld [tilespmem:s30+$0x100];
	_ =	sdelay $0x2  }
0xef: {  	v4 =	vbroadcast v2, $0xA;
	_ =	sdelay $0x1  }
0xf0: {  	v3 =	vmul.f32 v3, v4;
	_ =	sdelay $0x1  }
0xf1: {  	[tilespmem:s29+$0x40] =	vst v3  }
0xf2: {  	v3 =	vld [tilespmem:s30+$0x110];
	_ =	sdelay $0x4  }
0xf3: {  	v3 =	vmul.f32 v3, v4;
	_ =	sdelay $0x1  }
0xf4: {  	[tilespmem:s29+$0x50] =	vst v3  }
0xf5: {  	v3 =	vld [tilespmem:s30+$0x180];
	_ =	sdelay $0x2  }
0xf6: {  	v4 =	vbroadcast v2, $0xB;
	_ =	sdelay $0x1  }
0xf7: {  	v3 =	vmul.f32 v3, v4;
	_ =	sdelay $0x1  }
0xf8: {  	[tilespmem:s29+$0x60] =	vst v3  }
0xf9: {  	v3 =	vld [tilespmem:s30+$0x190];
	_ =	sdelay $0x4  }
0xfa: {  	v3 =	vmul.f32 v3, v4;
	_ =	sdelay $0x1  }
0xfb: {  	[tilespmem:s29+$0x70] =	vst v3  }
0xfc: {  	v3 =	vld [tilespmem:s30+$0x200];
	_ =	sdelay $0x2  }
0xfd: {  	v4 =	vbroadcast v2, $0xC;
	_ =	sdelay $0x1  }
0xfe: {  	v3 =	vmul.f32 v3, v4;
	_ =	sdelay $0x1  }
0xff: {  	[tilespmem:s29+$0x80] =	vst v3  }
0x100: {  	v3 =	vld [tilespmem:s30+$0x210];
	_ =	sdelay $0x4  }
0x101: {  	v3 =	vmul.f32 v3, v4;
	_ =	sdelay $0x1  }
0x102: {  	[tilespmem:s29+$0x90] =	vst v3  }
0x103: {  	v3 =	vld [tilespmem:s30+$0x280];
	_ =	sdelay $0x2  }
0x104: {  	v4 =	vbroadcast v2, $0xD;
	_ =	sdelay $0x1  }
0x105: {  	v3 =	vmul.f32 v3, v4;
	_ =	sdelay $0x1  }
0x106: {  	[tilespmem:s29+$0xA0] =	vst v3  }
0x107: {  	v3 =	vld [tilespmem:s30+$0x290];
	_ =	sdelay $0x4  }
0x108: {  	v3 =	vmul.f32 v3, v4;
	_ =	sdelay $0x1  }
0x109: {  	[tilespmem:s29+$0xB0] =	vst v3  }
0x10a: {  	v3 =	vld [tilespmem:s30+$0x300];
	_ =	sdelay $0x2  }
0x10b: {  	v4 =	vbroadcast v2, $0xE;
	_ =	sdelay $0x1  }
0x10c: {  	v3 =	vmul.f32 v3, v4;
	_ =	sdelay $0x1  }
0x10d: {  	[tilespmem:s29+$0xC0] =	vst v3  }
0x10e: {  	v3 =	vld [tilespmem:s30+$0x310];
	_ =	sdelay $0x4  }
0x10f: {  	v3 =	vmul.f32 v3, v4;
	_ =	sdelay $0x1  }
0x110: {  	[tilespmem:s29+$0xD0] =	vst v3  }
0x111: {  	v3 =	vld [tilespmem:s30+$0x380];
	_ =	sdelay $0x2  }
0x112: {  	v2 =	vbroadcast v2, $0xF;
	_ =	sdelay $0x1  }
0x113: {  	v3 =	vmul.f32 v3, v2;
	_ =	sdelay $0x1  }
0x114: {  	[tilespmem:s29+$0xE0] =	vst v3  }
0x115: {  	v3 =	vld [tilespmem:s30+$0x390];
	_ =	sdelay $0x1  }
.Ltmp2:
0x116: {  	(pc) =	sbr.rel @p0 .LBB2_8-.Ltmp2, $3  }
0x117: {  	_ =	sdelay $0x1  }
0x118: {  	v2 =	vmul.f32 v3, v2  }
0x119: {  	s0 =	smov.u32 s3;
	s30 =	sadd.s32 $0x800, s30  }
0x11a: {  	_ =	sdelay $0x2  }
0x11b: {  	s0 =	sshra.s32 s31, $0x2;
	[tilespmem:s29+$0xF0] =	vst v2  }
0x11c: {  	v1 =	vld.idx.msk [tilespmem:v1+s0+$0x0 ss:$0x1], $0xffff;
	_ =	sdelay $0x1  }
0x11d: {  	v2 =	vld [tilespmem:s30+$0xFFFFFC00];
	_ =	sdelay $0x2  }
0x11e: {  	v3 =	vbroadcast v1, $0x0;
	_ =	sdelay $0x1  }
0x11f: {  	v2 =	vmul.f32 v3, v2  }
0x120: {  	s29 =	sadd.s32 $0x200, s29  }
0x121: {  	[tilespmem:s29+$0xFFFFFF00] =	vst v2  }
0x122: {  	v2 =	vld [tilespmem:s30+$0xFFFFFC10];
	_ =	sdelay $0x4  }
0x123: {  	v2 =	vmul.f32 v2, v3;
	_ =	sdelay $0x1  }
0x124: {  	[tilespmem:s29+$0xFFFFFF10] =	vst v2  }
0x125: {  	v2 =	vld [tilespmem:s30+$0xFFFFFC80];
	_ =	sdelay $0x2  }
0x126: {  	v3 =	vbroadcast v1, $0x1;
	_ =	sdelay $0x1  }
0x127: {  	v2 =	vmul.f32 v2, v3;
	_ =	sdelay $0x1  }
0x128: {  	[tilespmem:s29+$0xFFFFFF20] =	vst v2  }
0x129: {  	v2 =	vld [tilespmem:s30+$0xFFFFFC90];
	_ =	sdelay $0x4  }
0x12a: {  	v2 =	vmul.f32 v2, v3;
	_ =	sdelay $0x1  }
0x12b: {  	[tilespmem:s29+$0xFFFFFF30] =	vst v2  }
0x12c: {  	v2 =	vld [tilespmem:s30+$0xFFFFFD00];
	_ =	sdelay $0x2  }
0x12d: {  	v3 =	vbroadcast v1, $0x2;
	_ =	sdelay $0x1  }
0x12e: {  	v2 =	vmul.f32 v2, v3;
	_ =	sdelay $0x1  }
0x12f: {  	[tilespmem:s29+$0xFFFFFF40] =	vst v2  }
0x130: {  	v2 =	vld [tilespmem:s30+$0xFFFFFD10];
	_ =	sdelay $0x4  }
0x131: {  	v2 =	vmul.f32 v2, v3;
	_ =	sdelay $0x1  }
0x132: {  	[tilespmem:s29+$0xFFFFFF50] =	vst v2  }
0x133: {  	v2 =	vld [tilespmem:s30+$0xFFFFFD80];
	_ =	sdelay $0x2  }
0x134: {  	v3 =	vbroadcast v1, $0x3;
	_ =	sdelay $0x1  }
0x135: {  	v2 =	vmul.f32 v2, v3;
	_ =	sdelay $0x1  }
0x136: {  	[tilespmem:s29+$0xFFFFFF60] =	vst v2  }
0x137: {  	v2 =	vld [tilespmem:s30+$0xFFFFFD90];
	_ =	sdelay $0x4  }
0x138: {  	v2 =	vmul.f32 v2, v3;
	_ =	sdelay $0x1  }
0x139: {  	[tilespmem:s29+$0xFFFFFF70] =	vst v2  }
0x13a: {  	v2 =	vld [tilespmem:s30+$0xFFFFFE00];
	_ =	sdelay $0x2  }
0x13b: {  	v3 =	vbroadcast v1, $0x4;
	_ =	sdelay $0x1  }
0x13c: {  	v2 =	vmul.f32 v2, v3;
	_ =	sdelay $0x1  }
0x13d: {  	[tilespmem:s29+$0xFFFFFF80] =	vst v2  }
0x13e: {  	v2 =	vld [tilespmem:s30+$0xFFFFFE10];
	_ =	sdelay $0x4  }
0x13f: {  	v2 =	vmul.f32 v2, v3;
	_ =	sdelay $0x1  }
0x140: {  	[tilespmem:s29+$0xFFFFFF90] =	vst v2  }
0x141: {  	v2 =	vld [tilespmem:s30+$0xFFFFFE80];
	_ =	sdelay $0x2  }
0x142: {  	v3 =	vbroadcast v1, $0x5;
	_ =	sdelay $0x1  }
0x143: {  	v2 =	vmul.f32 v2, v3;
	_ =	sdelay $0x1  }
0x144: {  	[tilespmem:s29+$0xFFFFFFA0] =	vst v2  }
0x145: {  	v2 =	vld [tilespmem:s30+$0xFFFFFE90];
	_ =	sdelay $0x4  }
0x146: {  	v2 =	vmul.f32 v2, v3;
	_ =	sdelay $0x1  }
0x147: {  	[tilespmem:s29+$0xFFFFFFB0] =	vst v2  }
0x148: {  	v2 =	vld [tilespmem:s30+$0xFFFFFF00];
	_ =	sdelay $0x2  }
0x149: {  	v3 =	vbroadcast v1, $0x6;
	_ =	sdelay $0x1  }
0x14a: {  	v2 =	vmul.f32 v2, v3;
	_ =	sdelay $0x1  }
0x14b: {  	[tilespmem:s29+$0xFFFFFFC0] =	vst v2  }
0x14c: {  	v2 =	vld [tilespmem:s30+$0xFFFFFF10];
	_ =	sdelay $0x4  }
0x14d: {  	v2 =	vmul.f32 v2, v3;
	_ =	sdelay $0x1  }
0x14e: {  	[tilespmem:s29+$0xFFFFFFD0] =	vst v2  }
0x14f: {  	v2 =	vld [tilespmem:s30+$0xFFFFFF80];
	_ =	sdelay $0x2  }
0x150: {  	v3 =	vbroadcast v1, $0x7;
	_ =	sdelay $0x1  }
0x151: {  	v2 =	vmul.f32 v2, v3;
	_ =	sdelay $0x1  }
0x152: {  	[tilespmem:s29+$0xFFFFFFE0] =	vst v2  }
0x153: {  	v2 =	vld [tilespmem:s30+$0xFFFFFF90];
	_ =	sdelay $0x4  }
0x154: {  	v2 =	vmul.f32 v2, v3;
	_ =	sdelay $0x1  }
0x155: {  	[tilespmem:s29+$0xFFFFFFF0] =	vst v2  }
0x156: {  	v2 =	vld [tilespmem:s30+$0x0];
	_ =	sdelay $0x2  }
0x157: {  	v3 =	vbroadcast v1, $0x8;
	_ =	sdelay $0x1  }
0x158: {  	v2 =	vmul.f32 v2, v3;
	_ =	sdelay $0x1  }
0x159: {  	[tilespmem:s29+$0x0] =	vst v2  }
0x15a: {  	v2 =	vld [tilespmem:s30+$0x10];
	_ =	sdelay $0x4  }
0x15b: {  	v2 =	vmul.f32 v2, v3;
	_ =	sdelay $0x1  }
0x15c: {  	[tilespmem:s29+$0x10] =	vst v2  }
0x15d: {  	v2 =	vld [tilespmem:s30+$0x80];
	_ =	sdelay $0x2  }
0x15e: {  	v3 =	vbroadcast v1, $0x9;
	_ =	sdelay $0x1  }
0x15f: {  	v2 =	vmul.f32 v2, v3;
	_ =	sdelay $0x1  }
0x160: {  	[tilespmem:s29+$0x20] =	vst v2  }
0x161: {  	v2 =	vld [tilespmem:s30+$0x90];
	_ =	sdelay $0x4  }
0x162: {  	v2 =	vmul.f32 v2, v3;
	_ =	sdelay $0x1  }
0x163: {  	[tilespmem:s29+$0x30] =	vst v2  }
0x164: {  	v2 =	vld [tilespmem:s30+$0x100];
	_ =	sdelay $0x2  }
0x165: {  	v3 =	vbroadcast v1, $0xA;
	_ =	sdelay $0x1  }
0x166: {  	v2 =	vmul.f32 v2, v3;
	_ =	sdelay $0x1  }
0x167: {  	[tilespmem:s29+$0x40] =	vst v2  }
0x168: {  	v2 =	vld [tilespmem:s30+$0x110];
	_ =	sdelay $0x4  }
0x169: {  	v2 =	vmul.f32 v2, v3;
	_ =	sdelay $0x1  }
0x16a: {  	[tilespmem:s29+$0x50] =	vst v2  }
0x16b: {  	v2 =	vld [tilespmem:s30+$0x180];
	_ =	sdelay $0x2  }
0x16c: {  	v3 =	vbroadcast v1, $0xB;
	_ =	sdelay $0x1  }
0x16d: {  	v2 =	vmul.f32 v2, v3;
	_ =	sdelay $0x1  }
0x16e: {  	[tilespmem:s29+$0x60] =	vst v2  }
0x16f: {  	v2 =	vld [tilespmem:s30+$0x190];
	_ =	sdelay $0x4  }
0x170: {  	v2 =	vmul.f32 v2, v3;
	_ =	sdelay $0x1  }
0x171: {  	[tilespmem:s29+$0x70] =	vst v2  }
0x172: {  	v2 =	vld [tilespmem:s30+$0x200];
	_ =	sdelay $0x2  }
0x173: {  	v3 =	vbroadcast v1, $0xC;
	_ =	sdelay $0x1  }
0x174: {  	v2 =	vmul.f32 v2, v3;
	_ =	sdelay $0x1  }
0x175: {  	[tilespmem:s29+$0x80] =	vst v2  }
0x176: {  	v2 =	vld [tilespmem:s30+$0x210];
	_ =	sdelay $0x4  }
0x177: {  	v2 =	vmul.f32 v2, v3;
	_ =	sdelay $0x1  }
0x178: {  	[tilespmem:s29+$0x90] =	vst v2  }
0x179: {  	v2 =	vld [tilespmem:s30+$0x280];
	_ =	sdelay $0x2  }
0x17a: {  	v3 =	vbroadcast v1, $0xD;
	_ =	sdelay $0x1  }
0x17b: {  	v2 =	vmul.f32 v2, v3;
	_ =	sdelay $0x1  }
0x17c: {  	[tilespmem:s29+$0xA0] =	vst v2  }
0x17d: {  	v2 =	vld [tilespmem:s30+$0x290];
	_ =	sdelay $0x4  }
0x17e: {  	v2 =	vmul.f32 v2, v3;
	_ =	sdelay $0x1  }
0x17f: {  	[tilespmem:s29+$0xB0] =	vst v2  }
0x180: {  	v2 =	vld [tilespmem:s30+$0x300];
	_ =	sdelay $0x2  }
0x181: {  	v3 =	vbroadcast v1, $0xE;
	_ =	sdelay $0x1  }
0x182: {  	v2 =	vmul.f32 v2, v3;
	_ =	sdelay $0x1  }
0x183: {  	[tilespmem:s29+$0xC0] =	vst v2  }
0x184: {  	v2 =	vld [tilespmem:s30+$0x310];
	_ =	sdelay $0x4  }
0x185: {  	v2 =	vmul.f32 v2, v3;
	_ =	sdelay $0x1  }
0x186: {  	[tilespmem:s29+$0xD0] =	vst v2  }
0x187: {  	v2 =	vld [tilespmem:s30+$0x380];
	_ =	sdelay $0x2  }
0x188: {  	v1 =	vbroadcast v1, $0xF;
	_ =	sdelay $0x1  }
0x189: {  	v2 =	vmul.f32 v2, v1;
	_ =	sdelay $0x1  }
0x18a: {  	[tilespmem:s29+$0xE0] =	vst v2  }
0x18b: {  	v2 =	vld [tilespmem:s30+$0x390];
	_ =	sdelay $0x4  }
0x18c: {  	s26 =	sadd.s32 $0x1, s26;
	v1 =	vmul.f32 v2, v1  }
0x18d: {  	p0 =	sne.s32 s26, $0x10  }
.Ltmp3:
0x18e: {  	s31 =	sadd.s32 $0x800, s28;
	[tilespmem:s29+$0xF0] =	vst v1;
	(pc) =	sbr.rel @p0 .LBB2_7-.Ltmp3, $4  }
0x18f: {  	[spmem:s1] =	stream.indirect.scatter.add.f32 [tilespmem:s20], [sflag:$0x1], $0x20, s31, s18, $0xb8;
	v63 =	vld [tilespmem:$0x0]  }
0x190: {  	_ =	swait.ge [sflag:s16], $0x1000  }
0x191: {  	[sflag:s16] =	ssyncset.done $0x0  }
0x192: {  	s25 =	sadd.s32 $0x80, s25;
	[sflag:s16] =	ssyncadd.s32 $0xFFFFF000  }
0x193: {  	s24 =	sadd.s32 $0x1, s24  }
0x194: {  	p0 =	sne.s32 s24, $0x1A  }
.Ltmp4:
0x195: {  	_ = 	snop;
	(pc) =	sbr.rel @p0 .LBB2_6-.Ltmp4, $1  }
0x196: {  	_ =	sdelay $0x3  }
0x197: {  	[bflag:$0x0] =	sbarrier.arrive $0xFFFF;
	s0 =	simm.s32 $0x0;
	s23 =	simm.s32 $0x0  }
.LBB2_12:
0x198: {  	s3 =	sshll.u32 s23, $0x6  }
0x199: {  	s24 =	sadd.s32 s11, s3  }
0x19a: {  	s3 =	sshll.u32 s24, $0x5  }
0x19b: {  	s3 =	sand.u32 $0x3FFFFFE0, s3  }
0x19c: {  	s3 =	sadd.s32 s3, s1  }
0x19d: {  	[tilespmem:s15], [sflag:$0x1] =	stream.linear.gather [spmem:s3], $0x800, $0x38;
	v63 =	vld [tilespmem:$0x0]  }
0x19e: {  	s31 =	sand.u32 $0x1F80, s0;
	_ =	swait.ge [sflag:s16], $0x800  }
0x19f: {  	s13 =	sand.u32 $0x10, s0;
	s3 =	sshrl.u32 s31, $0x2;
	[sflag:s16] =	ssyncset.done $0x0  }
0x1a0: {  	s25 =	simm.s32 $0x40;
	s3 =	sor.u32 s13, s3;
	[sflag:s16] =	ssyncadd.s32 $0xFFFFF800  }
0x1a1: {  	s26 =	simm.s32 $0x10;
	s28 =	simm.s32 $0x0;
	s29 =	simm.s32 $0x0;
	v1 =	vld [tilespmem:s3+$0x6800]  }
.LBB2_13:
0x1a2: {  	s3 =	sand.u32 $0x1F80, s25;
	s13 =	sand.u32 $0x70, s28;
	s30 =	sand.u32 $0x1E00, s29  }
0x1a3: {  	s29 =	smov.u32 s25;
	s28 =	smov.u32 s26;
	p0 =	sne.s32 s25, $0x1FC0  }
.Ltmp5:
0x1a4: {  	s25 =	sadd.s32 $0x40, s25;
	s30 =	sshrl.u32 s30, $0x2;
	(pc) =	sbr.rel @p0 .LBB2_13-.Ltmp5, $4  }
0x1a5: {  	s31 =	sand.u32 $0x10, s26;
	s3 =	sshrl.u32 s3, $0x2;
	s13 =	sor.u32 s13, s30  }
0x1a6: {  	s3 =	sor.u32 s31, s3;
	[tilespmem:s13+$0x7000] =	vst v1  }
0x1a7: {  	v1 =	vld [tilespmem:s3+$0x6800]  }
0x1a8: {  	s26 =	sadd.s32 $0x10, s26  }
0x1a9: {  	s3 =	sand.u32 $0x1E00, s29;
	s13 =	sshrl.u32 s24, $0x2;
	s30 =	sand.u32 $0x70, s28  }
0x1aa: {  	s23 =	sadd.s32 $0x1, s23;
	s3 =	sshrl.u32 s3, $0x2;
	s13 =	sadd.s32 s12, s13  }
0x1ab: {  	p0 =	sne.s32 s23, $0x31;
	s3 =	sor.u32 s30, s3;
	s13 =	sshll.u32 s13, $0x4  }
.Ltmp6:
0x1ac: {  	[tilespmem:s3+$0x7000] =	vst v1;
	s31 =	sadd.s32 s8, s13;
	(pc) =	sbr.rel @p0 .LBB2_12-.Ltmp6, $4  }
0x1ad: {  	[hbm4b:s31+s2] =	stream.linear.scatter [tilespmem:s21], [sflag:$0x1], $0x800, $0x38;
	v63 =	vld [tilespmem:$0x0]  }
0x1ae: {  	_ =	swait.ge [sflag:s16], $0x800  }
0x1af: {  	[sflag:s16] =	ssyncset.done $0x0  }
0x1b0: {  	[sflag:s16] =	ssyncadd.s32 $0xFFFFF800  }
0x1b1: {  	s22 =	sadd.s32 $0x1, s22;
	s0 =	rddreg [dreg:$0x3]  }
0x1b2: {  	p0 =	sne.s32 s22, s0  }
.Ltmp7:
0x1b3: {  	_ = 	snop;
	(pc) =	sbr.rel @p0 .LBB2_1-.Ltmp7, $1  }
0x1b4: {  	_ =	sdelay $0x3  }
0x1b5: {  	_ =	sfence.sel $0x180000  }
0x1b6: {  	[bflag:$0x0] =	sbarrier.arrive $0xFFFF  }
0x1b7: {  	_ =	strace $0x90000050  }
0x1b8: {  	s0 =	stileid.u32;
	[bflag:$0x2] =	sbarrier.arrive $0xFFFF  }
0x1b9: {  	p0 =	sne.s32 s0, $0x0;
	s0 =	rddreg [dreg:$0x2]  }
0x1ba: {  	s0 =	sadd.s32 @!p0 $0x100000, s0  }
0x1bb: {  	[sflag:s0] =	ssyncadd.tile.s32 @!p0 $0x1;
	_ =	shalt  }
.Lfunc_end2:
_tile_overlayer_lowered:
.L_overlay_start_2:
0x1bc: {  	(tag) =	ssettag $0x2  }
0x1bd: {  	s0 =	rddreg [dreg:$0x0];
	s2 =	stileid.u32  }
0x1be: {  	s1 =	rddreg [dreg:$0x1];
	p0 =	sne.s32 s2, $0x0  }
0x1bf: {  	s3 =	rddreg [dreg:$0x2];
	[bflag:$0x3] =	sbarrier.arrive $0xFFFF;
	s2 =	simm.s32 @!p0 $0x1C01  }
0x1c0: {  	[timem:s3], [sflag:s2] =	dma.local @!p0 [hbm:s0], s1  }
0x1c1: {  	s0 =	simm.s32 @!p0 $0x1  }
0x1c2: {  	_ =	swait.ge @!p0 [sflag:s0], s1  }
0x1c3: {  	s1 =	ssub.s32 @!p0 $0x0, s1;
	[sflag:s0] =	ssyncset.done @!p0 $0x0  }
0x1c4: {  	[sflag:s0] =	ssyncadd.s32 @!p0 s1  }
0x1c5: {  	[bflag:$0x3] =	sbarrier.arrive $0xFFFF  }
0x1c6: {  	_ =	shalt  }

</sc_bundles>
